<compile_context>
chip_gen: v7x
topology: tpu7x:2x2x1
jax: 0.10.2.dev20260603
libtpu: 0.0.44.dev20260713+nightly
codegen_flags: <defaults>
</compile_context>

<pallas_src>
import jax
import jax.numpy as jnp
from jax import lax
from jax.experimental import pallas as pl
from jax.experimental.pallas import tpu as pltpu
from jax.experimental.pallas import tpu_sc as plsc

N = 10000
E = 320000
F = 128
C = 40
NC = 2
NS = 16
B = 80
RB = 1000
D1 = 2 * C

CPT = 640


def _tile_row_base(s):
    return jnp.minimum(s * CPT, N - CPT)

_mesh = plsc.VectorSubcoreMesh(core_axis_name="c", subcore_axis_name="s")
_sc_params = pltpu.CompilerParams(use_tc_tiling_on_sc=False)


NBUF = 4


def _deg_body(src_hbm, dst_hbm, z16_hbm, out_hbm, acc, idx_v, ones_v,
              m0, m1, m2, m3):
    c = lax.axis_index("c")
    s = lax.axis_index("s")
    r0 = _tile_row_base(s)
    dsems = (m0, m1, m2, m3)

    def fill_ones(i, _):
        ones_v[i, :] = jnp.ones((16,), jnp.float32)
        return 0

    lax.fori_loop(0, B, fill_ones, 0)
    pltpu.sync_copy(z16_hbm.at[pl.ds(r0, CPT)], acc.at[pl.ds(r0, CPT)])
    plsc.subcore_barrier()

    rows_per_tile = (E // B) // NS

    def run(idx_hbm, sems):
        half = (E // B) // (NC * NS)
        pltpu.sync_copy(idx_hbm.at[2 * s], idx_v.at[pl.ds(0, half)])
        pltpu.sync_copy(idx_hbm.at[2 * s + 1], idx_v.at[pl.ds(half, half)])
        for j in range(NBUF):
            pltpu.async_copy(ones_v, acc.at[idx_v.at[j]], sems[j], add=True)

        def group(p, _):
            for j in range(NBUF):
                k = NBUF * p + j
                pltpu.make_async_copy(ones_v, acc.at[idx_v.at[k]], sems[j]).wait()

                @pl.when(k + NBUF < rows_per_tile)
                def _():
                    pltpu.async_copy(ones_v, acc.at[idx_v.at[k + NBUF]],
                                     sems[j], add=True)

            return 0

        lax.fori_loop(0, rows_per_tile // NBUF, group, 0)
        for j in range(rows_per_tile % NBUF):
            k = (rows_per_tile // NBUF) * NBUF + j
            pltpu.make_async_copy(ones_v, acc.at[idx_v.at[k]], sems[j]).wait()

    @pl.when(c == 0)
    def _():
        run(src_hbm, dsems)

    @pl.when(c == 1)
    def _():
        run(dst_hbm, dsems)

    plsc.subcore_barrier()
    pltpu.sync_copy(acc.at[pl.ds(r0, CPT)], out_hbm.at[c, pl.ds(r0, CPT)])


_deg_call = pl.kernel(
    _deg_body,
    out_type=jax.ShapeDtypeStruct((NC, N, 16), jnp.float32),
    mesh=_mesh,
    compiler_params=_sc_params,
    scratch_types=[
        pltpu.VMEM_SHARED((N, 16), jnp.float32),
        pltpu.VMEM(((E // B) // NS, B), jnp.int32),
        pltpu.VMEM((B, 16), jnp.float32),
        pltpu.SemaphoreType.DMA,
        pltpu.SemaphoreType.DMA,
        pltpu.SemaphoreType.DMA,
        pltpu.SemaphoreType.DMA,
    ],
)


FH = F // 2


def _spmm_pipeline(feat_hbm, acc, sidx, didx, bufs, sems, nchunks):
    for j in range(NBUF):
        pltpu.async_copy(feat_hbm.at[sidx.at[j]], bufs[j], sems[j])

    def body(p, _):
        for j in range(NBUF):
            k = NBUF * p + j
            pltpu.make_async_copy(feat_hbm.at[sidx.at[k]], bufs[j], sems[j]).wait()
            pltpu.sync_copy(bufs[j], acc.at[didx.at[k]], add=True)

            @pl.when(k + NBUF < nchunks)
            def _():
                pltpu.async_copy(feat_hbm.at[sidx.at[k + NBUF]], bufs[j], sems[j])

        return 0

    lax.fori_loop(0, nchunks // NBUF, body, 0)
    for j in range(nchunks % NBUF):
        k = (nchunks // NBUF) * NBUF + j
        pltpu.make_async_copy(feat_hbm.at[sidx.at[k]], bufs[j], sems[j]).wait()
        pltpu.sync_copy(bufs[j], acc.at[didx.at[k]], add=True)


def _spmm0_body(f0_hbm, f1_hbm, f2_hbm, f3_hbm, src_hbm, dst_hbm, zf_hbm,
                o0_hbm, o1_hbm, o2_hbm, o3_hbm,
                acc, sidx, didx, b0_, b1_, b2_, b3_, g0, g1, g2, g3):
    c = lax.axis_index("c")
    s = lax.axis_index("s")
    r0 = _tile_row_base(s)
    rows_per_tile = (E // B) // NS
    half = (E // B) // (NC * NS)
    pltpu.sync_copy(src_hbm.at[2 * s], sidx.at[pl.ds(0, half)])
    pltpu.sync_copy(src_hbm.at[2 * s + 1], sidx.at[pl.ds(half, half)])
    pltpu.sync_copy(dst_hbm.at[2 * s], didx.at[pl.ds(0, half)])
    pltpu.sync_copy(dst_hbm.at[2 * s + 1], didx.at[pl.ds(half, half)])
    bufs = (b0_, b1_, b2_, b3_)
    sems = (g0, g1, g2, g3)

    def one_pass(feat_hbm, out_hbm):
        pltpu.sync_copy(zf_hbm.at[pl.ds(r0, CPT)], acc.at[pl.ds(r0, CPT)])
        plsc.subcore_barrier()
        _spmm_pipeline(feat_hbm, acc, sidx, didx, bufs, sems, rows_per_tile)
        plsc.subcore_barrier()
        pltpu.sync_copy(acc.at[pl.ds(r0, CPT)], out_hbm.at[pl.ds(r0, CPT)])
        plsc.subcore_barrier()

    @pl.when(c == 0)
    def _():
        one_pass(f0_hbm, o0_hbm)
        one_pass(f1_hbm, o1_hbm)

    @pl.when(c == 1)
    def _():
        one_pass(f2_hbm, o2_hbm)
        one_pass(f3_hbm, o3_hbm)


_spmm0_call = pl.kernel(
    _spmm0_body,
    out_type=tuple(jax.ShapeDtypeStruct((N, FH), jnp.float32) for _ in range(4)),
    mesh=_mesh,
    compiler_params=_sc_params,
    scratch_types=[
        pltpu.VMEM_SHARED((N, FH), jnp.float32),
        pltpu.VMEM(((E // B) // NS, B), jnp.int32),
        pltpu.VMEM(((E // B) // NS, B), jnp.int32),
        pltpu.VMEM((B, FH), jnp.float32),
        pltpu.VMEM((B, FH), jnp.float32),
        pltpu.VMEM((B, FH), jnp.float32),
        pltpu.VMEM((B, FH), jnp.float32),
        pltpu.SemaphoreType.DMA,
        pltpu.SemaphoreType.DMA,
        pltpu.SemaphoreType.DMA,
        pltpu.SemaphoreType.DMA,
    ],
)


def _spmm1_body(cat_hbm, src_hbm, dst_hbm, zd_hbm, out_hbm,
                acc, sidx, didx, b0_, b1_, b2_, b3_, g0, g1, g2, g3):
    c = lax.axis_index("c")
    s = lax.axis_index("s")
    r0 = _tile_row_base(s)
    pltpu.sync_copy(zd_hbm.at[pl.ds(r0, CPT)], acc.at[pl.ds(r0, CPT)])
    plsc.subcore_barrier()

    rows_per_worker = (E // B) // (NC * NS)
    wid = c * NS + s
    pltpu.sync_copy(src_hbm.at[wid], sidx)
    pltpu.sync_copy(dst_hbm.at[wid], didx)

    _spmm_pipeline(cat_hbm, acc, sidx, didx, (b0_, b1_, b2_, b3_),
                   (g0, g1, g2, g3), rows_per_worker)
    plsc.subcore_barrier()
    pltpu.sync_copy(acc.at[pl.ds(r0, CPT)], out_hbm.at[c, pl.ds(r0, CPT)])


_spmm1_call = pl.kernel(
    _spmm1_body,
    out_type=jax.ShapeDtypeStruct((NC, N, D1), jnp.float32),
    mesh=_mesh,
    compiler_params=_sc_params,
    scratch_types=[
        pltpu.VMEM_SHARED((N, D1), jnp.float32),
        pltpu.VMEM(((E // B) // (NC * NS), B), jnp.int32),
        pltpu.VMEM(((E // B) // (NC * NS), B), jnp.int32),
        pltpu.VMEM((B, D1), jnp.float32),
        pltpu.VMEM((B, D1), jnp.float32),
        pltpu.VMEM((B, D1), jnp.float32),
        pltpu.VMEM((B, D1), jnp.float32),
        pltpu.SemaphoreType.DMA,
        pltpu.SemaphoreType.DMA,
        pltpu.SemaphoreType.DMA,
        pltpu.SemaphoreType.DMA,
    ],
)


def _bf16_dot(a, b):
    return jnp.dot(a.astype(jnp.bfloat16), b.astype(jnp.bfloat16),
                   preferred_element_type=jnp.float32)


def _pre_a_body(x_ref, w0_ref, r0_ref, r1_ref,
                u_ref, f2_ref, f3_ref, z1_ref):
    x = x_ref[...]
    z0 = _bf16_dot(x, r0_ref[...])
    u_ref[...] = _bf16_dot(x, w0_ref[...])
    f2_ref[...] = z0[:, :FH]
    f3_ref[...] = z0[:, FH:]
    z1_ref[...] = _bf16_dot(z0, r1_ref[...])


def _pre_a_call(x, W0, R0, R1):
    return pl.pallas_call(
        _pre_a_body,
        grid=(N // RB,),
        in_specs=[
            pl.BlockSpec((RB, F), lambda i: (i, 0)),
            pl.BlockSpec((F, F), lambda i: (0, 0)),
            pl.BlockSpec((F, F), lambda i: (0, 0)),
            pl.BlockSpec((F, C), lambda i: (0, 0)),
        ],
        out_specs=[
            pl.BlockSpec((RB, F), lambda i: (i, 0)),
            pl.BlockSpec((RB, FH), lambda i: (i, 0)),
            pl.BlockSpec((RB, FH), lambda i: (i, 0)),
            pl.BlockSpec((RB, C), lambda i: (i, 0)),
        ],
        out_shape=[
            jax.ShapeDtypeStruct((N, F), jnp.float32),
            jax.ShapeDtypeStruct((N, FH), jnp.float32),
            jax.ShapeDtypeStruct((N, FH), jnp.float32),
            jax.ShapeDtypeStruct((N, C), jnp.float32),
        ],
    )(x, W0, R0, R1)


def _pre_b_body(cnt_ref, u_ref, f0_ref, f1_ref, dio_ref, dii_ref):
    cnt = cnt_ref[...]
    dout = lax.rsqrt(jnp.maximum(jnp.max(cnt[0], axis=1, keepdims=True), 1.0))
    din = lax.rsqrt(jnp.maximum(jnp.max(cnt[1], axis=1, keepdims=True), 1.0))
    fg = u_ref[...] * dout
    f0_ref[...] = fg[:, :FH]
    f1_ref[...] = fg[:, FH:]
    dio_ref[...] = dout
    dii_ref[...] = din


def _pre_b_call(counts, u):
    return pl.pallas_call(
        _pre_b_body,
        grid=(N // RB,),
        in_specs=[
            pl.BlockSpec((NC, RB, 16), lambda i: (0, i, 0)),
            pl.BlockSpec((RB, F), lambda i: (i, 0)),
        ],
        out_specs=[
            pl.BlockSpec((RB, FH), lambda i: (i, 0)),
            pl.BlockSpec((RB, FH), lambda i: (i, 0)),
            pl.BlockSpec((RB, 1), lambda i: (i, 0)),
            pl.BlockSpec((RB, 1), lambda i: (i, 0)),
        ],
        out_shape=[
            jax.ShapeDtypeStruct((N, FH), jnp.float32),
            jax.ShapeDtypeStruct((N, FH), jnp.float32),
            jax.ShapeDtypeStruct((N, 1), jnp.float32),
            jax.ShapeDtypeStruct((N, 1), jnp.float32),
        ],
    )(counts, u)


def _mid_body(s0_ref, s1_ref, s2_ref, s3_ref, dii_ref, dio_ref, b0_ref,
              w1_ref, z1_ref, cat_ref):
    sg = jnp.concatenate([s0_ref[...], s1_ref[...]], axis=1)
    sz = jnp.concatenate([s2_ref[...], s3_ref[...]], axis=1)
    x1 = jnp.maximum(sg * dii_ref[...] + b0_ref[...] + sz, 0.0)
    h1 = _bf16_dot(x1, w1_ref[...]) * dio_ref[...]
    cat_ref[...] = jnp.concatenate([h1, z1_ref[...]], axis=1)


def _mid_call(s0, s1, s2, s3, dii, dio, b0, W1, z1):
    return pl.pallas_call(
        _mid_body,
        grid=(N // RB,),
        in_specs=[
            pl.BlockSpec((RB, FH), lambda i: (i, 0)),
            pl.BlockSpec((RB, FH), lambda i: (i, 0)),
            pl.BlockSpec((RB, FH), lambda i: (i, 0)),
            pl.BlockSpec((RB, FH), lambda i: (i, 0)),
            pl.BlockSpec((RB, 1), lambda i: (i, 0)),
            pl.BlockSpec((RB, 1), lambda i: (i, 0)),
            pl.BlockSpec((1, F), lambda i: (0, 0)),
            pl.BlockSpec((F, C), lambda i: (0, 0)),
            pl.BlockSpec((RB, C), lambda i: (i, 0)),
        ],
        out_specs=pl.BlockSpec((RB, D1), lambda i: (i, 0)),
        out_shape=jax.ShapeDtypeStruct((N, D1), jnp.float32),
    )(s0, s1, s2, s3, dii, dio, b0, W1, z1)


def _final_body(p_ref, dii_ref, b1_ref, y_ref):
    p = p_ref[0] + p_ref[1]
    y_ref[...] = p[:, :C] * dii_ref[...] + b1_ref[...] + p[:, C:]


def _final_call(parts, dii, b1):
    return pl.pallas_call(
        _final_body,
        grid=(N // RB,),
        in_specs=[
            pl.BlockSpec((NC, RB, D1), lambda i: (0, i, 0)),
            pl.BlockSpec((RB, 1), lambda i: (i, 0)),
            pl.BlockSpec((1, C), lambda i: (0, 0)),
        ],
        out_specs=pl.BlockSpec((RB, C), lambda i: (i, 0)),
        out_shape=jax.ShapeDtypeStruct((N, C), jnp.float32),
    )(parts, dii, b1)


def kernel(raw_x, edge_index, W0, b0, W1, b1, R0, R1):
    src32 = edge_index[0].astype(jnp.int32).reshape(NC * NS, (E // B) // (NC * NS), B)
    dst32 = edge_index[1].astype(jnp.int32).reshape(NC * NS, (E // B) // (NC * NS), B)

    counts = _deg_call(src32, dst32, jnp.zeros((N, 16), jnp.float32))
    u, f2, f3, z1 = _pre_a_call(raw_x, W0, R0, R1)
    f0, f1, dio, dii = _pre_b_call(counts, u)
    s0, s1, s2, s3 = _spmm0_call(f0, f1, f2, f3, src32, dst32,
                                 jnp.zeros((N, FH), jnp.float32))
    cat1 = _mid_call(s0, s1, s2, s3, dii, dio, b0.reshape(1, F), W1, z1)
    parts = _spmm1_call(cat1, src32, dst32, jnp.zeros((N, D1), jnp.float32))
    y = _final_call(parts, dii, b1.reshape(1, C))
    return y

# --- scband reference (transcript-rebuilt; emitter-appended) ---
"""Pipeline reference for scband-gres-net-86964497809766 (READ-ONLY COPY).

The authoritative reference and input builder live on the scoring server;
editing this copy changes nothing except your own understanding.
"""

import jax, jax.numpy as jnp
import numpy as np

N_NODES = 10000
N_EDGES = 320000
NFEAT = 128
NHID = 128
NCLASS = 40


def _gcn_layer(x, W, b, src, dst, n):
    # DGL-style GraphConv with symmetric ('both') normalization:
    # h = D_in^{-1/2} A D_out^{-1/2} x W + b
    deg_out = jnp.clip(jnp.bincount(src, length=n), 1).astype(x.dtype)
    deg_in = jnp.clip(jnp.bincount(dst, length=n), 1).astype(x.dtype)
    h = x * (deg_out ** -0.5)[:, None]
    h = h @ W
    agg = jax.ops.segment_sum(h[src], dst, num_segments=n)
    agg = agg * (deg_in ** -0.5)[:, None]
    return agg + b


def _spmm(y, src, dst, n):
    # adj @ y where adj is the (unnormalized) adjacency matrix
    return jax.ops.segment_sum(y[src], dst, num_segments=n)


def setup_inputs(seed: int = 0) -> dict:
    key = jax.random.key(seed)
    k_x, k_e, k_w0, k_b0, k_w1, k_b1, k_r0, k_r1 = jax.random.split(key, 8)
    raw_x = jax.random.normal(k_x, (N_NODES, NFEAT), dtype=jnp.float32)
    edge_index = jax.random.randint(k_e, (2, N_EDGES), 0, N_NODES, dtype=jnp.int64)
    # GraphConv params (glorot-ish) and residual weights (uniform +/- 1/sqrt(out))
    W0 = jax.random.uniform(k_w0, (NFEAT, NHID), dtype=jnp.float32, minval=-1, maxval=1) / np.sqrt(NFEAT)
    b0 = jnp.zeros((NHID,), dtype=jnp.float32)
    W1 = jax.random.uniform(k_w1, (NHID, NCLASS), dtype=jnp.float32, minval=-1, maxval=1) / np.sqrt(NHID)
    b1 = jnp.zeros((NCLASS,), dtype=jnp.float32)
    R0 = jax.random.uniform(k_r0, (NFEAT, NHID), dtype=jnp.float32, minval=-1, maxval=1) / np.sqrt(NHID)
    R1 = jax.random.uniform(k_r1, (NHID, NCLASS), dtype=jnp.float32, minval=-1, maxval=1) / np.sqrt(NCLASS)
    return {"raw_x": raw_x, "edge_index": edge_index, "W0": W0, "b0": b0, "W1": W1, "b1": b1, "R0": R0, "R1": R1}


def reference(raw_x, edge_index, W0, b0, W1, b1, R0, R1):
    # GResNet.forward_graph_raw with depth=2, eval mode (dropout no-op)
    src = edge_index[0]
    dst = edge_index[1]
    n = raw_x.shape[0]
    x = raw_x
    # layer 0
    res0 = _spmm(raw_x @ R0, src, dst, n)
    x = jax.nn.relu(_gcn_layer(x, W0, b0, src, dst, n) + res0)
    # dropout skipped (training=False)
    # layer 1 (final)
    res1 = _spmm((raw_x @ R0) @ R1, src, dst, n)
    y = _gcn_layer(x, W1, b1, src, dst, n) + res1
    return y

if __name__ == "__main__":
    import jax
    _d = setup_inputs()
    print(jax.jit(kernel)(*tuple(_d.values())))

</pallas_src>

<mosaic_0001>
#map = affine_map<(d0, d1) -> (0, 0, 0)>
#map1 = affine_map<(d0, d1) -> (0, 0)>
module attributes {stable_mosaic.version = 14 : i64} {
  func.func @_deg_body(%arg0: i32, %arg1: i32, %arg2: memref<32x125x80xi32, #tpu.memory_space<hbm>>, %arg3: memref<32x125x80xi32, #tpu.memory_space<hbm>>, %arg4: memref<10000x16xf32, #tpu.memory_space<hbm>>, %arg5: memref<2x10000x16xf32, #tpu.memory_space<hbm>>, %arg6: memref<10000x16xf32, #tpu.memory_space<vmem_shared>>, %arg7: memref<250x80xi32, #tpu.memory_space<vmem>>, %arg8: memref<80x16xf32, #tpu.memory_space<vmem>>, %arg9: memref<!tpu.dma_semaphore, #tpu.memory_space<semaphore_mem>>, %arg10: memref<!tpu.dma_semaphore, #tpu.memory_space<semaphore_mem>>, %arg11: memref<!tpu.dma_semaphore, #tpu.memory_space<semaphore_mem>>, %arg12: memref<!tpu.dma_semaphore, #tpu.memory_space<semaphore_mem>>) attributes {dimension_semantics = [#tpu.dimension_semantics<core_parallel>, #tpu.dimension_semantics<subcore_parallel>], iteration_bounds = array<i64: 2, 16>, scalar_prefetch = 0 : i64, scratch_operands = 7 : i64, tpu.core_type = #tpu.core_type<sc_vector_subcore>, window_params = [{transform_indices = #map}, {transform_indices = #map}, {transform_indices = #map1}, {transform_indices = #map}]} {
    %mul3A = arith.constant 640 : i32
    %mul3A_0 = arith.muli %arg1, %mul3A : i32
    %min3A = arith.constant 9360 : i32
    %min3A_1 = arith.minsi %mul3A_0, %min3A : i32
    %scan3A = arith.constant 0 : i32
    %scan3A_2 = arith.constant 0 : i32
    %scan3A_3 = arith.constant 80 : i32
    %scan3A_4 = arith.addi %scan3A_2, %scan3A_3 : i32
    %scan3A_5 = arith.constant 1 : i32
    %scan3A_6 = scf.for %scan3A_16 = %scan3A_2 to %scan3A_4 step %scan3A_5 iter_args(%scan3A_17 = %scan3A) -> (i32)  : i32 {
      %broadcast_in_dim3A = arith.constant 1.000000e+00 : f32
      %broadcast_in_dim3A_18 = vector.broadcast %broadcast_in_dim3A : f32 to vector<16xf32>
      %swap3A = arith.index_cast %scan3A_16 : i32 to index
      %swap3A_19 = arith.constant 0 : index
      %swap3A_20 = tpu.vector_load %arg8[%swap3A, %swap3A_19] {strides = array<i32>} : memref<80x16xf32, #tpu.memory_space<vmem>>, vector<1x16xf32>,
      %swap3A_21 = vector.shape_cast %swap3A_20 : vector<1x16xf32> to vector<16xf32>
      %swap3A_22 = vector.shape_cast %broadcast_in_dim3A_18 : vector<16xf32> to vector<1x16xf32>
      tpu.vector_store %arg8[%swap3A, %swap3A_19], %swap3A_22 {strides = array<i32>} : memref<80x16xf32, #tpu.memory_space<vmem>>, vector<1x16xf32>,
      %scan3A_23 = arith.constant 0 : i32
      scf.yield %scan3A_23 : i32
    }
    %scan3A_7 = arith.constant 80 : i32
    "tpu.region"() ({
      %run_scoped3A = tpu.sem_alloc : memref<!tpu.dma_semaphore, #tpu.memory_space<semaphore_mem>>
      %dma_start3A = arith.constant 0 : i32
      %dma_start3A_16 = tpu.memref_slice %arg6[%min3A_1, %dma_start3A] : memref<10000x16xf32, #tpu.memory_space<vmem_shared>> -> memref<640x16xf32, #tpu.memory_space<vmem_shared>>
      %dma_start3A_17 = arith.constant 0 : i32
      %dma_start3A_18 = tpu.memref_slice %arg4[%min3A_1, %dma_start3A_17] : memref<10000x16xf32, #tpu.memory_space<hbm>> -> memref<640x16xf32, #tpu.memory_space<hbm>>
      tpu.enqueue_dma source(%dma_start3A_18 : memref<640x16xf32, #tpu.memory_space<hbm>>) target(%dma_start3A_16 : memref<640x16xf32, #tpu.memory_space<vmem_shared>>) target_semaphore(%run_scoped3A : memref<!tpu.dma_semaphore, #tpu.memory_space<semaphore_mem>>)
      %dma_wait3A = arith.constant 0 : i32
      %dma_wait3A_19 = tpu.memref_slice %arg6[%min3A_1, %dma_wait3A] : memref<10000x16xf32, #tpu.memory_space<vmem_shared>> -> memref<640x16xf32, #tpu.memory_space<vmem_shared>>
      %dma_wait3A_20 = arith.constant 0 : i32
      %dma_wait3A_21 = tpu.memref_slice %arg4[%min3A_1, %dma_wait3A_20] : memref<10000x16xf32, #tpu.memory_space<hbm>> -> memref<640x16xf32, #tpu.memory_space<hbm>>
      tpu.wait_dma2 semaphore(%run_scoped3A : memref<!tpu.dma_semaphore, #tpu.memory_space<semaphore_mem>>) src(%dma_wait3A_21 : memref<640x16xf32, #tpu.memory_space<hbm>>) dst(%dma_wait3A_19 : memref<640x16xf32, #tpu.memory_space<vmem_shared>>)
      tpu.yield
    }) : () -> ()
    %barrier3A = arith.constant 0 : index
    tpu.barrier barrier_id(%barrier3A)
    %eq3A = arith.constant 0 : i32
    %eq3A_8 = arith.cmpi eq, %arg0, %eq3A : i32
    %convert_element_type3A = arith.extui %eq3A_8 : i1 to i32
    %cond3A = arith.constant 0 : i32
    %cond3A_9 = arith.cmpi ne, %convert_element_type3A, %cond3A : i32
    scf.if %cond3A_9 {
      %mul3A_16 = arith.constant 2 : i32
      %mul3A_17 = arith.muli %mul3A_16, %arg1 : i32
      "tpu.region"() ({
        %run_scoped3A = tpu.sem_alloc : memref<!tpu.dma_semaphore, #tpu.memory_space<semaphore_mem>>
        %dma_start3A_68 = arith.constant 0 : i32
        %dma_start3A_69 = arith.constant 0 : i32
        %dma_start3A_70 = tpu.memref_slice %arg7[%dma_start3A_68, %dma_start3A_69] : memref<250x80xi32, #tpu.memory_space<vmem>> -> memref<125x80xi32, #tpu.memory_space<vmem>>
        %dma_start3A_71 = arith.constant 0 : i32
        %dma_start3A_72 = arith.constant 0 : i32
        %dma_start3A_73 = tpu.memref_slice %arg2[%mul3A_17, %dma_start3A_71, %dma_start3A_72] : memref<32x125x80xi32, #tpu.memory_space<hbm>> -> memref<1x125x80xi32, #tpu.memory_space<hbm>>
        %dma_start3A_74 = tpu.memref_squeeze %dma_start3A_73 : memref<1x125x80xi32, #tpu.memory_space<hbm>> -> memref<125x80xi32, #tpu.memory_space<hbm>>
        %dma_start3A_75 = arith.constant 0 : i32
        %dma_start3A_76 = arith.constant 0 : i32
        %dma_start3A_77 = tpu.memref_slice %arg7[%dma_start3A_75, %dma_start3A_76] : memref<250x80xi32, #tpu.memory_space<vmem>> -> memref<125x80xi32, #tpu.memory_space<vmem>>
        %dma_start3A_78 = arith.constant 0 : i32
        %dma_start3A_79 = arith.constant 0 : i32
        %dma_start3A_80 = tpu.memref_slice %arg2[%mul3A_17, %dma_start3A_78, %dma_start3A_79] : memref<32x125x80xi32, #tpu.memory_space<hbm>> -> memref<1x125x80xi32, #tpu.memory_space<hbm>>
        %dma_start3A_81 = tpu.memref_squeeze %dma_start3A_80 : memref<1x125x80xi32, #tpu.memory_space<hbm>> -> memref<125x80xi32, #tpu.memory_space<hbm>>
        tpu.enqueue_dma source(%dma_start3A_81 : memref<125x80xi32, #tpu.memory_space<hbm>>) target(%dma_start3A_77 : memref<125x80xi32, #tpu.memory_space<vmem>>) target_semaphore(%run_scoped3A : memref<!tpu.dma_semaphore, #tpu.memory_space<semaphore_mem>>)
        %dma_wait3A_82 = arith.constant 0 : i32
        %dma_wait3A_83 = arith.constant 0 : i32
        %dma_wait3A_84 = tpu.memref_slice %arg7[%dma_wait3A_82, %dma_wait3A_83] : memref<250x80xi32, #tpu.memory_space<vmem>> -> memref<125x80xi32, #tpu.memory_space<vmem>>
        %dma_wait3A_85 = arith.constant 0 : i32
        %dma_wait3A_86 = arith.constant 0 : i32
        %dma_wait3A_87 = tpu.memref_slice %arg2[%mul3A_17, %dma_wait3A_85, %dma_wait3A_86] : memref<32x125x80xi32, #tpu.memory_space<hbm>> -> memref<1x125x80xi32, #tpu.memory_space<hbm>>
        %dma_wait3A_88 = tpu.memref_squeeze %dma_wait3A_87 : memref<1x125x80xi32, #tpu.memory_space<hbm>> -> memref<125x80xi32, #tpu.memory_space<hbm>>
        %dma_wait3A_89 = arith.constant 0 : i32
        %dma_wait3A_90 = arith.constant 0 : i32
        %dma_wait3A_91 = tpu.memref_slice %arg7[%dma_wait3A_89, %dma_wait3A_90] : memref<250x80xi32, #tpu.memory_space<vmem>> -> memref<125x80xi32, #tpu.memory_space<vmem>>
        %dma_wait3A_92 = arith.constant 0 : i32
        %dma_wait3A_93 = arith.constant 0 : i32
        %dma_wait3A_94 = tpu.memref_slice %arg2[%mul3A_17, %dma_wait3A_92, %dma_wait3A_93] : memref<32x125x80xi32, #tpu.memory_space<hbm>> -> memref<1x125x80xi32, #tpu.memory_space<hbm>>
        %dma_wait3A_95 = tpu.memref_squeeze %dma_wait3A_94 : memref<1x125x80xi32, #tpu.memory_space<hbm>> -> memref<125x80xi32, #tpu.memory_space<hbm>>
        tpu.wait_dma2 semaphore(%run_scoped3A : memref<!tpu.dma_semaphore, #tpu.memory_space<semaphore_mem>>) src(%dma_wait3A_95 : memref<125x80xi32, #tpu.memory_space<hbm>>) dst(%dma_wait3A_91 : memref<125x80xi32, #tpu.memory_space<vmem>>)
        tpu.yield
      }) : () -> ()
      %mul3A_18 = arith.constant 2 : i32
      %mul3A_19 = arith.muli %mul3A_18, %arg1 : i32
      %add3A = arith.constant 1 : i32
      %add3A_20 = arith.addi %mul3A_19, %add3A : i32
      "tpu.region"() ({
        %run_scoped3A = tpu.sem_alloc : memref<!tpu.dma_semaphore, #tpu.memory_space<semaphore_mem>>
        %dma_start3A_68 = arith.constant 125 : i32
        %dma_start3A_69 = arith.constant 0 : i32
        %dma_start3A_70 = tpu.memref_slice %arg7[%dma_start3A_68, %dma_start3A_69] : memref<250x80xi32, #tpu.memory_space<vmem>> -> memref<125x80xi32, #tpu.memory_space<vmem>>
        %dma_start3A_71 = arith.constant 0 : i32
        %dma_start3A_72 = arith.constant 0 : i32
        %dma_start3A_73 = tpu.memref_slice %arg2[%add3A_20, %dma_start3A_71, %dma_start3A_72] : memref<32x125x80xi32, #tpu.memory_space<hbm>> -> memref<1x125x80xi32, #tpu.memory_space<hbm>>
        %dma_start3A_74 = tpu.memref_squeeze %dma_start3A_73 : memref<1x125x80xi32, #tpu.memory_space<hbm>> -> memref<125x80xi32, #tpu.memory_space<hbm>>
        %dma_start3A_75 = arith.constant 125 : i32
        %dma_start3A_76 = arith.constant 0 : i32
        %dma_start3A_77 = tpu.memref_slice %arg7[%dma_start3A_75, %dma_start3A_76] : memref<250x80xi32, #tpu.memory_space<vmem>> -> memref<125x80xi32, #tpu.memory_space<vmem>>
        %dma_start3A_78 = arith.constant 0 : i32
        %dma_start3A_79 = arith.constant 0 : i32
        %dma_start3A_80 = tpu.memref_slice %arg2[%add3A_20, %dma_start3A_78, %dma_start3A_79] : memref<32x125x80xi32, #tpu.memory_space<hbm>> -> memref<1x125x80xi32, #tpu.memory_space<hbm>>
        %dma_start3A_81 = tpu.memref_squeeze %dma_start3A_80 : memref<1x125x80xi32, #tpu.memory_space<hbm>> -> memref<125x80xi32, #tpu.memory_space<hbm>>
        tpu.enqueue_dma source(%dma_start3A_81 : memref<125x80xi32, #tpu.memory_space<hbm>>) target(%dma_start3A_77 : memref<125x80xi32, #tpu.memory_space<vmem>>) target_semaphore(%run_scoped3A : memref<!tpu.dma_semaphore, #tpu.memory_space<semaphore_mem>>)
        %dma_wait3A_82 = arith.constant 125 : i32
        %dma_wait3A_83 = arith.constant 0 : i32
        %dma_wait3A_84 = tpu.memref_slice %arg7[%dma_wait3A_82, %dma_wait3A_83] : memref<250x80xi32, #tpu.memory_space<vmem>> -> memref<125x80xi32, #tpu.memory_space<vmem>>
        %dma_wait3A_85 = arith.constant 0 : i32
        %dma_wait3A_86 = arith.constant 0 : i32
        %dma_wait3A_87 = tpu.memref_slice %arg2[%add3A_20, %dma_wait3A_85, %dma_wait3A_86] : memref<32x125x80xi32, #tpu.memory_space<hbm>> -> memref<1x125x80xi32, #tpu.memory_space<hbm>>
        %dma_wait3A_88 = tpu.memref_squeeze %dma_wait3A_87 : memref<1x125x80xi32, #tpu.memory_space<hbm>> -> memref<125x80xi32, #tpu.memory_space<hbm>>
        %dma_wait3A_89 = arith.constant 125 : i32
        %dma_wait3A_90 = arith.constant 0 : i32
        %dma_wait3A_91 = tpu.memref_slice %arg7[%dma_wait3A_89, %dma_wait3A_90] : memref<250x80xi32, #tpu.memory_space<vmem>> -> memref<125x80xi32, #tpu.memory_space<vmem>>
        %dma_wait3A_92 = arith.constant 0 : i32
        %dma_wait3A_93 = arith.constant 0 : i32
        %dma_wait3A_94 = tpu.memref_slice %arg2[%add3A_20, %dma_wait3A_92, %dma_wait3A_93] : memref<32x125x80xi32, #tpu.memory_space<hbm>> -> memref<1x125x80xi32, #tpu.memory_space<hbm>>
        %dma_wait3A_95 = tpu.memref_squeeze %dma_wait3A_94 : memref<1x125x80xi32, #tpu.memory_space<hbm>> -> memref<125x80xi32, #tpu.memory_space<hbm>>
        tpu.wait_dma2 semaphore(%run_scoped3A : memref<!tpu.dma_semaphore, #tpu.memory_space<semaphore_mem>>) src(%dma_wait3A_95 : memref<125x80xi32, #tpu.memory_space<hbm>>) dst(%dma_wait3A_91 : memref<125x80xi32, #tpu.memory_space<vmem>>)
        tpu.yield
      }) : () -> ()
      %dma_start3A = arith.constant 0 : i32
      %dma_start3A_21 = arith.constant 0 : i32
      %dma_start3A_22 = tpu.memref_slice %arg7[%dma_start3A, %dma_start3A_21] : memref<250x80xi32, #tpu.memory_space<vmem>> -> memref<1x80xi32, #tpu.memory_space<vmem>>
      %dma_start3A_23 = tpu.memref_squeeze %dma_start3A_22 : memref<1x80xi32, #tpu.memory_space<vmem>> -> memref<80xi32, #tpu.memory_space<vmem>>
      %dma_start3A_24 = arith.constant 0 : i32
      %dma_start3A_25 = arith.constant 0 : i32
      %dma_start3A_26 = tpu.memref_slice %arg6[%dma_start3A_24, %dma_start3A_25] : memref<10000x16xf32, #tpu.memory_space<vmem_shared>> -> memref<10000x16xf32, #tpu.memory_space<vmem_shared>>
      tpu.enqueue_indirect_dma source(%arg8 : memref<80x16xf32, #tpu.memory_space<vmem>>) target(%dma_start3A_26 : memref<10000x16xf32, #tpu.memory_space<vmem_shared>>) offsets(%dma_start3A_23 : memref<80xi32, #tpu.memory_space<vmem>>) semaphore(%arg9 : memref<!tpu.dma_semaphore, #tpu.memory_space<semaphore_mem>>) {add = true}
      %dma_start3A_27 = arith.constant 1 : i32
      %dma_start3A_28 = arith.constant 0 : i32
      %dma_start3A_29 = tpu.memref_slice %arg7[%dma_start3A_27, %dma_start3A_28] : memref<250x80xi32, #tpu.memory_space<vmem>> -> memref<1x80xi32, #tpu.memory_space<vmem>>
      %dma_start3A_30 = tpu.memref_squeeze %dma_start3A_29 : memref<1x80xi32, #tpu.memory_space<vmem>> -> memref<80xi32, #tpu.memory_space<vmem>>
      %dma_start3A_31 = arith.constant 0 : i32
      %dma_start3A_32 = arith.constant 0 : i32
      %dma_start3A_33 = tpu.memref_slice %arg6[%dma_start3A_31, %dma_start3A_32] : memref<10000x16xf32, #tpu.memory_space<vmem_shared>> -> memref<10000x16xf32, #tpu.memory_space<vmem_shared>>
      tpu.enqueue_indirect_dma source(%arg8 : memref<80x16xf32, #tpu.memory_space<vmem>>) target(%dma_start3A_33 : memref<10000x16xf32, #tpu.memory_space<vmem_shared>>) offsets(%dma_start3A_30 : memref<80xi32, #tpu.memory_space<vmem>>) semaphore(%arg10 : memref<!tpu.dma_semaphore, #tpu.memory_space<semaphore_mem>>) {add = true}
      %dma_start3A_34 = arith.constant 2 : i32
      %dma_start3A_35 = arith.constant 0 : i32
      %dma_start3A_36 = tpu.memref_slice %arg7[%dma_start3A_34, %dma_start3A_35] : memref<250x80xi32, #tpu.memory_space<vmem>> -> memref<1x80xi32, #tpu.memory_space<vmem>>
      %dma_start3A_37 = tpu.memref_squeeze %dma_start3A_36 : memref<1x80xi32, #tpu.memory_space<vmem>> -> memref<80xi32, #tpu.memory_space<vmem>>
      %dma_start3A_38 = arith.constant 0 : i32
      %dma_start3A_39 = arith.constant 0 : i32
      %dma_start3A_40 = tpu.memref_slice %arg6[%dma_start3A_38, %dma_start3A_39] : memref<10000x16xf32, #tpu.memory_space<vmem_shared>> -> memref<10000x16xf32, #tpu.memory_space<vmem_shared>>
      tpu.enqueue_indirect_dma source(%arg8 : memref<80x16xf32, #tpu.memory_space<vmem>>) target(%dma_start3A_40 : memref<10000x16xf32, #tpu.memory_space<vmem_shared>>) offsets(%dma_start3A_37 : memref<80xi32, #tpu.memory_space<vmem>>) semaphore(%arg11 : memref<!tpu.dma_semaphore, #tpu.memory_space<semaphore_mem>>) {add = true}
      %dma_start3A_41 = arith.constant 3 : i32
      %dma_start3A_42 = arith.constant 0 : i32
      %dma_start3A_43 = tpu.memref_slice %arg7[%dma_start3A_41, %dma_start3A_42] : memref<250x80xi32, #tpu.memory_space<vmem>> -> memref<1x80xi32, #tpu.memory_space<vmem>>
      %dma_start3A_44 = tpu.memref_squeeze %dma_start3A_43 : memref<1x80xi32, #tpu.memory_space<vmem>> -> memref<80xi32, #tpu.memory_space<vmem>>
      %dma_start3A_45 = arith.constant 0 : i32
      %dma_start3A_46 = arith.constant 0 : i32
      %dma_start3A_47 = tpu.memref_slice %arg6[%dma_start3A_45, %dma_start3A_46] : memref<10000x16xf32, #tpu.memory_space<vmem_shared>> -> memref<10000x16xf32, #tpu.memory_space<vmem_shared>>
      tpu.enqueue_indirect_dma source(%arg8 : memref<80x16xf32, #tpu.memory_space<vmem>>) target(%dma_start3A_47 : memref<10000x16xf32, #tpu.memory_space<vmem_shared>>) offsets(%dma_start3A_44 : memref<80xi32, #tpu.memory_space<vmem>>) semaphore(%arg12 : memref<!tpu.dma_semaphore, #tpu.memory_space<semaphore_mem>>) {add = true}
      %scan3A_48 = arith.constant 0 : i32
      %scan3A_49 = arith.constant 0 : i32
      %scan3A_50 = arith.constant 62 : i32
      %scan3A_51 = arith.addi %scan3A_49, %scan3A_50 : i32
      %scan3A_52 = arith.constant 1 : i32
      %scan3A_53 = scf.for %scan3A_68 = %scan3A_49 to %scan3A_51 step %scan3A_52 iter_args(%scan3A_69 = %scan3A_48) -> (i32)  : i32 {
        %mul3A_70 = arith.constant 4 : i32
        %mul3A_71 = arith.muli %mul3A_70, %scan3A_68 : i32
        %add3A_72 = arith.constant 0 : i32
        %add3A_73 = arith.addi %mul3A_71, %add3A_72 : i32
        %dma_wait3A_74 = arith.constant 0 : i32
        %dma_wait3A_75 = tpu.memref_slice %arg7[%add3A_73, %dma_wait3A_74] : memref<250x80xi32, #tpu.memory_space<vmem>> -> memref<1x80xi32, #tpu.memory_space<vmem>>
        %dma_wait3A_76 = tpu.memref_squeeze %dma_wait3A_75 : memref<1x80xi32, #tpu.memory_space<vmem>> -> memref<80xi32, #tpu.memory_space<vmem>>
        %dma_wait3A_77 = arith.constant 0 : i32
        %dma_wait3A_78 = arith.constant 0 : i32
        %dma_wait3A_79 = tpu.memref_slice %arg6[%dma_wait3A_77, %dma_wait3A_78] : memref<10000x16xf32, #tpu.memory_space<vmem_shared>> -> memref<10000x16xf32, #tpu.memory_space<vmem_shared>>
        tpu.wait_indirect_dma semaphore(%arg9 : memref<!tpu.dma_semaphore, #tpu.memory_space<semaphore_mem>>) src(%arg8 : memref<80x16xf32, #tpu.memory_space<vmem>>) dst(%dma_wait3A_79 : memref<10000x16xf32, #tpu.memory_space<vmem_shared>>)
        %add3A_80 = arith.constant 4 : i32
        %add3A_81 = arith.addi %add3A_73, %add3A_80 : i32
        %lt3A = arith.constant 250 : i32
        %lt3A_82 = arith.cmpi slt, %add3A_81, %lt3A : i32
        %convert_element_type3A_83 = arith.extui %lt3A_82 : i1 to i32
        %cond3A_84 = arith.constant 0 : i32
        %cond3A_85 = arith.cmpi ne, %convert_element_type3A_83, %cond3A_84 : i32
        scf.if %cond3A_85 {
          %add3A_138 = arith.constant 4 : i32
          %add3A_139 = arith.addi %add3A_73, %add3A_138 : i32
          %dma_start3A_140 = arith.constant 0 : i32
          %dma_start3A_141 = tpu.memref_slice %arg7[%add3A_139, %dma_start3A_140] : memref<250x80xi32, #tpu.memory_space<vmem>> -> memref<1x80xi32, #tpu.memory_space<vmem>>
          %dma_start3A_142 = tpu.memref_squeeze %dma_start3A_141 : memref<1x80xi32, #tpu.memory_space<vmem>> -> memref<80xi32, #tpu.memory_space<vmem>>
          %dma_start3A_143 = arith.constant 0 : i32
          %dma_start3A_144 = arith.constant 0 : i32
          %dma_start3A_145 = tpu.memref_slice %arg6[%dma_start3A_143, %dma_start3A_144] : memref<10000x16xf32, #tpu.memory_space<vmem_shared>> -> memref<10000x16xf32, #tpu.memory_space<vmem_shared>>
          tpu.enqueue_indirect_dma source(%arg8 : memref<80x16xf32, #tpu.memory_space<vmem>>) target(%dma_start3A_145 : memref<10000x16xf32, #tpu.memory_space<vmem_shared>>) offsets(%dma_start3A_142 : memref<80xi32, #tpu.memory_space<vmem>>) semaphore(%arg9 : memref<!tpu.dma_semaphore, #tpu.memory_space<semaphore_mem>>) {add = true}
        } else {
        }
        %mul3A_86 = arith.constant 4 : i32
        %mul3A_87 = arith.muli %mul3A_86, %scan3A_68 : i32
        %add3A_88 = arith.constant 1 : i32
        %add3A_89 = arith.addi %mul3A_87, %add3A_88 : i32
        %dma_wait3A_90 = arith.constant 0 : i32
        %dma_wait3A_91 = tpu.memref_slice %arg7[%add3A_89, %dma_wait3A_90] : memref<250x80xi32, #tpu.memory_space<vmem>> -> memref<1x80xi32, #tpu.memory_space<vmem>>
        %dma_wait3A_92 = tpu.memref_squeeze %dma_wait3A_91 : memref<1x80xi32, #tpu.memory_space<vmem>> -> memref<80xi32, #tpu.memory_space<vmem>>
        %dma_wait3A_93 = arith.constant 0 : i32
        %dma_wait3A_94 = arith.constant 0 : i32
        %dma_wait3A_95 = tpu.memref_slice %arg6[%dma_wait3A_93, %dma_wait3A_94] : memref<10000x16xf32, #tpu.memory_space<vmem_shared>> -> memref<10000x16xf32, #tpu.memory_space<vmem_shared>>
        tpu.wait_indirect_dma semaphore(%arg10 : memref<!tpu.dma_semaphore, #tpu.memory_space<semaphore_mem>>) src(%arg8 : memref<80x16xf32, #tpu.memory_space<vmem>>) dst(%dma_wait3A_95 : memref<10000x16xf32, #tpu.memory_space<vmem_shared>>)
        %add3A_96 = arith.constant 4 : i32
        %add3A_97 = arith.addi %add3A_89, %add3A_96 : i32
        %lt3A_98 = arith.constant 250 : i32
        %lt3A_99 = arith.cmpi slt, %add3A_97, %lt3A_98 : i32
        %convert_element_type3A_100 = arith.extui %lt3A_99 : i1 to i32
        %cond3A_101 = arith.constant 0 : i32
        %cond3A_102 = arith.cmpi ne, %convert_element_type3A_100, %cond3A_101 : i32
        scf.if %cond3A_102 {
          %add3A_138 = arith.constant 4 : i32
          %add3A_139 = arith.addi %add3A_89, %add3A_138 : i32
          %dma_start3A_140 = arith.constant 0 : i32
          %dma_start3A_141 = tpu.memref_slice %arg7[%add3A_139, %dma_start3A_140] : memref<250x80xi32, #tpu.memory_space<vmem>> -> memref<1x80xi32, #tpu.memory_space<vmem>>
          %dma_start3A_142 = tpu.memref_squeeze %dma_start3A_141 : memref<1x80xi32, #tpu.memory_space<vmem>> -> memref<80xi32, #tpu.memory_space<vmem>>
          %dma_start3A_143 = arith.constant 0 : i32
          %dma_start3A_144 = arith.constant 0 : i32
          %dma_start3A_145 = tpu.memref_slice %arg6[%dma_start3A_143, %dma_start3A_144] : memref<10000x16xf32, #tpu.memory_space<vmem_shared>> -> memref<10000x16xf32, #tpu.memory_space<vmem_shared>>
          tpu.enqueue_indirect_dma source(%arg8 : memref<80x16xf32, #tpu.memory_space<vmem>>) target(%dma_start3A_145 : memref<10000x16xf32, #tpu.memory_space<vmem_shared>>) offsets(%dma_start3A_142 : memref<80xi32, #tpu.memory_space<vmem>>) semaphore(%arg10 : memref<!tpu.dma_semaphore, #tpu.memory_space<semaphore_mem>>) {add = true}
        } else {
        }
        %mul3A_103 = arith.constant 4 : i32
        %mul3A_104 = arith.muli %mul3A_103, %scan3A_68 : i32
        %add3A_105 = arith.constant 2 : i32
        %add3A_106 = arith.addi %mul3A_104, %add3A_105 : i32
        %dma_wait3A_107 = arith.constant 0 : i32
        %dma_wait3A_108 = tpu.memref_slice %arg7[%add3A_106, %dma_wait3A_107] : memref<250x80xi32, #tpu.memory_space<vmem>> -> memref<1x80xi32, #tpu.memory_space<vmem>>
        %dma_wait3A_109 = tpu.memref_squeeze %dma_wait3A_108 : memref<1x80xi32, #tpu.memory_space<vmem>> -> memref<80xi32, #tpu.memory_space<vmem>>
        %dma_wait3A_110 = arith.constant 0 : i32
        %dma_wait3A_111 = arith.constant 0 : i32
        %dma_wait3A_112 = tpu.memref_slice %arg6[%dma_wait3A_110, %dma_wait3A_111] : memref<10000x16xf32, #tpu.memory_space<vmem_shared>> -> memref<10000x16xf32, #tpu.memory_space<vmem_shared>>
        tpu.wait_indirect_dma semaphore(%arg11 : memref<!tpu.dma_semaphore, #tpu.memory_space<semaphore_mem>>) src(%arg8 : memref<80x16xf32, #tpu.memory_space<vmem>>) dst(%dma_wait3A_112 : memref<10000x16xf32, #tpu.memory_space<vmem_shared>>)
        %add3A_113 = arith.constant 4 : i32
        %add3A_114 = arith.addi %add3A_106, %add3A_113 : i32
        %lt3A_115 = arith.constant 250 : i32
        %lt3A_116 = arith.cmpi slt, %add3A_114, %lt3A_115 : i32
        %convert_element_type3A_117 = arith.extui %lt3A_116 : i1 to i32
        %cond3A_118 = arith.constant 0 : i32
        %cond3A_119 = arith.cmpi ne, %convert_element_type3A_117, %cond3A_118 : i32
        scf.if %cond3A_119 {
          %add3A_138 = arith.constant 4 : i32
          %add3A_139 = arith.addi %add3A_106, %add3A_138 : i32
          %dma_start3A_140 = arith.constant 0 : i32
          %dma_start3A_141 = tpu.memref_slice %arg7[%add3A_139, %dma_start3A_140] : memref<250x80xi32, #tpu.memory_space<vmem>> -> memref<1x80xi32, #tpu.memory_space<vmem>>
          %dma_start3A_142 = tpu.memref_squeeze %dma_start3A_141 : memref<1x80xi32, #tpu.memory_space<vmem>> -> memref<80xi32, #tpu.memory_space<vmem>>
          %dma_start3A_143 = arith.constant 0 : i32
          %dma_start3A_144 = arith.constant 0 : i32
          %dma_start3A_145 = tpu.memref_slice %arg6[%dma_start3A_143, %dma_start3A_144] : memref<10000x16xf32, #tpu.memory_space<vmem_shared>> -> memref<10000x16xf32, #tpu.memory_space<vmem_shared>>
          tpu.enqueue_indirect_dma source(%arg8 : memref<80x16xf32, #tpu.memory_space<vmem>>) target(%dma_start3A_145 : memref<10000x16xf32, #tpu.memory_space<vmem_shared>>) offsets(%dma_start3A_142 : memref<80xi32, #tpu.memory_space<vmem>>) semaphore(%arg11 : memref<!tpu.dma_semaphore, #tpu.memory_space<semaphore_mem>>) {add = true}
        } else {
        }
        %mul3A_120 = arith.constant 4 : i32
        %mul3A_121 = arith.muli %mul3A_120, %scan3A_68 : i32
        %add3A_122 = arith.constant 3 : i32
        %add3A_123 = arith.addi %mul3A_121, %add3A_122 : i32
        %dma_wait3A_124 = arith.constant 0 : i32
        %dma_wait3A_125 = tpu.memref_slice %arg7[%add3A_123, %dma_wait3A_124] : memref<250x80xi32, #tpu.memory_space<vmem>> -> memref<1x80xi32, #tpu.memory_space<vmem>>
        %dma_wait3A_126 = tpu.memref_squeeze %dma_wait3A_125 : memref<1x80xi32, #tpu.memory_space<vmem>> -> memref<80xi32, #tpu.memory_space<vmem>>
        %dma_wait3A_127 = arith.constant 0 : i32
        %dma_wait3A_128 = arith.constant 0 : i32
        %dma_wait3A_129 = tpu.memref_slice %arg6[%dma_wait3A_127, %dma_wait3A_128] : memref<10000x16xf32, #tpu.memory_space<vmem_shared>> -> memref<10000x16xf32, #tpu.memory_space<vmem_shared>>
        tpu.wait_indirect_dma semaphore(%arg12 : memref<!tpu.dma_semaphore, #tpu.memory_space<semaphore_mem>>) src(%arg8 : memref<80x16xf32, #tpu.memory_space<vmem>>) dst(%dma_wait3A_129 : memref<10000x16xf32, #tpu.memory_space<vmem_shared>>)
        %add3A_130 = arith.constant 4 : i32
        %add3A_131 = arith.addi %add3A_123, %add3A_130 : i32
        %lt3A_132 = arith.constant 250 : i32
        %lt3A_133 = arith.cmpi slt, %add3A_131, %lt3A_132 : i32
        %convert_element_type3A_134 = arith.extui %lt3A_133 : i1 to i32
        %cond3A_135 = arith.constant 0 : i32
        %cond3A_136 = arith.cmpi ne, %convert_element_type3A_134, %cond3A_135 : i32
        scf.if %cond3A_136 {
          %add3A_138 = arith.constant 4 : i32
          %add3A_139 = arith.addi %add3A_123, %add3A_138 : i32
          %dma_start3A_140 = arith.constant 0 : i32
          %dma_start3A_141 = tpu.memref_slice %arg7[%add3A_139, %dma_start3A_140] : memref<250x80xi32, #tpu.memory_space<vmem>> -> memref<1x80xi32, #tpu.memory_space<vmem>>
          %dma_start3A_142 = tpu.memref_squeeze %dma_start3A_141 : memref<1x80xi32, #tpu.memory_space<vmem>> -> memref<80xi32, #tpu.memory_space<vmem>>
          %dma_start3A_143 = arith.constant 0 : i32
          %dma_start3A_144 = arith.constant 0 : i32
          %dma_start3A_145 = tpu.memref_slice %arg6[%dma_start3A_143, %dma_start3A_144] : memref<10000x16xf32, #tpu.memory_space<vmem_shared>> -> memref<10000x16xf32, #tpu.memory_space<vmem_shared>>
          tpu.enqueue_indirect_dma source(%arg8 : memref<80x16xf32, #tpu.memory_space<vmem>>) target(%dma_start3A_145 : memref<10000x16xf32, #tpu.memory_space<vmem_shared>>) offsets(%dma_start3A_142 : memref<80xi32, #tpu.memory_space<vmem>>) semaphore(%arg12 : memref<!tpu.dma_semaphore, #tpu.memory_space<semaphore_mem>>) {add = true}
        } else {
        }
        %scan3A_137 = arith.constant 0 : i32
        scf.yield %scan3A_137 : i32
      }
      %scan3A_54 = arith.constant 62 : i32
      %dma_wait3A = arith.constant 248 : i32
      %dma_wait3A_55 = arith.constant 0 : i32
      %dma_wait3A_56 = tpu.memref_slice %arg7[%dma_wait3A, %dma_wait3A_55] : memref<250x80xi32, #tpu.memory_space<vmem>> -> memref<1x80xi32, #tpu.memory_space<vmem>>
      %dma_wait3A_57 = tpu.memref_squeeze %dma_wait3A_56 : memref<1x80xi32, #tpu.memory_space<vmem>> -> memref<80xi32, #tpu.memory_space<vmem>>
      %dma_wait3A_58 = arith.constant 0 : i32
      %dma_wait3A_59 = arith.constant 0 : i32
      %dma_wait3A_60 = tpu.memref_slice %arg6[%dma_wait3A_58, %dma_wait3A_59] : memref<10000x16xf32, #tpu.memory_space<vmem_shared>> -> memref<10000x16xf32, #tpu.memory_space<vmem_shared>>
      tpu.wait_indirect_dma semaphore(%arg9 : memref<!tpu.dma_semaphore, #tpu.memory_space<semaphore_mem>>) src(%arg8 : memref<80x16xf32, #tpu.memory_space<vmem>>) dst(%dma_wait3A_60 : memref<10000x16xf32, #tpu.memory_space<vmem_shared>>)
      %dma_wait3A_61 = arith.constant 249 : i32
      %dma_wait3A_62 = arith.constant 0 : i32
      %dma_wait3A_63 = tpu.memref_slice %arg7[%dma_wait3A_61, %dma_wait3A_62] : memref<250x80xi32, #tpu.memory_space<vmem>> -> memref<1x80xi32, #tpu.memory_space<vmem>>
      %dma_wait3A_64 = tpu.memref_squeeze %dma_wait3A_63 : memref<1x80xi32, #tpu.memory_space<vmem>> -> memref<80xi32, #tpu.memory_space<vmem>>
      %dma_wait3A_65 = arith.constant 0 : i32
      %dma_wait3A_66 = arith.constant 0 : i32
      %dma_wait3A_67 = tpu.memref_slice %arg6[%dma_wait3A_65, %dma_wait3A_66] : memref<10000x16xf32, #tpu.memory_space<vmem_shared>> -> memref<10000x16xf32, #tpu.memory_space<vmem_shared>>
      tpu.wait_indirect_dma semaphore(%arg10 : memref<!tpu.dma_semaphore, #tpu.memory_space<semaphore_mem>>) src(%arg8 : memref<80x16xf32, #tpu.memory_space<vmem>>) dst(%dma_wait3A_67 : memref<10000x16xf32, #tpu.memory_space<vmem_shared>>)
    } else {
    }
    %eq3A_10 = arith.constant 1 : i32
    %eq3A_11 = arith.cmpi eq, %arg0, %eq3A_10 : i32
    %convert_element_type3A_12 = arith.extui %eq3A_11 : i1 to i32
    %cond3A_13 = arith.constant 0 : i32
    %cond3A_14 = arith.cmpi ne, %convert_element_type3A_12, %cond3A_13 : i32
    scf.if %cond3A_14 {
      %mul3A_16 = arith.constant 2 : i32
      %mul3A_17 = arith.muli %mul3A_16, %arg1 : i32
      "tpu.region"() ({
        %run_scoped3A = tpu.sem_alloc : memref<!tpu.dma_semaphore, #tpu.memory_space<semaphore_mem>>
        %dma_start3A_68 = arith.constant 0 : i32
        %dma_start3A_69 = arith.constant 0 : i32
        %dma_start3A_70 = tpu.memref_slice %arg7[%dma_start3A_68, %dma_start3A_69] : memref<250x80xi32, #tpu.memory_space<vmem>> -> memref<125x80xi32, #tpu.memory_space<vmem>>
        %dma_start3A_71 = arith.constant 0 : i32
        %dma_start3A_72 = arith.constant 0 : i32
        %dma_start3A_73 = tpu.memref_slice %arg3[%mul3A_17, %dma_start3A_71, %dma_start3A_72] : memref<32x125x80xi32, #tpu.memory_space<hbm>> -> memref<1x125x80xi32, #tpu.memory_space<hbm>>
        %dma_start3A_74 = tpu.memref_squeeze %dma_start3A_73 : memref<1x125x80xi32, #tpu.memory_space<hbm>> -> memref<125x80xi32, #tpu.memory_space<hbm>>
        %dma_start3A_75 = arith.constant 0 : i32
        %dma_start3A_76 = arith.constant 0 : i32
        %dma_start3A_77 = tpu.memref_slice %arg7[%dma_start3A_75, %dma_start3A_76] : memref<250x80xi32, #tpu.memory_space<vmem>> -> memref<125x80xi32, #tpu.memory_space<vmem>>
        %dma_start3A_78 = arith.constant 0 : i32
        %dma_start3A_79 = arith.constant 0 : i32
        %dma_start3A_80 = tpu.memref_slice %arg3[%mul3A_17, %dma_start3A_78, %dma_start3A_79] : memref<32x125x80xi32, #tpu.memory_space<hbm>> -> memref<1x125x80xi32, #tpu.memory_space<hbm>>
        %dma_start3A_81 = tpu.memref_squeeze %dma_start3A_80 : memref<1x125x80xi32, #tpu.memory_space<hbm>> -> memref<125x80xi32, #tpu.memory_space<hbm>>
        tpu.enqueue_dma source(%dma_start3A_81 : memref<125x80xi32, #tpu.memory_space<hbm>>) target(%dma_start3A_77 : memref<125x80xi32, #tpu.memory_space<vmem>>) target_semaphore(%run_scoped3A : memref<!tpu.dma_semaphore, #tpu.memory_space<semaphore_mem>>)
        %dma_wait3A_82 = arith.constant 0 : i32
        %dma_wait3A_83 = arith.constant 0 : i32
        %dma_wait3A_84 = tpu.memref_slice %arg7[%dma_wait3A_82, %dma_wait3A_83] : memref<250x80xi32, #tpu.memory_space<vmem>> -> memref<125x80xi32, #tpu.memory_space<vmem>>
        %dma_wait3A_85 = arith.constant 0 : i32
        %dma_wait3A_86 = arith.constant 0 : i32
        %dma_wait3A_87 = tpu.memref_slice %arg3[%mul3A_17, %dma_wait3A_85, %dma_wait3A_86] : memref<32x125x80xi32, #tpu.memory_space<hbm>> -> memref<1x125x80xi32, #tpu.memory_space<hbm>>
        %dma_wait3A_88 = tpu.memref_squeeze %dma_wait3A_87 : memref<1x125x80xi32, #tpu.memory_space<hbm>> -> memref<125x80xi32, #tpu.memory_space<hbm>>
        %dma_wait3A_89 = arith.constant 0 : i32
        %dma_wait3A_90 = arith.constant 0 : i32
        %dma_wait3A_91 = tpu.memref_slice %arg7[%dma_wait3A_89, %dma_wait3A_90] : memref<250x80xi32, #tpu.memory_space<vmem>> -> memref<125x80xi32, #tpu.memory_space<vmem>>
        %dma_wait3A_92 = arith.constant 0 : i32
        %dma_wait3A_93 = arith.constant 0 : i32
        %dma_wait3A_94 = tpu.memref_slice %arg3[%mul3A_17, %dma_wait3A_92, %dma_wait3A_93] : memref<32x125x80xi32, #tpu.memory_space<hbm>> -> memref<1x125x80xi32, #tpu.memory_space<hbm>>
        %dma_wait3A_95 = tpu.memref_squeeze %dma_wait3A_94 : memref<1x125x80xi32, #tpu.memory_space<hbm>> -> memref<125x80xi32, #tpu.memory_space<hbm>>
        tpu.wait_dma2 semaphore(%run_scoped3A : memref<!tpu.dma_semaphore, #tpu.memory_space<semaphore_mem>>) src(%dma_wait3A_95 : memref<125x80xi32, #tpu.memory_space<hbm>>) dst(%dma_wait3A_91 : memref<125x80xi32, #tpu.memory_space<vmem>>)
        tpu.yield
      }) : () -> ()
      %mul3A_18 = arith.constant 2 : i32
      %mul3A_19 = arith.muli %mul3A_18, %arg1 : i32
      %add3A = arith.constant 1 : i32
      %add3A_20 = arith.addi %mul3A_19, %add3A : i32
      "tpu.region"() ({
        %run_scoped3A = tpu.sem_alloc : memref<!tpu.dma_semaphore, #tpu.memory_space<semaphore_mem>>
        %dma_start3A_68 = arith.constant 125 : i32
        %dma_start3A_69 = arith.constant 0 : i32
        %dma_start3A_70 = tpu.memref_slice %arg7[%dma_start3A_68, %dma_start3A_69] : memref<250x80xi32, #tpu.memory_space<vmem>> -> memref<125x80xi32, #tpu.memory_space<vmem>>
        %dma_start3A_71 = arith.constant 0 : i32
        %dma_start3A_72 = arith.constant 0 : i32
        %dma_start3A_73 = tpu.memref_slice %arg3[%add3A_20, %dma_start3A_71, %dma_start3A_72] : memref<32x125x80xi32, #tpu.memory_space<hbm>> -> memref<1x125x80xi32, #tpu.memory_space<hbm>>
        %dma_start3A_74 = tpu.memref_squeeze %dma_start3A_73 : memref<1x125x80xi32, #tpu.memory_space<hbm>> -> memref<125x80xi32, #tpu.memory_space<hbm>>
        %dma_start3A_75 = arith.constant 125 : i32
        %dma_start3A_76 = arith.constant 0 : i32
        %dma_start3A_77 = tpu.memref_slice %arg7[%dma_start3A_75, %dma_start3A_76] : memref<250x80xi32, #tpu.memory_space<vmem>> -> memref<125x80xi32, #tpu.memory_space<vmem>>
        %dma_start3A_78 = arith.constant 0 : i32
        %dma_start3A_79 = arith.constant 0 : i32
        %dma_start3A_80 = tpu.memref_slice %arg3[%add3A_20, %dma_start3A_78, %dma_start3A_79] : memref<32x125x80xi32, #tpu.memory_space<hbm>> -> memref<1x125x80xi32, #tpu.memory_space<hbm>>
        %dma_start3A_81 = tpu.memref_squeeze %dma_start3A_80 : memref<1x125x80xi32, #tpu.memory_space<hbm>> -> memref<125x80xi32, #tpu.memory_space<hbm>>
        tpu.enqueue_dma source(%dma_start3A_81 : memref<125x80xi32, #tpu.memory_space<hbm>>) target(%dma_start3A_77 : memref<125x80xi32, #tpu.memory_space<vmem>>) target_semaphore(%run_scoped3A : memref<!tpu.dma_semaphore, #tpu.memory_space<semaphore_mem>>)
        %dma_wait3A_82 = arith.constant 125 : i32
        %dma_wait3A_83 = arith.constant 0 : i32
        %dma_wait3A_84 = tpu.memref_slice %arg7[%dma_wait3A_82, %dma_wait3A_83] : memref<250x80xi32, #tpu.memory_space<vmem>> -> memref<125x80xi32, #tpu.memory_space<vmem>>
        %dma_wait3A_85 = arith.constant 0 : i32
        %dma_wait3A_86 = arith.constant 0 : i32
        %dma_wait3A_87 = tpu.memref_slice %arg3[%add3A_20, %dma_wait3A_85, %dma_wait3A_86] : memref<32x125x80xi32, #tpu.memory_space<hbm>> -> memref<1x125x80xi32, #tpu.memory_space<hbm>>
        %dma_wait3A_88 = tpu.memref_squeeze %dma_wait3A_87 : memref<1x125x80xi32, #tpu.memory_space<hbm>> -> memref<125x80xi32, #tpu.memory_space<hbm>>
        %dma_wait3A_89 = arith.constant 125 : i32
        %dma_wait3A_90 = arith.constant 0 : i32
        %dma_wait3A_91 = tpu.memref_slice %arg7[%dma_wait3A_89, %dma_wait3A_90] : memref<250x80xi32, #tpu.memory_space<vmem>> -> memref<125x80xi32, #tpu.memory_space<vmem>>
        %dma_wait3A_92 = arith.constant 0 : i32
        %dma_wait3A_93 = arith.constant 0 : i32
        %dma_wait3A_94 = tpu.memref_slice %arg3[%add3A_20, %dma_wait3A_92, %dma_wait3A_93] : memref<32x125x80xi32, #tpu.memory_space<hbm>> -> memref<1x125x80xi32, #tpu.memory_space<hbm>>
        %dma_wait3A_95 = tpu.memref_squeeze %dma_wait3A_94 : memref<1x125x80xi32, #tpu.memory_space<hbm>> -> memref<125x80xi32, #tpu.memory_space<hbm>>
        tpu.wait_dma2 semaphore(%run_scoped3A : memref<!tpu.dma_semaphore, #tpu.memory_space<semaphore_mem>>) src(%dma_wait3A_95 : memref<125x80xi32, #tpu.memory_space<hbm>>) dst(%dma_wait3A_91 : memref<125x80xi32, #tpu.memory_space<vmem>>)
        tpu.yield
      }) : () -> ()
      %dma_start3A = arith.constant 0 : i32
      %dma_start3A_21 = arith.constant 0 : i32
      %dma_start3A_22 = tpu.memref_slice %arg7[%dma_start3A, %dma_start3A_21] : memref<250x80xi32, #tpu.memory_space<vmem>> -> memref<1x80xi32, #tpu.memory_space<vmem>>
      %dma_start3A_23 = tpu.memref_squeeze %dma_start3A_22 : memref<1x80xi32, #tpu.memory_space<vmem>> -> memref<80xi32, #tpu.memory_space<vmem>>
      %dma_start3A_24 = arith.constant 0 : i32
      %dma_start3A_25 = arith.constant 0 : i32
      %dma_start3A_26 = tpu.memref_slice %arg6[%dma_start3A_24, %dma_start3A_25] : memref<10000x16xf32, #tpu.memory_space<vmem_shared>> -> memref<10000x16xf32, #tpu.memory_space<vmem_shared>>
      tpu.enqueue_indirect_dma source(%arg8 : memref<80x16xf32, #tpu.memory_space<vmem>>) target(%dma_start3A_26 : memref<10000x16xf32, #tpu.memory_space<vmem_shared>>) offsets(%dma_start3A_23 : memref<80xi32, #tpu.memory_space<vmem>>) semaphore(%arg9 : memref<!tpu.dma_semaphore, #tpu.memory_space<semaphore_mem>>) {add = true}
      %dma_start3A_27 = arith.constant 1 : i32
      %dma_start3A_28 = arith.constant 0 : i32
      %dma_start3A_29 = tpu.memref_slice %arg7[%dma_start3A_27, %dma_start3A_28] : memref<250x80xi32, #tpu.memory_space<vmem>> -> memref<1x80xi32, #tpu.memory_space<vmem>>
      %dma_start3A_30 = tpu.memref_squeeze %dma_start3A_29 : memref<1x80xi32, #tpu.memory_space<vmem>> -> memref<80xi32, #tpu.memory_space<vmem>>
      %dma_start3A_31 = arith.constant 0 : i32
      %dma_start3A_32 = arith.constant 0 : i32
      %dma_start3A_33 = tpu.memref_slice %arg6[%dma_start3A_31, %dma_start3A_32] : memref<10000x16xf32, #tpu.memory_space<vmem_shared>> -> memref<10000x16xf32, #tpu.memory_space<vmem_shared>>
      tpu.enqueue_indirect_dma source(%arg8 : memref<80x16xf32, #tpu.memory_space<vmem>>) target(%dma_start3A_33 : memref<10000x16xf32, #tpu.memory_space<vmem_shared>>) offsets(%dma_start3A_30 : memref<80xi32, #tpu.memory_space<vmem>>) semaphore(%arg10 : memref<!tpu.dma_semaphore, #tpu.memory_space<semaphore_mem>>) {add = true}
      %dma_start3A_34 = arith.constant 2 : i32
      %dma_start3A_35 = arith.constant 0 : i32
      %dma_start3A_36 = tpu.memref_slice %arg7[%dma_start3A_34, %dma_start3A_35] : memref<250x80xi32, #tpu.memory_space<vmem>> -> memref<1x80xi32, #tpu.memory_space<vmem>>
      %dma_start3A_37 = tpu.memref_squeeze %dma_start3A_36 : memref<1x80xi32, #tpu.memory_space<vmem>> -> memref<80xi32, #tpu.memory_space<vmem>>
      %dma_start3A_38 = arith.constant 0 : i32
      %dma_start3A_39 = arith.constant 0 : i32
      %dma_start3A_40 = tpu.memref_slice %arg6[%dma_start3A_38, %dma_start3A_39] : memref<10000x16xf32, #tpu.memory_space<vmem_shared>> -> memref<10000x16xf32, #tpu.memory_space<vmem_shared>>
      tpu.enqueue_indirect_dma source(%arg8 : memref<80x16xf32, #tpu.memory_space<vmem>>) target(%dma_start3A_40 : memref<10000x16xf32, #tpu.memory_space<vmem_shared>>) offsets(%dma_start3A_37 : memref<80xi32, #tpu.memory_space<vmem>>) semaphore(%arg11 : memref<!tpu.dma_semaphore, #tpu.memory_space<semaphore_mem>>) {add = true}
      %dma_start3A_41 = arith.constant 3 : i32
      %dma_start3A_42 = arith.constant 0 : i32
      %dma_start3A_43 = tpu.memref_slice %arg7[%dma_start3A_41, %dma_start3A_42] : memref<250x80xi32, #tpu.memory_space<vmem>> -> memref<1x80xi32, #tpu.memory_space<vmem>>
      %dma_start3A_44 = tpu.memref_squeeze %dma_start3A_43 : memref<1x80xi32, #tpu.memory_space<vmem>> -> memref<80xi32, #tpu.memory_space<vmem>>
      %dma_start3A_45 = arith.constant 0 : i32
      %dma_start3A_46 = arith.constant 0 : i32
      %dma_start3A_47 = tpu.memref_slice %arg6[%dma_start3A_45, %dma_start3A_46] : memref<10000x16xf32, #tpu.memory_space<vmem_shared>> -> memref<10000x16xf32, #tpu.memory_space<vmem_shared>>
      tpu.enqueue_indirect_dma source(%arg8 : memref<80x16xf32, #tpu.memory_space<vmem>>) target(%dma_start3A_47 : memref<10000x16xf32, #tpu.memory_space<vmem_shared>>) offsets(%dma_start3A_44 : memref<80xi32, #tpu.memory_space<vmem>>) semaphore(%arg12 : memref<!tpu.dma_semaphore, #tpu.memory_space<semaphore_mem>>) {add = true}
      %scan3A_48 = arith.constant 0 : i32
      %scan3A_49 = arith.constant 0 : i32
      %scan3A_50 = arith.constant 62 : i32
      %scan3A_51 = arith.addi %scan3A_49, %scan3A_50 : i32
      %scan3A_52 = arith.constant 1 : i32
      %scan3A_53 = scf.for %scan3A_68 = %scan3A_49 to %scan3A_51 step %scan3A_52 iter_args(%scan3A_69 = %scan3A_48) -> (i32)  : i32 {
        %mul3A_70 = arith.constant 4 : i32
        %mul3A_71 = arith.muli %mul3A_70, %scan3A_68 : i32
        %add3A_72 = arith.constant 0 : i32
        %add3A_73 = arith.addi %mul3A_71, %add3A_72 : i32
        %dma_wait3A_74 = arith.constant 0 : i32
        %dma_wait3A_75 = tpu.memref_slice %arg7[%add3A_73, %dma_wait3A_74] : memref<250x80xi32, #tpu.memory_space<vmem>> -> memref<1x80xi32, #tpu.memory_space<vmem>>
        %dma_wait3A_76 = tpu.memref_squeeze %dma_wait3A_75 : memref<1x80xi32, #tpu.memory_space<vmem>> -> memref<80xi32, #tpu.memory_space<vmem>>
        %dma_wait3A_77 = arith.constant 0 : i32
        %dma_wait3A_78 = arith.constant 0 : i32
        %dma_wait3A_79 = tpu.memref_slice %arg6[%dma_wait3A_77, %dma_wait3A_78] : memref<10000x16xf32, #tpu.memory_space<vmem_shared>> -> memref<10000x16xf32, #tpu.memory_space<vmem_shared>>
        tpu.wait_indirect_dma semaphore(%arg9 : memref<!tpu.dma_semaphore, #tpu.memory_space<semaphore_mem>>) src(%arg8 : memref<80x16xf32, #tpu.memory_space<vmem>>) dst(%dma_wait3A_79 : memref<10000x16xf32, #tpu.memory_space<vmem_shared>>)
        %add3A_80 = arith.constant 4 : i32
        %add3A_81 = arith.addi %add3A_73, %add3A_80 : i32
        %lt3A = arith.constant 250 : i32
        %lt3A_82 = arith.cmpi slt, %add3A_81, %lt3A : i32
        %convert_element_type3A_83 = arith.extui %lt3A_82 : i1 to i32
        %cond3A_84 = arith.constant 0 : i32
        %cond3A_85 = arith.cmpi ne, %convert_element_type3A_83, %cond3A_84 : i32
        scf.if %cond3A_85 {
          %add3A_138 = arith.constant 4 : i32
          %add3A_139 = arith.addi %add3A_73, %add3A_138 : i32
          %dma_start3A_140 = arith.constant 0 : i32
          %dma_start3A_141 = tpu.memref_slice %arg7[%add3A_139, %dma_start3A_140] : memref<250x80xi32, #tpu.memory_space<vmem>> -> memref<1x80xi32, #tpu.memory_space<vmem>>
          %dma_start3A_142 = tpu.memref_squeeze %dma_start3A_141 : memref<1x80xi32, #tpu.memory_space<vmem>> -> memref<80xi32, #tpu.memory_space<vmem>>
          %dma_start3A_143 = arith.constant 0 : i32
          %dma_start3A_144 = arith.constant 0 : i32
          %dma_start3A_145 = tpu.memref_slice %arg6[%dma_start3A_143, %dma_start3A_144] : memref<10000x16xf32, #tpu.memory_space<vmem_shared>> -> memref<10000x16xf32, #tpu.memory_space<vmem_shared>>
          tpu.enqueue_indirect_dma source(%arg8 : memref<80x16xf32, #tpu.memory_space<vmem>>) target(%dma_start3A_145 : memref<10000x16xf32, #tpu.memory_space<vmem_shared>>) offsets(%dma_start3A_142 : memref<80xi32, #tpu.memory_space<vmem>>) semaphore(%arg9 : memref<!tpu.dma_semaphore, #tpu.memory_space<semaphore_mem>>) {add = true}
        } else {
        }
        %mul3A_86 = arith.constant 4 : i32
        %mul3A_87 = arith.muli %mul3A_86, %scan3A_68 : i32
        %add3A_88 = arith.constant 1 : i32
        %add3A_89 = arith.addi %mul3A_87, %add3A_88 : i32
        %dma_wait3A_90 = arith.constant 0 : i32
        %dma_wait3A_91 = tpu.memref_slice %arg7[%add3A_89, %dma_wait3A_90] : memref<250x80xi32, #tpu.memory_space<vmem>> -> memref<1x80xi32, #tpu.memory_space<vmem>>
        %dma_wait3A_92 = tpu.memref_squeeze %dma_wait3A_91 : memref<1x80xi32, #tpu.memory_space<vmem>> -> memref<80xi32, #tpu.memory_space<vmem>>
        %dma_wait3A_93 = arith.constant 0 : i32
        %dma_wait3A_94 = arith.constant 0 : i32
        %dma_wait3A_95 = tpu.memref_slice %arg6[%dma_wait3A_93, %dma_wait3A_94] : memref<10000x16xf32, #tpu.memory_space<vmem_shared>> -> memref<10000x16xf32, #tpu.memory_space<vmem_shared>>
        tpu.wait_indirect_dma semaphore(%arg10 : memref<!tpu.dma_semaphore, #tpu.memory_space<semaphore_mem>>) src(%arg8 : memref<80x16xf32, #tpu.memory_space<vmem>>) dst(%dma_wait3A_95 : memref<10000x16xf32, #tpu.memory_space<vmem_shared>>)
        %add3A_96 = arith.constant 4 : i32
        %add3A_97 = arith.addi %add3A_89, %add3A_96 : i32
        %lt3A_98 = arith.constant 250 : i32
        %lt3A_99 = arith.cmpi slt, %add3A_97, %lt3A_98 : i32
        %convert_element_type3A_100 = arith.extui %lt3A_99 : i1 to i32
        %cond3A_101 = arith.constant 0 : i32
        %cond3A_102 = arith.cmpi ne, %convert_element_type3A_100, %cond3A_101 : i32
        scf.if %cond3A_102 {
          %add3A_138 = arith.constant 4 : i32
          %add3A_139 = arith.addi %add3A_89, %add3A_138 : i32
          %dma_start3A_140 = arith.constant 0 : i32
          %dma_start3A_141 = tpu.memref_slice %arg7[%add3A_139, %dma_start3A_140] : memref<250x80xi32, #tpu.memory_space<vmem>> -> memref<1x80xi32, #tpu.memory_space<vmem>>
          %dma_start3A_142 = tpu.memref_squeeze %dma_start3A_141 : memref<1x80xi32, #tpu.memory_space<vmem>> -> memref<80xi32, #tpu.memory_space<vmem>>
          %dma_start3A_143 = arith.constant 0 : i32
          %dma_start3A_144 = arith.constant 0 : i32
          %dma_start3A_145 = tpu.memref_slice %arg6[%dma_start3A_143, %dma_start3A_144] : memref<10000x16xf32, #tpu.memory_space<vmem_shared>> -> memref<10000x16xf32, #tpu.memory_space<vmem_shared>>
          tpu.enqueue_indirect_dma source(%arg8 : memref<80x16xf32, #tpu.memory_space<vmem>>) target(%dma_start3A_145 : memref<10000x16xf32, #tpu.memory_space<vmem_shared>>) offsets(%dma_start3A_142 : memref<80xi32, #tpu.memory_space<vmem>>) semaphore(%arg10 : memref<!tpu.dma_semaphore, #tpu.memory_space<semaphore_mem>>) {add = true}
        } else {
        }
        %mul3A_103 = arith.constant 4 : i32
        %mul3A_104 = arith.muli %mul3A_103, %scan3A_68 : i32
        %add3A_105 = arith.constant 2 : i32
        %add3A_106 = arith.addi %mul3A_104, %add3A_105 : i32
        %dma_wait3A_107 = arith.constant 0 : i32
        %dma_wait3A_108 = tpu.memref_slice %arg7[%add3A_106, %dma_wait3A_107] : memref<250x80xi32, #tpu.memory_space<vmem>> -> memref<1x80xi32, #tpu.memory_space<vmem>>
        %dma_wait3A_109 = tpu.memref_squeeze %dma_wait3A_108 : memref<1x80xi32, #tpu.memory_space<vmem>> -> memref<80xi32, #tpu.memory_space<vmem>>
        %dma_wait3A_110 = arith.constant 0 : i32
        %dma_wait3A_111 = arith.constant 0 : i32
        %dma_wait3A_112 = tpu.memref_slice %arg6[%dma_wait3A_110, %dma_wait3A_111] : memref<10000x16xf32, #tpu.memory_space<vmem_shared>> -> memref<10000x16xf32, #tpu.memory_space<vmem_shared>>
        tpu.wait_indirect_dma semaphore(%arg11 : memref<!tpu.dma_semaphore, #tpu.memory_space<semaphore_mem>>) src(%arg8 : memref<80x16xf32, #tpu.memory_space<vmem>>) dst(%dma_wait3A_112 : memref<10000x16xf32, #tpu.memory_space<vmem_shared>>)
        %add3A_113 = arith.constant 4 : i32
        %add3A_114 = arith.addi %add3A_106, %add3A_113 : i32
        %lt3A_115 = arith.constant 250 : i32
        %lt3A_116 = arith.cmpi slt, %add3A_114, %lt3A_115 : i32
        %convert_element_type3A_117 = arith.extui %lt3A_116 : i1 to i32
        %cond3A_118 = arith.constant 0 : i32
        %cond3A_119 = arith.cmpi ne, %convert_element_type3A_117, %cond3A_118 : i32
        scf.if %cond3A_119 {
          %add3A_138 = arith.constant 4 : i32
          %add3A_139 = arith.addi %add3A_106, %add3A_138 : i32
          %dma_start3A_140 = arith.constant 0 : i32
          %dma_start3A_141 = tpu.memref_slice %arg7[%add3A_139, %dma_start3A_140] : memref<250x80xi32, #tpu.memory_space<vmem>> -> memref<1x80xi32, #tpu.memory_space<vmem>>
          %dma_start3A_142 = tpu.memref_squeeze %dma_start3A_141 : memref<1x80xi32, #tpu.memory_space<vmem>> -> memref<80xi32, #tpu.memory_space<vmem>>
          %dma_start3A_143 = arith.constant 0 : i32
          %dma_start3A_144 = arith.constant 0 : i32
          %dma_start3A_145 = tpu.memref_slice %arg6[%dma_start3A_143, %dma_start3A_144] : memref<10000x16xf32, #tpu.memory_space<vmem_shared>> -> memref<10000x16xf32, #tpu.memory_space<vmem_shared>>
          tpu.enqueue_indirect_dma source(%arg8 : memref<80x16xf32, #tpu.memory_space<vmem>>) target(%dma_start3A_145 : memref<10000x16xf32, #tpu.memory_space<vmem_shared>>) offsets(%dma_start3A_142 : memref<80xi32, #tpu.memory_space<vmem>>) semaphore(%arg11 : memref<!tpu.dma_semaphore, #tpu.memory_space<semaphore_mem>>) {add = true}
        } else {
        }
        %mul3A_120 = arith.constant 4 : i32
        %mul3A_121 = arith.muli %mul3A_120, %scan3A_68 : i32
        %add3A_122 = arith.constant 3 : i32
        %add3A_123 = arith.addi %mul3A_121, %add3A_122 : i32
        %dma_wait3A_124 = arith.constant 0 : i32
        %dma_wait3A_125 = tpu.memref_slice %arg7[%add3A_123, %dma_wait3A_124] : memref<250x80xi32, #tpu.memory_space<vmem>> -> memref<1x80xi32, #tpu.memory_space<vmem>>
        %dma_wait3A_126 = tpu.memref_squeeze %dma_wait3A_125 : memref<1x80xi32, #tpu.memory_space<vmem>> -> memref<80xi32, #tpu.memory_space<vmem>>
        %dma_wait3A_127 = arith.constant 0 : i32
        %dma_wait3A_128 = arith.constant 0 : i32
        %dma_wait3A_129 = tpu.memref_slice %arg6[%dma_wait3A_127, %dma_wait3A_128] : memref<10000x16xf32, #tpu.memory_space<vmem_shared>> -> memref<10000x16xf32, #tpu.memory_space<vmem_shared>>
        tpu.wait_indirect_dma semaphore(%arg12 : memref<!tpu.dma_semaphore, #tpu.memory_space<semaphore_mem>>) src(%arg8 : memref<80x16xf32, #tpu.memory_space<vmem>>) dst(%dma_wait3A_129 : memref<10000x16xf32, #tpu.memory_space<vmem_shared>>)
        %add3A_130 = arith.constant 4 : i32
        %add3A_131 = arith.addi %add3A_123, %add3A_130 : i32
        %lt3A_132 = arith.constant 250 : i32
        %lt3A_133 = arith.cmpi slt, %add3A_131, %lt3A_132 : i32
        %convert_element_type3A_134 = arith.extui %lt3A_133 : i1 to i32
        %cond3A_135 = arith.constant 0 : i32
        %cond3A_136 = arith.cmpi ne, %convert_element_type3A_134, %cond3A_135 : i32
        scf.if %cond3A_136 {
          %add3A_138 = arith.constant 4 : i32
          %add3A_139 = arith.addi %add3A_123, %add3A_138 : i32
          %dma_start3A_140 = arith.constant 0 : i32
          %dma_start3A_141 = tpu.memref_slice %arg7[%add3A_139, %dma_start3A_140] : memref<250x80xi32, #tpu.memory_space<vmem>> -> memref<1x80xi32, #tpu.memory_space<vmem>>
          %dma_start3A_142 = tpu.memref_squeeze %dma_start3A_141 : memref<1x80xi32, #tpu.memory_space<vmem>> -> memref<80xi32, #tpu.memory_space<vmem>>
          %dma_start3A_143 = arith.constant 0 : i32
          %dma_start3A_144 = arith.constant 0 : i32
          %dma_start3A_145 = tpu.memref_slice %arg6[%dma_start3A_143, %dma_start3A_144] : memref<10000x16xf32, #tpu.memory_space<vmem_shared>> -> memref<10000x16xf32, #tpu.memory_space<vmem_shared>>
          tpu.enqueue_indirect_dma source(%arg8 : memref<80x16xf32, #tpu.memory_space<vmem>>) target(%dma_start3A_145 : memref<10000x16xf32, #tpu.memory_space<vmem_shared>>) offsets(%dma_start3A_142 : memref<80xi32, #tpu.memory_space<vmem>>) semaphore(%arg12 : memref<!tpu.dma_semaphore, #tpu.memory_space<semaphore_mem>>) {add = true}
        } else {
        }
        %scan3A_137 = arith.constant 0 : i32
        scf.yield %scan3A_137 : i32
      }
      %scan3A_54 = arith.constant 62 : i32
      %dma_wait3A = arith.constant 248 : i32
      %dma_wait3A_55 = arith.constant 0 : i32
      %dma_wait3A_56 = tpu.memref_slice %arg7[%dma_wait3A, %dma_wait3A_55] : memref<250x80xi32, #tpu.memory_space<vmem>> -> memref<1x80xi32, #tpu.memory_space<vmem>>
      %dma_wait3A_57 = tpu.memref_squeeze %dma_wait3A_56 : memref<1x80xi32, #tpu.memory_space<vmem>> -> memref<80xi32, #tpu.memory_space<vmem>>
      %dma_wait3A_58 = arith.constant 0 : i32
      %dma_wait3A_59 = arith.constant 0 : i32
      %dma_wait3A_60 = tpu.memref_slice %arg6[%dma_wait3A_58, %dma_wait3A_59] : memref<10000x16xf32, #tpu.memory_space<vmem_shared>> -> memref<10000x16xf32, #tpu.memory_space<vmem_shared>>
      tpu.wait_indirect_dma semaphore(%arg9 : memref<!tpu.dma_semaphore, #tpu.memory_space<semaphore_mem>>) src(%arg8 : memref<80x16xf32, #tpu.memory_space<vmem>>) dst(%dma_wait3A_60 : memref<10000x16xf32, #tpu.memory_space<vmem_shared>>)
      %dma_wait3A_61 = arith.constant 249 : i32
      %dma_wait3A_62 = arith.constant 0 : i32
      %dma_wait3A_63 = tpu.memref_slice %arg7[%dma_wait3A_61, %dma_wait3A_62] : memref<250x80xi32, #tpu.memory_space<vmem>> -> memref<1x80xi32, #tpu.memory_space<vmem>>
      %dma_wait3A_64 = tpu.memref_squeeze %dma_wait3A_63 : memref<1x80xi32, #tpu.memory_space<vmem>> -> memref<80xi32, #tpu.memory_space<vmem>>
      %dma_wait3A_65 = arith.constant 0 : i32
      %dma_wait3A_66 = arith.constant 0 : i32
      %dma_wait3A_67 = tpu.memref_slice %arg6[%dma_wait3A_65, %dma_wait3A_66] : memref<10000x16xf32, #tpu.memory_space<vmem_shared>> -> memref<10000x16xf32, #tpu.memory_space<vmem_shared>>
      tpu.wait_indirect_dma semaphore(%arg10 : memref<!tpu.dma_semaphore, #tpu.memory_space<semaphore_mem>>) src(%arg8 : memref<80x16xf32, #tpu.memory_space<vmem>>) dst(%dma_wait3A_67 : memref<10000x16xf32, #tpu.memory_space<vmem_shared>>)
    } else {
    }
    %barrier3A_15 = arith.constant 0 : index
    tpu.barrier barrier_id(%barrier3A_15)
    "tpu.region"() ({
      %run_scoped3A = tpu.sem_alloc : memref<!tpu.dma_semaphore, #tpu.memory_space<semaphore_mem>>
      %dma_start3A = arith.constant 0 : i32
      %dma_start3A_16 = tpu.memref_slice %arg5[%arg0, %min3A_1, %dma_start3A] : memref<2x10000x16xf32, #tpu.memory_space<hbm>> -> memref<1x640x16xf32, #tpu.memory_space<hbm>>
      %dma_start3A_17 = tpu.memref_squeeze %dma_start3A_16 : memref<1x640x16xf32, #tpu.memory_space<hbm>> -> memref<640x16xf32, #tpu.memory_space<hbm>>
      %dma_start3A_18 = arith.constant 0 : i32
      %dma_start3A_19 = tpu.memref_slice %arg6[%min3A_1, %dma_start3A_18] : memref<10000x16xf32, #tpu.memory_space<vmem_shared>> -> memref<640x16xf32, #tpu.memory_space<vmem_shared>>
      tpu.enqueue_dma source(%dma_start3A_19 : memref<640x16xf32, #tpu.memory_space<vmem_shared>>) target(%dma_start3A_17 : memref<640x16xf32, #tpu.memory_space<hbm>>) target_semaphore(%run_scoped3A : memref<!tpu.dma_semaphore, #tpu.memory_space<semaphore_mem>>)
      %dma_wait3A = arith.constant 0 : i32
      %dma_wait3A_20 = tpu.memref_slice %arg5[%arg0, %min3A_1, %dma_wait3A] : memref<2x10000x16xf32, #tpu.memory_space<hbm>> -> memref<1x640x16xf32, #tpu.memory_space<hbm>>
      %dma_wait3A_21 = tpu.memref_squeeze %dma_wait3A_20 : memref<1x640x16xf32, #tpu.memory_space<hbm>> -> memref<640x16xf32, #tpu.memory_space<hbm>>
      %dma_wait3A_22 = arith.constant 0 : i32
      %dma_wait3A_23 = tpu.memref_slice %arg6[%min3A_1, %dma_wait3A_22] : memref<10000x16xf32, #tpu.memory_space<vmem_shared>> -> memref<640x16xf32, #tpu.memory_space<vmem_shared>>
      tpu.wait_dma2 semaphore(%run_scoped3A : memref<!tpu.dma_semaphore, #tpu.memory_space<semaphore_mem>>) src(%dma_wait3A_23 : memref<640x16xf32, #tpu.memory_space<vmem_shared>>) dst(%dma_wait3A_21 : memref<640x16xf32, #tpu.memory_space<hbm>>)
      tpu.yield
    }) : () -> ()
    return
  }
}

#map = affine_map<(d0, d1) -> (0, 0)>
#map1 = affine_map<(d0, d1) -> (0, 0, 0)>
module attributes {stable_mosaic.version = 14 : i64} {
  func.func @_spmm1_body(%arg0: i32, %arg1: i32, %arg2: memref<10000x80xf32, #tpu.memory_space<hbm>>, %arg3: memref<32x125x80xi32, #tpu.memory_space<hbm>>, %arg4: memref<32x125x80xi32, #tpu.memory_space<hbm>>, %arg5: memref<10000x80xf32, #tpu.memory_space<hbm>>, %arg6: memref<2x10000x80xf32, #tpu.memory_space<hbm>>, %arg7: memref<10000x80xf32, #tpu.memory_space<vmem_shared>>, %arg8: memref<125x80xi32, #tpu.memory_space<vmem>>, %arg9: memref<125x80xi32, #tpu.memory_space<vmem>>, %arg10: memref<80x80xf32, #tpu.memory_space<vmem>>, %arg11: memref<80x80xf32, #tpu.memory_space<vmem>>, %arg12: memref<80x80xf32, #tpu.memory_space<vmem>>, %arg13: memref<80x80xf32, #tpu.memory_space<vmem>>, %arg14: memref<!tpu.dma_semaphore, #tpu.memory_space<semaphore_mem>>, %arg15: memref<!tpu.dma_semaphore, #tpu.memory_space<semaphore_mem>>, %arg16: memref<!tpu.dma_semaphore, #tpu.memory_space<semaphore_mem>>, %arg17: memref<!tpu.dma_semaphore, #tpu.memory_space<semaphore_mem>>) attributes {dimension_semantics = [#tpu.dimension_semantics<core_parallel>, #tpu.dimension_semantics<subcore_parallel>], iteration_bounds = array<i64: 2, 16>, scalar_prefetch = 0 : i64, scratch_operands = 11 : i64, tpu.core_type = #tpu.core_type<sc_vector_subcore>, window_params = [{transform_indices = #map}, {transform_indices = #map1}, {transform_indices = #map1}, {transform_indices = #map}, {transform_indices = #map1}]} {
    %mul3A = arith.constant 640 : i32
    %mul3A_0 = arith.muli %arg1, %mul3A : i32
    %min3A = arith.constant 9360 : i32
    %min3A_1 = arith.minsi %mul3A_0, %min3A : i32
    "tpu.region"() ({
      %run_scoped3A_44 = tpu.sem_alloc : memref<!tpu.dma_semaphore, #tpu.memory_space<semaphore_mem>>
      %dma_start3A_45 = arith.constant 0 : i32
      %dma_start3A_46 = tpu.memref_slice %arg7[%min3A_1, %dma_start3A_45] : memref<10000x80xf32, #tpu.memory_space<vmem_shared>> -> memref<640x80xf32, #tpu.memory_space<vmem_shared>>
      %dma_start3A_47 = arith.constant 0 : i32
      %dma_start3A_48 = tpu.memref_slice %arg5[%min3A_1, %dma_start3A_47] : memref<10000x80xf32, #tpu.memory_space<hbm>> -> memref<640x80xf32, #tpu.memory_space<hbm>>
      tpu.enqueue_dma source(%dma_start3A_48 : memref<640x80xf32, #tpu.memory_space<hbm>>) target(%dma_start3A_46 : memref<640x80xf32, #tpu.memory_space<vmem_shared>>) target_semaphore(%run_scoped3A_44 : memref<!tpu.dma_semaphore, #tpu.memory_space<semaphore_mem>>)
      %dma_wait3A_49 = arith.constant 0 : i32
      %dma_wait3A_50 = tpu.memref_slice %arg7[%min3A_1, %dma_wait3A_49] : memref<10000x80xf32, #tpu.memory_space<vmem_shared>> -> memref<640x80xf32, #tpu.memory_space<vmem_shared>>
      %dma_wait3A_51 = arith.constant 0 : i32
      %dma_wait3A_52 = tpu.memref_slice %arg5[%min3A_1, %dma_wait3A_51] : memref<10000x80xf32, #tpu.memory_space<hbm>> -> memref<640x80xf32, #tpu.memory_space<hbm>>
      tpu.wait_dma2 semaphore(%run_scoped3A_44 : memref<!tpu.dma_semaphore, #tpu.memory_space<semaphore_mem>>) src(%dma_wait3A_52 : memref<640x80xf32, #tpu.memory_space<hbm>>) dst(%dma_wait3A_50 : memref<640x80xf32, #tpu.memory_space<vmem_shared>>)
      tpu.yield
    }) : () -> ()
    %barrier3A = arith.constant 0 : index
    tpu.barrier barrier_id(%barrier3A)
    %mul3A_2 = arith.constant 16 : i32
    %mul3A_3 = arith.muli %arg0, %mul3A_2 : i32
    %add3A = arith.addi %mul3A_3, %arg1 : i32
    "tpu.region"() ({
      %run_scoped3A_44 = tpu.sem_alloc : memref<!tpu.dma_semaphore, #tpu.memory_space<semaphore_mem>>
      %dma_start3A_45 = arith.constant 0 : i32
      %dma_start3A_46 = arith.constant 0 : i32
      %dma_start3A_47 = tpu.memref_slice %arg3[%add3A, %dma_start3A_45, %dma_start3A_46] : memref<32x125x80xi32, #tpu.memory_space<hbm>> -> memref<1x125x80xi32, #tpu.memory_space<hbm>>
      %dma_start3A_48 = tpu.memref_squeeze %dma_start3A_47 : memref<1x125x80xi32, #tpu.memory_space<hbm>> -> memref<125x80xi32, #tpu.memory_space<hbm>>
      %dma_start3A_49 = arith.constant 0 : i32
      %dma_start3A_50 = arith.constant 0 : i32
      %dma_start3A_51 = tpu.memref_slice %arg3[%add3A, %dma_start3A_49, %dma_start3A_50] : memref<32x125x80xi32, #tpu.memory_space<hbm>> -> memref<1x125x80xi32, #tpu.memory_space<hbm>>
      %dma_start3A_52 = tpu.memref_squeeze %dma_start3A_51 : memref<1x125x80xi32, #tpu.memory_space<hbm>> -> memref<125x80xi32, #tpu.memory_space<hbm>>
      tpu.enqueue_dma source(%dma_start3A_52 : memref<125x80xi32, #tpu.memory_space<hbm>>) target(%arg8 : memref<125x80xi32, #tpu.memory_space<vmem>>) target_semaphore(%run_scoped3A_44 : memref<!tpu.dma_semaphore, #tpu.memory_space<semaphore_mem>>)
      %dma_wait3A_53 = arith.constant 0 : i32
      %dma_wait3A_54 = arith.constant 0 : i32
      %dma_wait3A_55 = tpu.memref_slice %arg3[%add3A, %dma_wait3A_53, %dma_wait3A_54] : memref<32x125x80xi32, #tpu.memory_space<hbm>> -> memref<1x125x80xi32, #tpu.memory_space<hbm>>
      %dma_wait3A_56 = tpu.memref_squeeze %dma_wait3A_55 : memref<1x125x80xi32, #tpu.memory_space<hbm>> -> memref<125x80xi32, #tpu.memory_space<hbm>>
      %dma_wait3A_57 = arith.constant 0 : i32
      %dma_wait3A_58 = arith.constant 0 : i32
      %dma_wait3A_59 = tpu.memref_slice %arg3[%add3A, %dma_wait3A_57, %dma_wait3A_58] : memref<32x125x80xi32, #tpu.memory_space<hbm>> -> memref<1x125x80xi32, #tpu.memory_space<hbm>>
      %dma_wait3A_60 = tpu.memref_squeeze %dma_wait3A_59 : memref<1x125x80xi32, #tpu.memory_space<hbm>> -> memref<125x80xi32, #tpu.memory_space<hbm>>
      tpu.wait_dma2 semaphore(%run_scoped3A_44 : memref<!tpu.dma_semaphore, #tpu.memory_space<semaphore_mem>>) src(%dma_wait3A_60 : memref<125x80xi32, #tpu.memory_space<hbm>>) dst(%arg8 : memref<125x80xi32, #tpu.memory_space<vmem>>)
      tpu.yield
    }) : () -> ()
    "tpu.region"() ({
      %run_scoped3A_44 = tpu.sem_alloc : memref<!tpu.dma_semaphore, #tpu.memory_space<semaphore_mem>>
      %dma_start3A_45 = arith.constant 0 : i32
      %dma_start3A_46 = arith.constant 0 : i32
      %dma_start3A_47 = tpu.memref_slice %arg4[%add3A, %dma_start3A_45, %dma_start3A_46] : memref<32x125x80xi32, #tpu.memory_space<hbm>> -> memref<1x125x80xi32, #tpu.memory_space<hbm>>
      %dma_start3A_48 = tpu.memref_squeeze %dma_start3A_47 : memref<1x125x80xi32, #tpu.memory_space<hbm>> -> memref<125x80xi32, #tpu.memory_space<hbm>>
      %dma_start3A_49 = arith.constant 0 : i32
      %dma_start3A_50 = arith.constant 0 : i32
      %dma_start3A_51 = tpu.memref_slice %arg4[%add3A, %dma_start3A_49, %dma_start3A_50] : memref<32x125x80xi32, #tpu.memory_space<hbm>> -> memref<1x125x80xi32, #tpu.memory_space<hbm>>
      %dma_start3A_52 = tpu.memref_squeeze %dma_start3A_51 : memref<1x125x80xi32, #tpu.memory_space<hbm>> -> memref<125x80xi32, #tpu.memory_space<hbm>>
      tpu.enqueue_dma source(%dma_start3A_52 : memref<125x80xi32, #tpu.memory_space<hbm>>) target(%arg9 : memref<125x80xi32, #tpu.memory_space<vmem>>) target_semaphore(%run_scoped3A_44 : memref<!tpu.dma_semaphore, #tpu.memory_space<semaphore_mem>>)
      %dma_wait3A_53 = arith.constant 0 : i32
      %dma_wait3A_54 = arith.constant 0 : i32
      %dma_wait3A_55 = tpu.memref_slice %arg4[%add3A, %dma_wait3A_53, %dma_wait3A_54] : memref<32x125x80xi32, #tpu.memory_space<hbm>> -> memref<1x125x80xi32, #tpu.memory_space<hbm>>
      %dma_wait3A_56 = tpu.memref_squeeze %dma_wait3A_55 : memref<1x125x80xi32, #tpu.memory_space<hbm>> -> memref<125x80xi32, #tpu.memory_space<hbm>>
      %dma_wait3A_57 = arith.constant 0 : i32
      %dma_wait3A_58 = arith.constant 0 : i32
      %dma_wait3A_59 = tpu.memref_slice %arg4[%add3A, %dma_wait3A_57, %dma_wait3A_58] : memref<32x125x80xi32, #tpu.memory_space<hbm>> -> memref<1x125x80xi32, #tpu.memory_space<hbm>>
      %dma_wait3A_60 = tpu.memref_squeeze %dma_wait3A_59 : memref<1x125x80xi32, #tpu.memory_space<hbm>> -> memref<125x80xi32, #tpu.memory_space<hbm>>
      tpu.wait_dma2 semaphore(%run_scoped3A_44 : memref<!tpu.dma_semaphore, #tpu.memory_space<semaphore_mem>>) src(%dma_wait3A_60 : memref<125x80xi32, #tpu.memory_space<hbm>>) dst(%arg9 : memref<125x80xi32, #tpu.memory_space<vmem>>)
      tpu.yield
    }) : () -> ()
    %dma_start3A = arith.constant 0 : i32
    %dma_start3A_4 = arith.constant 0 : i32
    %dma_start3A_5 = tpu.memref_slice %arg8[%dma_start3A, %dma_start3A_4] : memref<125x80xi32, #tpu.memory_space<vmem>> -> memref<1x80xi32, #tpu.memory_space<vmem>>
    %dma_start3A_6 = tpu.memref_squeeze %dma_start3A_5 : memref<1x80xi32, #tpu.memory_space<vmem>> -> memref<80xi32, #tpu.memory_space<vmem>>
    %dma_start3A_7 = arith.constant 0 : i32
    %dma_start3A_8 = arith.constant 0 : i32
    %dma_start3A_9 = tpu.memref_slice %arg2[%dma_start3A_7, %dma_start3A_8] : memref<10000x80xf32, #tpu.memory_space<hbm>> -> memref<10000x80xf32, #tpu.memory_space<hbm>>
    tpu.enqueue_indirect_dma source(%dma_start3A_9 : memref<10000x80xf32, #tpu.memory_space<hbm>>) target(%arg10 : memref<80x80xf32, #tpu.memory_space<vmem>>) offsets(%dma_start3A_6 : memref<80xi32, #tpu.memory_space<vmem>>) semaphore(%arg14 : memref<!tpu.dma_semaphore, #tpu.memory_space<semaphore_mem>>)
    %dma_start3A_10 = arith.constant 1 : i32
    %dma_start3A_11 = arith.constant 0 : i32
    %dma_start3A_12 = tpu.memref_slice %arg8[%dma_start3A_10, %dma_start3A_11] : memref<125x80xi32, #tpu.memory_space<vmem>> -> memref<1x80xi32, #tpu.memory_space<vmem>>
    %dma_start3A_13 = tpu.memref_squeeze %dma_start3A_12 : memref<1x80xi32, #tpu.memory_space<vmem>> -> memref<80xi32, #tpu.memory_space<vmem>>
    %dma_start3A_14 = arith.constant 0 : i32
    %dma_start3A_15 = arith.constant 0 : i32
    %dma_start3A_16 = tpu.memref_slice %arg2[%dma_start3A_14, %dma_start3A_15] : memref<10000x80xf32, #tpu.memory_space<hbm>> -> memref<10000x80xf32, #tpu.memory_space<hbm>>
    tpu.enqueue_indirect_dma source(%dma_start3A_16 : memref<10000x80xf32, #tpu.memory_space<hbm>>) target(%arg11 : memref<80x80xf32, #tpu.memory_space<vmem>>) offsets(%dma_start3A_13 : memref<80xi32, #tpu.memory_space<vmem>>) semaphore(%arg15 : memref<!tpu.dma_semaphore, #tpu.memory_space<semaphore_mem>>)
    %dma_start3A_17 = arith.constant 2 : i32
    %dma_start3A_18 = arith.constant 0 : i32
    %dma_start3A_19 = tpu.memref_slice %arg8[%dma_start3A_17, %dma_start3A_18] : memref<125x80xi32, #tpu.memory_space<vmem>> -> memref<1x80xi32, #tpu.memory_space<vmem>>
    %dma_start3A_20 = tpu.memref_squeeze %dma_start3A_19 : memref<1x80xi32, #tpu.memory_space<vmem>> -> memref<80xi32, #tpu.memory_space<vmem>>
    %dma_start3A_21 = arith.constant 0 : i32
    %dma_start3A_22 = arith.constant 0 : i32
    %dma_start3A_23 = tpu.memref_slice %arg2[%dma_start3A_21, %dma_start3A_22] : memref<10000x80xf32, #tpu.memory_space<hbm>> -> memref<10000x80xf32, #tpu.memory_space<hbm>>
    tpu.enqueue_indirect_dma source(%dma_start3A_23 : memref<10000x80xf32, #tpu.memory_space<hbm>>) target(%arg12 : memref<80x80xf32, #tpu.memory_space<vmem>>) offsets(%dma_start3A_20 : memref<80xi32, #tpu.memory_space<vmem>>) semaphore(%arg16 : memref<!tpu.dma_semaphore, #tpu.memory_space<semaphore_mem>>)
    %dma_start3A_24 = arith.constant 3 : i32
    %dma_start3A_25 = arith.constant 0 : i32
    %dma_start3A_26 = tpu.memref_slice %arg8[%dma_start3A_24, %dma_start3A_25] : memref<125x80xi32, #tpu.memory_space<vmem>> -> memref<1x80xi32, #tpu.memory_space<vmem>>
    %dma_start3A_27 = tpu.memref_squeeze %dma_start3A_26 : memref<1x80xi32, #tpu.memory_space<vmem>> -> memref<80xi32, #tpu.memory_space<vmem>>
    %dma_start3A_28 = arith.constant 0 : i32
    %dma_start3A_29 = arith.constant 0 : i32
    %dma_start3A_30 = tpu.memref_slice %arg2[%dma_start3A_28, %dma_start3A_29] : memref<10000x80xf32, #tpu.memory_space<hbm>> -> memref<10000x80xf32, #tpu.memory_space<hbm>>
    tpu.enqueue_indirect_dma source(%dma_start3A_30 : memref<10000x80xf32, #tpu.memory_space<hbm>>) target(%arg13 : memref<80x80xf32, #tpu.memory_space<vmem>>) offsets(%dma_start3A_27 : memref<80xi32, #tpu.memory_space<vmem>>) semaphore(%arg17 : memref<!tpu.dma_semaphore, #tpu.memory_space<semaphore_mem>>)
    %scan3A = arith.constant 0 : i32
    %scan3A_31 = arith.constant 0 : i32
    %scan3A_32 = arith.constant 31 : i32
    %scan3A_33 = arith.addi %scan3A_31, %scan3A_32 : i32
    %scan3A_34 = arith.constant 1 : i32
    %scan3A_35 = scf.for %scan3A_44 = %scan3A_31 to %scan3A_33 step %scan3A_34 iter_args(%scan3A_45 = %scan3A) -> (i32)  : i32 {
      %mul3A_46 = arith.constant 4 : i32
      %mul3A_47 = arith.muli %mul3A_46, %scan3A_44 : i32
      %add3A_48 = arith.constant 0 : i32
      %add3A_49 = arith.addi %mul3A_47, %add3A_48 : i32
      %dma_wait3A_50 = arith.constant 0 : i32
      %dma_wait3A_51 = tpu.memref_slice %arg8[%add3A_49, %dma_wait3A_50] : memref<125x80xi32, #tpu.memory_space<vmem>> -> memref<1x80xi32, #tpu.memory_space<vmem>>
      %dma_wait3A_52 = tpu.memref_squeeze %dma_wait3A_51 : memref<1x80xi32, #tpu.memory_space<vmem>> -> memref<80xi32, #tpu.memory_space<vmem>>
      %dma_wait3A_53 = arith.constant 0 : i32
      %dma_wait3A_54 = arith.constant 0 : i32
      %dma_wait3A_55 = tpu.memref_slice %arg2[%dma_wait3A_53, %dma_wait3A_54] : memref<10000x80xf32, #tpu.memory_space<hbm>> -> memref<10000x80xf32, #tpu.memory_space<hbm>>
      tpu.wait_indirect_dma semaphore(%arg14 : memref<!tpu.dma_semaphore, #tpu.memory_space<semaphore_mem>>) src(%dma_wait3A_55 : memref<10000x80xf32, #tpu.memory_space<hbm>>) dst(%arg10 : memref<80x80xf32, #tpu.memory_space<vmem>>)
      "tpu.region"() ({
        %run_scoped3A_112 = tpu.sem_alloc : memref<!tpu.dma_semaphore, #tpu.memory_space<semaphore_mem>>
        %dma_start3A_113 = arith.constant 0 : i32
        %dma_start3A_114 = tpu.memref_slice %arg9[%add3A_49, %dma_start3A_113] : memref<125x80xi32, #tpu.memory_space<vmem>> -> memref<1x80xi32, #tpu.memory_space<vmem>>
        %dma_start3A_115 = tpu.memref_squeeze %dma_start3A_114 : memref<1x80xi32, #tpu.memory_space<vmem>> -> memref<80xi32, #tpu.memory_space<vmem>>
        %dma_start3A_116 = arith.constant 0 : i32
        %dma_start3A_117 = arith.constant 0 : i32
        %dma_start3A_118 = tpu.memref_slice %arg7[%dma_start3A_116, %dma_start3A_117] : memref<10000x80xf32, #tpu.memory_space<vmem_shared>> -> memref<10000x80xf32, #tpu.memory_space<vmem_shared>>
        tpu.enqueue_indirect_dma source(%arg10 : memref<80x80xf32, #tpu.memory_space<vmem>>) target(%dma_start3A_118 : memref<10000x80xf32, #tpu.memory_space<vmem_shared>>) offsets(%dma_start3A_115 : memref<80xi32, #tpu.memory_space<vmem>>) semaphore(%run_scoped3A_112 : memref<!tpu.dma_semaphore, #tpu.memory_space<semaphore_mem>>) {add = true}
        %dma_wait3A_119 = arith.constant 0 : i32
        %dma_wait3A_120 = tpu.memref_slice %arg9[%add3A_49, %dma_wait3A_119] : memref<125x80xi32, #tpu.memory_space<vmem>> -> memref<1x80xi32, #tpu.memory_space<vmem>>
        %dma_wait3A_121 = tpu.memref_squeeze %dma_wait3A_120 : memref<1x80xi32, #tpu.memory_space<vmem>> -> memref<80xi32, #tpu.memory_space<vmem>>
        %dma_wait3A_122 = arith.constant 0 : i32
        %dma_wait3A_123 = arith.constant 0 : i32
        %dma_wait3A_124 = tpu.memref_slice %arg7[%dma_wait3A_122, %dma_wait3A_123] : memref<10000x80xf32, #tpu.memory_space<vmem_shared>> -> memref<10000x80xf32, #tpu.memory_space<vmem_shared>>
        tpu.wait_indirect_dma semaphore(%run_scoped3A_112 : memref<!tpu.dma_semaphore, #tpu.memory_space<semaphore_mem>>) src(%arg10 : memref<80x80xf32, #tpu.memory_space<vmem>>) dst(%dma_wait3A_124 : memref<10000x80xf32, #tpu.memory_space<vmem_shared>>)
        tpu.yield
      }) : () -> ()
      %add3A_56 = arith.constant 4 : i32
      %add3A_57 = arith.addi %add3A_49, %add3A_56 : i32
      %lt3A = arith.constant 125 : i32
      %lt3A_58 = arith.cmpi slt, %add3A_57, %lt3A : i32
      %convert_element_type3A = arith.extui %lt3A_58 : i1 to i32
      %cond3A = arith.constant 0 : i32
      %cond3A_59 = arith.cmpi ne, %convert_element_type3A, %cond3A : i32
      scf.if %cond3A_59 {
        %add3A_112 = arith.constant 4 : i32
        %add3A_113 = arith.addi %add3A_49, %add3A_112 : i32
        %dma_start3A_114 = arith.constant 0 : i32
        %dma_start3A_115 = tpu.memref_slice %arg8[%add3A_113, %dma_start3A_114] : memref<125x80xi32, #tpu.memory_space<vmem>> -> memref<1x80xi32, #tpu.memory_space<vmem>>
        %dma_start3A_116 = tpu.memref_squeeze %dma_start3A_115 : memref<1x80xi32, #tpu.memory_space<vmem>> -> memref<80xi32, #tpu.memory_space<vmem>>
        %dma_start3A_117 = arith.constant 0 : i32
        %dma_start3A_118 = arith.constant 0 : i32
        %dma_start3A_119 = tpu.memref_slice %arg2[%dma_start3A_117, %dma_start3A_118] : memref<10000x80xf32, #tpu.memory_space<hbm>> -> memref<10000x80xf32, #tpu.memory_space<hbm>>
        tpu.enqueue_indirect_dma source(%dma_start3A_119 : memref<10000x80xf32, #tpu.memory_space<hbm>>) target(%arg10 : memref<80x80xf32, #tpu.memory_space<vmem>>) offsets(%dma_start3A_116 : memref<80xi32, #tpu.memory_space<vmem>>) semaphore(%arg14 : memref<!tpu.dma_semaphore, #tpu.memory_space<semaphore_mem>>)
      } else {
      }
      %mul3A_60 = arith.constant 4 : i32
      %mul3A_61 = arith.muli %mul3A_60, %scan3A_44 : i32
      %add3A_62 = arith.constant 1 : i32
      %add3A_63 = arith.addi %mul3A_61, %add3A_62 : i32
      %dma_wait3A_64 = arith.constant 0 : i32
      %dma_wait3A_65 = tpu.memref_slice %arg8[%add3A_63, %dma_wait3A_64] : memref<125x80xi32, #tpu.memory_space<vmem>> -> memref<1x80xi32, #tpu.memory_space<vmem>>
      %dma_wait3A_66 = tpu.memref_squeeze %dma_wait3A_65 : memref<1x80xi32, #tpu.memory_space<vmem>> -> memref<80xi32, #tpu.memory_space<vmem>>
      %dma_wait3A_67 = arith.constant 0 : i32
      %dma_wait3A_68 = arith.constant 0 : i32
      %dma_wait3A_69 = tpu.memref_slice %arg2[%dma_wait3A_67, %dma_wait3A_68] : memref<10000x80xf32, #tpu.memory_space<hbm>> -> memref<10000x80xf32, #tpu.memory_space<hbm>>
      tpu.wait_indirect_dma semaphore(%arg15 : memref<!tpu.dma_semaphore, #tpu.memory_space<semaphore_mem>>) src(%dma_wait3A_69 : memref<10000x80xf32, #tpu.memory_space<hbm>>) dst(%arg11 : memref<80x80xf32, #tpu.memory_space<vmem>>)
      "tpu.region"() ({
        %run_scoped3A_112 = tpu.sem_alloc : memref<!tpu.dma_semaphore, #tpu.memory_space<semaphore_mem>>
        %dma_start3A_113 = arith.constant 0 : i32
        %dma_start3A_114 = tpu.memref_slice %arg9[%add3A_63, %dma_start3A_113] : memref<125x80xi32, #tpu.memory_space<vmem>> -> memref<1x80xi32, #tpu.memory_space<vmem>>
        %dma_start3A_115 = tpu.memref_squeeze %dma_start3A_114 : memref<1x80xi32, #tpu.memory_space<vmem>> -> memref<80xi32, #tpu.memory_space<vmem>>
        %dma_start3A_116 = arith.constant 0 : i32
        %dma_start3A_117 = arith.constant 0 : i32
        %dma_start3A_118 = tpu.memref_slice %arg7[%dma_start3A_116, %dma_start3A_117] : memref<10000x80xf32, #tpu.memory_space<vmem_shared>> -> memref<10000x80xf32, #tpu.memory_space<vmem_shared>>
        tpu.enqueue_indirect_dma source(%arg11 : memref<80x80xf32, #tpu.memory_space<vmem>>) target(%dma_start3A_118 : memref<10000x80xf32, #tpu.memory_space<vmem_shared>>) offsets(%dma_start3A_115 : memref<80xi32, #tpu.memory_space<vmem>>) semaphore(%run_scoped3A_112 : memref<!tpu.dma_semaphore, #tpu.memory_space<semaphore_mem>>) {add = true}
        %dma_wait3A_119 = arith.constant 0 : i32
        %dma_wait3A_120 = tpu.memref_slice %arg9[%add3A_63, %dma_wait3A_119] : memref<125x80xi32, #tpu.memory_space<vmem>> -> memref<1x80xi32, #tpu.memory_space<vmem>>
        %dma_wait3A_121 = tpu.memref_squeeze %dma_wait3A_120 : memref<1x80xi32, #tpu.memory_space<vmem>> -> memref<80xi32, #tpu.memory_space<vmem>>
        %dma_wait3A_122 = arith.constant 0 : i32
        %dma_wait3A_123 = arith.constant 0 : i32
        %dma_wait3A_124 = tpu.memref_slice %arg7[%dma_wait3A_122, %dma_wait3A_123] : memref<10000x80xf32, #tpu.memory_space<vmem_shared>> -> memref<10000x80xf32, #tpu.memory_space<vmem_shared>>
        tpu.wait_indirect_dma semaphore(%run_scoped3A_112 : memref<!tpu.dma_semaphore, #tpu.memory_space<semaphore_mem>>) src(%arg11 : memref<80x80xf32, #tpu.memory_space<vmem>>) dst(%dma_wait3A_124 : memref<10000x80xf32, #tpu.memory_space<vmem_shared>>)
        tpu.yield
      }) : () -> ()
      %add3A_70 = arith.constant 4 : i32
      %add3A_71 = arith.addi %add3A_63, %add3A_70 : i32
      %lt3A_72 = arith.constant 125 : i32
      %lt3A_73 = arith.cmpi slt, %add3A_71, %lt3A_72 : i32
      %convert_element_type3A_74 = arith.extui %lt3A_73 : i1 to i32
      %cond3A_75 = arith.constant 0 : i32
      %cond3A_76 = arith.cmpi ne, %convert_element_type3A_74, %cond3A_75 : i32
      scf.if %cond3A_76 {
        %add3A_112 = arith.constant 4 : i32
        %add3A_113 = arith.addi %add3A_63, %add3A_112 : i32
        %dma_start3A_114 = arith.constant 0 : i32
        %dma_start3A_115 = tpu.memref_slice %arg8[%add3A_113, %dma_start3A_114] : memref<125x80xi32, #tpu.memory_space<vmem>> -> memref<1x80xi32, #tpu.memory_space<vmem>>
        %dma_start3A_116 = tpu.memref_squeeze %dma_start3A_115 : memref<1x80xi32, #tpu.memory_space<vmem>> -> memref<80xi32, #tpu.memory_space<vmem>>
        %dma_start3A_117 = arith.constant 0 : i32
        %dma_start3A_118 = arith.constant 0 : i32
        %dma_start3A_119 = tpu.memref_slice %arg2[%dma_start3A_117, %dma_start3A_118] : memref<10000x80xf32, #tpu.memory_space<hbm>> -> memref<10000x80xf32, #tpu.memory_space<hbm>>
        tpu.enqueue_indirect_dma source(%dma_start3A_119 : memref<10000x80xf32, #tpu.memory_space<hbm>>) target(%arg11 : memref<80x80xf32, #tpu.memory_space<vmem>>) offsets(%dma_start3A_116 : memref<80xi32, #tpu.memory_space<vmem>>) semaphore(%arg15 : memref<!tpu.dma_semaphore, #tpu.memory_space<semaphore_mem>>)
      } else {
      }
      %mul3A_77 = arith.constant 4 : i32
      %mul3A_78 = arith.muli %mul3A_77, %scan3A_44 : i32
      %add3A_79 = arith.constant 2 : i32
      %add3A_80 = arith.addi %mul3A_78, %add3A_79 : i32
      %dma_wait3A_81 = arith.constant 0 : i32
      %dma_wait3A_82 = tpu.memref_slice %arg8[%add3A_80, %dma_wait3A_81] : memref<125x80xi32, #tpu.memory_space<vmem>> -> memref<1x80xi32, #tpu.memory_space<vmem>>
      %dma_wait3A_83 = tpu.memref_squeeze %dma_wait3A_82 : memref<1x80xi32, #tpu.memory_space<vmem>> -> memref<80xi32, #tpu.memory_space<vmem>>
      %dma_wait3A_84 = arith.constant 0 : i32
      %dma_wait3A_85 = arith.constant 0 : i32
      %dma_wait3A_86 = tpu.memref_slice %arg2[%dma_wait3A_84, %dma_wait3A_85] : memref<10000x80xf32, #tpu.memory_space<hbm>> -> memref<10000x80xf32, #tpu.memory_space<hbm>>
      tpu.wait_indirect_dma semaphore(%arg16 : memref<!tpu.dma_semaphore, #tpu.memory_space<semaphore_mem>>) src(%dma_wait3A_86 : memref<10000x80xf32, #tpu.memory_space<hbm>>) dst(%arg12 : memref<80x80xf32, #tpu.memory_space<vmem>>)
      "tpu.region"() ({
        %run_scoped3A_112 = tpu.sem_alloc : memref<!tpu.dma_semaphore, #tpu.memory_space<semaphore_mem>>
        %dma_start3A_113 = arith.constant 0 : i32
        %dma_start3A_114 = tpu.memref_slice %arg9[%add3A_80, %dma_start3A_113] : memref<125x80xi32, #tpu.memory_space<vmem>> -> memref<1x80xi32, #tpu.memory_space<vmem>>
        %dma_start3A_115 = tpu.memref_squeeze %dma_start3A_114 : memref<1x80xi32, #tpu.memory_space<vmem>> -> memref<80xi32, #tpu.memory_space<vmem>>
        %dma_start3A_116 = arith.constant 0 : i32
        %dma_start3A_117 = arith.constant 0 : i32
        %dma_start3A_118 = tpu.memref_slice %arg7[%dma_start3A_116, %dma_start3A_117] : memref<10000x80xf32, #tpu.memory_space<vmem_shared>> -> memref<10000x80xf32, #tpu.memory_space<vmem_shared>>
        tpu.enqueue_indirect_dma source(%arg12 : memref<80x80xf32, #tpu.memory_space<vmem>>) target(%dma_start3A_118 : memref<10000x80xf32, #tpu.memory_space<vmem_shared>>) offsets(%dma_start3A_115 : memref<80xi32, #tpu.memory_space<vmem>>) semaphore(%run_scoped3A_112 : memref<!tpu.dma_semaphore, #tpu.memory_space<semaphore_mem>>) {add = true}
        %dma_wait3A_119 = arith.constant 0 : i32
        %dma_wait3A_120 = tpu.memref_slice %arg9[%add3A_80, %dma_wait3A_119] : memref<125x80xi32, #tpu.memory_space<vmem>> -> memref<1x80xi32, #tpu.memory_space<vmem>>
        %dma_wait3A_121 = tpu.memref_squeeze %dma_wait3A_120 : memref<1x80xi32, #tpu.memory_space<vmem>> -> memref<80xi32, #tpu.memory_space<vmem>>
        %dma_wait3A_122 = arith.constant 0 : i32
        %dma_wait3A_123 = arith.constant 0 : i32
        %dma_wait3A_124 = tpu.memref_slice %arg7[%dma_wait3A_122, %dma_wait3A_123] : memref<10000x80xf32, #tpu.memory_space<vmem_shared>> -> memref<10000x80xf32, #tpu.memory_space<vmem_shared>>
        tpu.wait_indirect_dma semaphore(%run_scoped3A_112 : memref<!tpu.dma_semaphore, #tpu.memory_space<semaphore_mem>>) src(%arg12 : memref<80x80xf32, #tpu.memory_space<vmem>>) dst(%dma_wait3A_124 : memref<10000x80xf32, #tpu.memory_space<vmem_shared>>)
        tpu.yield
      }) : () -> ()
      %add3A_87 = arith.constant 4 : i32
      %add3A_88 = arith.addi %add3A_80, %add3A_87 : i32
      %lt3A_89 = arith.constant 125 : i32
      %lt3A_90 = arith.cmpi slt, %add3A_88, %lt3A_89 : i32
      %convert_element_type3A_91 = arith.extui %lt3A_90 : i1 to i32
      %cond3A_92 = arith.constant 0 : i32
      %cond3A_93 = arith.cmpi ne, %convert_element_type3A_91, %cond3A_92 : i32
      scf.if %cond3A_93 {
        %add3A_112 = arith.constant 4 : i32
        %add3A_113 = arith.addi %add3A_80, %add3A_112 : i32
        %dma_start3A_114 = arith.constant 0 : i32
        %dma_start3A_115 = tpu.memref_slice %arg8[%add3A_113, %dma_start3A_114] : memref<125x80xi32, #tpu.memory_space<vmem>> -> memref<1x80xi32, #tpu.memory_space<vmem>>
        %dma_start3A_116 = tpu.memref_squeeze %dma_start3A_115 : memref<1x80xi32, #tpu.memory_space<vmem>> -> memref<80xi32, #tpu.memory_space<vmem>>
        %dma_start3A_117 = arith.constant 0 : i32
        %dma_start3A_118 = arith.constant 0 : i32
        %dma_start3A_119 = tpu.memref_slice %arg2[%dma_start3A_117, %dma_start3A_118] : memref<10000x80xf32, #tpu.memory_space<hbm>> -> memref<10000x80xf32, #tpu.memory_space<hbm>>
        tpu.enqueue_indirect_dma source(%dma_start3A_119 : memref<10000x80xf32, #tpu.memory_space<hbm>>) target(%arg12 : memref<80x80xf32, #tpu.memory_space<vmem>>) offsets(%dma_start3A_116 : memref<80xi32, #tpu.memory_space<vmem>>) semaphore(%arg16 : memref<!tpu.dma_semaphore, #tpu.memory_space<semaphore_mem>>)
      } else {
      }
      %mul3A_94 = arith.constant 4 : i32
      %mul3A_95 = arith.muli %mul3A_94, %scan3A_44 : i32
      %add3A_96 = arith.constant 3 : i32
      %add3A_97 = arith.addi %mul3A_95, %add3A_96 : i32
      %dma_wait3A_98 = arith.constant 0 : i32
      %dma_wait3A_99 = tpu.memref_slice %arg8[%add3A_97, %dma_wait3A_98] : memref<125x80xi32, #tpu.memory_space<vmem>> -> memref<1x80xi32, #tpu.memory_space<vmem>>
      %dma_wait3A_100 = tpu.memref_squeeze %dma_wait3A_99 : memref<1x80xi32, #tpu.memory_space<vmem>> -> memref<80xi32, #tpu.memory_space<vmem>>
      %dma_wait3A_101 = arith.constant 0 : i32
      %dma_wait3A_102 = arith.constant 0 : i32
      %dma_wait3A_103 = tpu.memref_slice %arg2[%dma_wait3A_101, %dma_wait3A_102] : memref<10000x80xf32, #tpu.memory_space<hbm>> -> memref<10000x80xf32, #tpu.memory_space<hbm>>
      tpu.wait_indirect_dma semaphore(%arg17 : memref<!tpu.dma_semaphore, #tpu.memory_space<semaphore_mem>>) src(%dma_wait3A_103 : memref<10000x80xf32, #tpu.memory_space<hbm>>) dst(%arg13 : memref<80x80xf32, #tpu.memory_space<vmem>>)
      "tpu.region"() ({
        %run_scoped3A_112 = tpu.sem_alloc : memref<!tpu.dma_semaphore, #tpu.memory_space<semaphore_mem>>
        %dma_start3A_113 = arith.constant 0 : i32
        %dma_start3A_114 = tpu.memref_slice %arg9[%add3A_97, %dma_start3A_113] : memref<125x80xi32, #tpu.memory_space<vmem>> -> memref<1x80xi32, #tpu.memory_space<vmem>>
        %dma_start3A_115 = tpu.memref_squeeze %dma_start3A_114 : memref<1x80xi32, #tpu.memory_space<vmem>> -> memref<80xi32, #tpu.memory_space<vmem>>
        %dma_start3A_116 = arith.constant 0 : i32
        %dma_start3A_117 = arith.constant 0 : i32
        %dma_start3A_118 = tpu.memref_slice %arg7[%dma_start3A_116, %dma_start3A_117] : memref<10000x80xf32, #tpu.memory_space<vmem_shared>> -> memref<10000x80xf32, #tpu.memory_space<vmem_shared>>
        tpu.enqueue_indirect_dma source(%arg13 : memref<80x80xf32, #tpu.memory_space<vmem>>) target(%dma_start3A_118 : memref<10000x80xf32, #tpu.memory_space<vmem_shared>>) offsets(%dma_start3A_115 : memref<80xi32, #tpu.memory_space<vmem>>) semaphore(%run_scoped3A_112 : memref<!tpu.dma_semaphore, #tpu.memory_space<semaphore_mem>>) {add = true}
        %dma_wait3A_119 = arith.constant 0 : i32
        %dma_wait3A_120 = tpu.memref_slice %arg9[%add3A_97, %dma_wait3A_119] : memref<125x80xi32, #tpu.memory_space<vmem>> -> memref<1x80xi32, #tpu.memory_space<vmem>>
        %dma_wait3A_121 = tpu.memref_squeeze %dma_wait3A_120 : memref<1x80xi32, #tpu.memory_space<vmem>> -> memref<80xi32, #tpu.memory_space<vmem>>
        %dma_wait3A_122 = arith.constant 0 : i32
        %dma_wait3A_123 = arith.constant 0 : i32
        %dma_wait3A_124 = tpu.memref_slice %arg7[%dma_wait3A_122, %dma_wait3A_123] : memref<10000x80xf32, #tpu.memory_space<vmem_shared>> -> memref<10000x80xf32, #tpu.memory_space<vmem_shared>>
        tpu.wait_indirect_dma semaphore(%run_scoped3A_112 : memref<!tpu.dma_semaphore, #tpu.memory_space<semaphore_mem>>) src(%arg13 : memref<80x80xf32, #tpu.memory_space<vmem>>) dst(%dma_wait3A_124 : memref<10000x80xf32, #tpu.memory_space<vmem_shared>>)
        tpu.yield
      }) : () -> ()
      %add3A_104 = arith.constant 4 : i32
      %add3A_105 = arith.addi %add3A_97, %add3A_104 : i32
      %lt3A_106 = arith.constant 125 : i32
      %lt3A_107 = arith.cmpi slt, %add3A_105, %lt3A_106 : i32
      %convert_element_type3A_108 = arith.extui %lt3A_107 : i1 to i32
      %cond3A_109 = arith.constant 0 : i32
      %cond3A_110 = arith.cmpi ne, %convert_element_type3A_108, %cond3A_109 : i32
      scf.if %cond3A_110 {
        %add3A_112 = arith.constant 4 : i32
        %add3A_113 = arith.addi %add3A_97, %add3A_112 : i32
        %dma_start3A_114 = arith.constant 0 : i32
        %dma_start3A_115 = tpu.memref_slice %arg8[%add3A_113, %dma_start3A_114] : memref<125x80xi32, #tpu.memory_space<vmem>> -> memref<1x80xi32, #tpu.memory_space<vmem>>
        %dma_start3A_116 = tpu.memref_squeeze %dma_start3A_115 : memref<1x80xi32, #tpu.memory_space<vmem>> -> memref<80xi32, #tpu.memory_space<vmem>>
        %dma_start3A_117 = arith.constant 0 : i32
        %dma_start3A_118 = arith.constant 0 : i32
        %dma_start3A_119 = tpu.memref_slice %arg2[%dma_start3A_117, %dma_start3A_118] : memref<10000x80xf32, #tpu.memory_space<hbm>> -> memref<10000x80xf32, #tpu.memory_space<hbm>>
        tpu.enqueue_indirect_dma source(%dma_start3A_119 : memref<10000x80xf32, #tpu.memory_space<hbm>>) target(%arg13 : memref<80x80xf32, #tpu.memory_space<vmem>>) offsets(%dma_start3A_116 : memref<80xi32, #tpu.memory_space<vmem>>) semaphore(%arg17 : memref<!tpu.dma_semaphore, #tpu.memory_space<semaphore_mem>>)
      } else {
      }
      %scan3A_111 = arith.constant 0 : i32
      scf.yield %scan3A_111 : i32
    }
    %scan3A_36 = arith.constant 31 : i32
    %dma_wait3A = arith.constant 124 : i32
    %dma_wait3A_37 = arith.constant 0 : i32
    %dma_wait3A_38 = tpu.memref_slice %arg8[%dma_wait3A, %dma_wait3A_37] : memref<125x80xi32, #tpu.memory_space<vmem>> -> memref<1x80xi32, #tpu.memory_space<vmem>>
    %dma_wait3A_39 = tpu.memref_squeeze %dma_wait3A_38 : memref<1x80xi32, #tpu.memory_space<vmem>> -> memref<80xi32, #tpu.memory_space<vmem>>
    %dma_wait3A_40 = arith.constant 0 : i32
    %dma_wait3A_41 = arith.constant 0 : i32
    %dma_wait3A_42 = tpu.memref_slice %arg2[%dma_wait3A_40, %dma_wait3A_41] : memref<10000x80xf32, #tpu.memory_space<hbm>> -> memref<10000x80xf32, #tpu.memory_space<hbm>>
    tpu.wait_indirect_dma semaphore(%arg14 : memref<!tpu.dma_semaphore, #tpu.memory_space<semaphore_mem>>) src(%dma_wait3A_42 : memref<10000x80xf32, #tpu.memory_space<hbm>>) dst(%arg10 : memref<80x80xf32, #tpu.memory_space<vmem>>)
    %run_scoped3A = arith.constant 124 : i32
    "tpu.region"() ({
      %run_scoped3A_44 = tpu.sem_alloc : memref<!tpu.dma_semaphore, #tpu.memory_space<semaphore_mem>>
      %dma_start3A_45 = arith.constant 0 : i32
      %dma_start3A_46 = tpu.memref_slice %arg9[%run_scoped3A, %dma_start3A_45] : memref<125x80xi32, #tpu.memory_space<vmem>> -> memref<1x80xi32, #tpu.memory_space<vmem>>
      %dma_start3A_47 = tpu.memref_squeeze %dma_start3A_46 : memref<1x80xi32, #tpu.memory_space<vmem>> -> memref<80xi32, #tpu.memory_space<vmem>>
      %dma_start3A_48 = arith.constant 0 : i32
      %dma_start3A_49 = arith.constant 0 : i32
      %dma_start3A_50 = tpu.memref_slice %arg7[%dma_start3A_48, %dma_start3A_49] : memref<10000x80xf32, #tpu.memory_space<vmem_shared>> -> memref<10000x80xf32, #tpu.memory_space<vmem_shared>>
      tpu.enqueue_indirect_dma source(%arg10 : memref<80x80xf32, #tpu.memory_space<vmem>>) target(%dma_start3A_50 : memref<10000x80xf32, #tpu.memory_space<vmem_shared>>) offsets(%dma_start3A_47 : memref<80xi32, #tpu.memory_space<vmem>>) semaphore(%run_scoped3A_44 : memref<!tpu.dma_semaphore, #tpu.memory_space<semaphore_mem>>) {add = true}
      %dma_wait3A_51 = arith.constant 0 : i32
      %dma_wait3A_52 = tpu.memref_slice %arg9[%run_scoped3A, %dma_wait3A_51] : memref<125x80xi32, #tpu.memory_space<vmem>> -> memref<1x80xi32, #tpu.memory_space<vmem>>
      %dma_wait3A_53 = tpu.memref_squeeze %dma_wait3A_52 : memref<1x80xi32, #tpu.memory_space<vmem>> -> memref<80xi32, #tpu.memory_space<vmem>>
      %dma_wait3A_54 = arith.constant 0 : i32
      %dma_wait3A_55 = arith.constant 0 : i32
      %dma_wait3A_56 = tpu.memref_slice %arg7[%dma_wait3A_54, %dma_wait3A_55] : memref<10000x80xf32, #tpu.memory_space<vmem_shared>> -> memref<10000x80xf32, #tpu.memory_space<vmem_shared>>
      tpu.wait_indirect_dma semaphore(%run_scoped3A_44 : memref<!tpu.dma_semaphore, #tpu.memory_space<semaphore_mem>>) src(%arg10 : memref<80x80xf32, #tpu.memory_space<vmem>>) dst(%dma_wait3A_56 : memref<10000x80xf32, #tpu.memory_space<vmem_shared>>)
      tpu.yield
    }) : () -> ()
    %barrier3A_43 = arith.constant 0 : index
    tpu.barrier barrier_id(%barrier3A_43)
    "tpu.region"() ({
      %run_scoped3A_44 = tpu.sem_alloc : memref<!tpu.dma_semaphore, #tpu.memory_space<semaphore_mem>>
      %dma_start3A_45 = arith.constant 0 : i32
      %dma_start3A_46 = tpu.memref_slice %arg6[%arg0, %min3A_1, %dma_start3A_45] : memref<2x10000x80xf32, #tpu.memory_space<hbm>> -> memref<1x640x80xf32, #tpu.memory_space<hbm>>
      %dma_start3A_47 = tpu.memref_squeeze %dma_start3A_46 : memref<1x640x80xf32, #tpu.memory_space<hbm>> -> memref<640x80xf32, #tpu.memory_space<hbm>>
      %dma_start3A_48 = arith.constant 0 : i32
      %dma_start3A_49 = tpu.memref_slice %arg7[%min3A_1, %dma_start3A_48] : memref<10000x80xf32, #tpu.memory_space<vmem_shared>> -> memref<640x80xf32, #tpu.memory_space<vmem_shared>>
      tpu.enqueue_dma source(%dma_start3A_49 : memref<640x80xf32, #tpu.memory_space<vmem_shared>>) target(%dma_start3A_47 : memref<640x80xf32, #tpu.memory_space<hbm>>) target_semaphore(%run_scoped3A_44 : memref<!tpu.dma_semaphore, #tpu.memory_space<semaphore_mem>>)
      %dma_wait3A_50 = arith.constant 0 : i32
      %dma_wait3A_51 = tpu.memref_slice %arg6[%arg0, %min3A_1, %dma_wait3A_50] : memref<2x10000x80xf32, #tpu.memory_space<hbm>> -> memref<1x640x80xf32, #tpu.memory_space<hbm>>
      %dma_wait3A_52 = tpu.memref_squeeze %dma_wait3A_51 : memref<1x640x80xf32, #tpu.memory_space<hbm>> -> memref<640x80xf32, #tpu.memory_space<hbm>>
      %dma_wait3A_53 = arith.constant 0 : i32
      %dma_wait3A_54 = tpu.memref_slice %arg7[%min3A_1, %dma_wait3A_53] : memref<10000x80xf32, #tpu.memory_space<vmem_shared>> -> memref<640x80xf32, #tpu.memory_space<vmem_shared>>
      tpu.wait_dma2 semaphore(%run_scoped3A_44 : memref<!tpu.dma_semaphore, #tpu.memory_space<semaphore_mem>>) src(%dma_wait3A_54 : memref<640x80xf32, #tpu.memory_space<vmem_shared>>) dst(%dma_wait3A_52 : memref<640x80xf32, #tpu.memory_space<hbm>>)
      tpu.yield
    }) : () -> ()
    return
  }
}

#map = affine_map<(d0, d1) -> (0, 0)>
#map1 = affine_map<(d0, d1) -> (0, 0, 0)>
module attributes {stable_mosaic.version = 14 : i64} {
  func.func @_spmm0_body(%arg0: i32, %arg1: i32, %arg2: memref<10000x64xf32, #tpu.memory_space<hbm>>, %arg3: memref<10000x64xf32, #tpu.memory_space<hbm>>, %arg4: memref<10000x64xf32, #tpu.memory_space<hbm>>, %arg5: memref<10000x64xf32, #tpu.memory_space<hbm>>, %arg6: memref<32x125x80xi32, #tpu.memory_space<hbm>>, %arg7: memref<32x125x80xi32, #tpu.memory_space<hbm>>, %arg8: memref<10000x64xf32, #tpu.memory_space<hbm>>, %arg9: memref<10000x64xf32, #tpu.memory_space<hbm>>, %arg10: memref<10000x64xf32, #tpu.memory_space<hbm>>, %arg11: memref<10000x64xf32, #tpu.memory_space<hbm>>, %arg12: memref<10000x64xf32, #tpu.memory_space<hbm>>, %arg13: memref<10000x64xf32, #tpu.memory_space<vmem_shared>>, %arg14: memref<250x80xi32, #tpu.memory_space<vmem>>, %arg15: memref<250x80xi32, #tpu.memory_space<vmem>>, %arg16: memref<80x64xf32, #tpu.memory_space<vmem>>, %arg17: memref<80x64xf32, #tpu.memory_space<vmem>>, %arg18: memref<80x64xf32, #tpu.memory_space<vmem>>, %arg19: memref<80x64xf32, #tpu.memory_space<vmem>>, %arg20: memref<!tpu.dma_semaphore, #tpu.memory_space<semaphore_mem>>, %arg21: memref<!tpu.dma_semaphore, #tpu.memory_space<semaphore_mem>>, %arg22: memref<!tpu.dma_semaphore, #tpu.memory_space<semaphore_mem>>, %arg23: memref<!tpu.dma_semaphore, #tpu.memory_space<semaphore_mem>>) attributes {dimension_semantics = [#tpu.dimension_semantics<core_parallel>, #tpu.dimension_semantics<subcore_parallel>], iteration_bounds = array<i64: 2, 16>, scalar_prefetch = 0 : i64, scratch_operands = 11 : i64, tpu.core_type = #tpu.core_type<sc_vector_subcore>, window_params = [{transform_indices = #map}, {transform_indices = #map}, {transform_indices = #map}, {transform_indices = #map}, {transform_indices = #map1}, {transform_indices = #map1}, {transform_indices = #map}, {transform_indices = #map}, {transform_indices = #map}, {transform_indices = #map}, {transform_indices = #map}]} {
    %mul3A = arith.constant 640 : i32
    %mul3A_0 = arith.muli %arg1, %mul3A : i32
    %min3A = arith.constant 9360 : i32
    %min3A_1 = arith.minsi %mul3A_0, %min3A : i32
    %mul3A_2 = arith.constant 2 : i32
    %mul3A_3 = arith.muli %mul3A_2, %arg1 : i32
    "tpu.region"() ({
      %run_scoped3A = tpu.sem_alloc : memref<!tpu.dma_semaphore, #tpu.memory_space<semaphore_mem>>
      %dma_start3A = arith.constant 0 : i32
      %dma_start3A_20 = arith.constant 0 : i32
      %dma_start3A_21 = tpu.memref_slice %arg14[%dma_start3A, %dma_start3A_20] : memref<250x80xi32, #tpu.memory_space<vmem>> -> memref<125x80xi32, #tpu.memory_space<vmem>>
      %dma_start3A_22 = arith.constant 0 : i32
      %dma_start3A_23 = arith.constant 0 : i32
      %dma_start3A_24 = tpu.memref_slice %arg6[%mul3A_3, %dma_start3A_22, %dma_start3A_23] : memref<32x125x80xi32, #tpu.memory_space<hbm>> -> memref<1x125x80xi32, #tpu.memory_space<hbm>>
      %dma_start3A_25 = tpu.memref_squeeze %dma_start3A_24 : memref<1x125x80xi32, #tpu.memory_space<hbm>> -> memref<125x80xi32, #tpu.memory_space<hbm>>
      %dma_start3A_26 = arith.constant 0 : i32
      %dma_start3A_27 = arith.constant 0 : i32
      %dma_start3A_28 = tpu.memref_slice %arg14[%dma_start3A_26, %dma_start3A_27] : memref<250x80xi32, #tpu.memory_space<vmem>> -> memref<125x80xi32, #tpu.memory_space<vmem>>
      %dma_start3A_29 = arith.constant 0 : i32
      %dma_start3A_30 = arith.constant 0 : i32
      %dma_start3A_31 = tpu.memref_slice %arg6[%mul3A_3, %dma_start3A_29, %dma_start3A_30] : memref<32x125x80xi32, #tpu.memory_space<hbm>> -> memref<1x125x80xi32, #tpu.memory_space<hbm>>
      %dma_start3A_32 = tpu.memref_squeeze %dma_start3A_31 : memref<1x125x80xi32, #tpu.memory_space<hbm>> -> memref<125x80xi32, #tpu.memory_space<hbm>>
      tpu.enqueue_dma source(%dma_start3A_32 : memref<125x80xi32, #tpu.memory_space<hbm>>) target(%dma_start3A_28 : memref<125x80xi32, #tpu.memory_space<vmem>>) target_semaphore(%run_scoped3A : memref<!tpu.dma_semaphore, #tpu.memory_space<semaphore_mem>>)
      %dma_wait3A = arith.constant 0 : i32
      %dma_wait3A_33 = arith.constant 0 : i32
      %dma_wait3A_34 = tpu.memref_slice %arg14[%dma_wait3A, %dma_wait3A_33] : memref<250x80xi32, #tpu.memory_space<vmem>> -> memref<125x80xi32, #tpu.memory_space<vmem>>
      %dma_wait3A_35 = arith.constant 0 : i32
      %dma_wait3A_36 = arith.constant 0 : i32
      %dma_wait3A_37 = tpu.memref_slice %arg6[%mul3A_3, %dma_wait3A_35, %dma_wait3A_36] : memref<32x125x80xi32, #tpu.memory_space<hbm>> -> memref<1x125x80xi32, #tpu.memory_space<hbm>>
      %dma_wait3A_38 = tpu.memref_squeeze %dma_wait3A_37 : memref<1x125x80xi32, #tpu.memory_space<hbm>> -> memref<125x80xi32, #tpu.memory_space<hbm>>
      %dma_wait3A_39 = arith.constant 0 : i32
      %dma_wait3A_40 = arith.constant 0 : i32
      %dma_wait3A_41 = tpu.memref_slice %arg14[%dma_wait3A_39, %dma_wait3A_40] : memref<250x80xi32, #tpu.memory_space<vmem>> -> memref<125x80xi32, #tpu.memory_space<vmem>>
      %dma_wait3A_42 = arith.constant 0 : i32
      %dma_wait3A_43 = arith.constant 0 : i32
      %dma_wait3A_44 = tpu.memref_slice %arg6[%mul3A_3, %dma_wait3A_42, %dma_wait3A_43] : memref<32x125x80xi32, #tpu.memory_space<hbm>> -> memref<1x125x80xi32, #tpu.memory_space<hbm>>
      %dma_wait3A_45 = tpu.memref_squeeze %dma_wait3A_44 : memref<1x125x80xi32, #tpu.memory_space<hbm>> -> memref<125x80xi32, #tpu.memory_space<hbm>>
      tpu.wait_dma2 semaphore(%run_scoped3A : memref<!tpu.dma_semaphore, #tpu.memory_space<semaphore_mem>>) src(%dma_wait3A_45 : memref<125x80xi32, #tpu.memory_space<hbm>>) dst(%dma_wait3A_41 : memref<125x80xi32, #tpu.memory_space<vmem>>)
      tpu.yield
    }) : () -> ()
    %mul3A_4 = arith.constant 2 : i32
    %mul3A_5 = arith.muli %mul3A_4, %arg1 : i32
    %add3A = arith.constant 1 : i32
    %add3A_6 = arith.addi %mul3A_5, %add3A : i32
    "tpu.region"() ({
      %run_scoped3A = tpu.sem_alloc : memref<!tpu.dma_semaphore, #tpu.memory_space<semaphore_mem>>
      %dma_start3A = arith.constant 125 : i32
      %dma_start3A_20 = arith.constant 0 : i32
      %dma_start3A_21 = tpu.memref_slice %arg14[%dma_start3A, %dma_start3A_20] : memref<250x80xi32, #tpu.memory_space<vmem>> -> memref<125x80xi32, #tpu.memory_space<vmem>>
      %dma_start3A_22 = arith.constant 0 : i32
      %dma_start3A_23 = arith.constant 0 : i32
      %dma_start3A_24 = tpu.memref_slice %arg6[%add3A_6, %dma_start3A_22, %dma_start3A_23] : memref<32x125x80xi32, #tpu.memory_space<hbm>> -> memref<1x125x80xi32, #tpu.memory_space<hbm>>
      %dma_start3A_25 = tpu.memref_squeeze %dma_start3A_24 : memref<1x125x80xi32, #tpu.memory_space<hbm>> -> memref<125x80xi32, #tpu.memory_space<hbm>>
      %dma_start3A_26 = arith.constant 125 : i32
      %dma_start3A_27 = arith.constant 0 : i32
      %dma_start3A_28 = tpu.memref_slice %arg14[%dma_start3A_26, %dma_start3A_27] : memref<250x80xi32, #tpu.memory_space<vmem>> -> memref<125x80xi32, #tpu.memory_space<vmem>>
      %dma_start3A_29 = arith.constant 0 : i32
      %dma_start3A_30 = arith.constant 0 : i32
      %dma_start3A_31 = tpu.memref_slice %arg6[%add3A_6, %dma_start3A_29, %dma_start3A_30] : memref<32x125x80xi32, #tpu.memory_space<hbm>> -> memref<1x125x80xi32, #tpu.memory_space<hbm>>
      %dma_start3A_32 = tpu.memref_squeeze %dma_start3A_31 : memref<1x125x80xi32, #tpu.memory_space<hbm>> -> memref<125x80xi32, #tpu.memory_space<hbm>>
      tpu.enqueue_dma source(%dma_start3A_32 : memref<125x80xi32, #tpu.memory_space<hbm>>) target(%dma_start3A_28 : memref<125x80xi32, #tpu.memory_space<vmem>>) target_semaphore(%run_scoped3A : memref<!tpu.dma_semaphore, #tpu.memory_space<semaphore_mem>>)
      %dma_wait3A = arith.constant 125 : i32
      %dma_wait3A_33 = arith.constant 0 : i32
      %dma_wait3A_34 = tpu.memref_slice %arg14[%dma_wait3A, %dma_wait3A_33] : memref<250x80xi32, #tpu.memory_space<vmem>> -> memref<125x80xi32, #tpu.memory_space<vmem>>
      %dma_wait3A_35 = arith.constant 0 : i32
      %dma_wait3A_36 = arith.constant 0 : i32
      %dma_wait3A_37 = tpu.memref_slice %arg6[%add3A_6, %dma_wait3A_35, %dma_wait3A_36] : memref<32x125x80xi32, #tpu.memory_space<hbm>> -> memref<1x125x80xi32, #tpu.memory_space<hbm>>
      %dma_wait3A_38 = tpu.memref_squeeze %dma_wait3A_37 : memref<1x125x80xi32, #tpu.memory_space<hbm>> -> memref<125x80xi32, #tpu.memory_space<hbm>>
      %dma_wait3A_39 = arith.constant 125 : i32
      %dma_wait3A_40 = arith.constant 0 : i32
      %dma_wait3A_41 = tpu.memref_slice %arg14[%dma_wait3A_39, %dma_wait3A_40] : memref<250x80xi32, #tpu.memory_space<vmem>> -> memref<125x80xi32, #tpu.memory_space<vmem>>
      %dma_wait3A_42 = arith.constant 0 : i32
      %dma_wait3A_43 = arith.constant 0 : i32
      %dma_wait3A_44 = tpu.memref_slice %arg6[%add3A_6, %dma_wait3A_42, %dma_wait3A_43] : memref<32x125x80xi32, #tpu.memory_space<hbm>> -> memref<1x125x80xi32, #tpu.memory_space<hbm>>
      %dma_wait3A_45 = tpu.memref_squeeze %dma_wait3A_44 : memref<1x125x80xi32, #tpu.memory_space<hbm>> -> memref<125x80xi32, #tpu.memory_space<hbm>>
      tpu.wait_dma2 semaphore(%run_scoped3A : memref<!tpu.dma_semaphore, #tpu.memory_space<semaphore_mem>>) src(%dma_wait3A_45 : memref<125x80xi32, #tpu.memory_space<hbm>>) dst(%dma_wait3A_41 : memref<125x80xi32, #tpu.memory_space<vmem>>)
      tpu.yield
    }) : () -> ()
    %mul3A_7 = arith.constant 2 : i32
    %mul3A_8 = arith.muli %mul3A_7, %arg1 : i32
    "tpu.region"() ({
      %run_scoped3A = tpu.sem_alloc : memref<!tpu.dma_semaphore, #tpu.memory_space<semaphore_mem>>
      %dma_start3A = arith.constant 0 : i32
      %dma_start3A_20 = arith.constant 0 : i32
      %dma_start3A_21 = tpu.memref_slice %arg15[%dma_start3A, %dma_start3A_20] : memref<250x80xi32, #tpu.memory_space<vmem>> -> memref<125x80xi32, #tpu.memory_space<vmem>>
      %dma_start3A_22 = arith.constant 0 : i32
      %dma_start3A_23 = arith.constant 0 : i32
      %dma_start3A_24 = tpu.memref_slice %arg7[%mul3A_8, %dma_start3A_22, %dma_start3A_23] : memref<32x125x80xi32, #tpu.memory_space<hbm>> -> memref<1x125x80xi32, #tpu.memory_space<hbm>>
      %dma_start3A_25 = tpu.memref_squeeze %dma_start3A_24 : memref<1x125x80xi32, #tpu.memory_space<hbm>> -> memref<125x80xi32, #tpu.memory_space<hbm>>
      %dma_start3A_26 = arith.constant 0 : i32
      %dma_start3A_27 = arith.constant 0 : i32
      %dma_start3A_28 = tpu.memref_slice %arg15[%dma_start3A_26, %dma_start3A_27] : memref<250x80xi32, #tpu.memory_space<vmem>> -> memref<125x80xi32, #tpu.memory_space<vmem>>
      %dma_start3A_29 = arith.constant 0 : i32
      %dma_start3A_30 = arith.constant 0 : i32
      %dma_start3A_31 = tpu.memref_slice %arg7[%mul3A_8, %dma_start3A_29, %dma_start3A_30] : memref<32x125x80xi32, #tpu.memory_space<hbm>> -> memref<1x125x80xi32, #tpu.memory_space<hbm>>
      %dma_start3A_32 = tpu.memref_squeeze %dma_start3A_31 : memref<1x125x80xi32, #tpu.memory_space<hbm>> -> memref<125x80xi32, #tpu.memory_space<hbm>>
      tpu.enqueue_dma source(%dma_start3A_32 : memref<125x80xi32, #tpu.memory_space<hbm>>) target(%dma_start3A_28 : memref<125x80xi32, #tpu.memory_space<vmem>>) target_semaphore(%run_scoped3A : memref<!tpu.dma_semaphore, #tpu.memory_space<semaphore_mem>>)
      %dma_wait3A = arith.constant 0 : i32
      %dma_wait3A_33 = arith.constant 0 : i32
      %dma_wait3A_34 = tpu.memref_slice %arg15[%dma_wait3A, %dma_wait3A_33] : memref<250x80xi32, #tpu.memory_space<vmem>> -> memref<125x80xi32, #tpu.memory_space<vmem>>
      %dma_wait3A_35 = arith.constant 0 : i32
      %dma_wait3A_36 = arith.constant 0 : i32
      %dma_wait3A_37 = tpu.memref_slice %arg7[%mul3A_8, %dma_wait3A_35, %dma_wait3A_36] : memref<32x125x80xi32, #tpu.memory_space<hbm>> -> memref<1x125x80xi32, #tpu.memory_space<hbm>>
      %dma_wait3A_38 = tpu.memref_squeeze %dma_wait3A_37 : memref<1x125x80xi32, #tpu.memory_space<hbm>> -> memref<125x80xi32, #tpu.memory_space<hbm>>
      %dma_wait3A_39 = arith.constant 0 : i32
      %dma_wait3A_40 = arith.constant 0 : i32
      %dma_wait3A_41 = tpu.memref_slice %arg15[%dma_wait3A_39, %dma_wait3A_40] : memref<250x80xi32, #tpu.memory_space<vmem>> -> memref<125x80xi32, #tpu.memory_space<vmem>>
      %dma_wait3A_42 = arith.constant 0 : i32
      %dma_wait3A_43 = arith.constant 0 : i32
      %dma_wait3A_44 = tpu.memref_slice %arg7[%mul3A_8, %dma_wait3A_42, %dma_wait3A_43] : memref<32x125x80xi32, #tpu.memory_space<hbm>> -> memref<1x125x80xi32, #tpu.memory_space<hbm>>
      %dma_wait3A_45 = tpu.memref_squeeze %dma_wait3A_44 : memref<1x125x80xi32, #tpu.memory_space<hbm>> -> memref<125x80xi32, #tpu.memory_space<hbm>>
      tpu.wait_dma2 semaphore(%run_scoped3A : memref<!tpu.dma_semaphore, #tpu.memory_space<semaphore_mem>>) src(%dma_wait3A_45 : memref<125x80xi32, #tpu.memory_space<hbm>>) dst(%dma_wait3A_41 : memref<125x80xi32, #tpu.memory_space<vmem>>)
      tpu.yield
    }) : () -> ()
    %mul3A_9 = arith.constant 2 : i32
    %mul3A_10 = arith.muli %mul3A_9, %arg1 : i32
    %add3A_11 = arith.constant 1 : i32
    %add3A_12 = arith.addi %mul3A_10, %add3A_11 : i32
    "tpu.region"() ({
      %run_scoped3A = tpu.sem_alloc : memref<!tpu.dma_semaphore, #tpu.memory_space<semaphore_mem>>
      %dma_start3A = arith.constant 125 : i32
      %dma_start3A_20 = arith.constant 0 : i32
      %dma_start3A_21 = tpu.memref_slice %arg15[%dma_start3A, %dma_start3A_20] : memref<250x80xi32, #tpu.memory_space<vmem>> -> memref<125x80xi32, #tpu.memory_space<vmem>>
      %dma_start3A_22 = arith.constant 0 : i32
      %dma_start3A_23 = arith.constant 0 : i32
      %dma_start3A_24 = tpu.memref_slice %arg7[%add3A_12, %dma_start3A_22, %dma_start3A_23] : memref<32x125x80xi32, #tpu.memory_space<hbm>> -> memref<1x125x80xi32, #tpu.memory_space<hbm>>
      %dma_start3A_25 = tpu.memref_squeeze %dma_start3A_24 : memref<1x125x80xi32, #tpu.memory_space<hbm>> -> memref<125x80xi32, #tpu.memory_space<hbm>>
      %dma_start3A_26 = arith.constant 125 : i32
      %dma_start3A_27 = arith.constant 0 : i32
      %dma_start3A_28 = tpu.memref_slice %arg15[%dma_start3A_26, %dma_start3A_27] : memref<250x80xi32, #tpu.memory_space<vmem>> -> memref<125x80xi32, #tpu.memory_space<vmem>>
      %dma_start3A_29 = arith.constant 0 : i32
      %dma_start3A_30 = arith.constant 0 : i32
      %dma_start3A_31 = tpu.memref_slice %arg7[%add3A_12, %dma_start3A_29, %dma_start3A_30] : memref<32x125x80xi32, #tpu.memory_space<hbm>> -> memref<1x125x80xi32, #tpu.memory_space<hbm>>
      %dma_start3A_32 = tpu.memref_squeeze %dma_start3A_31 : memref<1x125x80xi32, #tpu.memory_space<hbm>> -> memref<125x80xi32, #tpu.memory_space<hbm>>
      tpu.enqueue_dma source(%dma_start3A_32 : memref<125x80xi32, #tpu.memory_space<hbm>>) target(%dma_start3A_28 : memref<125x80xi32, #tpu.memory_space<vmem>>) target_semaphore(%run_scoped3A : memref<!tpu.dma_semaphore, #tpu.memory_space<semaphore_mem>>)
      %dma_wait3A = arith.constant 125 : i32
      %dma_wait3A_33 = arith.constant 0 : i32
      %dma_wait3A_34 = tpu.memref_slice %arg15[%dma_wait3A, %dma_wait3A_33] : memref<250x80xi32, #tpu.memory_space<vmem>> -> memref<125x80xi32, #tpu.memory_space<vmem>>
      %dma_wait3A_35 = arith.constant 0 : i32
      %dma_wait3A_36 = arith.constant 0 : i32
      %dma_wait3A_37 = tpu.memref_slice %arg7[%add3A_12, %dma_wait3A_35, %dma_wait3A_36] : memref<32x125x80xi32, #tpu.memory_space<hbm>> -> memref<1x125x80xi32, #tpu.memory_space<hbm>>
      %dma_wait3A_38 = tpu.memref_squeeze %dma_wait3A_37 : memref<1x125x80xi32, #tpu.memory_space<hbm>> -> memref<125x80xi32, #tpu.memory_space<hbm>>
      %dma_wait3A_39 = arith.constant 125 : i32
      %dma_wait3A_40 = arith.constant 0 : i32
      %dma_wait3A_41 = tpu.memref_slice %arg15[%dma_wait3A_39, %dma_wait3A_40] : memref<250x80xi32, #tpu.memory_space<vmem>> -> memref<125x80xi32, #tpu.memory_space<vmem>>
      %dma_wait3A_42 = arith.constant 0 : i32
      %dma_wait3A_43 = arith.constant 0 : i32
      %dma_wait3A_44 = tpu.memref_slice %arg7[%add3A_12, %dma_wait3A_42, %dma_wait3A_43] : memref<32x125x80xi32, #tpu.memory_space<hbm>> -> memref<1x125x80xi32, #tpu.memory_space<hbm>>
      %dma_wait3A_45 = tpu.memref_squeeze %dma_wait3A_44 : memref<1x125x80xi32, #tpu.memory_space<hbm>> -> memref<125x80xi32, #tpu.memory_space<hbm>>
      tpu.wait_dma2 semaphore(%run_scoped3A : memref<!tpu.dma_semaphore, #tpu.memory_space<semaphore_mem>>) src(%dma_wait3A_45 : memref<125x80xi32, #tpu.memory_space<hbm>>) dst(%dma_wait3A_41 : memref<125x80xi32, #tpu.memory_space<vmem>>)
      tpu.yield
    }) : () -> ()
    %eq3A = arith.constant 0 : i32
    %eq3A_13 = arith.cmpi eq, %arg0, %eq3A : i32
    %convert_element_type3A = arith.extui %eq3A_13 : i1 to i32
    %cond3A = arith.constant 0 : i32
    %cond3A_14 = arith.cmpi ne, %convert_element_type3A, %cond3A : i32
    scf.if %cond3A_14 {
      "tpu.region"() ({
        %run_scoped3A_123 = tpu.sem_alloc : memref<!tpu.dma_semaphore, #tpu.memory_space<semaphore_mem>>
        %dma_start3A_124 = arith.constant 0 : i32
        %dma_start3A_125 = tpu.memref_slice %arg13[%min3A_1, %dma_start3A_124] : memref<10000x64xf32, #tpu.memory_space<vmem_shared>> -> memref<640x64xf32, #tpu.memory_space<vmem_shared>>
        %dma_start3A_126 = arith.constant 0 : i32
        %dma_start3A_127 = tpu.memref_slice %arg8[%min3A_1, %dma_start3A_126] : memref<10000x64xf32, #tpu.memory_space<hbm>> -> memref<640x64xf32, #tpu.memory_space<hbm>>
        tpu.enqueue_dma source(%dma_start3A_127 : memref<640x64xf32, #tpu.memory_space<hbm>>) target(%dma_start3A_125 : memref<640x64xf32, #tpu.memory_space<vmem_shared>>) target_semaphore(%run_scoped3A_123 : memref<!tpu.dma_semaphore, #tpu.memory_space<semaphore_mem>>)
        %dma_wait3A_128 = arith.constant 0 : i32
        %dma_wait3A_129 = tpu.memref_slice %arg13[%min3A_1, %dma_wait3A_128] : memref<10000x64xf32, #tpu.memory_space<vmem_shared>> -> memref<640x64xf32, #tpu.memory_space<vmem_shared>>
        %dma_wait3A_130 = arith.constant 0 : i32
        %dma_wait3A_131 = tpu.memref_slice %arg8[%min3A_1, %dma_wait3A_130] : memref<10000x64xf32, #tpu.memory_space<hbm>> -> memref<640x64xf32, #tpu.memory_space<hbm>>
        tpu.wait_dma2 semaphore(%run_scoped3A_123 : memref<!tpu.dma_semaphore, #tpu.memory_space<semaphore_mem>>) src(%dma_wait3A_131 : memref<640x64xf32, #tpu.memory_space<hbm>>) dst(%dma_wait3A_129 : memref<640x64xf32, #tpu.memory_space<vmem_shared>>)
        tpu.yield
      }) : () -> ()
      %barrier3A = arith.constant 0 : index
      tpu.barrier barrier_id(%barrier3A)
      %dma_start3A = arith.constant 0 : i32
      %dma_start3A_20 = arith.constant 0 : i32
      %dma_start3A_21 = tpu.memref_slice %arg14[%dma_start3A, %dma_start3A_20] : memref<250x80xi32, #tpu.memory_space<vmem>> -> memref<1x80xi32, #tpu.memory_space<vmem>>
      %dma_start3A_22 = tpu.memref_squeeze %dma_start3A_21 : memref<1x80xi32, #tpu.memory_space<vmem>> -> memref<80xi32, #tpu.memory_space<vmem>>
      %dma_start3A_23 = arith.constant 0 : i32
      %dma_start3A_24 = arith.constant 0 : i32
      %dma_start3A_25 = tpu.memref_slice %arg2[%dma_start3A_23, %dma_start3A_24] : memref<10000x64xf32, #tpu.memory_space<hbm>> -> memref<10000x64xf32, #tpu.memory_space<hbm>>
      tpu.enqueue_indirect_dma source(%dma_start3A_25 : memref<10000x64xf32, #tpu.memory_space<hbm>>) target(%arg16 : memref<80x64xf32, #tpu.memory_space<vmem>>) offsets(%dma_start3A_22 : memref<80xi32, #tpu.memory_space<vmem>>) semaphore(%arg20 : memref<!tpu.dma_semaphore, #tpu.memory_space<semaphore_mem>>)
      %dma_start3A_26 = arith.constant 1 : i32
      %dma_start3A_27 = arith.constant 0 : i32
      %dma_start3A_28 = tpu.memref_slice %arg14[%dma_start3A_26, %dma_start3A_27] : memref<250x80xi32, #tpu.memory_space<vmem>> -> memref<1x80xi32, #tpu.memory_space<vmem>>
      %dma_start3A_29 = tpu.memref_squeeze %dma_start3A_28 : memref<1x80xi32, #tpu.memory_space<vmem>> -> memref<80xi32, #tpu.memory_space<vmem>>
      %dma_start3A_30 = arith.constant 0 : i32
      %dma_start3A_31 = arith.constant 0 : i32
      %dma_start3A_32 = tpu.memref_slice %arg2[%dma_start3A_30, %dma_start3A_31] : memref<10000x64xf32, #tpu.memory_space<hbm>> -> memref<10000x64xf32, #tpu.memory_space<hbm>>
      tpu.enqueue_indirect_dma source(%dma_start3A_32 : memref<10000x64xf32, #tpu.memory_space<hbm>>) target(%arg17 : memref<80x64xf32, #tpu.memory_space<vmem>>) offsets(%dma_start3A_29 : memref<80xi32, #tpu.memory_space<vmem>>) semaphore(%arg21 : memref<!tpu.dma_semaphore, #tpu.memory_space<semaphore_mem>>)
      %dma_start3A_33 = arith.constant 2 : i32
      %dma_start3A_34 = arith.constant 0 : i32
      %dma_start3A_35 = tpu.memref_slice %arg14[%dma_start3A_33, %dma_start3A_34] : memref<250x80xi32, #tpu.memory_space<vmem>> -> memref<1x80xi32, #tpu.memory_space<vmem>>
      %dma_start3A_36 = tpu.memref_squeeze %dma_start3A_35 : memref<1x80xi32, #tpu.memory_space<vmem>> -> memref<80xi32, #tpu.memory_space<vmem>>
      %dma_start3A_37 = arith.constant 0 : i32
      %dma_start3A_38 = arith.constant 0 : i32
      %dma_start3A_39 = tpu.memref_slice %arg2[%dma_start3A_37, %dma_start3A_38] : memref<10000x64xf32, #tpu.memory_space<hbm>> -> memref<10000x64xf32, #tpu.memory_space<hbm>>
      tpu.enqueue_indirect_dma source(%dma_start3A_39 : memref<10000x64xf32, #tpu.memory_space<hbm>>) target(%arg18 : memref<80x64xf32, #tpu.memory_space<vmem>>) offsets(%dma_start3A_36 : memref<80xi32, #tpu.memory_space<vmem>>) semaphore(%arg22 : memref<!tpu.dma_semaphore, #tpu.memory_space<semaphore_mem>>)
      %dma_start3A_40 = arith.constant 3 : i32
      %dma_start3A_41 = arith.constant 0 : i32
      %dma_start3A_42 = tpu.memref_slice %arg14[%dma_start3A_40, %dma_start3A_41] : memref<250x80xi32, #tpu.memory_space<vmem>> -> memref<1x80xi32, #tpu.memory_space<vmem>>
      %dma_start3A_43 = tpu.memref_squeeze %dma_start3A_42 : memref<1x80xi32, #tpu.memory_space<vmem>> -> memref<80xi32, #tpu.memory_space<vmem>>
      %dma_start3A_44 = arith.constant 0 : i32
      %dma_start3A_45 = arith.constant 0 : i32
      %dma_start3A_46 = tpu.memref_slice %arg2[%dma_start3A_44, %dma_start3A_45] : memref<10000x64xf32, #tpu.memory_space<hbm>> -> memref<10000x64xf32, #tpu.memory_space<hbm>>
      tpu.enqueue_indirect_dma source(%dma_start3A_46 : memref<10000x64xf32, #tpu.memory_space<hbm>>) target(%arg19 : memref<80x64xf32, #tpu.memory_space<vmem>>) offsets(%dma_start3A_43 : memref<80xi32, #tpu.memory_space<vmem>>) semaphore(%arg23 : memref<!tpu.dma_semaphore, #tpu.memory_space<semaphore_mem>>)
      %scan3A = arith.constant 0 : i32
      %scan3A_47 = arith.constant 0 : i32
      %scan3A_48 = arith.constant 62 : i32
      %scan3A_49 = arith.addi %scan3A_47, %scan3A_48 : i32
      %scan3A_50 = arith.constant 1 : i32
      %scan3A_51 = scf.for %scan3A_123 = %scan3A_47 to %scan3A_49 step %scan3A_50 iter_args(%scan3A_124 = %scan3A) -> (i32)  : i32 {
        %mul3A_125 = arith.constant 4 : i32
        %mul3A_126 = arith.muli %mul3A_125, %scan3A_123 : i32
        %add3A_127 = arith.constant 0 : i32
        %add3A_128 = arith.addi %mul3A_126, %add3A_127 : i32
        %dma_wait3A_129 = arith.constant 0 : i32
        %dma_wait3A_130 = tpu.memref_slice %arg14[%add3A_128, %dma_wait3A_129] : memref<250x80xi32, #tpu.memory_space<vmem>> -> memref<1x80xi32, #tpu.memory_space<vmem>>
        %dma_wait3A_131 = tpu.memref_squeeze %dma_wait3A_130 : memref<1x80xi32, #tpu.memory_space<vmem>> -> memref<80xi32, #tpu.memory_space<vmem>>
        %dma_wait3A_132 = arith.constant 0 : i32
        %dma_wait3A_133 = arith.constant 0 : i32
        %dma_wait3A_134 = tpu.memref_slice %arg2[%dma_wait3A_132, %dma_wait3A_133] : memref<10000x64xf32, #tpu.memory_space<hbm>> -> memref<10000x64xf32, #tpu.memory_space<hbm>>
        tpu.wait_indirect_dma semaphore(%arg20 : memref<!tpu.dma_semaphore, #tpu.memory_space<semaphore_mem>>) src(%dma_wait3A_134 : memref<10000x64xf32, #tpu.memory_space<hbm>>) dst(%arg16 : memref<80x64xf32, #tpu.memory_space<vmem>>)
        "tpu.region"() ({
          %run_scoped3A_193 = tpu.sem_alloc : memref<!tpu.dma_semaphore, #tpu.memory_space<semaphore_mem>>
          %dma_start3A_194 = arith.constant 0 : i32
          %dma_start3A_195 = tpu.memref_slice %arg15[%add3A_128, %dma_start3A_194] : memref<250x80xi32, #tpu.memory_space<vmem>> -> memref<1x80xi32, #tpu.memory_space<vmem>>
          %dma_start3A_196 = tpu.memref_squeeze %dma_start3A_195 : memref<1x80xi32, #tpu.memory_space<vmem>> -> memref<80xi32, #tpu.memory_space<vmem>>
          %dma_start3A_197 = arith.constant 0 : i32
          %dma_start3A_198 = arith.constant 0 : i32
          %dma_start3A_199 = tpu.memref_slice %arg13[%dma_start3A_197, %dma_start3A_198] : memref<10000x64xf32, #tpu.memory_space<vmem_shared>> -> memref<10000x64xf32, #tpu.memory_space<vmem_shared>>
          tpu.enqueue_indirect_dma source(%arg16 : memref<80x64xf32, #tpu.memory_space<vmem>>) target(%dma_start3A_199 : memref<10000x64xf32, #tpu.memory_space<vmem_shared>>) offsets(%dma_start3A_196 : memref<80xi32, #tpu.memory_space<vmem>>) semaphore(%run_scoped3A_193 : memref<!tpu.dma_semaphore, #tpu.memory_space<semaphore_mem>>) {add = true}
          %dma_wait3A_200 = arith.constant 0 : i32
          %dma_wait3A_201 = tpu.memref_slice %arg15[%add3A_128, %dma_wait3A_200] : memref<250x80xi32, #tpu.memory_space<vmem>> -> memref<1x80xi32, #tpu.memory_space<vmem>>
          %dma_wait3A_202 = tpu.memref_squeeze %dma_wait3A_201 : memref<1x80xi32, #tpu.memory_space<vmem>> -> memref<80xi32, #tpu.memory_space<vmem>>
          %dma_wait3A_203 = arith.constant 0 : i32
          %dma_wait3A_204 = arith.constant 0 : i32
          %dma_wait3A_205 = tpu.memref_slice %arg13[%dma_wait3A_203, %dma_wait3A_204] : memref<10000x64xf32, #tpu.memory_space<vmem_shared>> -> memref<10000x64xf32, #tpu.memory_space<vmem_shared>>
          tpu.wait_indirect_dma semaphore(%run_scoped3A_193 : memref<!tpu.dma_semaphore, #tpu.memory_space<semaphore_mem>>) src(%arg16 : memref<80x64xf32, #tpu.memory_space<vmem>>) dst(%dma_wait3A_205 : memref<10000x64xf32, #tpu.memory_space<vmem_shared>>)
          tpu.yield
        }) : () -> ()
        %add3A_135 = arith.constant 4 : i32
        %add3A_136 = arith.addi %add3A_128, %add3A_135 : i32
        %lt3A = arith.constant 250 : i32
        %lt3A_137 = arith.cmpi slt, %add3A_136, %lt3A : i32
        %convert_element_type3A_138 = arith.extui %lt3A_137 : i1 to i32
        %cond3A_139 = arith.constant 0 : i32
        %cond3A_140 = arith.cmpi ne, %convert_element_type3A_138, %cond3A_139 : i32
        scf.if %cond3A_140 {
          %add3A_193 = arith.constant 4 : i32
          %add3A_194 = arith.addi %add3A_128, %add3A_193 : i32
          %dma_start3A_195 = arith.constant 0 : i32
          %dma_start3A_196 = tpu.memref_slice %arg14[%add3A_194, %dma_start3A_195] : memref<250x80xi32, #tpu.memory_space<vmem>> -> memref<1x80xi32, #tpu.memory_space<vmem>>
          %dma_start3A_197 = tpu.memref_squeeze %dma_start3A_196 : memref<1x80xi32, #tpu.memory_space<vmem>> -> memref<80xi32, #tpu.memory_space<vmem>>
          %dma_start3A_198 = arith.constant 0 : i32
          %dma_start3A_199 = arith.constant 0 : i32
          %dma_start3A_200 = tpu.memref_slice %arg2[%dma_start3A_198, %dma_start3A_199] : memref<10000x64xf32, #tpu.memory_space<hbm>> -> memref<10000x64xf32, #tpu.memory_space<hbm>>
          tpu.enqueue_indirect_dma source(%dma_start3A_200 : memref<10000x64xf32, #tpu.memory_space<hbm>>) target(%arg16 : memref<80x64xf32, #tpu.memory_space<vmem>>) offsets(%dma_start3A_197 : memref<80xi32, #tpu.memory_space<vmem>>) semaphore(%arg20 : memref<!tpu.dma_semaphore, #tpu.memory_space<semaphore_mem>>)
        } else {
        }
        %mul3A_141 = arith.constant 4 : i32
        %mul3A_142 = arith.muli %mul3A_141, %scan3A_123 : i32
        %add3A_143 = arith.constant 1 : i32
        %add3A_144 = arith.addi %mul3A_142, %add3A_143 : i32
        %dma_wait3A_145 = arith.constant 0 : i32
        %dma_wait3A_146 = tpu.memref_slice %arg14[%add3A_144, %dma_wait3A_145] : memref<250x80xi32, #tpu.memory_space<vmem>> -> memref<1x80xi32, #tpu.memory_space<vmem>>
        %dma_wait3A_147 = tpu.memref_squeeze %dma_wait3A_146 : memref<1x80xi32, #tpu.memory_space<vmem>> -> memref<80xi32, #tpu.memory_space<vmem>>
        %dma_wait3A_148 = arith.constant 0 : i32
        %dma_wait3A_149 = arith.constant 0 : i32
        %dma_wait3A_150 = tpu.memref_slice %arg2[%dma_wait3A_148, %dma_wait3A_149] : memref<10000x64xf32, #tpu.memory_space<hbm>> -> memref<10000x64xf32, #tpu.memory_space<hbm>>
        tpu.wait_indirect_dma semaphore(%arg21 : memref<!tpu.dma_semaphore, #tpu.memory_space<semaphore_mem>>) src(%dma_wait3A_150 : memref<10000x64xf32, #tpu.memory_space<hbm>>) dst(%arg17 : memref<80x64xf32, #tpu.memory_space<vmem>>)
        "tpu.region"() ({
          %run_scoped3A_193 = tpu.sem_alloc : memref<!tpu.dma_semaphore, #tpu.memory_space<semaphore_mem>>
          %dma_start3A_194 = arith.constant 0 : i32
          %dma_start3A_195 = tpu.memref_slice %arg15[%add3A_144, %dma_start3A_194] : memref<250x80xi32, #tpu.memory_space<vmem>> -> memref<1x80xi32, #tpu.memory_space<vmem>>
          %dma_start3A_196 = tpu.memref_squeeze %dma_start3A_195 : memref<1x80xi32, #tpu.memory_space<vmem>> -> memref<80xi32, #tpu.memory_space<vmem>>
          %dma_start3A_197 = arith.constant 0 : i32
          %dma_start3A_198 = arith.constant 0 : i32
          %dma_start3A_199 = tpu.memref_slice %arg13[%dma_start3A_197, %dma_start3A_198] : memref<10000x64xf32, #tpu.memory_space<vmem_shared>> -> memref<10000x64xf32, #tpu.memory_space<vmem_shared>>
          tpu.enqueue_indirect_dma source(%arg17 : memref<80x64xf32, #tpu.memory_space<vmem>>) target(%dma_start3A_199 : memref<10000x64xf32, #tpu.memory_space<vmem_shared>>) offsets(%dma_start3A_196 : memref<80xi32, #tpu.memory_space<vmem>>) semaphore(%run_scoped3A_193 : memref<!tpu.dma_semaphore, #tpu.memory_space<semaphore_mem>>) {add = true}
          %dma_wait3A_200 = arith.constant 0 : i32
          %dma_wait3A_201 = tpu.memref_slice %arg15[%add3A_144, %dma_wait3A_200] : memref<250x80xi32, #tpu.memory_space<vmem>> -> memref<1x80xi32, #tpu.memory_space<vmem>>
          %dma_wait3A_202 = tpu.memref_squeeze %dma_wait3A_201 : memref<1x80xi32, #tpu.memory_space<vmem>> -> memref<80xi32, #tpu.memory_space<vmem>>
          %dma_wait3A_203 = arith.constant 0 : i32
          %dma_wait3A_204 = arith.constant 0 : i32
          %dma_wait3A_205 = tpu.memref_slice %arg13[%dma_wait3A_203, %dma_wait3A_204] : memref<10000x64xf32, #tpu.memory_space<vmem_shared>> -> memref<10000x64xf32, #tpu.memory_space<vmem_shared>>
          tpu.wait_indirect_dma semaphore(%run_scoped3A_193 : memref<!tpu.dma_semaphore, #tpu.memory_space<semaphore_mem>>) src(%arg17 : memref<80x64xf32, #tpu.memory_space<vmem>>) dst(%dma_wait3A_205 : memref<10000x64xf32, #tpu.memory_space<vmem_shared>>)
          tpu.yield
        }) : () -> ()
        %add3A_151 = arith.constant 4 : i32
        %add3A_152 = arith.addi %add3A_144, %add3A_151 : i32
        %lt3A_153 = arith.constant 250 : i32
        %lt3A_154 = arith.cmpi slt, %add3A_152, %lt3A_153 : i32
        %convert_element_type3A_155 = arith.extui %lt3A_154 : i1 to i32
        %cond3A_156 = arith.constant 0 : i32
        %cond3A_157 = arith.cmpi ne, %convert_element_type3A_155, %cond3A_156 : i32
        scf.if %cond3A_157 {
          %add3A_193 = arith.constant 4 : i32
          %add3A_194 = arith.addi %add3A_144, %add3A_193 : i32
          %dma_start3A_195 = arith.constant 0 : i32
          %dma_start3A_196 = tpu.memref_slice %arg14[%add3A_194, %dma_start3A_195] : memref<250x80xi32, #tpu.memory_space<vmem>> -> memref<1x80xi32, #tpu.memory_space<vmem>>
          %dma_start3A_197 = tpu.memref_squeeze %dma_start3A_196 : memref<1x80xi32, #tpu.memory_space<vmem>> -> memref<80xi32, #tpu.memory_space<vmem>>
          %dma_start3A_198 = arith.constant 0 : i32
          %dma_start3A_199 = arith.constant 0 : i32
          %dma_start3A_200 = tpu.memref_slice %arg2[%dma_start3A_198, %dma_start3A_199] : memref<10000x64xf32, #tpu.memory_space<hbm>> -> memref<10000x64xf32, #tpu.memory_space<hbm>>
          tpu.enqueue_indirect_dma source(%dma_start3A_200 : memref<10000x64xf32, #tpu.memory_space<hbm>>) target(%arg17 : memref<80x64xf32, #tpu.memory_space<vmem>>) offsets(%dma_start3A_197 : memref<80xi32, #tpu.memory_space<vmem>>) semaphore(%arg21 : memref<!tpu.dma_semaphore, #tpu.memory_space<semaphore_mem>>)
        } else {
        }
        %mul3A_158 = arith.constant 4 : i32
        %mul3A_159 = arith.muli %mul3A_158, %scan3A_123 : i32
        %add3A_160 = arith.constant 2 : i32
        %add3A_161 = arith.addi %mul3A_159, %add3A_160 : i32
        %dma_wait3A_162 = arith.constant 0 : i32
        %dma_wait3A_163 = tpu.memref_slice %arg14[%add3A_161, %dma_wait3A_162] : memref<250x80xi32, #tpu.memory_space<vmem>> -> memref<1x80xi32, #tpu.memory_space<vmem>>
        %dma_wait3A_164 = tpu.memref_squeeze %dma_wait3A_163 : memref<1x80xi32, #tpu.memory_space<vmem>> -> memref<80xi32, #tpu.memory_space<vmem>>
        %dma_wait3A_165 = arith.constant 0 : i32
        %dma_wait3A_166 = arith.constant 0 : i32
        %dma_wait3A_167 = tpu.memref_slice %arg2[%dma_wait3A_165, %dma_wait3A_166] : memref<10000x64xf32, #tpu.memory_space<hbm>> -> memref<10000x64xf32, #tpu.memory_space<hbm>>
        tpu.wait_indirect_dma semaphore(%arg22 : memref<!tpu.dma_semaphore, #tpu.memory_space<semaphore_mem>>) src(%dma_wait3A_167 : memref<10000x64xf32, #tpu.memory_space<hbm>>) dst(%arg18 : memref<80x64xf32, #tpu.memory_space<vmem>>)
        "tpu.region"() ({
          %run_scoped3A_193 = tpu.sem_alloc : memref<!tpu.dma_semaphore, #tpu.memory_space<semaphore_mem>>
          %dma_start3A_194 = arith.constant 0 : i32
          %dma_start3A_195 = tpu.memref_slice %arg15[%add3A_161, %dma_start3A_194] : memref<250x80xi32, #tpu.memory_space<vmem>> -> memref<1x80xi32, #tpu.memory_space<vmem>>
          %dma_start3A_196 = tpu.memref_squeeze %dma_start3A_195 : memref<1x80xi32, #tpu.memory_space<vmem>> -> memref<80xi32, #tpu.memory_space<vmem>>
          %dma_start3A_197 = arith.constant 0 : i32
          %dma_start3A_198 = arith.constant 0 : i32
          %dma_start3A_199 = tpu.memref_slice %arg13[%dma_start3A_197, %dma_start3A_198] : memref<10000x64xf32, #tpu.memory_space<vmem_shared>> -> memref<10000x64xf32, #tpu.memory_space<vmem_shared>>
          tpu.enqueue_indirect_dma source(%arg18 : memref<80x64xf32, #tpu.memory_space<vmem>>) target(%dma_start3A_199 : memref<10000x64xf32, #tpu.memory_space<vmem_shared>>) offsets(%dma_start3A_196 : memref<80xi32, #tpu.memory_space<vmem>>) semaphore(%run_scoped3A_193 : memref<!tpu.dma_semaphore, #tpu.memory_space<semaphore_mem>>) {add = true}
          %dma_wait3A_200 = arith.constant 0 : i32
          %dma_wait3A_201 = tpu.memref_slice %arg15[%add3A_161, %dma_wait3A_200] : memref<250x80xi32, #tpu.memory_space<vmem>> -> memref<1x80xi32, #tpu.memory_space<vmem>>
          %dma_wait3A_202 = tpu.memref_squeeze %dma_wait3A_201 : memref<1x80xi32, #tpu.memory_space<vmem>> -> memref<80xi32, #tpu.memory_space<vmem>>
          %dma_wait3A_203 = arith.constant 0 : i32
          %dma_wait3A_204 = arith.constant 0 : i32
          %dma_wait3A_205 = tpu.memref_slice %arg13[%dma_wait3A_203, %dma_wait3A_204] : memref<10000x64xf32, #tpu.memory_space<vmem_shared>> -> memref<10000x64xf32, #tpu.memory_space<vmem_shared>>
          tpu.wait_indirect_dma semaphore(%run_scoped3A_193 : memref<!tpu.dma_semaphore, #tpu.memory_space<semaphore_mem>>) src(%arg18 : memref<80x64xf32, #tpu.memory_space<vmem>>) dst(%dma_wait3A_205 : memref<10000x64xf32, #tpu.memory_space<vmem_shared>>)
          tpu.yield
        }) : () -> ()
        %add3A_168 = arith.constant 4 : i32
        %add3A_169 = arith.addi %add3A_161, %add3A_168 : i32
        %lt3A_170 = arith.constant 250 : i32
        %lt3A_171 = arith.cmpi slt, %add3A_169, %lt3A_170 : i32
        %convert_element_type3A_172 = arith.extui %lt3A_171 : i1 to i32
        %cond3A_173 = arith.constant 0 : i32
        %cond3A_174 = arith.cmpi ne, %convert_element_type3A_172, %cond3A_173 : i32
        scf.if %cond3A_174 {
          %add3A_193 = arith.constant 4 : i32
          %add3A_194 = arith.addi %add3A_161, %add3A_193 : i32
          %dma_start3A_195 = arith.constant 0 : i32
          %dma_start3A_196 = tpu.memref_slice %arg14[%add3A_194, %dma_start3A_195] : memref<250x80xi32, #tpu.memory_space<vmem>> -> memref<1x80xi32, #tpu.memory_space<vmem>>
          %dma_start3A_197 = tpu.memref_squeeze %dma_start3A_196 : memref<1x80xi32, #tpu.memory_space<vmem>> -> memref<80xi32, #tpu.memory_space<vmem>>
          %dma_start3A_198 = arith.constant 0 : i32
          %dma_start3A_199 = arith.constant 0 : i32
          %dma_start3A_200 = tpu.memref_slice %arg2[%dma_start3A_198, %dma_start3A_199] : memref<10000x64xf32, #tpu.memory_space<hbm>> -> memref<10000x64xf32, #tpu.memory_space<hbm>>
          tpu.enqueue_indirect_dma source(%dma_start3A_200 : memref<10000x64xf32, #tpu.memory_space<hbm>>) target(%arg18 : memref<80x64xf32, #tpu.memory_space<vmem>>) offsets(%dma_start3A_197 : memref<80xi32, #tpu.memory_space<vmem>>) semaphore(%arg22 : memref<!tpu.dma_semaphore, #tpu.memory_space<semaphore_mem>>)
        } else {
        }
        %mul3A_175 = arith.constant 4 : i32
        %mul3A_176 = arith.muli %mul3A_175, %scan3A_123 : i32
        %add3A_177 = arith.constant 3 : i32
        %add3A_178 = arith.addi %mul3A_176, %add3A_177 : i32
        %dma_wait3A_179 = arith.constant 0 : i32
        %dma_wait3A_180 = tpu.memref_slice %arg14[%add3A_178, %dma_wait3A_179] : memref<250x80xi32, #tpu.memory_space<vmem>> -> memref<1x80xi32, #tpu.memory_space<vmem>>
        %dma_wait3A_181 = tpu.memref_squeeze %dma_wait3A_180 : memref<1x80xi32, #tpu.memory_space<vmem>> -> memref<80xi32, #tpu.memory_space<vmem>>
        %dma_wait3A_182 = arith.constant 0 : i32
        %dma_wait3A_183 = arith.constant 0 : i32
        %dma_wait3A_184 = tpu.memref_slice %arg2[%dma_wait3A_182, %dma_wait3A_183] : memref<10000x64xf32, #tpu.memory_space<hbm>> -> memref<10000x64xf32, #tpu.memory_space<hbm>>
        tpu.wait_indirect_dma semaphore(%arg23 : memref<!tpu.dma_semaphore, #tpu.memory_space<semaphore_mem>>) src(%dma_wait3A_184 : memref<10000x64xf32, #tpu.memory_space<hbm>>) dst(%arg19 : memref<80x64xf32, #tpu.memory_space<vmem>>)
        "tpu.region"() ({
          %run_scoped3A_193 = tpu.sem_alloc : memref<!tpu.dma_semaphore, #tpu.memory_space<semaphore_mem>>
          %dma_start3A_194 = arith.constant 0 : i32
          %dma_start3A_195 = tpu.memref_slice %arg15[%add3A_178, %dma_start3A_194] : memref<250x80xi32, #tpu.memory_space<vmem>> -> memref<1x80xi32, #tpu.memory_space<vmem>>
          %dma_start3A_196 = tpu.memref_squeeze %dma_start3A_195 : memref<1x80xi32, #tpu.memory_space<vmem>> -> memref<80xi32, #tpu.memory_space<vmem>>
          %dma_start3A_197 = arith.constant 0 : i32
          %dma_start3A_198 = arith.constant 0 : i32
          %dma_start3A_199 = tpu.memref_slice %arg13[%dma_start3A_197, %dma_start3A_198] : memref<10000x64xf32, #tpu.memory_space<vmem_shared>> -> memref<10000x64xf32, #tpu.memory_space<vmem_shared>>
          tpu.enqueue_indirect_dma source(%arg19 : memref<80x64xf32, #tpu.memory_space<vmem>>) target(%dma_start3A_199 : memref<10000x64xf32, #tpu.memory_space<vmem_shared>>) offsets(%dma_start3A_196 : memref<80xi32, #tpu.memory_space<vmem>>) semaphore(%run_scoped3A_193 : memref<!tpu.dma_semaphore, #tpu.memory_space<semaphore_mem>>) {add = true}
          %dma_wait3A_200 = arith.constant 0 : i32
          %dma_wait3A_201 = tpu.memref_slice %arg15[%add3A_178, %dma_wait3A_200] : memref<250x80xi32, #tpu.memory_space<vmem>> -> memref<1x80xi32, #tpu.memory_space<vmem>>
          %dma_wait3A_202 = tpu.memref_squeeze %dma_wait3A_201 : memref<1x80xi32, #tpu.memory_space<vmem>> -> memref<80xi32, #tpu.memory_space<vmem>>
          %dma_wait3A_203 = arith.constant 0 : i32
          %dma_wait3A_204 = arith.constant 0 : i32
          %dma_wait3A_205 = tpu.memref_slice %arg13[%dma_wait3A_203, %dma_wait3A_204] : memref<10000x64xf32, #tpu.memory_space<vmem_shared>> -> memref<10000x64xf32, #tpu.memory_space<vmem_shared>>
          tpu.wait_indirect_dma semaphore(%run_scoped3A_193 : memref<!tpu.dma_semaphore, #tpu.memory_space<semaphore_mem>>) src(%arg19 : memref<80x64xf32, #tpu.memory_space<vmem>>) dst(%dma_wait3A_205 : memref<10000x64xf32, #tpu.memory_space<vmem_shared>>)
          tpu.yield
        }) : () -> ()
        %add3A_185 = arith.constant 4 : i32
        %add3A_186 = arith.addi %add3A_178, %add3A_185 : i32
        %lt3A_187 = arith.constant 250 : i32
        %lt3A_188 = arith.cmpi slt, %add3A_186, %lt3A_187 : i32
        %convert_element_type3A_189 = arith.extui %lt3A_188 : i1 to i32
        %cond3A_190 = arith.constant 0 : i32
        %cond3A_191 = arith.cmpi ne, %convert_element_type3A_189, %cond3A_190 : i32
        scf.if %cond3A_191 {
          %add3A_193 = arith.constant 4 : i32
          %add3A_194 = arith.addi %add3A_178, %add3A_193 : i32
          %dma_start3A_195 = arith.constant 0 : i32
          %dma_start3A_196 = tpu.memref_slice %arg14[%add3A_194, %dma_start3A_195] : memref<250x80xi32, #tpu.memory_space<vmem>> -> memref<1x80xi32, #tpu.memory_space<vmem>>
          %dma_start3A_197 = tpu.memref_squeeze %dma_start3A_196 : memref<1x80xi32, #tpu.memory_space<vmem>> -> memref<80xi32, #tpu.memory_space<vmem>>
          %dma_start3A_198 = arith.constant 0 : i32
          %dma_start3A_199 = arith.constant 0 : i32
          %dma_start3A_200 = tpu.memref_slice %arg2[%dma_start3A_198, %dma_start3A_199] : memref<10000x64xf32, #tpu.memory_space<hbm>> -> memref<10000x64xf32, #tpu.memory_space<hbm>>
          tpu.enqueue_indirect_dma source(%dma_start3A_200 : memref<10000x64xf32, #tpu.memory_space<hbm>>) target(%arg19 : memref<80x64xf32, #tpu.memory_space<vmem>>) offsets(%dma_start3A_197 : memref<80xi32, #tpu.memory_space<vmem>>) semaphore(%arg23 : memref<!tpu.dma_semaphore, #tpu.memory_space<semaphore_mem>>)
        } else {
        }
        %scan3A_192 = arith.constant 0 : i32
        scf.yield %scan3A_192 : i32
      }
      %scan3A_52 = arith.constant 62 : i32
      %dma_wait3A = arith.constant 248 : i32
      %dma_wait3A_53 = arith.constant 0 : i32
      %dma_wait3A_54 = tpu.memref_slice %arg14[%dma_wait3A, %dma_wait3A_53] : memref<250x80xi32, #tpu.memory_space<vmem>> -> memref<1x80xi32, #tpu.memory_space<vmem>>
      %dma_wait3A_55 = tpu.memref_squeeze %dma_wait3A_54 : memref<1x80xi32, #tpu.memory_space<vmem>> -> memref<80xi32, #tpu.memory_space<vmem>>
      %dma_wait3A_56 = arith.constant 0 : i32
      %dma_wait3A_57 = arith.constant 0 : i32
      %dma_wait3A_58 = tpu.memref_slice %arg2[%dma_wait3A_56, %dma_wait3A_57] : memref<10000x64xf32, #tpu.memory_space<hbm>> -> memref<10000x64xf32, #tpu.memory_space<hbm>>
      tpu.wait_indirect_dma semaphore(%arg20 : memref<!tpu.dma_semaphore, #tpu.memory_space<semaphore_mem>>) src(%dma_wait3A_58 : memref<10000x64xf32, #tpu.memory_space<hbm>>) dst(%arg16 : memref<80x64xf32, #tpu.memory_space<vmem>>)
      %run_scoped3A = arith.constant 248 : i32
      "tpu.region"() ({
        %run_scoped3A_123 = tpu.sem_alloc : memref<!tpu.dma_semaphore, #tpu.memory_space<semaphore_mem>>
        %dma_start3A_124 = arith.constant 0 : i32
        %dma_start3A_125 = tpu.memref_slice %arg15[%run_scoped3A, %dma_start3A_124] : memref<250x80xi32, #tpu.memory_space<vmem>> -> memref<1x80xi32, #tpu.memory_space<vmem>>
        %dma_start3A_126 = tpu.memref_squeeze %dma_start3A_125 : memref<1x80xi32, #tpu.memory_space<vmem>> -> memref<80xi32, #tpu.memory_space<vmem>>
        %dma_start3A_127 = arith.constant 0 : i32
        %dma_start3A_128 = arith.constant 0 : i32
        %dma_start3A_129 = tpu.memref_slice %arg13[%dma_start3A_127, %dma_start3A_128] : memref<10000x64xf32, #tpu.memory_space<vmem_shared>> -> memref<10000x64xf32, #tpu.memory_space<vmem_shared>>
        tpu.enqueue_indirect_dma source(%arg16 : memref<80x64xf32, #tpu.memory_space<vmem>>) target(%dma_start3A_129 : memref<10000x64xf32, #tpu.memory_space<vmem_shared>>) offsets(%dma_start3A_126 : memref<80xi32, #tpu.memory_space<vmem>>) semaphore(%run_scoped3A_123 : memref<!tpu.dma_semaphore, #tpu.memory_space<semaphore_mem>>) {add = true}
        %dma_wait3A_130 = arith.constant 0 : i32
        %dma_wait3A_131 = tpu.memref_slice %arg15[%run_scoped3A, %dma_wait3A_130] : memref<250x80xi32, #tpu.memory_space<vmem>> -> memref<1x80xi32, #tpu.memory_space<vmem>>
        %dma_wait3A_132 = tpu.memref_squeeze %dma_wait3A_131 : memref<1x80xi32, #tpu.memory_space<vmem>> -> memref<80xi32, #tpu.memory_space<vmem>>
        %dma_wait3A_133 = arith.constant 0 : i32
        %dma_wait3A_134 = arith.constant 0 : i32
        %dma_wait3A_135 = tpu.memref_slice %arg13[%dma_wait3A_133, %dma_wait3A_134] : memref<10000x64xf32, #tpu.memory_space<vmem_shared>> -> memref<10000x64xf32, #tpu.memory_space<vmem_shared>>
        tpu.wait_indirect_dma semaphore(%run_scoped3A_123 : memref<!tpu.dma_semaphore, #tpu.memory_space<semaphore_mem>>) src(%arg16 : memref<80x64xf32, #tpu.memory_space<vmem>>) dst(%dma_wait3A_135 : memref<10000x64xf32, #tpu.memory_space<vmem_shared>>)
        tpu.yield
      }) : () -> ()
      %dma_wait3A_59 = arith.constant 249 : i32
      %dma_wait3A_60 = arith.constant 0 : i32
      %dma_wait3A_61 = tpu.memref_slice %arg14[%dma_wait3A_59, %dma_wait3A_60] : memref<250x80xi32, #tpu.memory_space<vmem>> -> memref<1x80xi32, #tpu.memory_space<vmem>>
      %dma_wait3A_62 = tpu.memref_squeeze %dma_wait3A_61 : memref<1x80xi32, #tpu.memory_space<vmem>> -> memref<80xi32, #tpu.memory_space<vmem>>
      %dma_wait3A_63 = arith.constant 0 : i32
      %dma_wait3A_64 = arith.constant 0 : i32
      %dma_wait3A_65 = tpu.memref_slice %arg2[%dma_wait3A_63, %dma_wait3A_64] : memref<10000x64xf32, #tpu.memory_space<hbm>> -> memref<10000x64xf32, #tpu.memory_space<hbm>>
      tpu.wait_indirect_dma semaphore(%arg21 : memref<!tpu.dma_semaphore, #tpu.memory_space<semaphore_mem>>) src(%dma_wait3A_65 : memref<10000x64xf32, #tpu.memory_space<hbm>>) dst(%arg17 : memref<80x64xf32, #tpu.memory_space<vmem>>)
      %run_scoped3A_66 = arith.constant 249 : i32
      "tpu.region"() ({
        %run_scoped3A_123 = tpu.sem_alloc : memref<!tpu.dma_semaphore, #tpu.memory_space<semaphore_mem>>
        %dma_start3A_124 = arith.constant 0 : i32
        %dma_start3A_125 = tpu.memref_slice %arg15[%run_scoped3A_66, %dma_start3A_124] : memref<250x80xi32, #tpu.memory_space<vmem>> -> memref<1x80xi32, #tpu.memory_space<vmem>>
        %dma_start3A_126 = tpu.memref_squeeze %dma_start3A_125 : memref<1x80xi32, #tpu.memory_space<vmem>> -> memref<80xi32, #tpu.memory_space<vmem>>
        %dma_start3A_127 = arith.constant 0 : i32
        %dma_start3A_128 = arith.constant 0 : i32
        %dma_start3A_129 = tpu.memref_slice %arg13[%dma_start3A_127, %dma_start3A_128] : memref<10000x64xf32, #tpu.memory_space<vmem_shared>> -> memref<10000x64xf32, #tpu.memory_space<vmem_shared>>
        tpu.enqueue_indirect_dma source(%arg17 : memref<80x64xf32, #tpu.memory_space<vmem>>) target(%dma_start3A_129 : memref<10000x64xf32, #tpu.memory_space<vmem_shared>>) offsets(%dma_start3A_126 : memref<80xi32, #tpu.memory_space<vmem>>) semaphore(%run_scoped3A_123 : memref<!tpu.dma_semaphore, #tpu.memory_space<semaphore_mem>>) {add = true}
        %dma_wait3A_130 = arith.constant 0 : i32
        %dma_wait3A_131 = tpu.memref_slice %arg15[%run_scoped3A_66, %dma_wait3A_130] : memref<250x80xi32, #tpu.memory_space<vmem>> -> memref<1x80xi32, #tpu.memory_space<vmem>>
        %dma_wait3A_132 = tpu.memref_squeeze %dma_wait3A_131 : memref<1x80xi32, #tpu.memory_space<vmem>> -> memref<80xi32, #tpu.memory_space<vmem>>
        %dma_wait3A_133 = arith.constant 0 : i32
        %dma_wait3A_134 = arith.constant 0 : i32
        %dma_wait3A_135 = tpu.memref_slice %arg13[%dma_wait3A_133, %dma_wait3A_134] : memref<10000x64xf32, #tpu.memory_space<vmem_shared>> -> memref<10000x64xf32, #tpu.memory_space<vmem_shared>>
        tpu.wait_indirect_dma semaphore(%run_scoped3A_123 : memref<!tpu.dma_semaphore, #tpu.memory_space<semaphore_mem>>) src(%arg17 : memref<80x64xf32, #tpu.memory_space<vmem>>) dst(%dma_wait3A_135 : memref<10000x64xf32, #tpu.memory_space<vmem_shared>>)
        tpu.yield
      }) : () -> ()
      %barrier3A_67 = arith.constant 0 : index
      tpu.barrier barrier_id(%barrier3A_67)
      "tpu.region"() ({
        %run_scoped3A_123 = tpu.sem_alloc : memref<!tpu.dma_semaphore, #tpu.memory_space<semaphore_mem>>
        %dma_start3A_124 = arith.constant 0 : i32
        %dma_start3A_125 = tpu.memref_slice %arg9[%min3A_1, %dma_start3A_124] : memref<10000x64xf32, #tpu.memory_space<hbm>> -> memref<640x64xf32, #tpu.memory_space<hbm>>
        %dma_start3A_126 = arith.constant 0 : i32
        %dma_start3A_127 = tpu.memref_slice %arg13[%min3A_1, %dma_start3A_126] : memref<10000x64xf32, #tpu.memory_space<vmem_shared>> -> memref<640x64xf32, #tpu.memory_space<vmem_shared>>
        tpu.enqueue_dma source(%dma_start3A_127 : memref<640x64xf32, #tpu.memory_space<vmem_shared>>) target(%dma_start3A_125 : memref<640x64xf32, #tpu.memory_space<hbm>>) target_semaphore(%run_scoped3A_123 : memref<!tpu.dma_semaphore, #tpu.memory_space<semaphore_mem>>)
        %dma_wait3A_128 = arith.constant 0 : i32
        %dma_wait3A_129 = tpu.memref_slice %arg9[%min3A_1, %dma_wait3A_128] : memref<10000x64xf32, #tpu.memory_space<hbm>> -> memref<640x64xf32, #tpu.memory_space<hbm>>
        %dma_wait3A_130 = arith.constant 0 : i32
        %dma_wait3A_131 = tpu.memref_slice %arg13[%min3A_1, %dma_wait3A_130] : memref<10000x64xf32, #tpu.memory_space<vmem_shared>> -> memref<640x64xf32, #tpu.memory_space<vmem_shared>>
        tpu.wait_dma2 semaphore(%run_scoped3A_123 : memref<!tpu.dma_semaphore, #tpu.memory_space<semaphore_mem>>) src(%dma_wait3A_131 : memref<640x64xf32, #tpu.memory_space<vmem_shared>>) dst(%dma_wait3A_129 : memref<640x64xf32, #tpu.memory_space<hbm>>)
        tpu.yield
      }) : () -> ()
      %barrier3A_68 = arith.constant 0 : index
      tpu.barrier barrier_id(%barrier3A_68)
      "tpu.region"() ({
        %run_scoped3A_123 = tpu.sem_alloc : memref<!tpu.dma_semaphore, #tpu.memory_space<semaphore_mem>>
        %dma_start3A_124 = arith.constant 0 : i32
        %dma_start3A_125 = tpu.memref_slice %arg13[%min3A_1, %dma_start3A_124] : memref<10000x64xf32, #tpu.memory_space<vmem_shared>> -> memref<640x64xf32, #tpu.memory_space<vmem_shared>>
        %dma_start3A_126 = arith.constant 0 : i32
        %dma_start3A_127 = tpu.memref_slice %arg8[%min3A_1, %dma_start3A_126] : memref<10000x64xf32, #tpu.memory_space<hbm>> -> memref<640x64xf32, #tpu.memory_space<hbm>>
        tpu.enqueue_dma source(%dma_start3A_127 : memref<640x64xf32, #tpu.memory_space<hbm>>) target(%dma_start3A_125 : memref<640x64xf32, #tpu.memory_space<vmem_shared>>) target_semaphore(%run_scoped3A_123 : memref<!tpu.dma_semaphore, #tpu.memory_space<semaphore_mem>>)
        %dma_wait3A_128 = arith.constant 0 : i32
        %dma_wait3A_129 = tpu.memref_slice %arg13[%min3A_1, %dma_wait3A_128] : memref<10000x64xf32, #tpu.memory_space<vmem_shared>> -> memref<640x64xf32, #tpu.memory_space<vmem_shared>>
        %dma_wait3A_130 = arith.constant 0 : i32
        %dma_wait3A_131 = tpu.memref_slice %arg8[%min3A_1, %dma_wait3A_130] : memref<10000x64xf32, #tpu.memory_space<hbm>> -> memref<640x64xf32, #tpu.memory_space<hbm>>
        tpu.wait_dma2 semaphore(%run_scoped3A_123 : memref<!tpu.dma_semaphore, #tpu.memory_space<semaphore_mem>>) src(%dma_wait3A_131 : memref<640x64xf32, #tpu.memory_space<hbm>>) dst(%dma_wait3A_129 : memref<640x64xf32, #tpu.memory_space<vmem_shared>>)
        tpu.yield
      }) : () -> ()
      %barrier3A_69 = arith.constant 0 : index
      tpu.barrier barrier_id(%barrier3A_69)
      %dma_start3A_70 = arith.constant 0 : i32
      %dma_start3A_71 = arith.constant 0 : i32
      %dma_start3A_72 = tpu.memref_slice %arg14[%dma_start3A_70, %dma_start3A_71] : memref<250x80xi32, #tpu.memory_space<vmem>> -> memref<1x80xi32, #tpu.memory_space<vmem>>
      %dma_start3A_73 = tpu.memref_squeeze %dma_start3A_72 : memref<1x80xi32, #tpu.memory_space<vmem>> -> memref<80xi32, #tpu.memory_space<vmem>>
      %dma_start3A_74 = arith.constant 0 : i32
      %dma_start3A_75 = arith.constant 0 : i32
      %dma_start3A_76 = tpu.memref_slice %arg3[%dma_start3A_74, %dma_start3A_75] : memref<10000x64xf32, #tpu.memory_space<hbm>> -> memref<10000x64xf32, #tpu.memory_space<hbm>>
      tpu.enqueue_indirect_dma source(%dma_start3A_76 : memref<10000x64xf32, #tpu.memory_space<hbm>>) target(%arg16 : memref<80x64xf32, #tpu.memory_space<vmem>>) offsets(%dma_start3A_73 : memref<80xi32, #tpu.memory_space<vmem>>) semaphore(%arg20 : memref<!tpu.dma_semaphore, #tpu.memory_space<semaphore_mem>>)
      %dma_start3A_77 = arith.constant 1 : i32
      %dma_start3A_78 = arith.constant 0 : i32
      %dma_start3A_79 = tpu.memref_slice %arg14[%dma_start3A_77, %dma_start3A_78] : memref<250x80xi32, #tpu.memory_space<vmem>> -> memref<1x80xi32, #tpu.memory_space<vmem>>
      %dma_start3A_80 = tpu.memref_squeeze %dma_start3A_79 : memref<1x80xi32, #tpu.memory_space<vmem>> -> memref<80xi32, #tpu.memory_space<vmem>>
      %dma_start3A_81 = arith.constant 0 : i32
      %dma_start3A_82 = arith.constant 0 : i32
      %dma_start3A_83 = tpu.memref_slice %arg3[%dma_start3A_81, %dma_start3A_82] : memref<10000x64xf32, #tpu.memory_space<hbm>> -> memref<10000x64xf32, #tpu.memory_space<hbm>>
      tpu.enqueue_indirect_dma source(%dma_start3A_83 : memref<10000x64xf32, #tpu.memory_space<hbm>>) target(%arg17 : memref<80x64xf32, #tpu.memory_space<vmem>>) offsets(%dma_start3A_80 : memref<80xi32, #tpu.memory_space<vmem>>) semaphore(%arg21 : memref<!tpu.dma_semaphore, #tpu.memory_space<semaphore_mem>>)
      %dma_start3A_84 = arith.constant 2 : i32
      %dma_start3A_85 = arith.constant 0 : i32
      %dma_start3A_86 = tpu.memref_slice %arg14[%dma_start3A_84, %dma_start3A_85] : memref<250x80xi32, #tpu.memory_space<vmem>> -> memref<1x80xi32, #tpu.memory_space<vmem>>
      %dma_start3A_87 = tpu.memref_squeeze %dma_start3A_86 : memref<1x80xi32, #tpu.memory_space<vmem>> -> memref<80xi32, #tpu.memory_space<vmem>>
      %dma_start3A_88 = arith.constant 0 : i32
      %dma_start3A_89 = arith.constant 0 : i32
      %dma_start3A_90 = tpu.memref_slice %arg3[%dma_start3A_88, %dma_start3A_89] : memref<10000x64xf32, #tpu.memory_space<hbm>> -> memref<10000x64xf32, #tpu.memory_space<hbm>>
      tpu.enqueue_indirect_dma source(%dma_start3A_90 : memref<10000x64xf32, #tpu.memory_space<hbm>>) target(%arg18 : memref<80x64xf32, #tpu.memory_space<vmem>>) offsets(%dma_start3A_87 : memref<80xi32, #tpu.memory_space<vmem>>) semaphore(%arg22 : memref<!tpu.dma_semaphore, #tpu.memory_space<semaphore_mem>>)
      %dma_start3A_91 = arith.constant 3 : i32
      %dma_start3A_92 = arith.constant 0 : i32
      %dma_start3A_93 = tpu.memref_slice %arg14[%dma_start3A_91, %dma_start3A_92] : memref<250x80xi32, #tpu.memory_space<vmem>> -> memref<1x80xi32, #tpu.memory_space<vmem>>
      %dma_start3A_94 = tpu.memref_squeeze %dma_start3A_93 : memref<1x80xi32, #tpu.memory_space<vmem>> -> memref<80xi32, #tpu.memory_space<vmem>>
      %dma_start3A_95 = arith.constant 0 : i32
      %dma_start3A_96 = arith.constant 0 : i32
      %dma_start3A_97 = tpu.memref_slice %arg3[%dma_start3A_95, %dma_start3A_96] : memref<10000x64xf32, #tpu.memory_space<hbm>> -> memref<10000x64xf32, #tpu.memory_space<hbm>>
      tpu.enqueue_indirect_dma source(%dma_start3A_97 : memref<10000x64xf32, #tpu.memory_space<hbm>>) target(%arg19 : memref<80x64xf32, #tpu.memory_space<vmem>>) offsets(%dma_start3A_94 : memref<80xi32, #tpu.memory_space<vmem>>) semaphore(%arg23 : memref<!tpu.dma_semaphore, #tpu.memory_space<semaphore_mem>>)
      %scan3A_98 = arith.constant 0 : i32
      %scan3A_99 = arith.constant 0 : i32
      %scan3A_100 = arith.constant 62 : i32
      %scan3A_101 = arith.addi %scan3A_99, %scan3A_100 : i32
      %scan3A_102 = arith.constant 1 : i32
      %scan3A_103 = scf.for %scan3A_123 = %scan3A_99 to %scan3A_101 step %scan3A_102 iter_args(%scan3A_124 = %scan3A_98) -> (i32)  : i32 {
        %mul3A_125 = arith.constant 4 : i32
        %mul3A_126 = arith.muli %mul3A_125, %scan3A_123 : i32
        %add3A_127 = arith.constant 0 : i32
        %add3A_128 = arith.addi %mul3A_126, %add3A_127 : i32
        %dma_wait3A_129 = arith.constant 0 : i32
        %dma_wait3A_130 = tpu.memref_slice %arg14[%add3A_128, %dma_wait3A_129] : memref<250x80xi32, #tpu.memory_space<vmem>> -> memref<1x80xi32, #tpu.memory_space<vmem>>
        %dma_wait3A_131 = tpu.memref_squeeze %dma_wait3A_130 : memref<1x80xi32, #tpu.memory_space<vmem>> -> memref<80xi32, #tpu.memory_space<vmem>>
        %dma_wait3A_132 = arith.constant 0 : i32
        %dma_wait3A_133 = arith.constant 0 : i32
        %dma_wait3A_134 = tpu.memref_slice %arg3[%dma_wait3A_132, %dma_wait3A_133] : memref<10000x64xf32, #tpu.memory_space<hbm>> -> memref<10000x64xf32, #tpu.memory_space<hbm>>
        tpu.wait_indirect_dma semaphore(%arg20 : memref<!tpu.dma_semaphore, #tpu.memory_space<semaphore_mem>>) src(%dma_wait3A_134 : memref<10000x64xf32, #tpu.memory_space<hbm>>) dst(%arg16 : memref<80x64xf32, #tpu.memory_space<vmem>>)
        "tpu.region"() ({
          %run_scoped3A_193 = tpu.sem_alloc : memref<!tpu.dma_semaphore, #tpu.memory_space<semaphore_mem>>
          %dma_start3A_194 = arith.constant 0 : i32
          %dma_start3A_195 = tpu.memref_slice %arg15[%add3A_128, %dma_start3A_194] : memref<250x80xi32, #tpu.memory_space<vmem>> -> memref<1x80xi32, #tpu.memory_space<vmem>>
          %dma_start3A_196 = tpu.memref_squeeze %dma_start3A_195 : memref<1x80xi32, #tpu.memory_space<vmem>> -> memref<80xi32, #tpu.memory_space<vmem>>
          %dma_start3A_197 = arith.constant 0 : i32
          %dma_start3A_198 = arith.constant 0 : i32
          %dma_start3A_199 = tpu.memref_slice %arg13[%dma_start3A_197, %dma_start3A_198] : memref<10000x64xf32, #tpu.memory_space<vmem_shared>> -> memref<10000x64xf32, #tpu.memory_space<vmem_shared>>
          tpu.enqueue_indirect_dma source(%arg16 : memref<80x64xf32, #tpu.memory_space<vmem>>) target(%dma_start3A_199 : memref<10000x64xf32, #tpu.memory_space<vmem_shared>>) offsets(%dma_start3A_196 : memref<80xi32, #tpu.memory_space<vmem>>) semaphore(%run_scoped3A_193 : memref<!tpu.dma_semaphore, #tpu.memory_space<semaphore_mem>>) {add = true}
          %dma_wait3A_200 = arith.constant 0 : i32
          %dma_wait3A_201 = tpu.memref_slice %arg15[%add3A_128, %dma_wait3A_200] : memref<250x80xi32, #tpu.memory_space<vmem>> -> memref<1x80xi32, #tpu.memory_space<vmem>>
          %dma_wait3A_202 = tpu.memref_squeeze %dma_wait3A_201 : memref<1x80xi32, #tpu.memory_space<vmem>> -> memref<80xi32, #tpu.memory_space<vmem>>
          %dma_wait3A_203 = arith.constant 0 : i32
          %dma_wait3A_204 = arith.constant 0 : i32
          %dma_wait3A_205 = tpu.memref_slice %arg13[%dma_wait3A_203, %dma_wait3A_204] : memref<10000x64xf32, #tpu.memory_space<vmem_shared>> -> memref<10000x64xf32, #tpu.memory_space<vmem_shared>>
          tpu.wait_indirect_dma semaphore(%run_scoped3A_193 : memref<!tpu.dma_semaphore, #tpu.memory_space<semaphore_mem>>) src(%arg16 : memref<80x64xf32, #tpu.memory_space<vmem>>) dst(%dma_wait3A_205 : memref<10000x64xf32, #tpu.memory_space<vmem_shared>>)
          tpu.yield
        }) : () -> ()
        %add3A_135 = arith.constant 4 : i32
        %add3A_136 = arith.addi %add3A_128, %add3A_135 : i32
        %lt3A = arith.constant 250 : i32
        %lt3A_137 = arith.cmpi slt, %add3A_136, %lt3A : i32
        %convert_element_type3A_138 = arith.extui %lt3A_137 : i1 to i32
        %cond3A_139 = arith.constant 0 : i32
        %cond3A_140 = arith.cmpi ne, %convert_element_type3A_138, %cond3A_139 : i32
        scf.if %cond3A_140 {
          %add3A_193 = arith.constant 4 : i32
          %add3A_194 = arith.addi %add3A_128, %add3A_193 : i32
          %dma_start3A_195 = arith.constant 0 : i32
          %dma_start3A_196 = tpu.memref_slice %arg14[%add3A_194, %dma_start3A_195] : memref<250x80xi32, #tpu.memory_space<vmem>> -> memref<1x80xi32, #tpu.memory_space<vmem>>
          %dma_start3A_197 = tpu.memref_squeeze %dma_start3A_196 : memref<1x80xi32, #tpu.memory_space<vmem>> -> memref<80xi32, #tpu.memory_space<vmem>>
          %dma_start3A_198 = arith.constant 0 : i32
          %dma_start3A_199 = arith.constant 0 : i32
          %dma_start3A_200 = tpu.memref_slice %arg3[%dma_start3A_198, %dma_start3A_199] : memref<10000x64xf32, #tpu.memory_space<hbm>> -> memref<10000x64xf32, #tpu.memory_space<hbm>>
          tpu.enqueue_indirect_dma source(%dma_start3A_200 : memref<10000x64xf32, #tpu.memory_space<hbm>>) target(%arg16 : memref<80x64xf32, #tpu.memory_space<vmem>>) offsets(%dma_start3A_197 : memref<80xi32, #tpu.memory_space<vmem>>) semaphore(%arg20 : memref<!tpu.dma_semaphore, #tpu.memory_space<semaphore_mem>>)
        } else {
        }
        %mul3A_141 = arith.constant 4 : i32
        %mul3A_142 = arith.muli %mul3A_141, %scan3A_123 : i32
        %add3A_143 = arith.constant 1 : i32
        %add3A_144 = arith.addi %mul3A_142, %add3A_143 : i32
        %dma_wait3A_145 = arith.constant 0 : i32
        %dma_wait3A_146 = tpu.memref_slice %arg14[%add3A_144, %dma_wait3A_145] : memref<250x80xi32, #tpu.memory_space<vmem>> -> memref<1x80xi32, #tpu.memory_space<vmem>>
        %dma_wait3A_147 = tpu.memref_squeeze %dma_wait3A_146 : memref<1x80xi32, #tpu.memory_space<vmem>> -> memref<80xi32, #tpu.memory_space<vmem>>
        %dma_wait3A_148 = arith.constant 0 : i32
        %dma_wait3A_149 = arith.constant 0 : i32
        %dma_wait3A_150 = tpu.memref_slice %arg3[%dma_wait3A_148, %dma_wait3A_149] : memref<10000x64xf32, #tpu.memory_space<hbm>> -> memref<10000x64xf32, #tpu.memory_space<hbm>>
        tpu.wait_indirect_dma semaphore(%arg21 : memref<!tpu.dma_semaphore, #tpu.memory_space<semaphore_mem>>) src(%dma_wait3A_150 : memref<10000x64xf32, #tpu.memory_space<hbm>>) dst(%arg17 : memref<80x64xf32, #tpu.memory_space<vmem>>)
        "tpu.region"() ({
          %run_scoped3A_193 = tpu.sem_alloc : memref<!tpu.dma_semaphore, #tpu.memory_space<semaphore_mem>>
          %dma_start3A_194 = arith.constant 0 : i32
          %dma_start3A_195 = tpu.memref_slice %arg15[%add3A_144, %dma_start3A_194] : memref<250x80xi32, #tpu.memory_space<vmem>> -> memref<1x80xi32, #tpu.memory_space<vmem>>
          %dma_start3A_196 = tpu.memref_squeeze %dma_start3A_195 : memref<1x80xi32, #tpu.memory_space<vmem>> -> memref<80xi32, #tpu.memory_space<vmem>>
          %dma_start3A_197 = arith.constant 0 : i32
          %dma_start3A_198 = arith.constant 0 : i32
          %dma_start3A_199 = tpu.memref_slice %arg13[%dma_start3A_197, %dma_start3A_198] : memref<10000x64xf32, #tpu.memory_space<vmem_shared>> -> memref<10000x64xf32, #tpu.memory_space<vmem_shared>>
          tpu.enqueue_indirect_dma source(%arg17 : memref<80x64xf32, #tpu.memory_space<vmem>>) target(%dma_start3A_199 : memref<10000x64xf32, #tpu.memory_space<vmem_shared>>) offsets(%dma_start3A_196 : memref<80xi32, #tpu.memory_space<vmem>>) semaphore(%run_scoped3A_193 : memref<!tpu.dma_semaphore, #tpu.memory_space<semaphore_mem>>) {add = true}
          %dma_wait3A_200 = arith.constant 0 : i32
          %dma_wait3A_201 = tpu.memref_slice %arg15[%add3A_144, %dma_wait3A_200] : memref<250x80xi32, #tpu.memory_space<vmem>> -> memref<1x80xi32, #tpu.memory_space<vmem>>
          %dma_wait3A_202 = tpu.memref_squeeze %dma_wait3A_201 : memref<1x80xi32, #tpu.memory_space<vmem>> -> memref<80xi32, #tpu.memory_space<vmem>>
          %dma_wait3A_203 = arith.constant 0 : i32
          %dma_wait3A_204 = arith.constant 0 : i32
          %dma_wait3A_205 = tpu.memref_slice %arg13[%dma_wait3A_203, %dma_wait3A_204] : memref<10000x64xf32, #tpu.memory_space<vmem_shared>> -> memref<10000x64xf32, #tpu.memory_space<vmem_shared>>
          tpu.wait_indirect_dma semaphore(%run_scoped3A_193 : memref<!tpu.dma_semaphore, #tpu.memory_space<semaphore_mem>>) src(%arg17 : memref<80x64xf32, #tpu.memory_space<vmem>>) dst(%dma_wait3A_205 : memref<10000x64xf32, #tpu.memory_space<vmem_shared>>)
          tpu.yield
        }) : () -> ()
        %add3A_151 = arith.constant 4 : i32
        %add3A_152 = arith.addi %add3A_144, %add3A_151 : i32
        %lt3A_153 = arith.constant 250 : i32
        %lt3A_154 = arith.cmpi slt, %add3A_152, %lt3A_153 : i32
        %convert_element_type3A_155 = arith.extui %lt3A_154 : i1 to i32
        %cond3A_156 = arith.constant 0 : i32
        %cond3A_157 = arith.cmpi ne, %convert_element_type3A_155, %cond3A_156 : i32
        scf.if %cond3A_157 {
          %add3A_193 = arith.constant 4 : i32
          %add3A_194 = arith.addi %add3A_144, %add3A_193 : i32
          %dma_start3A_195 = arith.constant 0 : i32
          %dma_start3A_196 = tpu.memref_slice %arg14[%add3A_194, %dma_start3A_195] : memref<250x80xi32, #tpu.memory_space<vmem>> -> memref<1x80xi32, #tpu.memory_space<vmem>>
          %dma_start3A_197 = tpu.memref_squeeze %dma_start3A_196 : memref<1x80xi32, #tpu.memory_space<vmem>> -> memref<80xi32, #tpu.memory_space<vmem>>
          %dma_start3A_198 = arith.constant 0 : i32
          %dma_start3A_199 = arith.constant 0 : i32
          %dma_start3A_200 = tpu.memref_slice %arg3[%dma_start3A_198, %dma_start3A_199] : memref<10000x64xf32, #tpu.memory_space<hbm>> -> memref<10000x64xf32, #tpu.memory_space<hbm>>
          tpu.enqueue_indirect_dma source(%dma_start3A_200 : memref<10000x64xf32, #tpu.memory_space<hbm>>) target(%arg17 : memref<80x64xf32, #tpu.memory_space<vmem>>) offsets(%dma_start3A_197 : memref<80xi32, #tpu.memory_space<vmem>>) semaphore(%arg21 : memref<!tpu.dma_semaphore, #tpu.memory_space<semaphore_mem>>)
        } else {
        }
        %mul3A_158 = arith.constant 4 : i32
        %mul3A_159 = arith.muli %mul3A_158, %scan3A_123 : i32
        %add3A_160 = arith.constant 2 : i32
        %add3A_161 = arith.addi %mul3A_159, %add3A_160 : i32
        %dma_wait3A_162 = arith.constant 0 : i32
        %dma_wait3A_163 = tpu.memref_slice %arg14[%add3A_161, %dma_wait3A_162] : memref<250x80xi32, #tpu.memory_space<vmem>> -> memref<1x80xi32, #tpu.memory_space<vmem>>
        %dma_wait3A_164 = tpu.memref_squeeze %dma_wait3A_163 : memref<1x80xi32, #tpu.memory_space<vmem>> -> memref<80xi32, #tpu.memory_space<vmem>>
        %dma_wait3A_165 = arith.constant 0 : i32
        %dma_wait3A_166 = arith.constant 0 : i32
        %dma_wait3A_167 = tpu.memref_slice %arg3[%dma_wait3A_165, %dma_wait3A_166] : memref<10000x64xf32, #tpu.memory_space<hbm>> -> memref<10000x64xf32, #tpu.memory_space<hbm>>
        tpu.wait_indirect_dma semaphore(%arg22 : memref<!tpu.dma_semaphore, #tpu.memory_space<semaphore_mem>>) src(%dma_wait3A_167 : memref<10000x64xf32, #tpu.memory_space<hbm>>) dst(%arg18 : memref<80x64xf32, #tpu.memory_space<vmem>>)
        "tpu.region"() ({
          %run_scoped3A_193 = tpu.sem_alloc : memref<!tpu.dma_semaphore, #tpu.memory_space<semaphore_mem>>
          %dma_start3A_194 = arith.constant 0 : i32
          %dma_start3A_195 = tpu.memref_slice %arg15[%add3A_161, %dma_start3A_194] : memref<250x80xi32, #tpu.memory_space<vmem>> -> memref<1x80xi32, #tpu.memory_space<vmem>>
          %dma_start3A_196 = tpu.memref_squeeze %dma_start3A_195 : memref<1x80xi32, #tpu.memory_space<vmem>> -> memref<80xi32, #tpu.memory_space<vmem>>
          %dma_start3A_197 = arith.constant 0 : i32
          %dma_start3A_198 = arith.constant 0 : i32
          %dma_start3A_199 = tpu.memref_slice %arg13[%dma_start3A_197, %dma_start3A_198] : memref<10000x64xf32, #tpu.memory_space<vmem_shared>> -> memref<10000x64xf32, #tpu.memory_space<vmem_shared>>
          tpu.enqueue_indirect_dma source(%arg18 : memref<80x64xf32, #tpu.memory_space<vmem>>) target(%dma_start3A_199 : memref<10000x64xf32, #tpu.memory_space<vmem_shared>>) offsets(%dma_start3A_196 : memref<80xi32, #tpu.memory_space<vmem>>) semaphore(%run_scoped3A_193 : memref<!tpu.dma_semaphore, #tpu.memory_space<semaphore_mem>>) {add = true}
          %dma_wait3A_200 = arith.constant 0 : i32
          %dma_wait3A_201 = tpu.memref_slice %arg15[%add3A_161, %dma_wait3A_200] : memref<250x80xi32, #tpu.memory_space<vmem>> -> memref<1x80xi32, #tpu.memory_space<vmem>>
          %dma_wait3A_202 = tpu.memref_squeeze %dma_wait3A_201 : memref<1x80xi32, #tpu.memory_space<vmem>> -> memref<80xi32, #tpu.memory_space<vmem>>
          %dma_wait3A_203 = arith.constant 0 : i32
          %dma_wait3A_204 = arith.constant 0 : i32
          %dma_wait3A_205 = tpu.memref_slice %arg13[%dma_wait3A_203, %dma_wait3A_204] : memref<10000x64xf32, #tpu.memory_space<vmem_shared>> -> memref<10000x64xf32, #tpu.memory_space<vmem_shared>>
          tpu.wait_indirect_dma semaphore(%run_scoped3A_193 : memref<!tpu.dma_semaphore, #tpu.memory_space<semaphore_mem>>) src(%arg18 : memref<80x64xf32, #tpu.memory_space<vmem>>) dst(%dma_wait3A_205 : memref<10000x64xf32, #tpu.memory_space<vmem_shared>>)
          tpu.yield
        }) : () -> ()
        %add3A_168 = arith.constant 4 : i32
        %add3A_169 = arith.addi %add3A_161, %add3A_168 : i32
        %lt3A_170 = arith.constant 250 : i32
        %lt3A_171 = arith.cmpi slt, %add3A_169, %lt3A_170 : i32
        %convert_element_type3A_172 = arith.extui %lt3A_171 : i1 to i32
        %cond3A_173 = arith.constant 0 : i32
        %cond3A_174 = arith.cmpi ne, %convert_element_type3A_172, %cond3A_173 : i32
        scf.if %cond3A_174 {
          %add3A_193 = arith.constant 4 : i32
          %add3A_194 = arith.addi %add3A_161, %add3A_193 : i32
          %dma_start3A_195 = arith.constant 0 : i32
          %dma_start3A_196 = tpu.memref_slice %arg14[%add3A_194, %dma_start3A_195] : memref<250x80xi32, #tpu.memory_space<vmem>> -> memref<1x80xi32, #tpu.memory_space<vmem>>
          %dma_start3A_197 = tpu.memref_squeeze %dma_start3A_196 : memref<1x80xi32, #tpu.memory_space<vmem>> -> memref<80xi32, #tpu.memory_space<vmem>>
          %dma_start3A_198 = arith.constant 0 : i32
          %dma_start3A_199 = arith.constant 0 : i32
          %dma_start3A_200 = tpu.memref_slice %arg3[%dma_start3A_198, %dma_start3A_199] : memref<10000x64xf32, #tpu.memory_space<hbm>> -> memref<10000x64xf32, #tpu.memory_space<hbm>>
          tpu.enqueue_indirect_dma source(%dma_start3A_200 : memref<10000x64xf32, #tpu.memory_space<hbm>>) target(%arg18 : memref<80x64xf32, #tpu.memory_space<vmem>>) offsets(%dma_start3A_197 : memref<80xi32, #tpu.memory_space<vmem>>) semaphore(%arg22 : memref<!tpu.dma_semaphore, #tpu.memory_space<semaphore_mem>>)
        } else {
        }
        %mul3A_175 = arith.constant 4 : i32
        %mul3A_176 = arith.muli %mul3A_175, %scan3A_123 : i32
        %add3A_177 = arith.constant 3 : i32
        %add3A_178 = arith.addi %mul3A_176, %add3A_177 : i32
        %dma_wait3A_179 = arith.constant 0 : i32
        %dma_wait3A_180 = tpu.memref_slice %arg14[%add3A_178, %dma_wait3A_179] : memref<250x80xi32, #tpu.memory_space<vmem>> -> memref<1x80xi32, #tpu.memory_space<vmem>>
        %dma_wait3A_181 = tpu.memref_squeeze %dma_wait3A_180 : memref<1x80xi32, #tpu.memory_space<vmem>> -> memref<80xi32, #tpu.memory_space<vmem>>
        %dma_wait3A_182 = arith.constant 0 : i32
        %dma_wait3A_183 = arith.constant 0 : i32
        %dma_wait3A_184 = tpu.memref_slice %arg3[%dma_wait3A_182, %dma_wait3A_183] : memref<10000x64xf32, #tpu.memory_space<hbm>> -> memref<10000x64xf32, #tpu.memory_space<hbm>>
        tpu.wait_indirect_dma semaphore(%arg23 : memref<!tpu.dma_semaphore, #tpu.memory_space<semaphore_mem>>) src(%dma_wait3A_184 : memref<10000x64xf32, #tpu.memory_space<hbm>>) dst(%arg19 : memref<80x64xf32, #tpu.memory_space<vmem>>)
        "tpu.region"() ({
          %run_scoped3A_193 = tpu.sem_alloc : memref<!tpu.dma_semaphore, #tpu.memory_space<semaphore_mem>>
          %dma_start3A_194 = arith.constant 0 : i32
          %dma_start3A_195 = tpu.memref_slice %arg15[%add3A_178, %dma_start3A_194] : memref<250x80xi32, #tpu.memory_space<vmem>> -> memref<1x80xi32, #tpu.memory_space<vmem>>
          %dma_start3A_196 = tpu.memref_squeeze %dma_start3A_195 : memref<1x80xi32, #tpu.memory_space<vmem>> -> memref<80xi32, #tpu.memory_space<vmem>>
          %dma_start3A_197 = arith.constant 0 : i32
          %dma_start3A_198 = arith.constant 0 : i32
          %dma_start3A_199 = tpu.memref_slice %arg13[%dma_start3A_197, %dma_start3A_198] : memref<10000x64xf32, #tpu.memory_space<vmem_shared>> -> memref<10000x64xf32, #tpu.memory_space<vmem_shared>>
          tpu.enqueue_indirect_dma source(%arg19 : memref<80x64xf32, #tpu.memory_space<vmem>>) target(%dma_start3A_199 : memref<10000x64xf32, #tpu.memory_space<vmem_shared>>) offsets(%dma_start3A_196 : memref<80xi32, #tpu.memory_space<vmem>>) semaphore(%run_scoped3A_193 : memref<!tpu.dma_semaphore, #tpu.memory_space<semaphore_mem>>) {add = true}
          %dma_wait3A_200 = arith.constant 0 : i32
          %dma_wait3A_201 = tpu.memref_slice %arg15[%add3A_178, %dma_wait3A_200] : memref<250x80xi32, #tpu.memory_space<vmem>> -> memref<1x80xi32, #tpu.memory_space<vmem>>
          %dma_wait3A_202 = tpu.memref_squeeze %dma_wait3A_201 : memref<1x80xi32, #tpu.memory_space<vmem>> -> memref<80xi32, #tpu.memory_space<vmem>>
          %dma_wait3A_203 = arith.constant 0 : i32
          %dma_wait3A_204 = arith.constant 0 : i32
          %dma_wait3A_205 = tpu.memref_slice %arg13[%dma_wait3A_203, %dma_wait3A_204] : memref<10000x64xf32, #tpu.memory_space<vmem_shared>> -> memref<10000x64xf32, #tpu.memory_space<vmem_shared>>
          tpu.wait_indirect_dma semaphore(%run_scoped3A_193 : memref<!tpu.dma_semaphore, #tpu.memory_space<semaphore_mem>>) src(%arg19 : memref<80x64xf32, #tpu.memory_space<vmem>>) dst(%dma_wait3A_205 : memref<10000x64xf32, #tpu.memory_space<vmem_shared>>)
          tpu.yield
        }) : () -> ()
        %add3A_185 = arith.constant 4 : i32
        %add3A_186 = arith.addi %add3A_178, %add3A_185 : i32
        %lt3A_187 = arith.constant 250 : i32
        %lt3A_188 = arith.cmpi slt, %add3A_186, %lt3A_187 : i32
        %convert_element_type3A_189 = arith.extui %lt3A_188 : i1 to i32
        %cond3A_190 = arith.constant 0 : i32
        %cond3A_191 = arith.cmpi ne, %convert_element_type3A_189, %cond3A_190 : i32
        scf.if %cond3A_191 {
          %add3A_193 = arith.constant 4 : i32
          %add3A_194 = arith.addi %add3A_178, %add3A_193 : i32
          %dma_start3A_195 = arith.constant 0 : i32
          %dma_start3A_196 = tpu.memref_slice %arg14[%add3A_194, %dma_start3A_195] : memref<250x80xi32, #tpu.memory_space<vmem>> -> memref<1x80xi32, #tpu.memory_space<vmem>>
          %dma_start3A_197 = tpu.memref_squeeze %dma_start3A_196 : memref<1x80xi32, #tpu.memory_space<vmem>> -> memref<80xi32, #tpu.memory_space<vmem>>
          %dma_start3A_198 = arith.constant 0 : i32
          %dma_start3A_199 = arith.constant 0 : i32
          %dma_start3A_200 = tpu.memref_slice %arg3[%dma_start3A_198, %dma_start3A_199] : memref<10000x64xf32, #tpu.memory_space<hbm>> -> memref<10000x64xf32, #tpu.memory_space<hbm>>
          tpu.enqueue_indirect_dma source(%dma_start3A_200 : memref<10000x64xf32, #tpu.memory_space<hbm>>) target(%arg19 : memref<80x64xf32, #tpu.memory_space<vmem>>) offsets(%dma_start3A_197 : memref<80xi32, #tpu.memory_space<vmem>>) semaphore(%arg23 : memref<!tpu.dma_semaphore, #tpu.memory_space<semaphore_mem>>)
        } else {
        }
        %scan3A_192 = arith.constant 0 : i32
        scf.yield %scan3A_192 : i32
      }
      %scan3A_104 = arith.constant 62 : i32
      %dma_wait3A_105 = arith.constant 248 : i32
      %dma_wait3A_106 = arith.constant 0 : i32
      %dma_wait3A_107 = tpu.memref_slice %arg14[%dma_wait3A_105, %dma_wait3A_106] : memref<250x80xi32, #tpu.memory_space<vmem>> -> memref<1x80xi32, #tpu.memory_space<vmem>>
      %dma_wait3A_108 = tpu.memref_squeeze %dma_wait3A_107 : memref<1x80xi32, #tpu.memory_space<vmem>> -> memref<80xi32, #tpu.memory_space<vmem>>
      %dma_wait3A_109 = arith.constant 0 : i32
      %dma_wait3A_110 = arith.constant 0 : i32
      %dma_wait3A_111 = tpu.memref_slice %arg3[%dma_wait3A_109, %dma_wait3A_110] : memref<10000x64xf32, #tpu.memory_space<hbm>> -> memref<10000x64xf32, #tpu.memory_space<hbm>>
      tpu.wait_indirect_dma semaphore(%arg20 : memref<!tpu.dma_semaphore, #tpu.memory_space<semaphore_mem>>) src(%dma_wait3A_111 : memref<10000x64xf32, #tpu.memory_space<hbm>>) dst(%arg16 : memref<80x64xf32, #tpu.memory_space<vmem>>)
      %run_scoped3A_112 = arith.constant 248 : i32
      "tpu.region"() ({
        %run_scoped3A_123 = tpu.sem_alloc : memref<!tpu.dma_semaphore, #tpu.memory_space<semaphore_mem>>
        %dma_start3A_124 = arith.constant 0 : i32
        %dma_start3A_125 = tpu.memref_slice %arg15[%run_scoped3A_112, %dma_start3A_124] : memref<250x80xi32, #tpu.memory_space<vmem>> -> memref<1x80xi32, #tpu.memory_space<vmem>>
        %dma_start3A_126 = tpu.memref_squeeze %dma_start3A_125 : memref<1x80xi32, #tpu.memory_space<vmem>> -> memref<80xi32, #tpu.memory_space<vmem>>
        %dma_start3A_127 = arith.constant 0 : i32
        %dma_start3A_128 = arith.constant 0 : i32
        %dma_start3A_129 = tpu.memref_slice %arg13[%dma_start3A_127, %dma_start3A_128] : memref<10000x64xf32, #tpu.memory_space<vmem_shared>> -> memref<10000x64xf32, #tpu.memory_space<vmem_shared>>
        tpu.enqueue_indirect_dma source(%arg16 : memref<80x64xf32, #tpu.memory_space<vmem>>) target(%dma_start3A_129 : memref<10000x64xf32, #tpu.memory_space<vmem_shared>>) offsets(%dma_start3A_126 : memref<80xi32, #tpu.memory_space<vmem>>) semaphore(%run_scoped3A_123 : memref<!tpu.dma_semaphore, #tpu.memory_space<semaphore_mem>>) {add = true}
        %dma_wait3A_130 = arith.constant 0 : i32
        %dma_wait3A_131 = tpu.memref_slice %arg15[%run_scoped3A_112, %dma_wait3A_130] : memref<250x80xi32, #tpu.memory_space<vmem>> -> memref<1x80xi32, #tpu.memory_space<vmem>>
        %dma_wait3A_132 = tpu.memref_squeeze %dma_wait3A_131 : memref<1x80xi32, #tpu.memory_space<vmem>> -> memref<80xi32, #tpu.memory_space<vmem>>
        %dma_wait3A_133 = arith.constant 0 : i32
        %dma_wait3A_134 = arith.constant 0 : i32
        %dma_wait3A_135 = tpu.memref_slice %arg13[%dma_wait3A_133, %dma_wait3A_134] : memref<10000x64xf32, #tpu.memory_space<vmem_shared>> -> memref<10000x64xf32, #tpu.memory_space<vmem_shared>>
        tpu.wait_indirect_dma semaphore(%run_scoped3A_123 : memref<!tpu.dma_semaphore, #tpu.memory_space<semaphore_mem>>) src(%arg16 : memref<80x64xf32, #tpu.memory_space<vmem>>) dst(%dma_wait3A_135 : memref<10000x64xf32, #tpu.memory_space<vmem_shared>>)
        tpu.yield
      }) : () -> ()
      %dma_wait3A_113 = arith.constant 249 : i32
      %dma_wait3A_114 = arith.constant 0 : i32
      %dma_wait3A_115 = tpu.memref_slice %arg14[%dma_wait3A_113, %dma_wait3A_114] : memref<250x80xi32, #tpu.memory_space<vmem>> -> memref<1x80xi32, #tpu.memory_space<vmem>>
      %dma_wait3A_116 = tpu.memref_squeeze %dma_wait3A_115 : memref<1x80xi32, #tpu.memory_space<vmem>> -> memref<80xi32, #tpu.memory_space<vmem>>
      %dma_wait3A_117 = arith.constant 0 : i32
      %dma_wait3A_118 = arith.constant 0 : i32
      %dma_wait3A_119 = tpu.memref_slice %arg3[%dma_wait3A_117, %dma_wait3A_118] : memref<10000x64xf32, #tpu.memory_space<hbm>> -> memref<10000x64xf32, #tpu.memory_space<hbm>>
      tpu.wait_indirect_dma semaphore(%arg21 : memref<!tpu.dma_semaphore, #tpu.memory_space<semaphore_mem>>) src(%dma_wait3A_119 : memref<10000x64xf32, #tpu.memory_space<hbm>>) dst(%arg17 : memref<80x64xf32, #tpu.memory_space<vmem>>)
      %run_scoped3A_120 = arith.constant 249 : i32
      "tpu.region"() ({
        %run_scoped3A_123 = tpu.sem_alloc : memref<!tpu.dma_semaphore, #tpu.memory_space<semaphore_mem>>
        %dma_start3A_124 = arith.constant 0 : i32
        %dma_start3A_125 = tpu.memref_slice %arg15[%run_scoped3A_120, %dma_start3A_124] : memref<250x80xi32, #tpu.memory_space<vmem>> -> memref<1x80xi32, #tpu.memory_space<vmem>>
        %dma_start3A_126 = tpu.memref_squeeze %dma_start3A_125 : memref<1x80xi32, #tpu.memory_space<vmem>> -> memref<80xi32, #tpu.memory_space<vmem>>
        %dma_start3A_127 = arith.constant 0 : i32
        %dma_start3A_128 = arith.constant 0 : i32
        %dma_start3A_129 = tpu.memref_slice %arg13[%dma_start3A_127, %dma_start3A_128] : memref<10000x64xf32, #tpu.memory_space<vmem_shared>> -> memref<10000x64xf32, #tpu.memory_space<vmem_shared>>
        tpu.enqueue_indirect_dma source(%arg17 : memref<80x64xf32, #tpu.memory_space<vmem>>) target(%dma_start3A_129 : memref<10000x64xf32, #tpu.memory_space<vmem_shared>>) offsets(%dma_start3A_126 : memref<80xi32, #tpu.memory_space<vmem>>) semaphore(%run_scoped3A_123 : memref<!tpu.dma_semaphore, #tpu.memory_space<semaphore_mem>>) {add = true}
        %dma_wait3A_130 = arith.constant 0 : i32
        %dma_wait3A_131 = tpu.memref_slice %arg15[%run_scoped3A_120, %dma_wait3A_130] : memref<250x80xi32, #tpu.memory_space<vmem>> -> memref<1x80xi32, #tpu.memory_space<vmem>>
        %dma_wait3A_132 = tpu.memref_squeeze %dma_wait3A_131 : memref<1x80xi32, #tpu.memory_space<vmem>> -> memref<80xi32, #tpu.memory_space<vmem>>
        %dma_wait3A_133 = arith.constant 0 : i32
        %dma_wait3A_134 = arith.constant 0 : i32
        %dma_wait3A_135 = tpu.memref_slice %arg13[%dma_wait3A_133, %dma_wait3A_134] : memref<10000x64xf32, #tpu.memory_space<vmem_shared>> -> memref<10000x64xf32, #tpu.memory_space<vmem_shared>>
        tpu.wait_indirect_dma semaphore(%run_scoped3A_123 : memref<!tpu.dma_semaphore, #tpu.memory_space<semaphore_mem>>) src(%arg17 : memref<80x64xf32, #tpu.memory_space<vmem>>) dst(%dma_wait3A_135 : memref<10000x64xf32, #tpu.memory_space<vmem_shared>>)
        tpu.yield
      }) : () -> ()
      %barrier3A_121 = arith.constant 0 : index
      tpu.barrier barrier_id(%barrier3A_121)
      "tpu.region"() ({
        %run_scoped3A_123 = tpu.sem_alloc : memref<!tpu.dma_semaphore, #tpu.memory_space<semaphore_mem>>
        %dma_start3A_124 = arith.constant 0 : i32
        %dma_start3A_125 = tpu.memref_slice %arg10[%min3A_1, %dma_start3A_124] : memref<10000x64xf32, #tpu.memory_space<hbm>> -> memref<640x64xf32, #tpu.memory_space<hbm>>
        %dma_start3A_126 = arith.constant 0 : i32
        %dma_start3A_127 = tpu.memref_slice %arg13[%min3A_1, %dma_start3A_126] : memref<10000x64xf32, #tpu.memory_space<vmem_shared>> -> memref<640x64xf32, #tpu.memory_space<vmem_shared>>
        tpu.enqueue_dma source(%dma_start3A_127 : memref<640x64xf32, #tpu.memory_space<vmem_shared>>) target(%dma_start3A_125 : memref<640x64xf32, #tpu.memory_space<hbm>>) target_semaphore(%run_scoped3A_123 : memref<!tpu.dma_semaphore, #tpu.memory_space<semaphore_mem>>)
        %dma_wait3A_128 = arith.constant 0 : i32
        %dma_wait3A_129 = tpu.memref_slice %arg10[%min3A_1, %dma_wait3A_128] : memref<10000x64xf32, #tpu.memory_space<hbm>> -> memref<640x64xf32, #tpu.memory_space<hbm>>
        %dma_wait3A_130 = arith.constant 0 : i32
        %dma_wait3A_131 = tpu.memref_slice %arg13[%min3A_1, %dma_wait3A_130] : memref<10000x64xf32, #tpu.memory_space<vmem_shared>> -> memref<640x64xf32, #tpu.memory_space<vmem_shared>>
        tpu.wait_dma2 semaphore(%run_scoped3A_123 : memref<!tpu.dma_semaphore, #tpu.memory_space<semaphore_mem>>) src(%dma_wait3A_131 : memref<640x64xf32, #tpu.memory_space<vmem_shared>>) dst(%dma_wait3A_129 : memref<640x64xf32, #tpu.memory_space<hbm>>)
        tpu.yield
      }) : () -> ()
      %barrier3A_122 = arith.constant 0 : index
      tpu.barrier barrier_id(%barrier3A_122)
    } else {
    }
    %eq3A_15 = arith.constant 1 : i32
    %eq3A_16 = arith.cmpi eq, %arg0, %eq3A_15 : i32
    %convert_element_type3A_17 = arith.extui %eq3A_16 : i1 to i32
    %cond3A_18 = arith.constant 0 : i32
    %cond3A_19 = arith.cmpi ne, %convert_element_type3A_17, %cond3A_18 : i32
    scf.if %cond3A_19 {
      "tpu.region"() ({
        %run_scoped3A_123 = tpu.sem_alloc : memref<!tpu.dma_semaphore, #tpu.memory_space<semaphore_mem>>
        %dma_start3A_124 = arith.constant 0 : i32
        %dma_start3A_125 = tpu.memref_slice %arg13[%min3A_1, %dma_start3A_124] : memref<10000x64xf32, #tpu.memory_space<vmem_shared>> -> memref<640x64xf32, #tpu.memory_space<vmem_shared>>
        %dma_start3A_126 = arith.constant 0 : i32
        %dma_start3A_127 = tpu.memref_slice %arg8[%min3A_1, %dma_start3A_126] : memref<10000x64xf32, #tpu.memory_space<hbm>> -> memref<640x64xf32, #tpu.memory_space<hbm>>
        tpu.enqueue_dma source(%dma_start3A_127 : memref<640x64xf32, #tpu.memory_space<hbm>>) target(%dma_start3A_125 : memref<640x64xf32, #tpu.memory_space<vmem_shared>>) target_semaphore(%run_scoped3A_123 : memref<!tpu.dma_semaphore, #tpu.memory_space<semaphore_mem>>)
        %dma_wait3A_128 = arith.constant 0 : i32
        %dma_wait3A_129 = tpu.memref_slice %arg13[%min3A_1, %dma_wait3A_128] : memref<10000x64xf32, #tpu.memory_space<vmem_shared>> -> memref<640x64xf32, #tpu.memory_space<vmem_shared>>
        %dma_wait3A_130 = arith.constant 0 : i32
        %dma_wait3A_131 = tpu.memref_slice %arg8[%min3A_1, %dma_wait3A_130] : memref<10000x64xf32, #tpu.memory_space<hbm>> -> memref<640x64xf32, #tpu.memory_space<hbm>>
        tpu.wait_dma2 semaphore(%run_scoped3A_123 : memref<!tpu.dma_semaphore, #tpu.memory_space<semaphore_mem>>) src(%dma_wait3A_131 : memref<640x64xf32, #tpu.memory_space<hbm>>) dst(%dma_wait3A_129 : memref<640x64xf32, #tpu.memory_space<vmem_shared>>)
        tpu.yield
      }) : () -> ()
      %barrier3A = arith.constant 0 : index
      tpu.barrier barrier_id(%barrier3A)
      %dma_start3A = arith.constant 0 : i32
      %dma_start3A_20 = arith.constant 0 : i32
      %dma_start3A_21 = tpu.memref_slice %arg14[%dma_start3A, %dma_start3A_20] : memref<250x80xi32, #tpu.memory_space<vmem>> -> memref<1x80xi32, #tpu.memory_space<vmem>>
      %dma_start3A_22 = tpu.memref_squeeze %dma_start3A_21 : memref<1x80xi32, #tpu.memory_space<vmem>> -> memref<80xi32, #tpu.memory_space<vmem>>
      %dma_start3A_23 = arith.constant 0 : i32
      %dma_start3A_24 = arith.constant 0 : i32
      %dma_start3A_25 = tpu.memref_slice %arg4[%dma_start3A_23, %dma_start3A_24] : memref<10000x64xf32, #tpu.memory_space<hbm>> -> memref<10000x64xf32, #tpu.memory_space<hbm>>
      tpu.enqueue_indirect_dma source(%dma_start3A_25 : memref<10000x64xf32, #tpu.memory_space<hbm>>) target(%arg16 : memref<80x64xf32, #tpu.memory_space<vmem>>) offsets(%dma_start3A_22 : memref<80xi32, #tpu.memory_space<vmem>>) semaphore(%arg20 : memref<!tpu.dma_semaphore, #tpu.memory_space<semaphore_mem>>)
      %dma_start3A_26 = arith.constant 1 : i32
      %dma_start3A_27 = arith.constant 0 : i32
      %dma_start3A_28 = tpu.memref_slice %arg14[%dma_start3A_26, %dma_start3A_27] : memref<250x80xi32, #tpu.memory_space<vmem>> -> memref<1x80xi32, #tpu.memory_space<vmem>>
      %dma_start3A_29 = tpu.memref_squeeze %dma_start3A_28 : memref<1x80xi32, #tpu.memory_space<vmem>> -> memref<80xi32, #tpu.memory_space<vmem>>
      %dma_start3A_30 = arith.constant 0 : i32
      %dma_start3A_31 = arith.constant 0 : i32
      %dma_start3A_32 = tpu.memref_slice %arg4[%dma_start3A_30, %dma_start3A_31] : memref<10000x64xf32, #tpu.memory_space<hbm>> -> memref<10000x64xf32, #tpu.memory_space<hbm>>
      tpu.enqueue_indirect_dma source(%dma_start3A_32 : memref<10000x64xf32, #tpu.memory_space<hbm>>) target(%arg17 : memref<80x64xf32, #tpu.memory_space<vmem>>) offsets(%dma_start3A_29 : memref<80xi32, #tpu.memory_space<vmem>>) semaphore(%arg21 : memref<!tpu.dma_semaphore, #tpu.memory_space<semaphore_mem>>)
      %dma_start3A_33 = arith.constant 2 : i32
      %dma_start3A_34 = arith.constant 0 : i32
      %dma_start3A_35 = tpu.memref_slice %arg14[%dma_start3A_33, %dma_start3A_34] : memref<250x80xi32, #tpu.memory_space<vmem>> -> memref<1x80xi32, #tpu.memory_space<vmem>>
      %dma_start3A_36 = tpu.memref_squeeze %dma_start3A_35 : memref<1x80xi32, #tpu.memory_space<vmem>> -> memref<80xi32, #tpu.memory_space<vmem>>
      %dma_start3A_37 = arith.constant 0 : i32
      %dma_start3A_38 = arith.constant 0 : i32
      %dma_start3A_39 = tpu.memref_slice %arg4[%dma_start3A_37, %dma_start3A_38] : memref<10000x64xf32, #tpu.memory_space<hbm>> -> memref<10000x64xf32, #tpu.memory_space<hbm>>
      tpu.enqueue_indirect_dma source(%dma_start3A_39 : memref<10000x64xf32, #tpu.memory_space<hbm>>) target(%arg18 : memref<80x64xf32, #tpu.memory_space<vmem>>) offsets(%dma_start3A_36 : memref<80xi32, #tpu.memory_space<vmem>>) semaphore(%arg22 : memref<!tpu.dma_semaphore, #tpu.memory_space<semaphore_mem>>)
      %dma_start3A_40 = arith.constant 3 : i32
      %dma_start3A_41 = arith.constant 0 : i32
      %dma_start3A_42 = tpu.memref_slice %arg14[%dma_start3A_40, %dma_start3A_41] : memref<250x80xi32, #tpu.memory_space<vmem>> -> memref<1x80xi32, #tpu.memory_space<vmem>>
      %dma_start3A_43 = tpu.memref_squeeze %dma_start3A_42 : memref<1x80xi32, #tpu.memory_space<vmem>> -> memref<80xi32, #tpu.memory_space<vmem>>
      %dma_start3A_44 = arith.constant 0 : i32
      %dma_start3A_45 = arith.constant 0 : i32
      %dma_start3A_46 = tpu.memref_slice %arg4[%dma_start3A_44, %dma_start3A_45] : memref<10000x64xf32, #tpu.memory_space<hbm>> -> memref<10000x64xf32, #tpu.memory_space<hbm>>
      tpu.enqueue_indirect_dma source(%dma_start3A_46 : memref<10000x64xf32, #tpu.memory_space<hbm>>) target(%arg19 : memref<80x64xf32, #tpu.memory_space<vmem>>) offsets(%dma_start3A_43 : memref<80xi32, #tpu.memory_space<vmem>>) semaphore(%arg23 : memref<!tpu.dma_semaphore, #tpu.memory_space<semaphore_mem>>)
      %scan3A = arith.constant 0 : i32
      %scan3A_47 = arith.constant 0 : i32
      %scan3A_48 = arith.constant 62 : i32
      %scan3A_49 = arith.addi %scan3A_47, %scan3A_48 : i32
      %scan3A_50 = arith.constant 1 : i32
      %scan3A_51 = scf.for %scan3A_123 = %scan3A_47 to %scan3A_49 step %scan3A_50 iter_args(%scan3A_124 = %scan3A) -> (i32)  : i32 {
        %mul3A_125 = arith.constant 4 : i32
        %mul3A_126 = arith.muli %mul3A_125, %scan3A_123 : i32
        %add3A_127 = arith.constant 0 : i32
        %add3A_128 = arith.addi %mul3A_126, %add3A_127 : i32
        %dma_wait3A_129 = arith.constant 0 : i32
        %dma_wait3A_130 = tpu.memref_slice %arg14[%add3A_128, %dma_wait3A_129] : memref<250x80xi32, #tpu.memory_space<vmem>> -> memref<1x80xi32, #tpu.memory_space<vmem>>
        %dma_wait3A_131 = tpu.memref_squeeze %dma_wait3A_130 : memref<1x80xi32, #tpu.memory_space<vmem>> -> memref<80xi32, #tpu.memory_space<vmem>>
        %dma_wait3A_132 = arith.constant 0 : i32
        %dma_wait3A_133 = arith.constant 0 : i32
        %dma_wait3A_134 = tpu.memref_slice %arg4[%dma_wait3A_132, %dma_wait3A_133] : memref<10000x64xf32, #tpu.memory_space<hbm>> -> memref<10000x64xf32, #tpu.memory_space<hbm>>
        tpu.wait_indirect_dma semaphore(%arg20 : memref<!tpu.dma_semaphore, #tpu.memory_space<semaphore_mem>>) src(%dma_wait3A_134 : memref<10000x64xf32, #tpu.memory_space<hbm>>) dst(%arg16 : memref<80x64xf32, #tpu.memory_space<vmem>>)
        "tpu.region"() ({
          %run_scoped3A_193 = tpu.sem_alloc : memref<!tpu.dma_semaphore, #tpu.memory_space<semaphore_mem>>
          %dma_start3A_194 = arith.constant 0 : i32
          %dma_start3A_195 = tpu.memref_slice %arg15[%add3A_128, %dma_start3A_194] : memref<250x80xi32, #tpu.memory_space<vmem>> -> memref<1x80xi32, #tpu.memory_space<vmem>>
          %dma_start3A_196 = tpu.memref_squeeze %dma_start3A_195 : memref<1x80xi32, #tpu.memory_space<vmem>> -> memref<80xi32, #tpu.memory_space<vmem>>
          %dma_start3A_197 = arith.constant 0 : i32
          %dma_start3A_198 = arith.constant 0 : i32
          %dma_start3A_199 = tpu.memref_slice %arg13[%dma_start3A_197, %dma_start3A_198] : memref<10000x64xf32, #tpu.memory_space<vmem_shared>> -> memref<10000x64xf32, #tpu.memory_space<vmem_shared>>
          tpu.enqueue_indirect_dma source(%arg16 : memref<80x64xf32, #tpu.memory_space<vmem>>) target(%dma_start3A_199 : memref<10000x64xf32, #tpu.memory_space<vmem_shared>>) offsets(%dma_start3A_196 : memref<80xi32, #tpu.memory_space<vmem>>) semaphore(%run_scoped3A_193 : memref<!tpu.dma_semaphore, #tpu.memory_space<semaphore_mem>>) {add = true}
          %dma_wait3A_200 = arith.constant 0 : i32
          %dma_wait3A_201 = tpu.memref_slice %arg15[%add3A_128, %dma_wait3A_200] : memref<250x80xi32, #tpu.memory_space<vmem>> -> memref<1x80xi32, #tpu.memory_space<vmem>>
          %dma_wait3A_202 = tpu.memref_squeeze %dma_wait3A_201 : memref<1x80xi32, #tpu.memory_space<vmem>> -> memref<80xi32, #tpu.memory_space<vmem>>
          %dma_wait3A_203 = arith.constant 0 : i32
          %dma_wait3A_204 = arith.constant 0 : i32
          %dma_wait3A_205 = tpu.memref_slice %arg13[%dma_wait3A_203, %dma_wait3A_204] : memref<10000x64xf32, #tpu.memory_space<vmem_shared>> -> memref<10000x64xf32, #tpu.memory_space<vmem_shared>>
          tpu.wait_indirect_dma semaphore(%run_scoped3A_193 : memref<!tpu.dma_semaphore, #tpu.memory_space<semaphore_mem>>) src(%arg16 : memref<80x64xf32, #tpu.memory_space<vmem>>) dst(%dma_wait3A_205 : memref<10000x64xf32, #tpu.memory_space<vmem_shared>>)
          tpu.yield
        }) : () -> ()
        %add3A_135 = arith.constant 4 : i32
        %add3A_136 = arith.addi %add3A_128, %add3A_135 : i32
        %lt3A = arith.constant 250 : i32
        %lt3A_137 = arith.cmpi slt, %add3A_136, %lt3A : i32
        %convert_element_type3A_138 = arith.extui %lt3A_137 : i1 to i32
        %cond3A_139 = arith.constant 0 : i32
        %cond3A_140 = arith.cmpi ne, %convert_element_type3A_138, %cond3A_139 : i32
        scf.if %cond3A_140 {
          %add3A_193 = arith.constant 4 : i32
          %add3A_194 = arith.addi %add3A_128, %add3A_193 : i32
          %dma_start3A_195 = arith.constant 0 : i32
          %dma_start3A_196 = tpu.memref_slice %arg14[%add3A_194, %dma_start3A_195] : memref<250x80xi32, #tpu.memory_space<vmem>> -> memref<1x80xi32, #tpu.memory_space<vmem>>
          %dma_start3A_197 = tpu.memref_squeeze %dma_start3A_196 : memref<1x80xi32, #tpu.memory_space<vmem>> -> memref<80xi32, #tpu.memory_space<vmem>>
          %dma_start3A_198 = arith.constant 0 : i32
          %dma_start3A_199 = arith.constant 0 : i32
          %dma_start3A_200 = tpu.memref_slice %arg4[%dma_start3A_198, %dma_start3A_199] : memref<10000x64xf32, #tpu.memory_space<hbm>> -> memref<10000x64xf32, #tpu.memory_space<hbm>>
          tpu.enqueue_indirect_dma source(%dma_start3A_200 : memref<10000x64xf32, #tpu.memory_space<hbm>>) target(%arg16 : memref<80x64xf32, #tpu.memory_space<vmem>>) offsets(%dma_start3A_197 : memref<80xi32, #tpu.memory_space<vmem>>) semaphore(%arg20 : memref<!tpu.dma_semaphore, #tpu.memory_space<semaphore_mem>>)
        } else {
        }
        %mul3A_141 = arith.constant 4 : i32
        %mul3A_142 = arith.muli %mul3A_141, %scan3A_123 : i32
        %add3A_143 = arith.constant 1 : i32
        %add3A_144 = arith.addi %mul3A_142, %add3A_143 : i32
        %dma_wait3A_145 = arith.constant 0 : i32
        %dma_wait3A_146 = tpu.memref_slice %arg14[%add3A_144, %dma_wait3A_145] : memref<250x80xi32, #tpu.memory_space<vmem>> -> memref<1x80xi32, #tpu.memory_space<vmem>>
        %dma_wait3A_147 = tpu.memref_squeeze %dma_wait3A_146 : memref<1x80xi32, #tpu.memory_space<vmem>> -> memref<80xi32, #tpu.memory_space<vmem>>
        %dma_wait3A_148 = arith.constant 0 : i32
        %dma_wait3A_149 = arith.constant 0 : i32
        %dma_wait3A_150 = tpu.memref_slice %arg4[%dma_wait3A_148, %dma_wait3A_149] : memref<10000x64xf32, #tpu.memory_space<hbm>> -> memref<10000x64xf32, #tpu.memory_space<hbm>>
        tpu.wait_indirect_dma semaphore(%arg21 : memref<!tpu.dma_semaphore, #tpu.memory_space<semaphore_mem>>) src(%dma_wait3A_150 : memref<10000x64xf32, #tpu.memory_space<hbm>>) dst(%arg17 : memref<80x64xf32, #tpu.memory_space<vmem>>)
        "tpu.region"() ({
          %run_scoped3A_193 = tpu.sem_alloc : memref<!tpu.dma_semaphore, #tpu.memory_space<semaphore_mem>>
          %dma_start3A_194 = arith.constant 0 : i32
          %dma_start3A_195 = tpu.memref_slice %arg15[%add3A_144, %dma_start3A_194] : memref<250x80xi32, #tpu.memory_space<vmem>> -> memref<1x80xi32, #tpu.memory_space<vmem>>
          %dma_start3A_196 = tpu.memref_squeeze %dma_start3A_195 : memref<1x80xi32, #tpu.memory_space<vmem>> -> memref<80xi32, #tpu.memory_space<vmem>>
          %dma_start3A_197 = arith.constant 0 : i32
          %dma_start3A_198 = arith.constant 0 : i32
          %dma_start3A_199 = tpu.memref_slice %arg13[%dma_start3A_197, %dma_start3A_198] : memref<10000x64xf32, #tpu.memory_space<vmem_shared>> -> memref<10000x64xf32, #tpu.memory_space<vmem_shared>>
          tpu.enqueue_indirect_dma source(%arg17 : memref<80x64xf32, #tpu.memory_space<vmem>>) target(%dma_start3A_199 : memref<10000x64xf32, #tpu.memory_space<vmem_shared>>) offsets(%dma_start3A_196 : memref<80xi32, #tpu.memory_space<vmem>>) semaphore(%run_scoped3A_193 : memref<!tpu.dma_semaphore, #tpu.memory_space<semaphore_mem>>) {add = true}
          %dma_wait3A_200 = arith.constant 0 : i32
          %dma_wait3A_201 = tpu.memref_slice %arg15[%add3A_144, %dma_wait3A_200] : memref<250x80xi32, #tpu.memory_space<vmem>> -> memref<1x80xi32, #tpu.memory_space<vmem>>
          %dma_wait3A_202 = tpu.memref_squeeze %dma_wait3A_201 : memref<1x80xi32, #tpu.memory_space<vmem>> -> memref<80xi32, #tpu.memory_space<vmem>>
          %dma_wait3A_203 = arith.constant 0 : i32
          %dma_wait3A_204 = arith.constant 0 : i32
          %dma_wait3A_205 = tpu.memref_slice %arg13[%dma_wait3A_203, %dma_wait3A_204] : memref<10000x64xf32, #tpu.memory_space<vmem_shared>> -> memref<10000x64xf32, #tpu.memory_space<vmem_shared>>
          tpu.wait_indirect_dma semaphore(%run_scoped3A_193 : memref<!tpu.dma_semaphore, #tpu.memory_space<semaphore_mem>>) src(%arg17 : memref<80x64xf32, #tpu.memory_space<vmem>>) dst(%dma_wait3A_205 : memref<10000x64xf32, #tpu.memory_space<vmem_shared>>)
          tpu.yield
        }) : () -> ()
        %add3A_151 = arith.constant 4 : i32
        %add3A_152 = arith.addi %add3A_144, %add3A_151 : i32
        %lt3A_153 = arith.constant 250 : i32
        %lt3A_154 = arith.cmpi slt, %add3A_152, %lt3A_153 : i32
        %convert_element_type3A_155 = arith.extui %lt3A_154 : i1 to i32
        %cond3A_156 = arith.constant 0 : i32
        %cond3A_157 = arith.cmpi ne, %convert_element_type3A_155, %cond3A_156 : i32
        scf.if %cond3A_157 {
          %add3A_193 = arith.constant 4 : i32
          %add3A_194 = arith.addi %add3A_144, %add3A_193 : i32
          %dma_start3A_195 = arith.constant 0 : i32
          %dma_start3A_196 = tpu.memref_slice %arg14[%add3A_194, %dma_start3A_195] : memref<250x80xi32, #tpu.memory_space<vmem>> -> memref<1x80xi32, #tpu.memory_space<vmem>>
          %dma_start3A_197 = tpu.memref_squeeze %dma_start3A_196 : memref<1x80xi32, #tpu.memory_space<vmem>> -> memref<80xi32, #tpu.memory_space<vmem>>
          %dma_start3A_198 = arith.constant 0 : i32
          %dma_start3A_199 = arith.constant 0 : i32
          %dma_start3A_200 = tpu.memref_slice %arg4[%dma_start3A_198, %dma_start3A_199] : memref<10000x64xf32, #tpu.memory_space<hbm>> -> memref<10000x64xf32, #tpu.memory_space<hbm>>
          tpu.enqueue_indirect_dma source(%dma_start3A_200 : memref<10000x64xf32, #tpu.memory_space<hbm>>) target(%arg17 : memref<80x64xf32, #tpu.memory_space<vmem>>) offsets(%dma_start3A_197 : memref<80xi32, #tpu.memory_space<vmem>>) semaphore(%arg21 : memref<!tpu.dma_semaphore, #tpu.memory_space<semaphore_mem>>)
        } else {
        }
        %mul3A_158 = arith.constant 4 : i32
        %mul3A_159 = arith.muli %mul3A_158, %scan3A_123 : i32
        %add3A_160 = arith.constant 2 : i32
        %add3A_161 = arith.addi %mul3A_159, %add3A_160 : i32
        %dma_wait3A_162 = arith.constant 0 : i32
        %dma_wait3A_163 = tpu.memref_slice %arg14[%add3A_161, %dma_wait3A_162] : memref<250x80xi32, #tpu.memory_space<vmem>> -> memref<1x80xi32, #tpu.memory_space<vmem>>
        %dma_wait3A_164 = tpu.memref_squeeze %dma_wait3A_163 : memref<1x80xi32, #tpu.memory_space<vmem>> -> memref<80xi32, #tpu.memory_space<vmem>>
        %dma_wait3A_165 = arith.constant 0 : i32
        %dma_wait3A_166 = arith.constant 0 : i32
        %dma_wait3A_167 = tpu.memref_slice %arg4[%dma_wait3A_165, %dma_wait3A_166] : memref<10000x64xf32, #tpu.memory_space<hbm>> -> memref<10000x64xf32, #tpu.memory_space<hbm>>
        tpu.wait_indirect_dma semaphore(%arg22 : memref<!tpu.dma_semaphore, #tpu.memory_space<semaphore_mem>>) src(%dma_wait3A_167 : memref<10000x64xf32, #tpu.memory_space<hbm>>) dst(%arg18 : memref<80x64xf32, #tpu.memory_space<vmem>>)
        "tpu.region"() ({
          %run_scoped3A_193 = tpu.sem_alloc : memref<!tpu.dma_semaphore, #tpu.memory_space<semaphore_mem>>
          %dma_start3A_194 = arith.constant 0 : i32
          %dma_start3A_195 = tpu.memref_slice %arg15[%add3A_161, %dma_start3A_194] : memref<250x80xi32, #tpu.memory_space<vmem>> -> memref<1x80xi32, #tpu.memory_space<vmem>>
          %dma_start3A_196 = tpu.memref_squeeze %dma_start3A_195 : memref<1x80xi32, #tpu.memory_space<vmem>> -> memref<80xi32, #tpu.memory_space<vmem>>
          %dma_start3A_197 = arith.constant 0 : i32
          %dma_start3A_198 = arith.constant 0 : i32
          %dma_start3A_199 = tpu.memref_slice %arg13[%dma_start3A_197, %dma_start3A_198] : memref<10000x64xf32, #tpu.memory_space<vmem_shared>> -> memref<10000x64xf32, #tpu.memory_space<vmem_shared>>
          tpu.enqueue_indirect_dma source(%arg18 : memref<80x64xf32, #tpu.memory_space<vmem>>) target(%dma_start3A_199 : memref<10000x64xf32, #tpu.memory_space<vmem_shared>>) offsets(%dma_start3A_196 : memref<80xi32, #tpu.memory_space<vmem>>) semaphore(%run_scoped3A_193 : memref<!tpu.dma_semaphore, #tpu.memory_space<semaphore_mem>>) {add = true}
          %dma_wait3A_200 = arith.constant 0 : i32
          %dma_wait3A_201 = tpu.memref_slice %arg15[%add3A_161, %dma_wait3A_200] : memref<250x80xi32, #tpu.memory_space<vmem>> -> memref<1x80xi32, #tpu.memory_space<vmem>>
          %dma_wait3A_202 = tpu.memref_squeeze %dma_wait3A_201 : memref<1x80xi32, #tpu.memory_space<vmem>> -> memref<80xi32, #tpu.memory_space<vmem>>
          %dma_wait3A_203 = arith.constant 0 : i32
          %dma_wait3A_204 = arith.constant 0 : i32
          %dma_wait3A_205 = tpu.memref_slice %arg13[%dma_wait3A_203, %dma_wait3A_204] : memref<10000x64xf32, #tpu.memory_space<vmem_shared>> -> memref<10000x64xf32, #tpu.memory_space<vmem_shared>>
          tpu.wait_indirect_dma semaphore(%run_scoped3A_193 : memref<!tpu.dma_semaphore, #tpu.memory_space<semaphore_mem>>) src(%arg18 : memref<80x64xf32, #tpu.memory_space<vmem>>) dst(%dma_wait3A_205 : memref<10000x64xf32, #tpu.memory_space<vmem_shared>>)
          tpu.yield
        }) : () -> ()
        %add3A_168 = arith.constant 4 : i32
        %add3A_169 = arith.addi %add3A_161, %add3A_168 : i32
        %lt3A_170 = arith.constant 250 : i32
        %lt3A_171 = arith.cmpi slt, %add3A_169, %lt3A_170 : i32
        %convert_element_type3A_172 = arith.extui %lt3A_171 : i1 to i32
        %cond3A_173 = arith.constant 0 : i32
        %cond3A_174 = arith.cmpi ne, %convert_element_type3A_172, %cond3A_173 : i32
        scf.if %cond3A_174 {
          %add3A_193 = arith.constant 4 : i32
          %add3A_194 = arith.addi %add3A_161, %add3A_193 : i32
          %dma_start3A_195 = arith.constant 0 : i32
          %dma_start3A_196 = tpu.memref_slice %arg14[%add3A_194, %dma_start3A_195] : memref<250x80xi32, #tpu.memory_space<vmem>> -> memref<1x80xi32, #tpu.memory_space<vmem>>
          %dma_start3A_197 = tpu.memref_squeeze %dma_start3A_196 : memref<1x80xi32, #tpu.memory_space<vmem>> -> memref<80xi32, #tpu.memory_space<vmem>>
          %dma_start3A_198 = arith.constant 0 : i32
          %dma_start3A_199 = arith.constant 0 : i32
          %dma_start3A_200 = tpu.memref_slice %arg4[%dma_start3A_198, %dma_start3A_199] : memref<10000x64xf32, #tpu.memory_space<hbm>> -> memref<10000x64xf32, #tpu.memory_space<hbm>>
          tpu.enqueue_indirect_dma source(%dma_start3A_200 : memref<10000x64xf32, #tpu.memory_space<hbm>>) target(%arg18 : memref<80x64xf32, #tpu.memory_space<vmem>>) offsets(%dma_start3A_197 : memref<80xi32, #tpu.memory_space<vmem>>) semaphore(%arg22 : memref<!tpu.dma_semaphore, #tpu.memory_space<semaphore_mem>>)
        } else {
        }
        %mul3A_175 = arith.constant 4 : i32
        %mul3A_176 = arith.muli %mul3A_175, %scan3A_123 : i32
        %add3A_177 = arith.constant 3 : i32
        %add3A_178 = arith.addi %mul3A_176, %add3A_177 : i32
        %dma_wait3A_179 = arith.constant 0 : i32
        %dma_wait3A_180 = tpu.memref_slice %arg14[%add3A_178, %dma_wait3A_179] : memref<250x80xi32, #tpu.memory_space<vmem>> -> memref<1x80xi32, #tpu.memory_space<vmem>>
        %dma_wait3A_181 = tpu.memref_squeeze %dma_wait3A_180 : memref<1x80xi32, #tpu.memory_space<vmem>> -> memref<80xi32, #tpu.memory_space<vmem>>
        %dma_wait3A_182 = arith.constant 0 : i32
        %dma_wait3A_183 = arith.constant 0 : i32
        %dma_wait3A_184 = tpu.memref_slice %arg4[%dma_wait3A_182, %dma_wait3A_183] : memref<10000x64xf32, #tpu.memory_space<hbm>> -> memref<10000x64xf32, #tpu.memory_space<hbm>>
        tpu.wait_indirect_dma semaphore(%arg23 : memref<!tpu.dma_semaphore, #tpu.memory_space<semaphore_mem>>) src(%dma_wait3A_184 : memref<10000x64xf32, #tpu.memory_space<hbm>>) dst(%arg19 : memref<80x64xf32, #tpu.memory_space<vmem>>)
        "tpu.region"() ({
          %run_scoped3A_193 = tpu.sem_alloc : memref<!tpu.dma_semaphore, #tpu.memory_space<semaphore_mem>>
          %dma_start3A_194 = arith.constant 0 : i32
          %dma_start3A_195 = tpu.memref_slice %arg15[%add3A_178, %dma_start3A_194] : memref<250x80xi32, #tpu.memory_space<vmem>> -> memref<1x80xi32, #tpu.memory_space<vmem>>
          %dma_start3A_196 = tpu.memref_squeeze %dma_start3A_195 : memref<1x80xi32, #tpu.memory_space<vmem>> -> memref<80xi32, #tpu.memory_space<vmem>>
          %dma_start3A_197 = arith.constant 0 : i32
          %dma_start3A_198 = arith.constant 0 : i32
          %dma_start3A_199 = tpu.memref_slice %arg13[%dma_start3A_197, %dma_start3A_198] : memref<10000x64xf32, #tpu.memory_space<vmem_shared>> -> memref<10000x64xf32, #tpu.memory_space<vmem_shared>>
          tpu.enqueue_indirect_dma source(%arg19 : memref<80x64xf32, #tpu.memory_space<vmem>>) target(%dma_start3A_199 : memref<10000x64xf32, #tpu.memory_space<vmem_shared>>) offsets(%dma_start3A_196 : memref<80xi32, #tpu.memory_space<vmem>>) semaphore(%run_scoped3A_193 : memref<!tpu.dma_semaphore, #tpu.memory_space<semaphore_mem>>) {add = true}
          %dma_wait3A_200 = arith.constant 0 : i32
          %dma_wait3A_201 = tpu.memref_slice %arg15[%add3A_178, %dma_wait3A_200] : memref<250x80xi32, #tpu.memory_space<vmem>> -> memref<1x80xi32, #tpu.memory_space<vmem>>
          %dma_wait3A_202 = tpu.memref_squeeze %dma_wait3A_201 : memref<1x80xi32, #tpu.memory_space<vmem>> -> memref<80xi32, #tpu.memory_space<vmem>>
          %dma_wait3A_203 = arith.constant 0 : i32
          %dma_wait3A_204 = arith.constant 0 : i32
          %dma_wait3A_205 = tpu.memref_slice %arg13[%dma_wait3A_203, %dma_wait3A_204] : memref<10000x64xf32, #tpu.memory_space<vmem_shared>> -> memref<10000x64xf32, #tpu.memory_space<vmem_shared>>
          tpu.wait_indirect_dma semaphore(%run_scoped3A_193 : memref<!tpu.dma_semaphore, #tpu.memory_space<semaphore_mem>>) src(%arg19 : memref<80x64xf32, #tpu.memory_space<vmem>>) dst(%dma_wait3A_205 : memref<10000x64xf32, #tpu.memory_space<vmem_shared>>)
          tpu.yield
        }) : () -> ()
        %add3A_185 = arith.constant 4 : i32
        %add3A_186 = arith.addi %add3A_178, %add3A_185 : i32
        %lt3A_187 = arith.constant 250 : i32
        %lt3A_188 = arith.cmpi slt, %add3A_186, %lt3A_187 : i32
        %convert_element_type3A_189 = arith.extui %lt3A_188 : i1 to i32
        %cond3A_190 = arith.constant 0 : i32
        %cond3A_191 = arith.cmpi ne, %convert_element_type3A_189, %cond3A_190 : i32
        scf.if %cond3A_191 {
          %add3A_193 = arith.constant 4 : i32
          %add3A_194 = arith.addi %add3A_178, %add3A_193 : i32
          %dma_start3A_195 = arith.constant 0 : i32
          %dma_start3A_196 = tpu.memref_slice %arg14[%add3A_194, %dma_start3A_195] : memref<250x80xi32, #tpu.memory_space<vmem>> -> memref<1x80xi32, #tpu.memory_space<vmem>>
          %dma_start3A_197 = tpu.memref_squeeze %dma_start3A_196 : memref<1x80xi32, #tpu.memory_space<vmem>> -> memref<80xi32, #tpu.memory_space<vmem>>
          %dma_start3A_198 = arith.constant 0 : i32
          %dma_start3A_199 = arith.constant 0 : i32
          %dma_start3A_200 = tpu.memref_slice %arg4[%dma_start3A_198, %dma_start3A_199] : memref<10000x64xf32, #tpu.memory_space<hbm>> -> memref<10000x64xf32, #tpu.memory_space<hbm>>
          tpu.enqueue_indirect_dma source(%dma_start3A_200 : memref<10000x64xf32, #tpu.memory_space<hbm>>) target(%arg19 : memref<80x64xf32, #tpu.memory_space<vmem>>) offsets(%dma_start3A_197 : memref<80xi32, #tpu.memory_space<vmem>>) semaphore(%arg23 : memref<!tpu.dma_semaphore, #tpu.memory_space<semaphore_mem>>)
        } else {
        }
        %scan3A_192 = arith.constant 0 : i32
        scf.yield %scan3A_192 : i32
      }
      %scan3A_52 = arith.constant 62 : i32
      %dma_wait3A = arith.constant 248 : i32
      %dma_wait3A_53 = arith.constant 0 : i32
      %dma_wait3A_54 = tpu.memref_slice %arg14[%dma_wait3A, %dma_wait3A_53] : memref<250x80xi32, #tpu.memory_space<vmem>> -> memref<1x80xi32, #tpu.memory_space<vmem>>
      %dma_wait3A_55 = tpu.memref_squeeze %dma_wait3A_54 : memref<1x80xi32, #tpu.memory_space<vmem>> -> memref<80xi32, #tpu.memory_space<vmem>>
      %dma_wait3A_56 = arith.constant 0 : i32
      %dma_wait3A_57 = arith.constant 0 : i32
      %dma_wait3A_58 = tpu.memref_slice %arg4[%dma_wait3A_56, %dma_wait3A_57] : memref<10000x64xf32, #tpu.memory_space<hbm>> -> memref<10000x64xf32, #tpu.memory_space<hbm>>
      tpu.wait_indirect_dma semaphore(%arg20 : memref<!tpu.dma_semaphore, #tpu.memory_space<semaphore_mem>>) src(%dma_wait3A_58 : memref<10000x64xf32, #tpu.memory_space<hbm>>) dst(%arg16 : memref<80x64xf32, #tpu.memory_space<vmem>>)
      %run_scoped3A = arith.constant 248 : i32
      "tpu.region"() ({
        %run_scoped3A_123 = tpu.sem_alloc : memref<!tpu.dma_semaphore, #tpu.memory_space<semaphore_mem>>
        %dma_start3A_124 = arith.constant 0 : i32
        %dma_start3A_125 = tpu.memref_slice %arg15[%run_scoped3A, %dma_start3A_124] : memref<250x80xi32, #tpu.memory_space<vmem>> -> memref<1x80xi32, #tpu.memory_space<vmem>>
        %dma_start3A_126 = tpu.memref_squeeze %dma_start3A_125 : memref<1x80xi32, #tpu.memory_space<vmem>> -> memref<80xi32, #tpu.memory_space<vmem>>
        %dma_start3A_127 = arith.constant 0 : i32
        %dma_start3A_128 = arith.constant 0 : i32
        %dma_start3A_129 = tpu.memref_slice %arg13[%dma_start3A_127, %dma_start3A_128] : memref<10000x64xf32, #tpu.memory_space<vmem_shared>> -> memref<10000x64xf32, #tpu.memory_space<vmem_shared>>
        tpu.enqueue_indirect_dma source(%arg16 : memref<80x64xf32, #tpu.memory_space<vmem>>) target(%dma_start3A_129 : memref<10000x64xf32, #tpu.memory_space<vmem_shared>>) offsets(%dma_start3A_126 : memref<80xi32, #tpu.memory_space<vmem>>) semaphore(%run_scoped3A_123 : memref<!tpu.dma_semaphore, #tpu.memory_space<semaphore_mem>>) {add = true}
        %dma_wait3A_130 = arith.constant 0 : i32
        %dma_wait3A_131 = tpu.memref_slice %arg15[%run_scoped3A, %dma_wait3A_130] : memref<250x80xi32, #tpu.memory_space<vmem>> -> memref<1x80xi32, #tpu.memory_space<vmem>>
        %dma_wait3A_132 = tpu.memref_squeeze %dma_wait3A_131 : memref<1x80xi32, #tpu.memory_space<vmem>> -> memref<80xi32, #tpu.memory_space<vmem>>
        %dma_wait3A_133 = arith.constant 0 : i32
        %dma_wait3A_134 = arith.constant 0 : i32
        %dma_wait3A_135 = tpu.memref_slice %arg13[%dma_wait3A_133, %dma_wait3A_134] : memref<10000x64xf32, #tpu.memory_space<vmem_shared>> -> memref<10000x64xf32, #tpu.memory_space<vmem_shared>>
        tpu.wait_indirect_dma semaphore(%run_scoped3A_123 : memref<!tpu.dma_semaphore, #tpu.memory_space<semaphore_mem>>) src(%arg16 : memref<80x64xf32, #tpu.memory_space<vmem>>) dst(%dma_wait3A_135 : memref<10000x64xf32, #tpu.memory_space<vmem_shared>>)
        tpu.yield
      }) : () -> ()
      %dma_wait3A_59 = arith.constant 249 : i32
      %dma_wait3A_60 = arith.constant 0 : i32
      %dma_wait3A_61 = tpu.memref_slice %arg14[%dma_wait3A_59, %dma_wait3A_60] : memref<250x80xi32, #tpu.memory_space<vmem>> -> memref<1x80xi32, #tpu.memory_space<vmem>>
      %dma_wait3A_62 = tpu.memref_squeeze %dma_wait3A_61 : memref<1x80xi32, #tpu.memory_space<vmem>> -> memref<80xi32, #tpu.memory_space<vmem>>
      %dma_wait3A_63 = arith.constant 0 : i32
      %dma_wait3A_64 = arith.constant 0 : i32
      %dma_wait3A_65 = tpu.memref_slice %arg4[%dma_wait3A_63, %dma_wait3A_64] : memref<10000x64xf32, #tpu.memory_space<hbm>> -> memref<10000x64xf32, #tpu.memory_space<hbm>>
      tpu.wait_indirect_dma semaphore(%arg21 : memref<!tpu.dma_semaphore, #tpu.memory_space<semaphore_mem>>) src(%dma_wait3A_65 : memref<10000x64xf32, #tpu.memory_space<hbm>>) dst(%arg17 : memref<80x64xf32, #tpu.memory_space<vmem>>)
      %run_scoped3A_66 = arith.constant 249 : i32
      "tpu.region"() ({
        %run_scoped3A_123 = tpu.sem_alloc : memref<!tpu.dma_semaphore, #tpu.memory_space<semaphore_mem>>
        %dma_start3A_124 = arith.constant 0 : i32
        %dma_start3A_125 = tpu.memref_slice %arg15[%run_scoped3A_66, %dma_start3A_124] : memref<250x80xi32, #tpu.memory_space<vmem>> -> memref<1x80xi32, #tpu.memory_space<vmem>>
        %dma_start3A_126 = tpu.memref_squeeze %dma_start3A_125 : memref<1x80xi32, #tpu.memory_space<vmem>> -> memref<80xi32, #tpu.memory_space<vmem>>
        %dma_start3A_127 = arith.constant 0 : i32
        %dma_start3A_128 = arith.constant 0 : i32
        %dma_start3A_129 = tpu.memref_slice %arg13[%dma_start3A_127, %dma_start3A_128] : memref<10000x64xf32, #tpu.memory_space<vmem_shared>> -> memref<10000x64xf32, #tpu.memory_space<vmem_shared>>
        tpu.enqueue_indirect_dma source(%arg17 : memref<80x64xf32, #tpu.memory_space<vmem>>) target(%dma_start3A_129 : memref<10000x64xf32, #tpu.memory_space<vmem_shared>>) offsets(%dma_start3A_126 : memref<80xi32, #tpu.memory_space<vmem>>) semaphore(%run_scoped3A_123 : memref<!tpu.dma_semaphore, #tpu.memory_space<semaphore_mem>>) {add = true}
        %dma_wait3A_130 = arith.constant 0 : i32
        %dma_wait3A_131 = tpu.memref_slice %arg15[%run_scoped3A_66, %dma_wait3A_130] : memref<250x80xi32, #tpu.memory_space<vmem>> -> memref<1x80xi32, #tpu.memory_space<vmem>>
        %dma_wait3A_132 = tpu.memref_squeeze %dma_wait3A_131 : memref<1x80xi32, #tpu.memory_space<vmem>> -> memref<80xi32, #tpu.memory_space<vmem>>
        %dma_wait3A_133 = arith.constant 0 : i32
        %dma_wait3A_134 = arith.constant 0 : i32
        %dma_wait3A_135 = tpu.memref_slice %arg13[%dma_wait3A_133, %dma_wait3A_134] : memref<10000x64xf32, #tpu.memory_space<vmem_shared>> -> memref<10000x64xf32, #tpu.memory_space<vmem_shared>>
        tpu.wait_indirect_dma semaphore(%run_scoped3A_123 : memref<!tpu.dma_semaphore, #tpu.memory_space<semaphore_mem>>) src(%arg17 : memref<80x64xf32, #tpu.memory_space<vmem>>) dst(%dma_wait3A_135 : memref<10000x64xf32, #tpu.memory_space<vmem_shared>>)
        tpu.yield
      }) : () -> ()
      %barrier3A_67 = arith.constant 0 : index
      tpu.barrier barrier_id(%barrier3A_67)
      "tpu.region"() ({
        %run_scoped3A_123 = tpu.sem_alloc : memref<!tpu.dma_semaphore, #tpu.memory_space<semaphore_mem>>
        %dma_start3A_124 = arith.constant 0 : i32
        %dma_start3A_125 = tpu.memref_slice %arg11[%min3A_1, %dma_start3A_124] : memref<10000x64xf32, #tpu.memory_space<hbm>> -> memref<640x64xf32, #tpu.memory_space<hbm>>
        %dma_start3A_126 = arith.constant 0 : i32
        %dma_start3A_127 = tpu.memref_slice %arg13[%min3A_1, %dma_start3A_126] : memref<10000x64xf32, #tpu.memory_space<vmem_shared>> -> memref<640x64xf32, #tpu.memory_space<vmem_shared>>
        tpu.enqueue_dma source(%dma_start3A_127 : memref<640x64xf32, #tpu.memory_space<vmem_shared>>) target(%dma_start3A_125 : memref<640x64xf32, #tpu.memory_space<hbm>>) target_semaphore(%run_scoped3A_123 : memref<!tpu.dma_semaphore, #tpu.memory_space<semaphore_mem>>)
        %dma_wait3A_128 = arith.constant 0 : i32
        %dma_wait3A_129 = tpu.memref_slice %arg11[%min3A_1, %dma_wait3A_128] : memref<10000x64xf32, #tpu.memory_space<hbm>> -> memref<640x64xf32, #tpu.memory_space<hbm>>
        %dma_wait3A_130 = arith.constant 0 : i32
        %dma_wait3A_131 = tpu.memref_slice %arg13[%min3A_1, %dma_wait3A_130] : memref<10000x64xf32, #tpu.memory_space<vmem_shared>> -> memref<640x64xf32, #tpu.memory_space<vmem_shared>>
        tpu.wait_dma2 semaphore(%run_scoped3A_123 : memref<!tpu.dma_semaphore, #tpu.memory_space<semaphore_mem>>) src(%dma_wait3A_131 : memref<640x64xf32, #tpu.memory_space<vmem_shared>>) dst(%dma_wait3A_129 : memref<640x64xf32, #tpu.memory_space<hbm>>)
        tpu.yield
      }) : () -> ()
      %barrier3A_68 = arith.constant 0 : index
      tpu.barrier barrier_id(%barrier3A_68)
      "tpu.region"() ({
        %run_scoped3A_123 = tpu.sem_alloc : memref<!tpu.dma_semaphore, #tpu.memory_space<semaphore_mem>>
        %dma_start3A_124 = arith.constant 0 : i32
        %dma_start3A_125 = tpu.memref_slice %arg13[%min3A_1, %dma_start3A_124] : memref<10000x64xf32, #tpu.memory_space<vmem_shared>> -> memref<640x64xf32, #tpu.memory_space<vmem_shared>>
        %dma_start3A_126 = arith.constant 0 : i32
        %dma_start3A_127 = tpu.memref_slice %arg8[%min3A_1, %dma_start3A_126] : memref<10000x64xf32, #tpu.memory_space<hbm>> -> memref<640x64xf32, #tpu.memory_space<hbm>>
        tpu.enqueue_dma source(%dma_start3A_127 : memref<640x64xf32, #tpu.memory_space<hbm>>) target(%dma_start3A_125 : memref<640x64xf32, #tpu.memory_space<vmem_shared>>) target_semaphore(%run_scoped3A_123 : memref<!tpu.dma_semaphore, #tpu.memory_space<semaphore_mem>>)
        %dma_wait3A_128 = arith.constant 0 : i32
        %dma_wait3A_129 = tpu.memref_slice %arg13[%min3A_1, %dma_wait3A_128] : memref<10000x64xf32, #tpu.memory_space<vmem_shared>> -> memref<640x64xf32, #tpu.memory_space<vmem_shared>>
        %dma_wait3A_130 = arith.constant 0 : i32
        %dma_wait3A_131 = tpu.memref_slice %arg8[%min3A_1, %dma_wait3A_130] : memref<10000x64xf32, #tpu.memory_space<hbm>> -> memref<640x64xf32, #tpu.memory_space<hbm>>
        tpu.wait_dma2 semaphore(%run_scoped3A_123 : memref<!tpu.dma_semaphore, #tpu.memory_space<semaphore_mem>>) src(%dma_wait3A_131 : memref<640x64xf32, #tpu.memory_space<hbm>>) dst(%dma_wait3A_129 : memref<640x64xf32, #tpu.memory_space<vmem_shared>>)
        tpu.yield
      }) : () -> ()
      %barrier3A_69 = arith.constant 0 : index
      tpu.barrier barrier_id(%barrier3A_69)
      %dma_start3A_70 = arith.constant 0 : i32
      %dma_start3A_71 = arith.constant 0 : i32
      %dma_start3A_72 = tpu.memref_slice %arg14[%dma_start3A_70, %dma_start3A_71] : memref<250x80xi32, #tpu.memory_space<vmem>> -> memref<1x80xi32, #tpu.memory_space<vmem>>
      %dma_start3A_73 = tpu.memref_squeeze %dma_start3A_72 : memref<1x80xi32, #tpu.memory_space<vmem>> -> memref<80xi32, #tpu.memory_space<vmem>>
      %dma_start3A_74 = arith.constant 0 : i32
      %dma_start3A_75 = arith.constant 0 : i32
      %dma_start3A_76 = tpu.memref_slice %arg5[%dma_start3A_74, %dma_start3A_75] : memref<10000x64xf32, #tpu.memory_space<hbm>> -> memref<10000x64xf32, #tpu.memory_space<hbm>>
      tpu.enqueue_indirect_dma source(%dma_start3A_76 : memref<10000x64xf32, #tpu.memory_space<hbm>>) target(%arg16 : memref<80x64xf32, #tpu.memory_space<vmem>>) offsets(%dma_start3A_73 : memref<80xi32, #tpu.memory_space<vmem>>) semaphore(%arg20 : memref<!tpu.dma_semaphore, #tpu.memory_space<semaphore_mem>>)
      %dma_start3A_77 = arith.constant 1 : i32
      %dma_start3A_78 = arith.constant 0 : i32
      %dma_start3A_79 = tpu.memref_slice %arg14[%dma_start3A_77, %dma_start3A_78] : memref<250x80xi32, #tpu.memory_space<vmem>> -> memref<1x80xi32, #tpu.memory_space<vmem>>
      %dma_start3A_80 = tpu.memref_squeeze %dma_start3A_79 : memref<1x80xi32, #tpu.memory_space<vmem>> -> memref<80xi32, #tpu.memory_space<vmem>>
      %dma_start3A_81 = arith.constant 0 : i32
      %dma_start3A_82 = arith.constant 0 : i32
      %dma_start3A_83 = tpu.memref_slice %arg5[%dma_start3A_81, %dma_start3A_82] : memref<10000x64xf32, #tpu.memory_space<hbm>> -> memref<10000x64xf32, #tpu.memory_space<hbm>>
      tpu.enqueue_indirect_dma source(%dma_start3A_83 : memref<10000x64xf32, #tpu.memory_space<hbm>>) target(%arg17 : memref<80x64xf32, #tpu.memory_space<vmem>>) offsets(%dma_start3A_80 : memref<80xi32, #tpu.memory_space<vmem>>) semaphore(%arg21 : memref<!tpu.dma_semaphore, #tpu.memory_space<semaphore_mem>>)
      %dma_start3A_84 = arith.constant 2 : i32
      %dma_start3A_85 = arith.constant 0 : i32
      %dma_start3A_86 = tpu.memref_slice %arg14[%dma_start3A_84, %dma_start3A_85] : memref<250x80xi32, #tpu.memory_space<vmem>> -> memref<1x80xi32, #tpu.memory_space<vmem>>
      %dma_start3A_87 = tpu.memref_squeeze %dma_start3A_86 : memref<1x80xi32, #tpu.memory_space<vmem>> -> memref<80xi32, #tpu.memory_space<vmem>>
      %dma_start3A_88 = arith.constant 0 : i32
      %dma_start3A_89 = arith.constant 0 : i32
      %dma_start3A_90 = tpu.memref_slice %arg5[%dma_start3A_88, %dma_start3A_89] : memref<10000x64xf32, #tpu.memory_space<hbm>> -> memref<10000x64xf32, #tpu.memory_space<hbm>>
      tpu.enqueue_indirect_dma source(%dma_start3A_90 : memref<10000x64xf32, #tpu.memory_space<hbm>>) target(%arg18 : memref<80x64xf32, #tpu.memory_space<vmem>>) offsets(%dma_start3A_87 : memref<80xi32, #tpu.memory_space<vmem>>) semaphore(%arg22 : memref<!tpu.dma_semaphore, #tpu.memory_space<semaphore_mem>>)
      %dma_start3A_91 = arith.constant 3 : i32
      %dma_start3A_92 = arith.constant 0 : i32
      %dma_start3A_93 = tpu.memref_slice %arg14[%dma_start3A_91, %dma_start3A_92] : memref<250x80xi32, #tpu.memory_space<vmem>> -> memref<1x80xi32, #tpu.memory_space<vmem>>
      %dma_start3A_94 = tpu.memref_squeeze %dma_start3A_93 : memref<1x80xi32, #tpu.memory_space<vmem>> -> memref<80xi32, #tpu.memory_space<vmem>>
      %dma_start3A_95 = arith.constant 0 : i32
      %dma_start3A_96 = arith.constant 0 : i32
      %dma_start3A_97 = tpu.memref_slice %arg5[%dma_start3A_95, %dma_start3A_96] : memref<10000x64xf32, #tpu.memory_space<hbm>> -> memref<10000x64xf32, #tpu.memory_space<hbm>>
      tpu.enqueue_indirect_dma source(%dma_start3A_97 : memref<10000x64xf32, #tpu.memory_space<hbm>>) target(%arg19 : memref<80x64xf32, #tpu.memory_space<vmem>>) offsets(%dma_start3A_94 : memref<80xi32, #tpu.memory_space<vmem>>) semaphore(%arg23 : memref<!tpu.dma_semaphore, #tpu.memory_space<semaphore_mem>>)
      %scan3A_98 = arith.constant 0 : i32
      %scan3A_99 = arith.constant 0 : i32
      %scan3A_100 = arith.constant 62 : i32
      %scan3A_101 = arith.addi %scan3A_99, %scan3A_100 : i32
      %scan3A_102 = arith.constant 1 : i32
      %scan3A_103 = scf.for %scan3A_123 = %scan3A_99 to %scan3A_101 step %scan3A_102 iter_args(%scan3A_124 = %scan3A_98) -> (i32)  : i32 {
        %mul3A_125 = arith.constant 4 : i32
        %mul3A_126 = arith.muli %mul3A_125, %scan3A_123 : i32
        %add3A_127 = arith.constant 0 : i32
        %add3A_128 = arith.addi %mul3A_126, %add3A_127 : i32
        %dma_wait3A_129 = arith.constant 0 : i32
        %dma_wait3A_130 = tpu.memref_slice %arg14[%add3A_128, %dma_wait3A_129] : memref<250x80xi32, #tpu.memory_space<vmem>> -> memref<1x80xi32, #tpu.memory_space<vmem>>
        %dma_wait3A_131 = tpu.memref_squeeze %dma_wait3A_130 : memref<1x80xi32, #tpu.memory_space<vmem>> -> memref<80xi32, #tpu.memory_space<vmem>>
        %dma_wait3A_132 = arith.constant 0 : i32
        %dma_wait3A_133 = arith.constant 0 : i32
        %dma_wait3A_134 = tpu.memref_slice %arg5[%dma_wait3A_132, %dma_wait3A_133] : memref<10000x64xf32, #tpu.memory_space<hbm>> -> memref<10000x64xf32, #tpu.memory_space<hbm>>
        tpu.wait_indirect_dma semaphore(%arg20 : memref<!tpu.dma_semaphore, #tpu.memory_space<semaphore_mem>>) src(%dma_wait3A_134 : memref<10000x64xf32, #tpu.memory_space<hbm>>) dst(%arg16 : memref<80x64xf32, #tpu.memory_space<vmem>>)
        "tpu.region"() ({
          %run_scoped3A_193 = tpu.sem_alloc : memref<!tpu.dma_semaphore, #tpu.memory_space<semaphore_mem>>
          %dma_start3A_194 = arith.constant 0 : i32
          %dma_start3A_195 = tpu.memref_slice %arg15[%add3A_128, %dma_start3A_194] : memref<250x80xi32, #tpu.memory_space<vmem>> -> memref<1x80xi32, #tpu.memory_space<vmem>>
          %dma_start3A_196 = tpu.memref_squeeze %dma_start3A_195 : memref<1x80xi32, #tpu.memory_space<vmem>> -> memref<80xi32, #tpu.memory_space<vmem>>
          %dma_start3A_197 = arith.constant 0 : i32
          %dma_start3A_198 = arith.constant 0 : i32
          %dma_start3A_199 = tpu.memref_slice %arg13[%dma_start3A_197, %dma_start3A_198] : memref<10000x64xf32, #tpu.memory_space<vmem_shared>> -> memref<10000x64xf32, #tpu.memory_space<vmem_shared>>
          tpu.enqueue_indirect_dma source(%arg16 : memref<80x64xf32, #tpu.memory_space<vmem>>) target(%dma_start3A_199 : memref<10000x64xf32, #tpu.memory_space<vmem_shared>>) offsets(%dma_start3A_196 : memref<80xi32, #tpu.memory_space<vmem>>) semaphore(%run_scoped3A_193 : memref<!tpu.dma_semaphore, #tpu.memory_space<semaphore_mem>>) {add = true}
          %dma_wait3A_200 = arith.constant 0 : i32
          %dma_wait3A_201 = tpu.memref_slice %arg15[%add3A_128, %dma_wait3A_200] : memref<250x80xi32, #tpu.memory_space<vmem>> -> memref<1x80xi32, #tpu.memory_space<vmem>>
          %dma_wait3A_202 = tpu.memref_squeeze %dma_wait3A_201 : memref<1x80xi32, #tpu.memory_space<vmem>> -> memref<80xi32, #tpu.memory_space<vmem>>
          %dma_wait3A_203 = arith.constant 0 : i32
          %dma_wait3A_204 = arith.constant 0 : i32
          %dma_wait3A_205 = tpu.memref_slice %arg13[%dma_wait3A_203, %dma_wait3A_204] : memref<10000x64xf32, #tpu.memory_space<vmem_shared>> -> memref<10000x64xf32, #tpu.memory_space<vmem_shared>>
          tpu.wait_indirect_dma semaphore(%run_scoped3A_193 : memref<!tpu.dma_semaphore, #tpu.memory_space<semaphore_mem>>) src(%arg16 : memref<80x64xf32, #tpu.memory_space<vmem>>) dst(%dma_wait3A_205 : memref<10000x64xf32, #tpu.memory_space<vmem_shared>>)
          tpu.yield
        }) : () -> ()
        %add3A_135 = arith.constant 4 : i32
        %add3A_136 = arith.addi %add3A_128, %add3A_135 : i32
        %lt3A = arith.constant 250 : i32
        %lt3A_137 = arith.cmpi slt, %add3A_136, %lt3A : i32
        %convert_element_type3A_138 = arith.extui %lt3A_137 : i1 to i32
        %cond3A_139 = arith.constant 0 : i32
        %cond3A_140 = arith.cmpi ne, %convert_element_type3A_138, %cond3A_139 : i32
        scf.if %cond3A_140 {
          %add3A_193 = arith.constant 4 : i32
          %add3A_194 = arith.addi %add3A_128, %add3A_193 : i32
          %dma_start3A_195 = arith.constant 0 : i32
          %dma_start3A_196 = tpu.memref_slice %arg14[%add3A_194, %dma_start3A_195] : memref<250x80xi32, #tpu.memory_space<vmem>> -> memref<1x80xi32, #tpu.memory_space<vmem>>
          %dma_start3A_197 = tpu.memref_squeeze %dma_start3A_196 : memref<1x80xi32, #tpu.memory_space<vmem>> -> memref<80xi32, #tpu.memory_space<vmem>>
          %dma_start3A_198 = arith.constant 0 : i32
          %dma_start3A_199 = arith.constant 0 : i32
          %dma_start3A_200 = tpu.memref_slice %arg5[%dma_start3A_198, %dma_start3A_199] : memref<10000x64xf32, #tpu.memory_space<hbm>> -> memref<10000x64xf32, #tpu.memory_space<hbm>>
          tpu.enqueue_indirect_dma source(%dma_start3A_200 : memref<10000x64xf32, #tpu.memory_space<hbm>>) target(%arg16 : memref<80x64xf32, #tpu.memory_space<vmem>>) offsets(%dma_start3A_197 : memref<80xi32, #tpu.memory_space<vmem>>) semaphore(%arg20 : memref<!tpu.dma_semaphore, #tpu.memory_space<semaphore_mem>>)
        } else {
        }
        %mul3A_141 = arith.constant 4 : i32
        %mul3A_142 = arith.muli %mul3A_141, %scan3A_123 : i32
        %add3A_143 = arith.constant 1 : i32
        %add3A_144 = arith.addi %mul3A_142, %add3A_143 : i32
        %dma_wait3A_145 = arith.constant 0 : i32
        %dma_wait3A_146 = tpu.memref_slice %arg14[%add3A_144, %dma_wait3A_145] : memref<250x80xi32, #tpu.memory_space<vmem>> -> memref<1x80xi32, #tpu.memory_space<vmem>>
        %dma_wait3A_147 = tpu.memref_squeeze %dma_wait3A_146 : memref<1x80xi32, #tpu.memory_space<vmem>> -> memref<80xi32, #tpu.memory_space<vmem>>
        %dma_wait3A_148 = arith.constant 0 : i32
        %dma_wait3A_149 = arith.constant 0 : i32
        %dma_wait3A_150 = tpu.memref_slice %arg5[%dma_wait3A_148, %dma_wait3A_149] : memref<10000x64xf32, #tpu.memory_space<hbm>> -> memref<10000x64xf32, #tpu.memory_space<hbm>>
        tpu.wait_indirect_dma semaphore(%arg21 : memref<!tpu.dma_semaphore, #tpu.memory_space<semaphore_mem>>) src(%dma_wait3A_150 : memref<10000x64xf32, #tpu.memory_space<hbm>>) dst(%arg17 : memref<80x64xf32, #tpu.memory_space<vmem>>)
        "tpu.region"() ({
          %run_scoped3A_193 = tpu.sem_alloc : memref<!tpu.dma_semaphore, #tpu.memory_space<semaphore_mem>>
          %dma_start3A_194 = arith.constant 0 : i32
          %dma_start3A_195 = tpu.memref_slice %arg15[%add3A_144, %dma_start3A_194] : memref<250x80xi32, #tpu.memory_space<vmem>> -> memref<1x80xi32, #tpu.memory_space<vmem>>
          %dma_start3A_196 = tpu.memref_squeeze %dma_start3A_195 : memref<1x80xi32, #tpu.memory_space<vmem>> -> memref<80xi32, #tpu.memory_space<vmem>>
          %dma_start3A_197 = arith.constant 0 : i32
          %dma_start3A_198 = arith.constant 0 : i32
          %dma_start3A_199 = tpu.memref_slice %arg13[%dma_start3A_197, %dma_start3A_198] : memref<10000x64xf32, #tpu.memory_space<vmem_shared>> -> memref<10000x64xf32, #tpu.memory_space<vmem_shared>>
          tpu.enqueue_indirect_dma source(%arg17 : memref<80x64xf32, #tpu.memory_space<vmem>>) target(%dma_start3A_199 : memref<10000x64xf32, #tpu.memory_space<vmem_shared>>) offsets(%dma_start3A_196 : memref<80xi32, #tpu.memory_space<vmem>>) semaphore(%run_scoped3A_193 : memref<!tpu.dma_semaphore, #tpu.memory_space<semaphore_mem>>) {add = true}
          %dma_wait3A_200 = arith.constant 0 : i32
          %dma_wait3A_201 = tpu.memref_slice %arg15[%add3A_144, %dma_wait3A_200] : memref<250x80xi32, #tpu.memory_space<vmem>> -> memref<1x80xi32, #tpu.memory_space<vmem>>
          %dma_wait3A_202 = tpu.memref_squeeze %dma_wait3A_201 : memref<1x80xi32, #tpu.memory_space<vmem>> -> memref<80xi32, #tpu.memory_space<vmem>>
          %dma_wait3A_203 = arith.constant 0 : i32
          %dma_wait3A_204 = arith.constant 0 : i32
          %dma_wait3A_205 = tpu.memref_slice %arg13[%dma_wait3A_203, %dma_wait3A_204] : memref<10000x64xf32, #tpu.memory_space<vmem_shared>> -> memref<10000x64xf32, #tpu.memory_space<vmem_shared>>
          tpu.wait_indirect_dma semaphore(%run_scoped3A_193 : memref<!tpu.dma_semaphore, #tpu.memory_space<semaphore_mem>>) src(%arg17 : memref<80x64xf32, #tpu.memory_space<vmem>>) dst(%dma_wait3A_205 : memref<10000x64xf32, #tpu.memory_space<vmem_shared>>)
          tpu.yield
        }) : () -> ()
        %add3A_151 = arith.constant 4 : i32
        %add3A_152 = arith.addi %add3A_144, %add3A_151 : i32
        %lt3A_153 = arith.constant 250 : i32
        %lt3A_154 = arith.cmpi slt, %add3A_152, %lt3A_153 : i32
        %convert_element_type3A_155 = arith.extui %lt3A_154 : i1 to i32
        %cond3A_156 = arith.constant 0 : i32
        %cond3A_157 = arith.cmpi ne, %convert_element_type3A_155, %cond3A_156 : i32
        scf.if %cond3A_157 {
          %add3A_193 = arith.constant 4 : i32
          %add3A_194 = arith.addi %add3A_144, %add3A_193 : i32
          %dma_start3A_195 = arith.constant 0 : i32
          %dma_start3A_196 = tpu.memref_slice %arg14[%add3A_194, %dma_start3A_195] : memref<250x80xi32, #tpu.memory_space<vmem>> -> memref<1x80xi32, #tpu.memory_space<vmem>>
          %dma_start3A_197 = tpu.memref_squeeze %dma_start3A_196 : memref<1x80xi32, #tpu.memory_space<vmem>> -> memref<80xi32, #tpu.memory_space<vmem>>
          %dma_start3A_198 = arith.constant 0 : i32
          %dma_start3A_199 = arith.constant 0 : i32
          %dma_start3A_200 = tpu.memref_slice %arg5[%dma_start3A_198, %dma_start3A_199] : memref<10000x64xf32, #tpu.memory_space<hbm>> -> memref<10000x64xf32, #tpu.memory_space<hbm>>
          tpu.enqueue_indirect_dma source(%dma_start3A_200 : memref<10000x64xf32, #tpu.memory_space<hbm>>) target(%arg17 : memref<80x64xf32, #tpu.memory_space<vmem>>) offsets(%dma_start3A_197 : memref<80xi32, #tpu.memory_space<vmem>>) semaphore(%arg21 : memref<!tpu.dma_semaphore, #tpu.memory_space<semaphore_mem>>)
        } else {
        }
        %mul3A_158 = arith.constant 4 : i32
        %mul3A_159 = arith.muli %mul3A_158, %scan3A_123 : i32
        %add3A_160 = arith.constant 2 : i32
        %add3A_161 = arith.addi %mul3A_159, %add3A_160 : i32
        %dma_wait3A_162 = arith.constant 0 : i32
        %dma_wait3A_163 = tpu.memref_slice %arg14[%add3A_161, %dma_wait3A_162] : memref<250x80xi32, #tpu.memory_space<vmem>> -> memref<1x80xi32, #tpu.memory_space<vmem>>
        %dma_wait3A_164 = tpu.memref_squeeze %dma_wait3A_163 : memref<1x80xi32, #tpu.memory_space<vmem>> -> memref<80xi32, #tpu.memory_space<vmem>>
        %dma_wait3A_165 = arith.constant 0 : i32
        %dma_wait3A_166 = arith.constant 0 : i32
        %dma_wait3A_167 = tpu.memref_slice %arg5[%dma_wait3A_165, %dma_wait3A_166] : memref<10000x64xf32, #tpu.memory_space<hbm>> -> memref<10000x64xf32, #tpu.memory_space<hbm>>
        tpu.wait_indirect_dma semaphore(%arg22 : memref<!tpu.dma_semaphore, #tpu.memory_space<semaphore_mem>>) src(%dma_wait3A_167 : memref<10000x64xf32, #tpu.memory_space<hbm>>) dst(%arg18 : memref<80x64xf32, #tpu.memory_space<vmem>>)
        "tpu.region"() ({
          %run_scoped3A_193 = tpu.sem_alloc : memref<!tpu.dma_semaphore, #tpu.memory_space<semaphore_mem>>
          %dma_start3A_194 = arith.constant 0 : i32
          %dma_start3A_195 = tpu.memref_slice %arg15[%add3A_161, %dma_start3A_194] : memref<250x80xi32, #tpu.memory_space<vmem>> -> memref<1x80xi32, #tpu.memory_space<vmem>>
          %dma_start3A_196 = tpu.memref_squeeze %dma_start3A_195 : memref<1x80xi32, #tpu.memory_space<vmem>> -> memref<80xi32, #tpu.memory_space<vmem>>
          %dma_start3A_197 = arith.constant 0 : i32
          %dma_start3A_198 = arith.constant 0 : i32
          %dma_start3A_199 = tpu.memref_slice %arg13[%dma_start3A_197, %dma_start3A_198] : memref<10000x64xf32, #tpu.memory_space<vmem_shared>> -> memref<10000x64xf32, #tpu.memory_space<vmem_shared>>
          tpu.enqueue_indirect_dma source(%arg18 : memref<80x64xf32, #tpu.memory_space<vmem>>) target(%dma_start3A_199 : memref<10000x64xf32, #tpu.memory_space<vmem_shared>>) offsets(%dma_start3A_196 : memref<80xi32, #tpu.memory_space<vmem>>) semaphore(%run_scoped3A_193 : memref<!tpu.dma_semaphore, #tpu.memory_space<semaphore_mem>>) {add = true}
          %dma_wait3A_200 = arith.constant 0 : i32
          %dma_wait3A_201 = tpu.memref_slice %arg15[%add3A_161, %dma_wait3A_200] : memref<250x80xi32, #tpu.memory_space<vmem>> -> memref<1x80xi32, #tpu.memory_space<vmem>>
          %dma_wait3A_202 = tpu.memref_squeeze %dma_wait3A_201 : memref<1x80xi32, #tpu.memory_space<vmem>> -> memref<80xi32, #tpu.memory_space<vmem>>
          %dma_wait3A_203 = arith.constant 0 : i32
          %dma_wait3A_204 = arith.constant 0 : i32
          %dma_wait3A_205 = tpu.memref_slice %arg13[%dma_wait3A_203, %dma_wait3A_204] : memref<10000x64xf32, #tpu.memory_space<vmem_shared>> -> memref<10000x64xf32, #tpu.memory_space<vmem_shared>>
          tpu.wait_indirect_dma semaphore(%run_scoped3A_193 : memref<!tpu.dma_semaphore, #tpu.memory_space<semaphore_mem>>) src(%arg18 : memref<80x64xf32, #tpu.memory_space<vmem>>) dst(%dma_wait3A_205 : memref<10000x64xf32, #tpu.memory_space<vmem_shared>>)
          tpu.yield
        }) : () -> ()
        %add3A_168 = arith.constant 4 : i32
        %add3A_169 = arith.addi %add3A_161, %add3A_168 : i32
        %lt3A_170 = arith.constant 250 : i32
        %lt3A_171 = arith.cmpi slt, %add3A_169, %lt3A_170 : i32
        %convert_element_type3A_172 = arith.extui %lt3A_171 : i1 to i32
        %cond3A_173 = arith.constant 0 : i32
        %cond3A_174 = arith.cmpi ne, %convert_element_type3A_172, %cond3A_173 : i32
        scf.if %cond3A_174 {
          %add3A_193 = arith.constant 4 : i32
          %add3A_194 = arith.addi %add3A_161, %add3A_193 : i32
          %dma_start3A_195 = arith.constant 0 : i32
          %dma_start3A_196 = tpu.memref_slice %arg14[%add3A_194, %dma_start3A_195] : memref<250x80xi32, #tpu.memory_space<vmem>> -> memref<1x80xi32, #tpu.memory_space<vmem>>
          %dma_start3A_197 = tpu.memref_squeeze %dma_start3A_196 : memref<1x80xi32, #tpu.memory_space<vmem>> -> memref<80xi32, #tpu.memory_space<vmem>>
          %dma_start3A_198 = arith.constant 0 : i32
          %dma_start3A_199 = arith.constant 0 : i32
          %dma_start3A_200 = tpu.memref_slice %arg5[%dma_start3A_198, %dma_start3A_199] : memref<10000x64xf32, #tpu.memory_space<hbm>> -> memref<10000x64xf32, #tpu.memory_space<hbm>>
          tpu.enqueue_indirect_dma source(%dma_start3A_200 : memref<10000x64xf32, #tpu.memory_space<hbm>>) target(%arg18 : memref<80x64xf32, #tpu.memory_space<vmem>>) offsets(%dma_start3A_197 : memref<80xi32, #tpu.memory_space<vmem>>) semaphore(%arg22 : memref<!tpu.dma_semaphore, #tpu.memory_space<semaphore_mem>>)
        } else {
        }
        %mul3A_175 = arith.constant 4 : i32
        %mul3A_176 = arith.muli %mul3A_175, %scan3A_123 : i32
        %add3A_177 = arith.constant 3 : i32
        %add3A_178 = arith.addi %mul3A_176, %add3A_177 : i32
        %dma_wait3A_179 = arith.constant 0 : i32
        %dma_wait3A_180 = tpu.memref_slice %arg14[%add3A_178, %dma_wait3A_179] : memref<250x80xi32, #tpu.memory_space<vmem>> -> memref<1x80xi32, #tpu.memory_space<vmem>>
        %dma_wait3A_181 = tpu.memref_squeeze %dma_wait3A_180 : memref<1x80xi32, #tpu.memory_space<vmem>> -> memref<80xi32, #tpu.memory_space<vmem>>
        %dma_wait3A_182 = arith.constant 0 : i32
        %dma_wait3A_183 = arith.constant 0 : i32
        %dma_wait3A_184 = tpu.memref_slice %arg5[%dma_wait3A_182, %dma_wait3A_183] : memref<10000x64xf32, #tpu.memory_space<hbm>> -> memref<10000x64xf32, #tpu.memory_space<hbm>>
        tpu.wait_indirect_dma semaphore(%arg23 : memref<!tpu.dma_semaphore, #tpu.memory_space<semaphore_mem>>) src(%dma_wait3A_184 : memref<10000x64xf32, #tpu.memory_space<hbm>>) dst(%arg19 : memref<80x64xf32, #tpu.memory_space<vmem>>)
        "tpu.region"() ({
          %run_scoped3A_193 = tpu.sem_alloc : memref<!tpu.dma_semaphore, #tpu.memory_space<semaphore_mem>>
          %dma_start3A_194 = arith.constant 0 : i32
          %dma_start3A_195 = tpu.memref_slice %arg15[%add3A_178, %dma_start3A_194] : memref<250x80xi32, #tpu.memory_space<vmem>> -> memref<1x80xi32, #tpu.memory_space<vmem>>
          %dma_start3A_196 = tpu.memref_squeeze %dma_start3A_195 : memref<1x80xi32, #tpu.memory_space<vmem>> -> memref<80xi32, #tpu.memory_space<vmem>>
          %dma_start3A_197 = arith.constant 0 : i32
          %dma_start3A_198 = arith.constant 0 : i32
          %dma_start3A_199 = tpu.memref_slice %arg13[%dma_start3A_197, %dma_start3A_198] : memref<10000x64xf32, #tpu.memory_space<vmem_shared>> -> memref<10000x64xf32, #tpu.memory_space<vmem_shared>>
          tpu.enqueue_indirect_dma source(%arg19 : memref<80x64xf32, #tpu.memory_space<vmem>>) target(%dma_start3A_199 : memref<10000x64xf32, #tpu.memory_space<vmem_shared>>) offsets(%dma_start3A_196 : memref<80xi32, #tpu.memory_space<vmem>>) semaphore(%run_scoped3A_193 : memref<!tpu.dma_semaphore, #tpu.memory_space<semaphore_mem>>) {add = true}
          %dma_wait3A_200 = arith.constant 0 : i32
          %dma_wait3A_201 = tpu.memref_slice %arg15[%add3A_178, %dma_wait3A_200] : memref<250x80xi32, #tpu.memory_space<vmem>> -> memref<1x80xi32, #tpu.memory_space<vmem>>
          %dma_wait3A_202 = tpu.memref_squeeze %dma_wait3A_201 : memref<1x80xi32, #tpu.memory_space<vmem>> -> memref<80xi32, #tpu.memory_space<vmem>>
          %dma_wait3A_203 = arith.constant 0 : i32
          %dma_wait3A_204 = arith.constant 0 : i32
          %dma_wait3A_205 = tpu.memref_slice %arg13[%dma_wait3A_203, %dma_wait3A_204] : memref<10000x64xf32, #tpu.memory_space<vmem_shared>> -> memref<10000x64xf32, #tpu.memory_space<vmem_shared>>
          tpu.wait_indirect_dma semaphore(%run_scoped3A_193 : memref<!tpu.dma_semaphore, #tpu.memory_space<semaphore_mem>>) src(%arg19 : memref<80x64xf32, #tpu.memory_space<vmem>>) dst(%dma_wait3A_205 : memref<10000x64xf32, #tpu.memory_space<vmem_shared>>)
          tpu.yield
        }) : () -> ()
        %add3A_185 = arith.constant 4 : i32
        %add3A_186 = arith.addi %add3A_178, %add3A_185 : i32
        %lt3A_187 = arith.constant 250 : i32
        %lt3A_188 = arith.cmpi slt, %add3A_186, %lt3A_187 : i32
        %convert_element_type3A_189 = arith.extui %lt3A_188 : i1 to i32
        %cond3A_190 = arith.constant 0 : i32
        %cond3A_191 = arith.cmpi ne, %convert_element_type3A_189, %cond3A_190 : i32
        scf.if %cond3A_191 {
          %add3A_193 = arith.constant 4 : i32
          %add3A_194 = arith.addi %add3A_178, %add3A_193 : i32
          %dma_start3A_195 = arith.constant 0 : i32
          %dma_start3A_196 = tpu.memref_slice %arg14[%add3A_194, %dma_start3A_195] : memref<250x80xi32, #tpu.memory_space<vmem>> -> memref<1x80xi32, #tpu.memory_space<vmem>>
          %dma_start3A_197 = tpu.memref_squeeze %dma_start3A_196 : memref<1x80xi32, #tpu.memory_space<vmem>> -> memref<80xi32, #tpu.memory_space<vmem>>
          %dma_start3A_198 = arith.constant 0 : i32
          %dma_start3A_199 = arith.constant 0 : i32
          %dma_start3A_200 = tpu.memref_slice %arg5[%dma_start3A_198, %dma_start3A_199] : memref<10000x64xf32, #tpu.memory_space<hbm>> -> memref<10000x64xf32, #tpu.memory_space<hbm>>
          tpu.enqueue_indirect_dma source(%dma_start3A_200 : memref<10000x64xf32, #tpu.memory_space<hbm>>) target(%arg19 : memref<80x64xf32, #tpu.memory_space<vmem>>) offsets(%dma_start3A_197 : memref<80xi32, #tpu.memory_space<vmem>>) semaphore(%arg23 : memref<!tpu.dma_semaphore, #tpu.memory_space<semaphore_mem>>)
        } else {
        }
        %scan3A_192 = arith.constant 0 : i32
        scf.yield %scan3A_192 : i32
      }
      %scan3A_104 = arith.constant 62 : i32
      %dma_wait3A_105 = arith.constant 248 : i32
      %dma_wait3A_106 = arith.constant 0 : i32
      %dma_wait3A_107 = tpu.memref_slice %arg14[%dma_wait3A_105, %dma_wait3A_106] : memref<250x80xi32, #tpu.memory_space<vmem>> -> memref<1x80xi32, #tpu.memory_space<vmem>>
      %dma_wait3A_108 = tpu.memref_squeeze %dma_wait3A_107 : memref<1x80xi32, #tpu.memory_space<vmem>> -> memref<80xi32, #tpu.memory_space<vmem>>
      %dma_wait3A_109 = arith.constant 0 : i32
      %dma_wait3A_110 = arith.constant 0 : i32
      %dma_wait3A_111 = tpu.memref_slice %arg5[%dma_wait3A_109, %dma_wait3A_110] : memref<10000x64xf32, #tpu.memory_space<hbm>> -> memref<10000x64xf32, #tpu.memory_space<hbm>>
      tpu.wait_indirect_dma semaphore(%arg20 : memref<!tpu.dma_semaphore, #tpu.memory_space<semaphore_mem>>) src(%dma_wait3A_111 : memref<10000x64xf32, #tpu.memory_space<hbm>>) dst(%arg16 : memref<80x64xf32, #tpu.memory_space<vmem>>)
      %run_scoped3A_112 = arith.constant 248 : i32
      "tpu.region"() ({
        %run_scoped3A_123 = tpu.sem_alloc : memref<!tpu.dma_semaphore, #tpu.memory_space<semaphore_mem>>
        %dma_start3A_124 = arith.constant 0 : i32
        %dma_start3A_125 = tpu.memref_slice %arg15[%run_scoped3A_112, %dma_start3A_124] : memref<250x80xi32, #tpu.memory_space<vmem>> -> memref<1x80xi32, #tpu.memory_space<vmem>>
        %dma_start3A_126 = tpu.memref_squeeze %dma_start3A_125 : memref<1x80xi32, #tpu.memory_space<vmem>> -> memref<80xi32, #tpu.memory_space<vmem>>
        %dma_start3A_127 = arith.constant 0 : i32
        %dma_start3A_128 = arith.constant 0 : i32
        %dma_start3A_129 = tpu.memref_slice %arg13[%dma_start3A_127, %dma_start3A_128] : memref<10000x64xf32, #tpu.memory_space<vmem_shared>> -> memref<10000x64xf32, #tpu.memory_space<vmem_shared>>
        tpu.enqueue_indirect_dma source(%arg16 : memref<80x64xf32, #tpu.memory_space<vmem>>) target(%dma_start3A_129 : memref<10000x64xf32, #tpu.memory_space<vmem_shared>>) offsets(%dma_start3A_126 : memref<80xi32, #tpu.memory_space<vmem>>) semaphore(%run_scoped3A_123 : memref<!tpu.dma_semaphore, #tpu.memory_space<semaphore_mem>>) {add = true}
        %dma_wait3A_130 = arith.constant 0 : i32
        %dma_wait3A_131 = tpu.memref_slice %arg15[%run_scoped3A_112, %dma_wait3A_130] : memref<250x80xi32, #tpu.memory_space<vmem>> -> memref<1x80xi32, #tpu.memory_space<vmem>>
        %dma_wait3A_132 = tpu.memref_squeeze %dma_wait3A_131 : memref<1x80xi32, #tpu.memory_space<vmem>> -> memref<80xi32, #tpu.memory_space<vmem>>
        %dma_wait3A_133 = arith.constant 0 : i32
        %dma_wait3A_134 = arith.constant 0 : i32
        %dma_wait3A_135 = tpu.memref_slice %arg13[%dma_wait3A_133, %dma_wait3A_134] : memref<10000x64xf32, #tpu.memory_space<vmem_shared>> -> memref<10000x64xf32, #tpu.memory_space<vmem_shared>>
        tpu.wait_indirect_dma semaphore(%run_scoped3A_123 : memref<!tpu.dma_semaphore, #tpu.memory_space<semaphore_mem>>) src(%arg16 : memref<80x64xf32, #tpu.memory_space<vmem>>) dst(%dma_wait3A_135 : memref<10000x64xf32, #tpu.memory_space<vmem_shared>>)
        tpu.yield
      }) : () -> ()
      %dma_wait3A_113 = arith.constant 249 : i32
      %dma_wait3A_114 = arith.constant 0 : i32
      %dma_wait3A_115 = tpu.memref_slice %arg14[%dma_wait3A_113, %dma_wait3A_114] : memref<250x80xi32, #tpu.memory_space<vmem>> -> memref<1x80xi32, #tpu.memory_space<vmem>>
      %dma_wait3A_116 = tpu.memref_squeeze %dma_wait3A_115 : memref<1x80xi32, #tpu.memory_space<vmem>> -> memref<80xi32, #tpu.memory_space<vmem>>
      %dma_wait3A_117 = arith.constant 0 : i32
      %dma_wait3A_118 = arith.constant 0 : i32
      %dma_wait3A_119 = tpu.memref_slice %arg5[%dma_wait3A_117, %dma_wait3A_118] : memref<10000x64xf32, #tpu.memory_space<hbm>> -> memref<10000x64xf32, #tpu.memory_space<hbm>>
      tpu.wait_indirect_dma semaphore(%arg21 : memref<!tpu.dma_semaphore, #tpu.memory_space<semaphore_mem>>) src(%dma_wait3A_119 : memref<10000x64xf32, #tpu.memory_space<hbm>>) dst(%arg17 : memref<80x64xf32, #tpu.memory_space<vmem>>)
      %run_scoped3A_120 = arith.constant 249 : i32
      "tpu.region"() ({
        %run_scoped3A_123 = tpu.sem_alloc : memref<!tpu.dma_semaphore, #tpu.memory_space<semaphore_mem>>
        %dma_start3A_124 = arith.constant 0 : i32
        %dma_start3A_125 = tpu.memref_slice %arg15[%run_scoped3A_120, %dma_start3A_124] : memref<250x80xi32, #tpu.memory_space<vmem>> -> memref<1x80xi32, #tpu.memory_space<vmem>>
        %dma_start3A_126 = tpu.memref_squeeze %dma_start3A_125 : memref<1x80xi32, #tpu.memory_space<vmem>> -> memref<80xi32, #tpu.memory_space<vmem>>
        %dma_start3A_127 = arith.constant 0 : i32
        %dma_start3A_128 = arith.constant 0 : i32
        %dma_start3A_129 = tpu.memref_slice %arg13[%dma_start3A_127, %dma_start3A_128] : memref<10000x64xf32, #tpu.memory_space<vmem_shared>> -> memref<10000x64xf32, #tpu.memory_space<vmem_shared>>
        tpu.enqueue_indirect_dma source(%arg17 : memref<80x64xf32, #tpu.memory_space<vmem>>) target(%dma_start3A_129 : memref<10000x64xf32, #tpu.memory_space<vmem_shared>>) offsets(%dma_start3A_126 : memref<80xi32, #tpu.memory_space<vmem>>) semaphore(%run_scoped3A_123 : memref<!tpu.dma_semaphore, #tpu.memory_space<semaphore_mem>>) {add = true}
        %dma_wait3A_130 = arith.constant 0 : i32
        %dma_wait3A_131 = tpu.memref_slice %arg15[%run_scoped3A_120, %dma_wait3A_130] : memref<250x80xi32, #tpu.memory_space<vmem>> -> memref<1x80xi32, #tpu.memory_space<vmem>>
        %dma_wait3A_132 = tpu.memref_squeeze %dma_wait3A_131 : memref<1x80xi32, #tpu.memory_space<vmem>> -> memref<80xi32, #tpu.memory_space<vmem>>
        %dma_wait3A_133 = arith.constant 0 : i32
        %dma_wait3A_134 = arith.constant 0 : i32
        %dma_wait3A_135 = tpu.memref_slice %arg13[%dma_wait3A_133, %dma_wait3A_134] : memref<10000x64xf32, #tpu.memory_space<vmem_shared>> -> memref<10000x64xf32, #tpu.memory_space<vmem_shared>>
        tpu.wait_indirect_dma semaphore(%run_scoped3A_123 : memref<!tpu.dma_semaphore, #tpu.memory_space<semaphore_mem>>) src(%arg17 : memref<80x64xf32, #tpu.memory_space<vmem>>) dst(%dma_wait3A_135 : memref<10000x64xf32, #tpu.memory_space<vmem_shared>>)
        tpu.yield
      }) : () -> ()
      %barrier3A_121 = arith.constant 0 : index
      tpu.barrier barrier_id(%barrier3A_121)
      "tpu.region"() ({
        %run_scoped3A_123 = tpu.sem_alloc : memref<!tpu.dma_semaphore, #tpu.memory_space<semaphore_mem>>
        %dma_start3A_124 = arith.constant 0 : i32
        %dma_start3A_125 = tpu.memref_slice %arg12[%min3A_1, %dma_start3A_124] : memref<10000x64xf32, #tpu.memory_space<hbm>> -> memref<640x64xf32, #tpu.memory_space<hbm>>
        %dma_start3A_126 = arith.constant 0 : i32
        %dma_start3A_127 = tpu.memref_slice %arg13[%min3A_1, %dma_start3A_126] : memref<10000x64xf32, #tpu.memory_space<vmem_shared>> -> memref<640x64xf32, #tpu.memory_space<vmem_shared>>
        tpu.enqueue_dma source(%dma_start3A_127 : memref<640x64xf32, #tpu.memory_space<vmem_shared>>) target(%dma_start3A_125 : memref<640x64xf32, #tpu.memory_space<hbm>>) target_semaphore(%run_scoped3A_123 : memref<!tpu.dma_semaphore, #tpu.memory_space<semaphore_mem>>)
        %dma_wait3A_128 = arith.constant 0 : i32
        %dma_wait3A_129 = tpu.memref_slice %arg12[%min3A_1, %dma_wait3A_128] : memref<10000x64xf32, #tpu.memory_space<hbm>> -> memref<640x64xf32, #tpu.memory_space<hbm>>
        %dma_wait3A_130 = arith.constant 0 : i32
        %dma_wait3A_131 = tpu.memref_slice %arg13[%min3A_1, %dma_wait3A_130] : memref<10000x64xf32, #tpu.memory_space<vmem_shared>> -> memref<640x64xf32, #tpu.memory_space<vmem_shared>>
        tpu.wait_dma2 semaphore(%run_scoped3A_123 : memref<!tpu.dma_semaphore, #tpu.memory_space<semaphore_mem>>) src(%dma_wait3A_131 : memref<640x64xf32, #tpu.memory_space<vmem_shared>>) dst(%dma_wait3A_129 : memref<640x64xf32, #tpu.memory_space<hbm>>)
        tpu.yield
      }) : () -> ()
      %barrier3A_122 = arith.constant 0 : index
      tpu.barrier barrier_id(%barrier3A_122)
    } else {
    }
    return
  }
}

module attributes {stable_mosaic.version = 14 : i64} {
  func.func @_pre_a_body(%arg0: i32, %arg1: memref<1000x128xf32, #tpu.memory_space<vmem>>, %arg2: memref<128x128xf32, #tpu.memory_space<vmem>>, %arg3: memref<128x128xf32, #tpu.memory_space<vmem>>, %arg4: memref<128x40xf32, #tpu.memory_space<vmem>>, %arg5: memref<1000x128xf32, #tpu.memory_space<vmem>>, %arg6: memref<1000x64xf32, #tpu.memory_space<vmem>>, %arg7: memref<1000x64xf32, #tpu.memory_space<vmem>>, %arg8: memref<1000x40xf32, #tpu.memory_space<vmem>>) attributes {dimension_semantics = [#tpu.dimension_semantics<arbitrary>], iteration_bounds = array<i64: 10>, scalar_prefetch = 0 : i64, scratch_operands = 0 : i64, tpu.core_type = #tpu.core_type<tc>, window_params = [{transform_indices = @transform_0, window_bounds = array<i64: 1000, 128>}, {pipeline_mode = #tpu.pipeline_mode<synchronous>, transform_indices = @transform_1, window_bounds = array<i64: 128, 128>}, {pipeline_mode = #tpu.pipeline_mode<synchronous>, transform_indices = @transform_2, window_bounds = array<i64: 128, 128>}, {pipeline_mode = #tpu.pipeline_mode<synchronous>, transform_indices = @transform_3, window_bounds = array<i64: 128, 40>}, {transform_indices = @transform_4, window_bounds = array<i64: 1000, 128>}, {transform_indices = @transform_5, window_bounds = array<i64: 1000, 64>}, {transform_indices = @transform_6, window_bounds = array<i64: 1000, 64>}, {transform_indices = @transform_7, window_bounds = array<i64: 1000, 40>}]} {
    %get3A = arith.constant 0 : index
    %get3A_0 = arith.constant 0 : index
    %get3A_1 = vector.load %arg1[%get3A, %get3A_0] : memref<1000x128xf32, #tpu.memory_space<vmem>>, vector<1000x128xf32>
    %get3A_2 = arith.constant 0 : index
    %get3A_3 = arith.constant 0 : index
    %get3A_4 = vector.load %arg3[%get3A_2, %get3A_3] : memref<128x128xf32, #tpu.memory_space<vmem>>, vector<128x128xf32>
    %convert_element_type3A = arith.truncf %get3A_1 : vector<1000x128xf32> to vector<1000x128xbf16>
    %convert_element_type3A_5 = arith.truncf %get3A_4 : vector<128x128xf32> to vector<128x128xbf16>
    %dot_general3A = arith.constant dense<0.000000e+00> : vector<1000x128xf32>
    %dot_general3A_6 = tpu.matmul %convert_element_type3A, %convert_element_type3A_5, %dot_general3A {dimension_numbers = #tpu.dot_dimension_numbers<[1], [0], [0], [1], [0, 0, 1, 1], [], []>, transpose_lhs_hint = false} : vector<1000x128xbf16>, vector<128x128xbf16>, vector<1000x128xf32> -> vector<1000x128xf32>
    %get3A_7 = arith.constant 0 : index
    %get3A_8 = arith.constant 0 : index
    %get3A_9 = vector.load %arg2[%get3A_7, %get3A_8] : memref<128x128xf32, #tpu.memory_space<vmem>>, vector<128x128xf32>
    %convert_element_type3A_10 = arith.truncf %get3A_1 : vector<1000x128xf32> to vector<1000x128xbf16>
    %convert_element_type3A_11 = arith.truncf %get3A_9 : vector<128x128xf32> to vector<128x128xbf16>
    %dot_general3A_12 = arith.constant dense<0.000000e+00> : vector<1000x128xf32>
    %dot_general3A_13 = tpu.matmul %convert_element_type3A_10, %convert_element_type3A_11, %dot_general3A_12 {dimension_numbers = #tpu.dot_dimension_numbers<[1], [0], [0], [1], [0, 0, 1, 1], [], []>, transpose_lhs_hint = false} : vector<1000x128xbf16>, vector<128x128xbf16>, vector<1000x128xf32> -> vector<1000x128xf32>
    %swap3A = arith.constant 0 : index
    %swap3A_14 = arith.constant 0 : index
    %swap3A_15 = vector.load %arg5[%swap3A, %swap3A_14] : memref<1000x128xf32, #tpu.memory_space<vmem>>, vector<1000x128xf32>
    tpu.vector_store %arg5[%swap3A, %swap3A_14], %dot_general3A_13 {strides = array<i32>} : memref<1000x128xf32, #tpu.memory_space<vmem>>, vector<1000x128xf32>,
    %slice3A = vector.extract_strided_slice %dot_general3A_6 {offsets = [0, 0], sizes = [1000, 64], strides = [1, 1]} : vector<1000x128xf32> to vector<1000x64xf32>
    %swap3A_16 = arith.constant 0 : index
    %swap3A_17 = arith.constant 0 : index
    %swap3A_18 = vector.load %arg6[%swap3A_16, %swap3A_17] : memref<1000x64xf32, #tpu.memory_space<vmem>>, vector<1000x64xf32>
    tpu.vector_store %arg6[%swap3A_16, %swap3A_17], %slice3A {strides = array<i32>} : memref<1000x64xf32, #tpu.memory_space<vmem>>, vector<1000x64xf32>,
    %slice3A_19 = vector.extract_strided_slice %dot_general3A_6 {offsets = [0, 64], sizes = [1000, 64], strides = [1, 1]} : vector<1000x128xf32> to vector<1000x64xf32>
    %swap3A_20 = arith.constant 0 : index
    %swap3A_21 = arith.constant 0 : index
    %swap3A_22 = vector.load %arg7[%swap3A_20, %swap3A_21] : memref<1000x64xf32, #tpu.memory_space<vmem>>, vector<1000x64xf32>
    tpu.vector_store %arg7[%swap3A_20, %swap3A_21], %slice3A_19 {strides = array<i32>} : memref<1000x64xf32, #tpu.memory_space<vmem>>, vector<1000x64xf32>,
    %get3A_23 = arith.constant 0 : index
    %get3A_24 = arith.constant 0 : index
    %get3A_25 = vector.load %arg4[%get3A_23, %get3A_24] : memref<128x40xf32, #tpu.memory_space<vmem>>, vector<128x40xf32>
    %convert_element_type3A_26 = arith.truncf %dot_general3A_6 : vector<1000x128xf32> to vector<1000x128xbf16>
    %convert_element_type3A_27 = arith.truncf %get3A_25 : vector<128x40xf32> to vector<128x40xbf16>
    %dot_general3A_28 = arith.constant dense<0.000000e+00> : vector<1000x40xf32>
    %dot_general3A_29 = tpu.matmul %convert_element_type3A_26, %convert_element_type3A_27, %dot_general3A_28 {dimension_numbers = #tpu.dot_dimension_numbers<[1], [0], [0], [1], [0, 0, 1, 1], [], []>, transpose_lhs_hint = false} : vector<1000x128xbf16>, vector<128x40xbf16>, vector<1000x40xf32> -> vector<1000x40xf32>
    %swap3A_30 = arith.constant 0 : index
    %swap3A_31 = arith.constant 0 : index
    %swap3A_32 = vector.load %arg8[%swap3A_30, %swap3A_31] : memref<1000x40xf32, #tpu.memory_space<vmem>>, vector<1000x40xf32>
    tpu.vector_store %arg8[%swap3A_30, %swap3A_31], %dot_general3A_29 {strides = array<i32>} : memref<1000x40xf32, #tpu.memory_space<vmem>>, vector<1000x40xf32>,
    return
  }
  func.func @transform_0(%arg0: i32) -> (i32, i32) {
    %c0_i32 = arith.constant 0 : i32
    %c0_i32_0 = arith.constant 0 : i32
    return %arg0, %c0_i32 : i32, i32
  }
  func.func @transform_1(%arg0: i32) -> (i32, i32) {
    %c0_i32 = arith.constant 0 : i32
    %c0_i32_0 = arith.constant 0 : i32
    %c0_i32_1 = arith.constant 0 : i32
    return %c0_i32, %c0_i32_0 : i32, i32
  }
  func.func @transform_2(%arg0: i32) -> (i32, i32) {
    %c0_i32 = arith.constant 0 : i32
    %c0_i32_0 = arith.constant 0 : i32
    %c0_i32_1 = arith.constant 0 : i32
    return %c0_i32, %c0_i32_0 : i32, i32
  }
  func.func @transform_3(%arg0: i32) -> (i32, i32) {
    %c0_i32 = arith.constant 0 : i32
    %c0_i32_0 = arith.constant 0 : i32
    %c0_i32_1 = arith.constant 0 : i32
    return %c0_i32, %c0_i32_0 : i32, i32
  }
  func.func @transform_4(%arg0: i32) -> (i32, i32) {
    %c0_i32 = arith.constant 0 : i32
    %c0_i32_0 = arith.constant 0 : i32
    return %arg0, %c0_i32 : i32, i32
  }
  func.func @transform_5(%arg0: i32) -> (i32, i32) {
    %c0_i32 = arith.constant 0 : i32
    %c0_i32_0 = arith.constant 0 : i32
    return %arg0, %c0_i32 : i32, i32
  }
  func.func @transform_6(%arg0: i32) -> (i32, i32) {
    %c0_i32 = arith.constant 0 : i32
    %c0_i32_0 = arith.constant 0 : i32
    return %arg0, %c0_i32 : i32, i32
  }
  func.func @transform_7(%arg0: i32) -> (i32, i32) {
    %c0_i32 = arith.constant 0 : i32
    %c0_i32_0 = arith.constant 0 : i32
    return %arg0, %c0_i32 : i32, i32
  }
}

module attributes {stable_mosaic.version = 14 : i64} {
  func.func @_pre_b_body(%arg0: i32, %arg1: memref<2x1000x16xf32, #tpu.memory_space<vmem>>, %arg2: memref<1000x128xf32, #tpu.memory_space<vmem>>, %arg3: memref<1000x64xf32, #tpu.memory_space<vmem>>, %arg4: memref<1000x64xf32, #tpu.memory_space<vmem>>, %arg5: memref<1000x1xf32, #tpu.memory_space<vmem>>, %arg6: memref<1000x1xf32, #tpu.memory_space<vmem>>) attributes {dimension_semantics = [#tpu.dimension_semantics<arbitrary>], iteration_bounds = array<i64: 10>, scalar_prefetch = 0 : i64, scratch_operands = 0 : i64, tpu.core_type = #tpu.core_type<tc>, window_params = [{transform_indices = @transform_0, window_bounds = array<i64: 2, 1000, 16>}, {transform_indices = @transform_1, window_bounds = array<i64: 1000, 128>}, {transform_indices = @transform_2, window_bounds = array<i64: 1000, 64>}, {transform_indices = @transform_3, window_bounds = array<i64: 1000, 64>}, {transform_indices = @transform_4, window_bounds = array<i64: 1000, 1>}, {transform_indices = @transform_5, window_bounds = array<i64: 1000, 1>}]} {
    %get3A = arith.constant 0 : index
    %get3A_0 = arith.constant 0 : index
    %get3A_1 = arith.constant 0 : index
    %get3A_2 = vector.load %arg1[%get3A, %get3A_0, %get3A_1] : memref<2x1000x16xf32, #tpu.memory_space<vmem>>, vector<2x1000x16xf32>
    %slice3A = vector.extract_strided_slice %get3A_2 {offsets = [0, 0, 0], sizes = [1, 1000, 16], strides = [1, 1, 1]} : vector<2x1000x16xf32> to vector<1x1000x16xf32>
    %squeeze3A = vector.shape_cast %slice3A : vector<1x1000x16xf32> to vector<1000x16xf32>
    %reduce_max3A = arith.constant dense<0xFF800000> : vector<1000xf32>
    %reduce_max3A_3 = vector.multi_reduction <maximumf>, %squeeze3A, %reduce_max3A [1] : vector<1000x16xf32> to vector<1000xf32>
    %broadcast_in_dim3A = vector.shape_cast %reduce_max3A_3 : vector<1000xf32> to vector<1000x1xf32>
    %max3A = arith.constant 1.000000e+00 : f32
    %max3A_4 = vector.broadcast %max3A : f32 to vector<1000x1xf32>
    %max3A_5 = arith.maximumf %broadcast_in_dim3A, %max3A_4 : vector<1000x1xf32>
    %rsqrt3A = math.rsqrt %max3A_5 : vector<1000x1xf32>
    %slice3A_6 = vector.extract_strided_slice %get3A_2 {offsets = [1, 0, 0], sizes = [1, 1000, 16], strides = [1, 1, 1]} : vector<2x1000x16xf32> to vector<1x1000x16xf32>
    %squeeze3A_7 = vector.shape_cast %slice3A_6 : vector<1x1000x16xf32> to vector<1000x16xf32>
    %reduce_max3A_8 = arith.constant dense<0xFF800000> : vector<1000xf32>
    %reduce_max3A_9 = vector.multi_reduction <maximumf>, %squeeze3A_7, %reduce_max3A_8 [1] : vector<1000x16xf32> to vector<1000xf32>
    %broadcast_in_dim3A_10 = vector.shape_cast %reduce_max3A_9 : vector<1000xf32> to vector<1000x1xf32>
    %max3A_11 = arith.constant 1.000000e+00 : f32
    %max3A_12 = vector.broadcast %max3A_11 : f32 to vector<1000x1xf32>
    %max3A_13 = arith.maximumf %broadcast_in_dim3A_10, %max3A_12 : vector<1000x1xf32>
    %rsqrt3A_14 = math.rsqrt %max3A_13 : vector<1000x1xf32>
    %get3A_15 = arith.constant 0 : index
    %get3A_16 = arith.constant 0 : index
    %get3A_17 = vector.load %arg2[%get3A_15, %get3A_16] : memref<1000x128xf32, #tpu.memory_space<vmem>>, vector<1000x128xf32>
    %mul3A = vector.broadcast %rsqrt3A : vector<1000x1xf32> to vector<1000x128xf32>
    %mul3A_18 = arith.mulf %get3A_17, %mul3A : vector<1000x128xf32>
    %slice3A_19 = vector.extract_strided_slice %mul3A_18 {offsets = [0, 0], sizes = [1000, 64], strides = [1, 1]} : vector<1000x128xf32> to vector<1000x64xf32>
    %swap3A = arith.constant 0 : index
    %swap3A_20 = arith.constant 0 : index
    %swap3A_21 = vector.load %arg3[%swap3A, %swap3A_20] : memref<1000x64xf32, #tpu.memory_space<vmem>>, vector<1000x64xf32>
    tpu.vector_store %arg3[%swap3A, %swap3A_20], %slice3A_19 {strides = array<i32>} : memref<1000x64xf32, #tpu.memory_space<vmem>>, vector<1000x64xf32>,
    %slice3A_22 = vector.extract_strided_slice %mul3A_18 {offsets = [0, 64], sizes = [1000, 64], strides = [1, 1]} : vector<1000x128xf32> to vector<1000x64xf32>
    %swap3A_23 = arith.constant 0 : index
    %swap3A_24 = arith.constant 0 : index
    %swap3A_25 = vector.load %arg4[%swap3A_23, %swap3A_24] : memref<1000x64xf32, #tpu.memory_space<vmem>>, vector<1000x64xf32>
    tpu.vector_store %arg4[%swap3A_23, %swap3A_24], %slice3A_22 {strides = array<i32>} : memref<1000x64xf32, #tpu.memory_space<vmem>>, vector<1000x64xf32>,
    %swap3A_26 = arith.constant 0 : index
    %swap3A_27 = arith.constant 0 : index
    %swap3A_28 = vector.load %arg5[%swap3A_26, %swap3A_27] : memref<1000x1xf32, #tpu.memory_space<vmem>>, vector<1000x1xf32>
    tpu.vector_store %arg5[%swap3A_26, %swap3A_27], %rsqrt3A {strides = array<i32>} : memref<1000x1xf32, #tpu.memory_space<vmem>>, vector<1000x1xf32>,
    %swap3A_29 = arith.constant 0 : index
    %swap3A_30 = arith.constant 0 : index
    %swap3A_31 = vector.load %arg6[%swap3A_29, %swap3A_30] : memref<1000x1xf32, #tpu.memory_space<vmem>>, vector<1000x1xf32>
    tpu.vector_store %arg6[%swap3A_29, %swap3A_30], %rsqrt3A_14 {strides = array<i32>} : memref<1000x1xf32, #tpu.memory_space<vmem>>, vector<1000x1xf32>,
    return
  }
  func.func @transform_0(%arg0: i32) -> (i32, i32, i32) {
    %c0_i32 = arith.constant 0 : i32
    %c0_i32_0 = arith.constant 0 : i32
    %c0_i32_1 = arith.constant 0 : i32
    return %c0_i32, %arg0, %c0_i32_0 : i32, i32, i32
  }
  func.func @transform_1(%arg0: i32) -> (i32, i32) {
    %c0_i32 = arith.constant 0 : i32
    %c0_i32_0 = arith.constant 0 : i32
    return %arg0, %c0_i32 : i32, i32
  }
  func.func @transform_2(%arg0: i32) -> (i32, i32) {
    %c0_i32 = arith.constant 0 : i32
    %c0_i32_0 = arith.constant 0 : i32
    return %arg0, %c0_i32 : i32, i32
  }
  func.func @transform_3(%arg0: i32) -> (i32, i32) {
    %c0_i32 = arith.constant 0 : i32
    %c0_i32_0 = arith.constant 0 : i32
    return %arg0, %c0_i32 : i32, i32
  }
  func.func @transform_4(%arg0: i32) -> (i32, i32) {
    %c0_i32 = arith.constant 0 : i32
    %c0_i32_0 = arith.constant 0 : i32
    return %arg0, %c0_i32 : i32, i32
  }
  func.func @transform_5(%arg0: i32) -> (i32, i32) {
    %c0_i32 = arith.constant 0 : i32
    %c0_i32_0 = arith.constant 0 : i32
    return %arg0, %c0_i32 : i32, i32
  }
}

module attributes {stable_mosaic.version = 14 : i64} {
  func.func @_mid_body(%arg0: i32, %arg1: memref<1000x64xf32, #tpu.memory_space<vmem>>, %arg2: memref<1000x64xf32, #tpu.memory_space<vmem>>, %arg3: memref<1000x64xf32, #tpu.memory_space<vmem>>, %arg4: memref<1000x64xf32, #tpu.memory_space<vmem>>, %arg5: memref<1000x1xf32, #tpu.memory_space<vmem>>, %arg6: memref<1000x1xf32, #tpu.memory_space<vmem>>, %arg7: memref<1x128xf32, #tpu.memory_space<vmem>>, %arg8: memref<128x40xf32, #tpu.memory_space<vmem>>, %arg9: memref<1000x40xf32, #tpu.memory_space<vmem>>, %arg10: memref<1000x80xf32, #tpu.memory_space<vmem>>) attributes {dimension_semantics = [#tpu.dimension_semantics<arbitrary>], iteration_bounds = array<i64: 10>, scalar_prefetch = 0 : i64, scratch_operands = 0 : i64, tpu.core_type = #tpu.core_type<tc>, window_params = [{transform_indices = @transform_0, window_bounds = array<i64: 1000, 64>}, {transform_indices = @transform_1, window_bounds = array<i64: 1000, 64>}, {transform_indices = @transform_2, window_bounds = array<i64: 1000, 64>}, {transform_indices = @transform_3, window_bounds = array<i64: 1000, 64>}, {transform_indices = @transform_4, window_bounds = array<i64: 1000, 1>}, {transform_indices = @transform_5, window_bounds = array<i64: 1000, 1>}, {pipeline_mode = #tpu.pipeline_mode<synchronous>, transform_indices = @transform_6, window_bounds = array<i64: 1, 128>}, {pipeline_mode = #tpu.pipeline_mode<synchronous>, transform_indices = @transform_7, window_bounds = array<i64: 128, 40>}, {transform_indices = @transform_8, window_bounds = array<i64: 1000, 40>}, {transform_indices = @transform_9, window_bounds = array<i64: 1000, 80>}]} {
    %get3A = arith.constant 0 : index
    %get3A_0 = arith.constant 0 : index
    %get3A_1 = vector.load %arg1[%get3A, %get3A_0] : memref<1000x64xf32, #tpu.memory_space<vmem>>, vector<1000x64xf32>
    %get3A_2 = arith.constant 0 : index
    %get3A_3 = arith.constant 0 : index
    %get3A_4 = vector.load %arg2[%get3A_2, %get3A_3] : memref<1000x64xf32, #tpu.memory_space<vmem>>, vector<1000x64xf32>
    %concatenate3A = tpu.concatenate %get3A_1, %get3A_4 in 1 : vector<1000x64xf32>, vector<1000x64xf32> -> vector<1000x128xf32>
    %get3A_5 = arith.constant 0 : index
    %get3A_6 = arith.constant 0 : index
    %get3A_7 = vector.load %arg3[%get3A_5, %get3A_6] : memref<1000x64xf32, #tpu.memory_space<vmem>>, vector<1000x64xf32>
    %get3A_8 = arith.constant 0 : index
    %get3A_9 = arith.constant 0 : index
    %get3A_10 = vector.load %arg4[%get3A_8, %get3A_9] : memref<1000x64xf32, #tpu.memory_space<vmem>>, vector<1000x64xf32>
    %concatenate3A_11 = tpu.concatenate %get3A_7, %get3A_10 in 1 : vector<1000x64xf32>, vector<1000x64xf32> -> vector<1000x128xf32>
    %get3A_12 = arith.constant 0 : index
    %get3A_13 = arith.constant 0 : index
    %get3A_14 = vector.load %arg5[%get3A_12, %get3A_13] : memref<1000x1xf32, #tpu.memory_space<vmem>>, vector<1000x1xf32>
    %mul3A = vector.broadcast %get3A_14 : vector<1000x1xf32> to vector<1000x128xf32>
    %mul3A_15 = arith.mulf %concatenate3A, %mul3A : vector<1000x128xf32>
    %get3A_16 = arith.constant 0 : index
    %get3A_17 = arith.constant 0 : index
    %get3A_18 = vector.load %arg7[%get3A_16, %get3A_17] : memref<1x128xf32, #tpu.memory_space<vmem>>, vector<1x128xf32>
    %add3A = vector.broadcast %get3A_18 : vector<1x128xf32> to vector<1000x128xf32>
    %add3A_19 = arith.addf %mul3A_15, %add3A : vector<1000x128xf32>
    %add3A_20 = arith.addf %add3A_19, %concatenate3A_11 : vector<1000x128xf32>
    %max3A = arith.constant 0.000000e+00 : f32
    %max3A_21 = vector.broadcast %max3A : f32 to vector<1000x128xf32>
    %max3A_22 = arith.maximumf %add3A_20, %max3A_21 : vector<1000x128xf32>
    %get3A_23 = arith.constant 0 : index
    %get3A_24 = arith.constant 0 : index
    %get3A_25 = vector.load %arg8[%get3A_23, %get3A_24] : memref<128x40xf32, #tpu.memory_space<vmem>>, vector<128x40xf32>
    %convert_element_type3A = arith.truncf %max3A_22 : vector<1000x128xf32> to vector<1000x128xbf16>
    %convert_element_type3A_26 = arith.truncf %get3A_25 : vector<128x40xf32> to vector<128x40xbf16>
    %dot_general3A = arith.constant dense<0.000000e+00> : vector<1000x40xf32>
    %dot_general3A_27 = tpu.matmul %convert_element_type3A, %convert_element_type3A_26, %dot_general3A {dimension_numbers = #tpu.dot_dimension_numbers<[1], [0], [0], [1], [0, 0, 1, 1], [], []>, transpose_lhs_hint = false} : vector<1000x128xbf16>, vector<128x40xbf16>, vector<1000x40xf32> -> vector<1000x40xf32>
    %get3A_28 = arith.constant 0 : index
    %get3A_29 = arith.constant 0 : index
    %get3A_30 = vector.load %arg6[%get3A_28, %get3A_29] : memref<1000x1xf32, #tpu.memory_space<vmem>>, vector<1000x1xf32>
    %mul3A_31 = vector.broadcast %get3A_30 : vector<1000x1xf32> to vector<1000x40xf32>
    %mul3A_32 = arith.mulf %dot_general3A_27, %mul3A_31 : vector<1000x40xf32>
    %get3A_33 = arith.constant 0 : index
    %get3A_34 = arith.constant 0 : index
    %get3A_35 = vector.load %arg9[%get3A_33, %get3A_34] : memref<1000x40xf32, #tpu.memory_space<vmem>>, vector<1000x40xf32>
    %concatenate3A_36 = tpu.concatenate %mul3A_32, %get3A_35 in 1 : vector<1000x40xf32>, vector<1000x40xf32> -> vector<1000x80xf32>
    %swap3A = arith.constant 0 : index
    %swap3A_37 = arith.constant 0 : index
    %swap3A_38 = vector.load %arg10[%swap3A, %swap3A_37] : memref<1000x80xf32, #tpu.memory_space<vmem>>, vector<1000x80xf32>
    tpu.vector_store %arg10[%swap3A, %swap3A_37], %concatenate3A_36 {strides = array<i32>} : memref<1000x80xf32, #tpu.memory_space<vmem>>, vector<1000x80xf32>,
    return
  }
  func.func @transform_0(%arg0: i32) -> (i32, i32) {
    %c0_i32 = arith.constant 0 : i32
    %c0_i32_0 = arith.constant 0 : i32
    return %arg0, %c0_i32 : i32, i32
  }
  func.func @transform_1(%arg0: i32) -> (i32, i32) {
    %c0_i32 = arith.constant 0 : i32
    %c0_i32_0 = arith.constant 0 : i32
    return %arg0, %c0_i32 : i32, i32
  }
  func.func @transform_2(%arg0: i32) -> (i32, i32) {
    %c0_i32 = arith.constant 0 : i32
    %c0_i32_0 = arith.constant 0 : i32
    return %arg0, %c0_i32 : i32, i32
  }
  func.func @transform_3(%arg0: i32) -> (i32, i32) {
    %c0_i32 = arith.constant 0 : i32
    %c0_i32_0 = arith.constant 0 : i32
    return %arg0, %c0_i32 : i32, i32
  }
  func.func @transform_4(%arg0: i32) -> (i32, i32) {
    %c0_i32 = arith.constant 0 : i32
    %c0_i32_0 = arith.constant 0 : i32
    return %arg0, %c0_i32 : i32, i32
  }
  func.func @transform_5(%arg0: i32) -> (i32, i32) {
    %c0_i32 = arith.constant 0 : i32
    %c0_i32_0 = arith.constant 0 : i32
    return %arg0, %c0_i32 : i32, i32
  }
  func.func @transform_6(%arg0: i32) -> (i32, i32) {
    %c0_i32 = arith.constant 0 : i32
    %c0_i32_0 = arith.constant 0 : i32
    %c0_i32_1 = arith.constant 0 : i32
    return %c0_i32, %c0_i32_0 : i32, i32
  }
  func.func @transform_7(%arg0: i32) -> (i32, i32) {
    %c0_i32 = arith.constant 0 : i32
    %c0_i32_0 = arith.constant 0 : i32
    %c0_i32_1 = arith.constant 0 : i32
    return %c0_i32, %c0_i32_0 : i32, i32
  }
  func.func @transform_8(%arg0: i32) -> (i32, i32) {
    %c0_i32 = arith.constant 0 : i32
    %c0_i32_0 = arith.constant 0 : i32
    return %arg0, %c0_i32 : i32, i32
  }
  func.func @transform_9(%arg0: i32) -> (i32, i32) {
    %c0_i32 = arith.constant 0 : i32
    %c0_i32_0 = arith.constant 0 : i32
    return %arg0, %c0_i32 : i32, i32
  }
}

module attributes {stable_mosaic.version = 14 : i64} {
  func.func @_final_body(%arg0: i32, %arg1: memref<2x1000x80xf32, #tpu.memory_space<vmem>>, %arg2: memref<1000x1xf32, #tpu.memory_space<vmem>>, %arg3: memref<1x40xf32, #tpu.memory_space<vmem>>, %arg4: memref<1000x40xf32, #tpu.memory_space<vmem>>) attributes {dimension_semantics = [#tpu.dimension_semantics<arbitrary>], iteration_bounds = array<i64: 10>, scalar_prefetch = 0 : i64, scratch_operands = 0 : i64, tpu.core_type = #tpu.core_type<tc>, window_params = [{transform_indices = @transform_0, window_bounds = array<i64: 2, 1000, 80>}, {transform_indices = @transform_1, window_bounds = array<i64: 1000, 1>}, {pipeline_mode = #tpu.pipeline_mode<synchronous>, transform_indices = @transform_2, window_bounds = array<i64: 1, 40>}, {transform_indices = @transform_3, window_bounds = array<i64: 1000, 40>}]} {
    %get3A = arith.constant 0 : index
    %get3A_0 = arith.constant 0 : index
    %get3A_1 = arith.constant 0 : index
    %get3A_2 = vector.load %arg1[%get3A, %get3A_0, %get3A_1] : memref<2x1000x80xf32, #tpu.memory_space<vmem>>, vector<1x1000x80xf32>
    %get3A_3 = vector.shape_cast %get3A_2 : vector<1x1000x80xf32> to vector<1000x80xf32>
    %get3A_4 = arith.constant 1 : index
    %get3A_5 = arith.constant 0 : index
    %get3A_6 = arith.constant 0 : index
    %get3A_7 = vector.load %arg1[%get3A_4, %get3A_5, %get3A_6] : memref<2x1000x80xf32, #tpu.memory_space<vmem>>, vector<1x1000x80xf32>
    %get3A_8 = vector.shape_cast %get3A_7 : vector<1x1000x80xf32> to vector<1000x80xf32>
    %add3A = arith.addf %get3A_3, %get3A_8 : vector<1000x80xf32>
    %slice3A = vector.extract_strided_slice %add3A {offsets = [0, 0], sizes = [1000, 40], strides = [1, 1]} : vector<1000x80xf32> to vector<1000x40xf32>
    %get3A_9 = arith.constant 0 : index
    %get3A_10 = arith.constant 0 : index
    %get3A_11 = vector.load %arg2[%get3A_9, %get3A_10] : memref<1000x1xf32, #tpu.memory_space<vmem>>, vector<1000x1xf32>
    %mul3A = vector.broadcast %get3A_11 : vector<1000x1xf32> to vector<1000x40xf32>
    %mul3A_12 = arith.mulf %slice3A, %mul3A : vector<1000x40xf32>
    %get3A_13 = arith.constant 0 : index
    %get3A_14 = arith.constant 0 : index
    %get3A_15 = vector.load %arg3[%get3A_13, %get3A_14] : memref<1x40xf32, #tpu.memory_space<vmem>>, vector<1x40xf32>
    %add3A_16 = vector.broadcast %get3A_15 : vector<1x40xf32> to vector<1000x40xf32>
    %add3A_17 = arith.addf %mul3A_12, %add3A_16 : vector<1000x40xf32>
    %slice3A_18 = vector.extract_strided_slice %add3A {offsets = [0, 40], sizes = [1000, 40], strides = [1, 1]} : vector<1000x80xf32> to vector<1000x40xf32>
    %add3A_19 = arith.addf %add3A_17, %slice3A_18 : vector<1000x40xf32>
    %swap3A = arith.constant 0 : index
    %swap3A_20 = arith.constant 0 : index
    %swap3A_21 = vector.load %arg4[%swap3A, %swap3A_20] : memref<1000x40xf32, #tpu.memory_space<vmem>>, vector<1000x40xf32>
    tpu.vector_store %arg4[%swap3A, %swap3A_20], %add3A_19 {strides = array<i32>} : memref<1000x40xf32, #tpu.memory_space<vmem>>, vector<1000x40xf32>,
    return
  }
  func.func @transform_0(%arg0: i32) -> (i32, i32, i32) {
    %c0_i32 = arith.constant 0 : i32
    %c0_i32_0 = arith.constant 0 : i32
    %c0_i32_1 = arith.constant 0 : i32
    return %c0_i32, %arg0, %c0_i32_0 : i32, i32, i32
  }
  func.func @transform_1(%arg0: i32) -> (i32, i32) {
    %c0_i32 = arith.constant 0 : i32
    %c0_i32_0 = arith.constant 0 : i32
    return %arg0, %c0_i32 : i32, i32
  }
  func.func @transform_2(%arg0: i32) -> (i32, i32) {
    %c0_i32 = arith.constant 0 : i32
    %c0_i32_0 = arith.constant 0 : i32
    %c0_i32_1 = arith.constant 0 : i32
    return %c0_i32, %c0_i32_0 : i32, i32
  }
  func.func @transform_3(%arg0: i32) -> (i32, i32) {
    %c0_i32 = arith.constant 0 : i32
    %c0_i32_0 = arith.constant 0 : i32
    return %arg0, %c0_i32 : i32, i32
  }
}

</mosaic_0001>

<sc_bundles>
// kernel: kernel.12.cloned.1.call-start
scs
__scs_entry_jumppad:
0x0: {  	(pc) =	sbr.rel $0x88, $3  }
0x1: {  	(tag) =	ssettag $0x0;
	lr =	simm.s32 $0x1  }
0x2: {  	[smem:$0x3F99] =	sst lr;
	_ =	strace $0xD0000000  }
0x3: {  	_ = 	snop  }
0x4: {  	_ = 	snop  }
0x5: {  	_ = 	snop  }
0x6: {  	_ = 	snop  }
0x7: {  	_ = 	snop  }
__scs_overlays_trampoline_lowered:
0x8: {  	[smem:$0x3FA8] =	sst s0  }
0x9: {  	[smem:$0x3FA9] =	sst s1  }
0xa: {  	[smem:$0x3FAA] =	sst s2  }
0xb: {  	[smem:$0x3FAB] =	sst s3  }
0xc: {  	[smem:$0x3FAC] =	sst s4  }
0xd: {  	[smem:$0x3FAD] =	sst s5  }
0xe: {  	[smem:$0x3FAE] =	sst s6  }
0xf: {  	[smem:$0x3FAF] =	sst s7  }
0x10: {  	[smem:$0x3FB0] =	sst s8  }
0x11: {  	[smem:$0x3FB1] =	sst s9;
	s0 =	simm.s32 @!p0 $0x0  }
0x12: {  	s1 =	sld [smem:$0x3F97];
	s0 =	simm.s32 @p0 $0x1  }
0x13: {  	[smem:$0x3FB2] =	sst s0;
	s0 =	simm.s32 @!p1 $0x0  }
0x14: {  	s2 =	sld [smem:$0x3F96];
	s0 =	simm.s32 @p1 $0x1  }
0x15: {  	[smem:$0x3FB3] =	sst s0;
	s0 =	simm.s32 @!p2 $0x0  }
0x16: {  	s3 =	sld [smem:$0x3FDB];
	s0 =	simm.s32 @p2 $0x1  }
0x17: {  	s4 =	simm.s32 $0x1BF5;
	[smem:$0x3FB5] =	sst s0  }
0x18: {  	s0 =	sld [smem:$0x3F98];
	_ =	swait.ge [sflag:s4], $0x0  }
0x19: {  	s7 =	sld [smem:$0x3F99]  }
0x1a: {  	s8 =	sadd.s32 $0xFFFFE003, lr  }
0x1b: {  	s9 =	sadd.s32 $0xFFFFFEF7, lr;
	s5 =	simm.s32 $0xFFFFFFFF;
	p2 =	slt.u32 s8, $0xFFFFF086  }
0x1c: {  	p1 =	slt.u32 s9, $0xF7A;
	s5 =	simm.s32 @!p2 $0x0  }
0x1d: {  	s5 =	simm.s32 @p1 $0x1;
	p0 =	seq.s32 s7, s2  }
0x1e: {  	s7 =	smul.u32 @!p0 $0xF7A, s2;
	p2 =	seq.s32 @!p0 s5, $0x0  }
0x1f: {  	s9 =	smul.u32 $0xF7A, s1;
	s8 =	simm.s32 @!p0 $0x1BF5;
	p2 =	por !p2, p0  }
0x20: {  	[sflag:s8] =	ssyncset.s32 @!p0 $0xFFFFF086;
	s6 =	sadd.s32 @!p0 s3, s7;
	s7 =	simm.s32 @!p0 $0x108  }
0x21: {  	s3 =	sadd.s32 s3, s9;
	s6 =	sadd.s32 @!p0 $0x88, s6;
	s7 =	simm.s32 @p2 $0x1082  }
0x22: {  	[simem:s7], [sflag:s8] =	dma.local @!p0 [hbm:s6], $0xF7A  }
0x23: {  	s9 =	sor.u32 $0xD0000000, s2;
	s6 =	simm.s32 $0x108;
	_ =	swait.ge @!p0 [sflag:s8], $0x0  }
0x24: {  	s3 =	sadd.s32 $0x88, s3;
	s6 =	simm.s32 @!p1 $0x1082;
	[sflag:s4] =	ssyncset.s32 $0xFFFFF086  }
0x25: {  	[simem:s6], [sflag:s4] =	dma.local [hbm:s3], $0xF7A  }
0x26: {  	[smem:$0x3F99] =	sst s1;
	(tag) =	ssettag s2;
	_ =	strace s9  }
0x27: {  	s1 =	sld [smem:$0x3FA9]  }
0x28: {  	s2 =	sld [smem:$0x3FAA]  }
0x29: {  	s4 =	sld [smem:$0x3FAC]  }
0x2a: {  	p0 =	seq.s32 s5, $0x0;
	s5 =	sld [smem:$0x3FAD]  }
0x2b: {  	s6 =	sld [smem:$0x3FAE]  }
0x2c: {  	s7 =	sld [smem:$0x3FAF]  }
0x2d: {  	s3 =	simm.s32 $0x108;
	s8 =	sld [smem:$0x3FB0]  }
0x2e: {  	s3 =	simm.s32 @!p0 $0x1082;
	s9 =	sld [smem:$0x3FB1]  }
0x2f: {  	lr =	sadd.s32 s0, s3;
	s0 =	sld [smem:$0x3FA8]  }
0x30: {  	s3 =	sld [smem:$0x3FAB]  }
0x31: {  	[smem:$0x3FB4] =	sst s10  }
0x32: {  	s10 =	sld [smem:$0x3FB2];
	_ =	sdelay $0x3  }
0x33: {  	p0 =	seq.s32 s10, $0x1;
	s10 =	sld [smem:$0x3FB4];
	_ =	sdelay $0x3  }
0x34: {  	[smem:$0x3FB4] =	sst s10  }
0x35: {  	s10 =	sld [smem:$0x3FB3];
	_ =	sdelay $0x3  }
0x36: {  	p1 =	seq.s32 s10, $0x1;
	s10 =	sld [smem:$0x3FB4];
	_ =	sdelay $0x3  }
0x37: {  	[smem:$0x3FB4] =	sst s10  }
0x38: {  	s10 =	sld [smem:$0x3FB5]  }
0x39: {  	_ = 	snop;
	(pc) =	sbr.ind lr, $3  }
0x3a: {  	_ = 	snop  }
0x3b: {  	_ = 	snop  }
0x3c: {  	p2 =	seq.s32 s10, $0x1;
	s10 =	sld [smem:$0x3FB4]  }
0x3d: {  	_ =	shalt  }
0x3e: {  	_ =	shalt  }
0x3f: {  	_ =	shalt  }
0x40: {  	_ =	shalt  }
0x41: {  	_ =	shalt  }
0x42: {  	_ =	shalt  }
0x43: {  	_ =	shalt  }
0x44: {  	_ =	shalt  }
0x45: {  	_ =	shalt  }
0x46: {  	_ =	shalt  }
0x47: {  	_ =	shalt  }
0x48: {  	_ =	shalt  }
0x49: {  	_ =	shalt  }
0x4a: {  	_ =	shalt  }
0x4b: {  	_ =	shalt  }
0x4c: {  	_ =	shalt  }
0x4d: {  	_ =	shalt  }
0x4e: {  	_ =	shalt  }
0x4f: {  	_ =	shalt  }
0x50: {  	_ =	shalt  }
0x51: {  	_ =	shalt  }
0x52: {  	_ =	shalt  }
0x53: {  	_ =	shalt  }
0x54: {  	_ =	shalt  }
0x55: {  	_ =	shalt  }
0x56: {  	_ =	shalt  }
0x57: {  	_ =	shalt  }
0x58: {  	_ =	shalt  }
0x59: {  	_ =	shalt  }
0x5a: {  	_ =	shalt  }
0x5b: {  	_ =	shalt  }
0x5c: {  	_ =	shalt  }
0x5d: {  	_ =	shalt  }
0x5e: {  	_ =	shalt  }
0x5f: {  	_ =	shalt  }
0x60: {  	_ =	shalt  }
0x61: {  	_ =	shalt  }
0x62: {  	_ =	shalt  }
0x63: {  	_ =	shalt  }
0x64: {  	_ =	shalt  }
0x65: {  	_ =	shalt  }
0x66: {  	_ =	shalt  }
0x67: {  	_ =	shalt  }
0x68: {  	_ =	shalt  }
0x69: {  	_ =	shalt  }
0x6a: {  	_ =	shalt  }
0x6b: {  	_ =	shalt  }
0x6c: {  	_ =	shalt  }
0x6d: {  	_ =	shalt  }
0x6e: {  	_ =	shalt  }
0x6f: {  	_ =	shalt  }
0x70: {  	_ =	shalt  }
0x71: {  	_ =	shalt  }
0x72: {  	_ =	shalt  }
0x73: {  	_ =	shalt  }
0x74: {  	_ =	shalt  }
0x75: {  	_ =	shalt  }
0x76: {  	_ =	shalt  }
0x77: {  	_ =	shalt  }
0x78: {  	_ =	shalt  }
0x79: {  	_ =	shalt  }
0x7a: {  	_ =	shalt  }
0x7b: {  	_ =	shalt  }
0x7c: {  	_ =	shalt  }
0x7d: {  	_ =	shalt  }
0x7e: {  	_ =	shalt  }
0x7f: {  	_ =	shalt  }
0x80: {  	_ =	shalt  }
0x81: {  	_ =	shalt  }
0x82: {  	_ =	shalt  }
0x83: {  	_ =	shalt  }
0x84: {  	_ =	shalt  }
0x85: {  	_ =	shalt  }
0x86: {  	_ =	shalt  }
0x87: {  	_ =	shalt  }
.Lfunc_end0:
.L_simem_size_0:
called_computation.1_lowered:
.L_overlay_start_0:
0x88: {  	s2 =	sld [smem:$0x3FD9]  }
0x89: {  	s3 =	sld [smem:$0x3FFE];
	_ =	sdelay $0x1  }
0x8a: {  	s1 =	srdreg.scid  }
0x8b: {  	s0 =	sand.u32 $0x1, s1  }
0x8c: {  	s17 =	sshll.u32 s0, $0xA;
	s2 =	sadd.s32 s3, s2  }
0x8d: {  	s2 =	sadd.s32 s2, s17  }
0x8e: {  	[smem:$0x3FC0] =	sst s2  }
0x8f: {  	_ = 	snop  }
0x90: {  	s2 =	sld [smem:$0x3FD0];
	(tm) =	ssettm $0x1  }
0x91: {  	s18 =	sld [smem:$0x3FFB];
	_ =	sdelay $0x3  }
0x92: {  	_ =	strace s18  }
0x93: {  	s3 =	sld [smem:$0x3FFC];
	_ =	sdelay $0x3  }
0x94: {  	_ =	strace s3  }
0x95: {  	s3 =	sld [smem:$0x3FFD];
	_ =	sdelay $0x3  }
0x96: {  	_ =	strace s3  }
0x97: {  	_ =	strace $0x8FFFFFFF  }
0x98: {  	s19 =	sld [smem:$0x3FDB];
	_ =	sdelay $0x1  }
0x99: {  	s4 =	simm.s32 $_scs_section_size  }
0x9a: {  	s5 =	simm.s32 $_size__tile_overlayer_lowered;
	s6 =	simm.s32 $_tile_overlayer_lowered  }
0x9b: {  	s22 =	simm.s32 $0x1BFF;
	s21 =	sshll.u32 s6, $0x1;
	s3 =	sadd.s32 s4, s19  }
0x9c: {  	s7 =	simm.s32 $0x0;
	s20 =	sshll.u32 s5, $0x1;
	s5 =	sadd.s32 s21, s3  }
0x9d: {  	[timem:s7], [sflag:s22] =	dma.local [hbm:s5], s20  }
0x9e: {  	_ =	swait.ge [sflag:s22], s20  }
0x9f: {  	s4 =	ssub.s32 $0x0, s20;
	[sflag:s22] =	ssyncset.done $0x0  }
0xa0: {  	[sflag:s22] =	ssyncadd.s32 s4;
	_ =	sdelay $0x1  }
0xa1: {  	s23 =	simm.s32 $0x1B8B  }
0xa2: {  	_ =	swait.ge [sflag:s23], $0x1  }
0xa3: {  	[sflag:s23] =	ssyncset.done $0x0  }
0xa4: {  	s25 =	simm.s32 $0x1B8E;
	s24 =	sld [smem:$0x3FFE];
	[sflag:s23] =	ssyncadd.s32 $0xFFFFFFFF  }
0xa5: {  	s26 =	simm.s32 $execute0_lowered;
	[smem:$0x3FD2] =	sst s25  }
0xa6: {  	s5 =	sshll.u32 s26, $0x1;
	_ =	strace $0x80000049;
	[dreg:$0x1] =	wrdreg $0xFFFFFFFF  }
0xa7: {  	s28 =	simm.s32 $_size_execute0_lowered;
	s3 =	sadd.s32 s3, s5;
	[dreg:$0x0] =	wrdreg $0x0  }
0xa8: {  	s5 =	sshll.u32 s28, $0x1;
	[dreg:$0x2] =	wrdreg s3  }
0xa9: {  	[dreg:$0x3] =	wrdreg s5  }
0xaa: {  	[dreg:$0x4] =	wrdreg $0xC0  }
0xab: {  	_ =	task [dreg:s7], $0x5FFFF  }
0xac: {  	[dreg:$0x1] =	wrdreg $0xFFFFFFFF  }
0xad: {  	[dreg:$0x0] =	wrdreg $0x60  }
0xae: {  	[dreg:$0x2] =	wrdreg s24  }
0xaf: {  	[dreg:$0x3] =	wrdreg s2  }
0xb0: {  	[dreg:$0x4] =	wrdreg $0x0  }
0xb1: {  	[dreg:$0x5] =	wrdreg $0x9  }
0xb2: {  	_ =	task.clear_ibuf [dreg:s7], $0x6FFFF;
	_ =	strace $0x90000049  }
0xb3: {  	s29 =	simm.s32 $0x9;
	_ =	strace $0x8000004B  }
0xb4: {  	_ =	swait.ge [sflag:s29], $0x1  }
0xb5: {  	[sflag:s29] =	ssyncadd.s32 $0xFFFFFFFF  }
0xb6: {  	_ =	strace $0x9000004B  }
0xb7: {  	_ =	sfence  }
0xb8: {  	s30 =	sld [smem:$0x0];
	_ =	sdelay $0x2  }
0xb9: {  	s31 =	sshll.u32 s1, $0xD;
	s1 =	sshrl.u32 s1, $0x2  }
0xba: {  	s3 =	sand.u32 $0x4000, s31;
	s1 =	sadd.s32 s1, s30  }
0xbb: {  	s0 =	sor.u32 s3, s0;
	s1 =	sshll.u32 s1, $0x11  }
0xbc: {  	s0 =	sor.u32 s1, s0  }
0xbd: {  	s0 =	sadd.s32 $0x8F2B, s0  }
0xbe: {  	[sflag:s0] =	ssyncadd.remote.s32 $0x1  }
0xbf: {  	_ =	sfence.sel $0xFFFF  }
0xc0: {  	[dreg:$0x0] =	wrdreg $0xFFFFFFFF;
	(pc) =	sbr.abs _section_cstart, $3  }
0xc1: {  	[dreg:$0x1] =	wrdreg $0xFFFFFFFF  }
0xc2: {  	_ =	task.clear_ibuf [dreg:s7], $0x2FFFF;
	_ =	strace $0x9FFFFFFF  }
0xc3: {  	(tm) =	ssettm $0x7FFFFFFF  }
tec
execute0_lowered:
.L_overlay_start_1:
0x0: {  	(tag) =	ssettag $0x1  }
0x1: {  	s0 =	rddreg [dreg:$0x0]  }
0x2: {  	s2 =	rddreg [dreg:$0x1]  }
0x3: {  	s1 =	rddreg [dreg:$0x2]  }
0x4: {  	s3 =	simm.s32 $0x0;
	s14 =	stileid.u32;
	s21 =	srdreg.scid  }
0x5: {  	s20 =	simm.s32 $0x9C40;
	s29 =	simm.s32 $0x14C80;
	s31 =	simm.s32 $0x16080  }
0x6: {  	s18 =	simm.s32 $0xE9C0;
	s15 =	simm.s32 $0x13830;
	s28 =	simm.s32 $0x0  }
0x7: {  	[smem:$0x7FF] =	sst s3;
	s4 =	sadd.s32 $0xCBE00, s0;
	s5 =	sadd.s32 $0xB8400, s0  }
0x8: {  	s8 =	smul.u32 $0x280, s14;
	s6 =	sadd.s32 $0x7D800, s0;
	s7 =	sadd.s32 $0x69E00, s0  }
0x9: {  	s9 =	sadd.s32 $0x2E00, s0;
	s10 =	sadd.s32 $0x12E000, s0;
	s11 =	smul.u32 $0x4E20, s14  }
0xa: {  	s14 =	smul.u32 $0x9C4, s14;
	_ =	strace $0x8000004A;
	[dreg:$0x4] =	wrdreg s10  }
0xb: {  	s10 =	sand.u32 $0x1, s21;
	s21 =	simm.s32 $0x5;
	s8 =	smin.u32 s8, $0x2490  }
0xc: {  	s13 =	ssub.s32 $0x2, s10;
	s11 =	sshrl.u32 s11, $0x3;
	s23 =	sadd.s32 s9, s14  }
0xd: {  	s24 =	sadd.s32 s2, s14;
	p0 =	seq.s32 s10, $0x1;
	s10 =	simm.s32 $0x4  }
0xe: {  	s14 =	simm.s32 $0x137E0;
	s12 =	sshll.u32 s8, $0x3;
	[dreg:$0x7] =	wrdreg s23  }
0xf: {  	s22 =	sshrl.u32 s13, $0x1;
	s11 =	sadd.s32 $0x4E2, s11;
	[dreg:$0x9] =	wrdreg s24  }
0x10: {  	s8 =	sshll.u32 s8, $0x6;
	s23 =	simm.s32 $0x1;
	s24 =	simm.s32 $0x2  }
0x11: {  	[dreg:$0x5] =	wrdreg s12;
	s12 =	sadd.s32 s12, s0;
	s0 =	sadd.s32 $0x106C00, s0  }
0x12: {  	s9 =	sadd.s32 s9, s11;
	s2 =	sadd.s32 s2, s11;
	[dreg:$0x6] =	wrdreg s0  }
0x13: {  	s25 =	sadd.s32 s8, s1;
	s8 =	simm.s32 $0x3;
	[dreg:$0x8] =	wrdreg s9  }
0x14: {  	s11 =	simm.s32 $0xEA10;
	s0 =	ssub.s32 s13, s22;
	[dreg:$0xa] =	wrdreg s2  }
.Ltmp0:
0x15: {  	[dreg:$0xb] =	wrdreg s25;
	s16 =	sadd.s32 $0xDF800, s12;
	(pc) =	sbr.rel .LBB2_1-.Ltmp0, $4  }
0x16: {  	s26 =	sadd.s32 $0xF3200, s12;
	s30 =	sadd.s32 $0x11A600, s12;
	s25 =	simm.s32 $0x50  }
0x17: {  	s22 =	simm.s32 $0x17480;
	s2 =	simm.s32 $0x136F0;
	[dreg:$0xc] =	wrdreg s26  }
0x18: {  	s12 =	simm.s32 $0x13740;
	[dreg:$0xd] =	wrdreg s30;
	s0 =	smax.u32 s0, $0x1  }
0x19: {  	s13 =	simm.s32 $0x13790;
	s26 =	simm.s32 $0x13880;
	[dreg:$0xe] =	wrdreg s0  }
.LBB2_11:
0x1a: {  	[tilespmem:s22], [sflag:$0x4] =	stream.indirect.gather [hbm4b:s7+s25], $0x40, s9, s25, $0xb8;
	[tilespmem:$0x18880] =	vst v63  }
0x1b: {  	_ =	swait.ge [sflag:s23], $0x1400  }
0x1c: {  	[sflag:s23] =	ssyncset.done $0x0  }
0x1d: {  	s0 =	simm.s32 $0x136A0;
	[sflag:s23] =	ssyncadd.s32 $0xFFFFEC00  }
0x1e: {  	[spmem:s1] =	stream.indirect.scatter.add.f32 [tilespmem:s26], [sflag:$0x5], $0x40, s0, s25, $0xb8;
	[tilespmem:$0x18880] =	vst v63  }
0x1f: {  	_ =	swait.ge [sflag:s21], $0x1400  }
0x20: {  	[sflag:s21] =	ssyncset.done $0x0  }
0x21: {  	[sflag:s21] =	ssyncadd.s32 $0xFFFFEC00  }
0x22: {  	[tilespmem:s26], [sflag:$0x1] =	stream.indirect.gather [hbm4b:s7+s25], $0x40, s18, s25, $0xb8;
	[tilespmem:$0x18880] =	vst v63  }
0x23: {  	_ =	swait.ge [sflag:s24], $0x1400  }
0x24: {  	[sflag:s24] =	ssyncset.done $0x0  }
0x25: {  	[sflag:s24] =	ssyncadd.s32 $0xFFFFEC00  }
0x26: {  	[spmem:s1] =	stream.indirect.scatter.add.f32 [tilespmem:s29], [sflag:$0x5], $0x40, s2, s25, $0xb8;
	[tilespmem:$0x18880] =	vst v63  }
0x27: {  	_ =	swait.ge [sflag:s21], $0x1400  }
0x28: {  	[sflag:s21] =	ssyncset.done $0x0  }
0x29: {  	s0 =	rddreg [dreg:$0x6];
	[sflag:s21] =	ssyncadd.s32 $0xFFFFEC00  }
0x2a: {  	[tilespmem:s29], [sflag:$0x2] =	stream.indirect.gather [hbm4b:s7+s25], $0x40, s11, s25, $0xb8;
	[tilespmem:$0x18880] =	vst v63  }
.LBB2_12:
0x2b: {  	_ =	swait.ge [sflag:s8], $0x1400  }
0x2c: {  	[sflag:s8] =	ssyncset.done $0x0  }
0x2d: {  	[sflag:s8] =	ssyncadd.s32 $0xFFFFEC00  }
0x2e: {  	[spmem:s1] =	stream.indirect.scatter.add.f32 [tilespmem:s31], [sflag:$0x5], $0x40, s12, s25, $0xb8;
	[tilespmem:$0x18880] =	vst v63  }
0x2f: {  	_ =	swait.ge [sflag:s21], $0x1400  }
0x30: {  	[sflag:s21] =	ssyncset.done $0x0  }
0x31: {  	[sflag:s21] =	ssyncadd.s32 $0xFFFFEC00  }
0x32: {  	_ =	swait.ge [sflag:s10], $0x1400  }
0x33: {  	[sflag:s10] =	ssyncset.done $0x0  }
0x34: {  	[sflag:s10] =	ssyncadd.s32 $0xFFFFEC00  }
0x35: {  	[spmem:s1] =	stream.indirect.scatter.add.f32 [tilespmem:s22], [sflag:$0x5], $0x40, s13, s25, $0xb8;
	[tilespmem:$0x18880] =	vst v63  }
0x36: {  	_ =	swait.ge [sflag:s21], $0x1400  }
0x37: {  	[sflag:s21] =	ssyncset.done $0x0  }
0x38: {  	[sflag:s21] =	ssyncadd.s32 $0xFFFFEC00  }
0x39: {  	_ =	swait.ge [sflag:s23], $0x1400  }
0x3a: {  	[sflag:s23] =	ssyncset.done $0x0  }
0x3b: {  	[sflag:s23] =	ssyncadd.s32 $0xFFFFEC00  }
0x3c: {  	[spmem:s1] =	stream.indirect.scatter.add.f32 [tilespmem:s26], [sflag:$0x5], $0x40, s14, s25, $0xb8;
	[tilespmem:$0x18880] =	vst v63  }
0x3d: {  	_ =	swait.ge [sflag:s21], $0x1400  }
0x3e: {  	[sflag:s21] =	ssyncset.done $0x0  }
0x3f: {  	[sflag:s21] =	ssyncadd.s32 $0xFFFFEC00  }
0x40: {  	_ =	swait.ge [sflag:s24], $0x1400  }
0x41: {  	[sflag:s24] =	ssyncset.done $0x0  }
0x42: {  	[sflag:s24] =	ssyncadd.s32 $0xFFFFEC00  }
0x43: {  	[spmem:s1] =	stream.indirect.scatter.add.f32 [tilespmem:s29], [sflag:$0x5], $0x40, s15, s25, $0xb8;
	[tilespmem:$0x18880] =	vst v63  }
0x44: {  	_ =	swait.ge [sflag:s21], $0x1400  }
0x45: {  	[sflag:s21] =	ssyncset.done $0x0  }
0x46: {  	s9 =	rddreg [dreg:$0x5];
	[sflag:s21] =	ssyncadd.s32 $0xFFFFEC00  }
0x47: {  	s0 =	sadd.s32 s0, s9;
	[bflag:$0x0] =	sbarrier.arrive $0xFFFF  }
0x48: {  	[hbm:s0], [sflag:s30] =	dma.local [spmem:s19], $0x1400  }
0x49: {  	_ =	swait.ge [sflag:s21], $0x1400  }
0x4a: {  	s28 =	sadd.s32 $0x1, s28;
	s30 =	rddreg [dreg:$0xe]  }
0x4b: {  	p1 =	sne.s32 s28, s30  }
.Ltmp1:
0x4c: {  	_ = 	snop;
	(pc) =	sbr.rel @!p1 .LBB2_13-.Ltmp1, $3  }
0x4d: {  	[sflag:s21] =	ssyncset.done $0x0  }
0x4e: {  	[sflag:s21] =	ssyncadd.s32 $0xFFFFEC00  }
0x4f: {  	[bflag:$0x0] =	sbarrier.arrive $0xFFFF;
	_ =	sdelay $0x1  }
.LBB2_1:
0x50: {  	s0 =	rddreg [dreg:$0x7]  }
0x51: {  	[tilespmem:s20], [sflag:$0x5] =	stream.linear.gather [hbm4b:s0+s3], $0x2710, $0x38;
	[tilespmem:$0x18880] =	vst v63  }
0x52: {  	_ =	swait.ge [sflag:s21], $0x2710  }
0x53: {  	[sflag:s21] =	ssyncset.done $0x0  }
0x54: {  	s9 =	simm.s32 $0xC350;
	s19 =	rddreg [dreg:$0x8];
	[sflag:s21] =	ssyncadd.s32 $0xFFFFD8F0  }
0x55: {  	[tilespmem:s9], [sflag:$0x5] =	stream.linear.gather [hbm4b:s19+s3], $0x2710, $0x38;
	[tilespmem:$0x18880] =	vst v63  }
0x56: {  	_ =	swait.ge [sflag:s21], $0x2710  }
0x57: {  	[sflag:s21] =	ssyncset.done $0x0  }
0x58: {  	s19 =	simm.s32 $0xEA60;
	s17 =	rddreg [dreg:$0x9];
	[sflag:s21] =	ssyncadd.s32 $0xFFFFD8F0  }
0x59: {  	[tilespmem:s19], [sflag:$0x5] =	stream.linear.gather [hbm4b:s17+s3], $0x2710, $0x38;
	[tilespmem:$0x18880] =	vst v63  }
0x5a: {  	_ =	swait.ge [sflag:s21], $0x2710  }
0x5b: {  	[sflag:s21] =	ssyncset.done $0x0  }
0x5c: {  	s19 =	simm.s32 $0x11170;
	s17 =	rddreg [dreg:$0xa];
	[sflag:s21] =	ssyncadd.s32 $0xFFFFD8F0  }
0x5d: {  	[tilespmem:s19], [sflag:$0x5] =	stream.linear.gather [hbm4b:s17+s3], $0x2710, $0x38;
	[tilespmem:$0x18880] =	vst v63  }
0x5e: {  	s17 =	stileid.u32;
	_ =	swait.ge [sflag:s21], $0x2710  }
0x5f: {  	s0 =	sshll.u32 s17, $0x6;
	[sflag:s21] =	ssyncset.done $0x0;
	s19 =	rddreg [dreg:$0xb]  }
0x60: {  	s30 =	sor.u32 $0x1C05, s0;
	[sflag:s21] =	ssyncadd.s32 $0xFFFFD8F0;
	s19 =	sshrl.u32 s19, $0x3  }
0x61: {  	[spmem:s19], [sflag:s30] =	dma.local [hbm:s16], $0x1400  }
.Ltmp2:
0x62: {  	_ =	swait.ge [sflag:s21], $0x1400;
	(pc) =	sbr.rel @!p0 .LBB2_2-.Ltmp2, $3  }
0x63: {  	[sflag:s21] =	ssyncset.done $0x0  }
0x64: {  	[sflag:s21] =	ssyncadd.s32 $0xFFFFEC00  }
0x65: {  	[bflag:$0x0] =	sbarrier.arrive $0xFFFF;
	_ =	sdelay $0x1  }
0x66: {  	[tilespmem:s26], [sflag:$0x1] =	stream.indirect.gather [hbm4b:s6+s25], $0x40, s20, s25, $0xb8;
	[tilespmem:$0x18880] =	vst v63  }
0x67: {  	s0 =	simm.s32 $0x9C90  }
0x68: {  	[tilespmem:s29], [sflag:$0x2] =	stream.indirect.gather [hbm4b:s6+s25], $0x40, s0, s25, $0xb8;
	[tilespmem:$0x18880] =	vst v63  }
0x69: {  	s17 =	simm.s32 $0x9CE0  }
0x6a: {  	[tilespmem:s31], [sflag:$0x3] =	stream.indirect.gather [hbm4b:s6+s25], $0x40, s17, s25, $0xb8;
	[tilespmem:$0x18880] =	vst v63  }
0x6b: {  	s9 =	simm.s32 $0x9D30  }
0x6c: {  	[tilespmem:s22], [sflag:$0x4] =	stream.indirect.gather [hbm4b:s6+s25], $0x40, s9, s25, $0xb8;
	[tilespmem:$0x18880] =	vst v63  }
0x6d: {  	_ =	swait.ge [sflag:s23], $0x1400  }
0x6e: {  	[sflag:s23] =	ssyncset.done $0x0  }
0x6f: {  	s17 =	simm.s32 $0xEA60;
	[sflag:s23] =	ssyncadd.s32 $0xFFFFEC00  }
0x70: {  	[spmem:s1] =	stream.indirect.scatter.add.f32 [tilespmem:s26], [sflag:$0x5], $0x40, s17, s25, $0xb8;
	[tilespmem:$0x18880] =	vst v63  }
0x71: {  	_ =	swait.ge [sflag:s21], $0x1400  }
0x72: {  	[sflag:s21] =	ssyncset.done $0x0  }
0x73: {  	s9 =	simm.s32 $0x9D80;
	[sflag:s21] =	ssyncadd.s32 $0xFFFFEC00  }
0x74: {  	[tilespmem:s26], [sflag:$0x1] =	stream.indirect.gather [hbm4b:s6+s25], $0x40, s9, s25, $0xb8;
	[tilespmem:$0x18880] =	vst v63  }
0x75: {  	_ =	swait.ge [sflag:s24], $0x1400  }
0x76: {  	[sflag:s24] =	ssyncset.done $0x0  }
0x77: {  	s17 =	simm.s32 $0xEAB0;
	[sflag:s24] =	ssyncadd.s32 $0xFFFFEC00  }
0x78: {  	[spmem:s1] =	stream.indirect.scatter.add.f32 [tilespmem:s29], [sflag:$0x5], $0x40, s17, s25, $0xb8;
	[tilespmem:$0x18880] =	vst v63  }
0x79: {  	_ =	swait.ge [sflag:s21], $0x1400  }
0x7a: {  	[sflag:s21] =	ssyncset.done $0x0  }
0x7b: {  	s9 =	simm.s32 $0x9DD0;
	[sflag:s21] =	ssyncadd.s32 $0xFFFFEC00  }
0x7c: {  	[tilespmem:s29], [sflag:$0x2] =	stream.indirect.gather [hbm4b:s6+s25], $0x40, s9, s25, $0xb8;
	[tilespmem:$0x18880] =	vst v63  }
0x7d: {  	_ =	swait.ge [sflag:s8], $0x1400  }
0x7e: {  	[sflag:s8] =	ssyncset.done $0x0  }
0x7f: {  	s17 =	simm.s32 $0xEB00;
	[sflag:s8] =	ssyncadd.s32 $0xFFFFEC00  }
0x80: {  	[spmem:s1] =	stream.indirect.scatter.add.f32 [tilespmem:s31], [sflag:$0x5], $0x40, s17, s25, $0xb8;
	[tilespmem:$0x18880] =	vst v63  }
0x81: {  	_ =	swait.ge [sflag:s21], $0x1400  }
0x82: {  	[sflag:s21] =	ssyncset.done $0x0  }
0x83: {  	s9 =	simm.s32 $0x9E20;
	[sflag:s21] =	ssyncadd.s32 $0xFFFFEC00  }
0x84: {  	[tilespmem:s31], [sflag:$0x3] =	stream.indirect.gather [hbm4b:s6+s25], $0x40, s9, s25, $0xb8;
	[tilespmem:$0x18880] =	vst v63  }
0x85: {  	_ =	swait.ge [sflag:s10], $0x1400  }
0x86: {  	[sflag:s10] =	ssyncset.done $0x0  }
0x87: {  	s17 =	simm.s32 $0xEB50;
	[sflag:s10] =	ssyncadd.s32 $0xFFFFEC00  }
0x88: {  	[spmem:s1] =	stream.indirect.scatter.add.f32 [tilespmem:s22], [sflag:$0x5], $0x40, s17, s25, $0xb8;
	[tilespmem:$0x18880] =	vst v63  }
0x89: {  	_ =	swait.ge [sflag:s21], $0x1400  }
0x8a: {  	[sflag:s21] =	ssyncset.done $0x0  }
0x8b: {  	s0 =	simm.s32 $0x500;
	s9 =	simm.s32 $0x9E70;
	[sflag:s21] =	ssyncadd.s32 $0xFFFFEC00  }
.LBB2_8:
0x8c: {  	[tilespmem:s22], [sflag:$0x4] =	stream.indirect.gather [hbm4b:s6+s25], $0x40, s9, s25, $0xb8;
	[tilespmem:$0x18880] =	vst v63  }
0x8d: {  	s9 =	smov.u32 s0  }
0x8e: {  	p1 =	sne.s32 s0, $0x12C00;
	s0 =	sadd.s32 $0x500, s0;
	_ =	swait.ge [sflag:s23], $0x1400  }
0x8f: {  	s9 =	sshra.s32 s9, $0x2;
	[sflag:s23] =	ssyncset.done $0x0  }
0x90: {  	s17 =	sadd.s32 $0xEA60, s9;
	[sflag:s23] =	ssyncadd.s32 $0xFFFFEC00  }
0x91: {  	[spmem:s1] =	stream.indirect.scatter.add.f32 [tilespmem:s26], [sflag:$0x5], $0x40, s17, s25, $0xb8;
	[tilespmem:$0x18880] =	vst v63  }
0x92: {  	_ =	swait.ge [sflag:s21], $0x1400  }
0x93: {  	[sflag:s21] =	ssyncset.done $0x0  }
0x94: {  	s17 =	sadd.s32 $0x9D80, s9;
	[sflag:s21] =	ssyncadd.s32 $0xFFFFEC00  }
0x95: {  	[tilespmem:s26], [sflag:$0x1] =	stream.indirect.gather [hbm4b:s6+s25], $0x40, s17, s25, $0xb8;
	[tilespmem:$0x18880] =	vst v63  }
0x96: {  	_ =	swait.ge [sflag:s24], $0x1400  }
0x97: {  	[sflag:s24] =	ssyncset.done $0x0  }
0x98: {  	s17 =	sadd.s32 $0xEAB0, s9;
	[sflag:s24] =	ssyncadd.s32 $0xFFFFEC00  }
0x99: {  	[spmem:s1] =	stream.indirect.scatter.add.f32 [tilespmem:s29], [sflag:$0x5], $0x40, s17, s25, $0xb8;
	[tilespmem:$0x18880] =	vst v63  }
0x9a: {  	_ =	swait.ge [sflag:s21], $0x1400  }
0x9b: {  	[sflag:s21] =	ssyncset.done $0x0  }
0x9c: {  	s17 =	sadd.s32 $0x9DD0, s9;
	[sflag:s21] =	ssyncadd.s32 $0xFFFFEC00  }
0x9d: {  	[tilespmem:s29], [sflag:$0x2] =	stream.indirect.gather [hbm4b:s6+s25], $0x40, s17, s25, $0xb8;
	[tilespmem:$0x18880] =	vst v63  }
0x9e: {  	_ =	swait.ge [sflag:s8], $0x1400  }
0x9f: {  	[sflag:s8] =	ssyncset.done $0x0  }
0xa0: {  	s17 =	sadd.s32 $0xEB00, s9;
	[sflag:s8] =	ssyncadd.s32 $0xFFFFEC00  }
0xa1: {  	[spmem:s1] =	stream.indirect.scatter.add.f32 [tilespmem:s31], [sflag:$0x5], $0x40, s17, s25, $0xb8;
	[tilespmem:$0x18880] =	vst v63  }
0xa2: {  	_ =	swait.ge [sflag:s21], $0x1400  }
0xa3: {  	[sflag:s21] =	ssyncset.done $0x0  }
0xa4: {  	s17 =	sadd.s32 $0x9E20, s9;
	[sflag:s21] =	ssyncadd.s32 $0xFFFFEC00  }
0xa5: {  	[tilespmem:s31], [sflag:$0x3] =	stream.indirect.gather [hbm4b:s6+s25], $0x40, s17, s25, $0xb8;
	[tilespmem:$0x18880] =	vst v63  }
0xa6: {  	_ =	swait.ge [sflag:s10], $0x1400  }
0xa7: {  	[sflag:s10] =	ssyncset.done $0x0  }
.Ltmp3:
0xa8: {  	s17 =	sadd.s32 $0xEB50, s9;
	[sflag:s10] =	ssyncadd.s32 $0xFFFFEC00;
	(pc) =	sbr.rel @p1 .LBB2_8-.Ltmp3, $4  }
0xa9: {  	[spmem:s1] =	stream.indirect.scatter.add.f32 [tilespmem:s22], [sflag:$0x5], $0x40, s17, s25, $0xb8;
	[tilespmem:$0x18880] =	vst v63  }
0xaa: {  	_ =	swait.ge [sflag:s21], $0x1400  }
0xab: {  	[sflag:s21] =	ssyncset.done $0x0  }
0xac: {  	s9 =	sadd.s32 $0x9E70, s9;
	[sflag:s21] =	ssyncadd.s32 $0xFFFFEC00  }
0xad: {  	[tilespmem:s22], [sflag:$0x4] =	stream.indirect.gather [hbm4b:s6+s25], $0x40, s9, s25, $0xb8;
	[tilespmem:$0x18880] =	vst v63  }
0xae: {  	_ =	swait.ge [sflag:s23], $0x1400  }
0xaf: {  	[sflag:s23] =	ssyncset.done $0x0  }
0xb0: {  	s0 =	simm.s32 $0x136A0;
	[sflag:s23] =	ssyncadd.s32 $0xFFFFEC00  }
0xb1: {  	[spmem:s1] =	stream.indirect.scatter.add.f32 [tilespmem:s26], [sflag:$0x5], $0x40, s0, s25, $0xb8;
	[tilespmem:$0x18880] =	vst v63  }
0xb2: {  	_ =	swait.ge [sflag:s21], $0x1400  }
0xb3: {  	[sflag:s21] =	ssyncset.done $0x0  }
0xb4: {  	[sflag:s21] =	ssyncadd.s32 $0xFFFFEC00  }
0xb5: {  	[tilespmem:s26], [sflag:$0x1] =	stream.indirect.gather [hbm4b:s6+s25], $0x40, s18, s25, $0xb8;
	[tilespmem:$0x18880] =	vst v63  }
0xb6: {  	_ =	swait.ge [sflag:s24], $0x1400  }
0xb7: {  	[sflag:s24] =	ssyncset.done $0x0  }
0xb8: {  	[sflag:s24] =	ssyncadd.s32 $0xFFFFEC00  }
0xb9: {  	[spmem:s1] =	stream.indirect.scatter.add.f32 [tilespmem:s29], [sflag:$0x5], $0x40, s2, s25, $0xb8;
	[tilespmem:$0x18880] =	vst v63  }
0xba: {  	_ =	swait.ge [sflag:s21], $0x1400  }
0xbb: {  	[sflag:s21] =	ssyncset.done $0x0  }
0xbc: {  	[sflag:s21] =	ssyncadd.s32 $0xFFFFEC00  }
0xbd: {  	[tilespmem:s29], [sflag:$0x2] =	stream.indirect.gather [hbm4b:s6+s25], $0x40, s11, s25, $0xb8;
	[tilespmem:$0x18880] =	vst v63  }
0xbe: {  	_ =	swait.ge [sflag:s8], $0x1400  }
0xbf: {  	[sflag:s8] =	ssyncset.done $0x0  }
0xc0: {  	[sflag:s8] =	ssyncadd.s32 $0xFFFFEC00  }
0xc1: {  	[spmem:s1] =	stream.indirect.scatter.add.f32 [tilespmem:s31], [sflag:$0x5], $0x40, s12, s25, $0xb8;
	[tilespmem:$0x18880] =	vst v63  }
0xc2: {  	_ =	swait.ge [sflag:s21], $0x1400  }
0xc3: {  	[sflag:s21] =	ssyncset.done $0x0  }
0xc4: {  	[sflag:s21] =	ssyncadd.s32 $0xFFFFEC00  }
0xc5: {  	_ =	swait.ge [sflag:s10], $0x1400  }
0xc6: {  	[sflag:s10] =	ssyncset.done $0x0  }
0xc7: {  	[sflag:s10] =	ssyncadd.s32 $0xFFFFEC00  }
0xc8: {  	[spmem:s1] =	stream.indirect.scatter.add.f32 [tilespmem:s22], [sflag:$0x5], $0x40, s13, s25, $0xb8;
	[tilespmem:$0x18880] =	vst v63  }
0xc9: {  	_ =	swait.ge [sflag:s21], $0x1400  }
0xca: {  	[sflag:s21] =	ssyncset.done $0x0  }
0xcb: {  	[sflag:s21] =	ssyncadd.s32 $0xFFFFEC00  }
0xcc: {  	_ =	swait.ge [sflag:s23], $0x1400  }
0xcd: {  	[sflag:s23] =	ssyncset.done $0x0  }
0xce: {  	[sflag:s23] =	ssyncadd.s32 $0xFFFFEC00  }
0xcf: {  	[spmem:s1] =	stream.indirect.scatter.add.f32 [tilespmem:s26], [sflag:$0x5], $0x40, s14, s25, $0xb8;
	[tilespmem:$0x18880] =	vst v63  }
0xd0: {  	_ =	swait.ge [sflag:s21], $0x1400  }
0xd1: {  	[sflag:s21] =	ssyncset.done $0x0  }
0xd2: {  	[sflag:s21] =	ssyncadd.s32 $0xFFFFEC00  }
0xd3: {  	_ =	swait.ge [sflag:s24], $0x1400  }
0xd4: {  	[sflag:s24] =	ssyncset.done $0x0  }
0xd5: {  	[sflag:s24] =	ssyncadd.s32 $0xFFFFEC00  }
0xd6: {  	[spmem:s1] =	stream.indirect.scatter.add.f32 [tilespmem:s29], [sflag:$0x5], $0x40, s15, s25, $0xb8;
	[tilespmem:$0x18880] =	vst v63  }
0xd7: {  	_ =	swait.ge [sflag:s21], $0x1400  }
0xd8: {  	[sflag:s21] =	ssyncset.done $0x0  }
0xd9: {  	[sflag:s21] =	ssyncadd.s32 $0xFFFFEC00  }
0xda: {  	[bflag:$0x0] =	sbarrier.arrive $0xFFFF  }
0xdb: {  	s17 =	rddreg [dreg:$0xd]  }
0xdc: {  	[hbm:s17], [sflag:s30] =	dma.local [spmem:s19], $0x1400  }
0xdd: {  	_ =	swait.ge [sflag:s21], $0x1400  }
0xde: {  	[sflag:s21] =	ssyncset.done $0x0  }
0xdf: {  	[sflag:s21] =	ssyncadd.s32 $0xFFFFEC00  }
0xe0: {  	[bflag:$0x0] =	sbarrier.arrive $0xFFFF  }
0xe1: {  	[spmem:s19], [sflag:s30] =	dma.local [hbm:s16], $0x1400  }
0xe2: {  	_ =	swait.ge [sflag:s21], $0x1400  }
0xe3: {  	[sflag:s21] =	ssyncset.done $0x0  }
0xe4: {  	[sflag:s21] =	ssyncadd.s32 $0xFFFFEC00  }
0xe5: {  	[bflag:$0x0] =	sbarrier.arrive $0xFFFF  }
0xe6: {  	[tilespmem:s26], [sflag:$0x1] =	stream.indirect.gather [hbm4b:s7+s25], $0x40, s20, s25, $0xb8;
	[tilespmem:$0x18880] =	vst v63  }
0xe7: {  	s9 =	simm.s32 $0x9C90  }
0xe8: {  	[tilespmem:s29], [sflag:$0x2] =	stream.indirect.gather [hbm4b:s7+s25], $0x40, s9, s25, $0xb8;
	[tilespmem:$0x18880] =	vst v63  }
0xe9: {  	s17 =	simm.s32 $0x9CE0  }
0xea: {  	[tilespmem:s31], [sflag:$0x3] =	stream.indirect.gather [hbm4b:s7+s25], $0x40, s17, s25, $0xb8;
	[tilespmem:$0x18880] =	vst v63  }
0xeb: {  	s9 =	simm.s32 $0x9D30  }
0xec: {  	[tilespmem:s22], [sflag:$0x4] =	stream.indirect.gather [hbm4b:s7+s25], $0x40, s9, s25, $0xb8;
	[tilespmem:$0x18880] =	vst v63  }
0xed: {  	_ =	swait.ge [sflag:s23], $0x1400  }
0xee: {  	[sflag:s23] =	ssyncset.done $0x0  }
0xef: {  	s17 =	simm.s32 $0xEA60;
	[sflag:s23] =	ssyncadd.s32 $0xFFFFEC00  }
0xf0: {  	[spmem:s1] =	stream.indirect.scatter.add.f32 [tilespmem:s26], [sflag:$0x5], $0x40, s17, s25, $0xb8;
	[tilespmem:$0x18880] =	vst v63  }
0xf1: {  	_ =	swait.ge [sflag:s21], $0x1400  }
0xf2: {  	[sflag:s21] =	ssyncset.done $0x0  }
0xf3: {  	s9 =	simm.s32 $0x9D80;
	[sflag:s21] =	ssyncadd.s32 $0xFFFFEC00  }
0xf4: {  	[tilespmem:s26], [sflag:$0x1] =	stream.indirect.gather [hbm4b:s7+s25], $0x40, s9, s25, $0xb8;
	[tilespmem:$0x18880] =	vst v63  }
0xf5: {  	_ =	swait.ge [sflag:s24], $0x1400  }
0xf6: {  	[sflag:s24] =	ssyncset.done $0x0  }
0xf7: {  	s17 =	simm.s32 $0xEAB0;
	[sflag:s24] =	ssyncadd.s32 $0xFFFFEC00  }
0xf8: {  	[spmem:s1] =	stream.indirect.scatter.add.f32 [tilespmem:s29], [sflag:$0x5], $0x40, s17, s25, $0xb8;
	[tilespmem:$0x18880] =	vst v63  }
0xf9: {  	_ =	swait.ge [sflag:s21], $0x1400  }
0xfa: {  	[sflag:s21] =	ssyncset.done $0x0  }
0xfb: {  	s9 =	simm.s32 $0x9DD0;
	[sflag:s21] =	ssyncadd.s32 $0xFFFFEC00  }
0xfc: {  	[tilespmem:s29], [sflag:$0x2] =	stream.indirect.gather [hbm4b:s7+s25], $0x40, s9, s25, $0xb8;
	[tilespmem:$0x18880] =	vst v63  }
0xfd: {  	_ =	swait.ge [sflag:s8], $0x1400  }
0xfe: {  	[sflag:s8] =	ssyncset.done $0x0  }
0xff: {  	s17 =	simm.s32 $0xEB00;
	[sflag:s8] =	ssyncadd.s32 $0xFFFFEC00  }
0x100: {  	[spmem:s1] =	stream.indirect.scatter.add.f32 [tilespmem:s31], [sflag:$0x5], $0x40, s17, s25, $0xb8;
	[tilespmem:$0x18880] =	vst v63  }
0x101: {  	_ =	swait.ge [sflag:s21], $0x1400  }
0x102: {  	[sflag:s21] =	ssyncset.done $0x0  }
0x103: {  	s9 =	simm.s32 $0x9E20;
	[sflag:s21] =	ssyncadd.s32 $0xFFFFEC00  }
0x104: {  	[tilespmem:s31], [sflag:$0x3] =	stream.indirect.gather [hbm4b:s7+s25], $0x40, s9, s25, $0xb8;
	[tilespmem:$0x18880] =	vst v63  }
0x105: {  	_ =	swait.ge [sflag:s10], $0x1400  }
0x106: {  	[sflag:s10] =	ssyncset.done $0x0  }
0x107: {  	s17 =	simm.s32 $0xEB50;
	[sflag:s10] =	ssyncadd.s32 $0xFFFFEC00  }
0x108: {  	[spmem:s1] =	stream.indirect.scatter.add.f32 [tilespmem:s22], [sflag:$0x5], $0x40, s17, s25, $0xb8;
	[tilespmem:$0x18880] =	vst v63  }
0x109: {  	_ =	swait.ge [sflag:s21], $0x1400  }
0x10a: {  	[sflag:s21] =	ssyncset.done $0x0  }
0x10b: {  	s0 =	simm.s32 $0x500;
	s9 =	simm.s32 $0x9E70;
	[sflag:s21] =	ssyncadd.s32 $0xFFFFEC00  }
.LBB2_10:
0x10c: {  	[tilespmem:s22], [sflag:$0x4] =	stream.indirect.gather [hbm4b:s7+s25], $0x40, s9, s25, $0xb8;
	[tilespmem:$0x18880] =	vst v63  }
0x10d: {  	s9 =	smov.u32 s0  }
0x10e: {  	p1 =	sne.s32 s0, $0x12C00;
	s0 =	sadd.s32 $0x500, s0;
	_ =	swait.ge [sflag:s23], $0x1400  }
0x10f: {  	s9 =	sshra.s32 s9, $0x2;
	[sflag:s23] =	ssyncset.done $0x0  }
0x110: {  	s17 =	sadd.s32 $0xEA60, s9;
	[sflag:s23] =	ssyncadd.s32 $0xFFFFEC00  }
0x111: {  	[spmem:s1] =	stream.indirect.scatter.add.f32 [tilespmem:s26], [sflag:$0x5], $0x40, s17, s25, $0xb8;
	[tilespmem:$0x18880] =	vst v63  }
0x112: {  	_ =	swait.ge [sflag:s21], $0x1400  }
0x113: {  	[sflag:s21] =	ssyncset.done $0x0  }
0x114: {  	s17 =	sadd.s32 $0x9D80, s9;
	[sflag:s21] =	ssyncadd.s32 $0xFFFFEC00  }
0x115: {  	[tilespmem:s26], [sflag:$0x1] =	stream.indirect.gather [hbm4b:s7+s25], $0x40, s17, s25, $0xb8;
	[tilespmem:$0x18880] =	vst v63  }
0x116: {  	_ =	swait.ge [sflag:s24], $0x1400  }
0x117: {  	[sflag:s24] =	ssyncset.done $0x0  }
0x118: {  	s17 =	sadd.s32 $0xEAB0, s9;
	[sflag:s24] =	ssyncadd.s32 $0xFFFFEC00  }
0x119: {  	[spmem:s1] =	stream.indirect.scatter.add.f32 [tilespmem:s29], [sflag:$0x5], $0x40, s17, s25, $0xb8;
	[tilespmem:$0x18880] =	vst v63  }
0x11a: {  	_ =	swait.ge [sflag:s21], $0x1400  }
0x11b: {  	[sflag:s21] =	ssyncset.done $0x0  }
0x11c: {  	s17 =	sadd.s32 $0x9DD0, s9;
	[sflag:s21] =	ssyncadd.s32 $0xFFFFEC00  }
0x11d: {  	[tilespmem:s29], [sflag:$0x2] =	stream.indirect.gather [hbm4b:s7+s25], $0x40, s17, s25, $0xb8;
	[tilespmem:$0x18880] =	vst v63  }
0x11e: {  	_ =	swait.ge [sflag:s8], $0x1400  }
0x11f: {  	[sflag:s8] =	ssyncset.done $0x0  }
0x120: {  	s17 =	sadd.s32 $0xEB00, s9;
	[sflag:s8] =	ssyncadd.s32 $0xFFFFEC00  }
0x121: {  	[spmem:s1] =	stream.indirect.scatter.add.f32 [tilespmem:s31], [sflag:$0x5], $0x40, s17, s25, $0xb8;
	[tilespmem:$0x18880] =	vst v63  }
0x122: {  	_ =	swait.ge [sflag:s21], $0x1400  }
0x123: {  	[sflag:s21] =	ssyncset.done $0x0  }
0x124: {  	s17 =	sadd.s32 $0x9E20, s9;
	[sflag:s21] =	ssyncadd.s32 $0xFFFFEC00  }
0x125: {  	[tilespmem:s31], [sflag:$0x3] =	stream.indirect.gather [hbm4b:s7+s25], $0x40, s17, s25, $0xb8;
	[tilespmem:$0x18880] =	vst v63  }
0x126: {  	_ =	swait.ge [sflag:s10], $0x1400  }
0x127: {  	[sflag:s10] =	ssyncset.done $0x0  }
.Ltmp4:
0x128: {  	s17 =	sadd.s32 $0xEB50, s9;
	[sflag:s10] =	ssyncadd.s32 $0xFFFFEC00;
	(pc) =	sbr.rel @p1 .LBB2_10-.Ltmp4, $4  }
0x129: {  	[spmem:s1] =	stream.indirect.scatter.add.f32 [tilespmem:s22], [sflag:$0x5], $0x40, s17, s25, $0xb8;
	[tilespmem:$0x18880] =	vst v63  }
0x12a: {  	_ =	swait.ge [sflag:s21], $0x1400  }
0x12b: {  	[sflag:s21] =	ssyncset.done $0x0  }
0x12c: {  	s9 =	sadd.s32 $0x9E70, s9;
	[sflag:s21] =	ssyncadd.s32 $0xFFFFEC00  }
.Ltmp5:
0x12d: {  	_ = 	snop;
	(pc) =	sbr.rel .LBB2_11-.Ltmp5, $1  }
0x12e: {  	_ =	sdelay $0x3  }
.LBB2_2:
0x12f: {  	[tilespmem:s26], [sflag:$0x1] =	stream.indirect.gather [hbm4b:s4+s25], $0x40, s20, s25, $0xb8;
	[tilespmem:$0x18880] =	vst v63  }
0x130: {  	s0 =	simm.s32 $0x9C90  }
0x131: {  	[tilespmem:s29], [sflag:$0x2] =	stream.indirect.gather [hbm4b:s4+s25], $0x40, s0, s25, $0xb8;
	[tilespmem:$0x18880] =	vst v63  }
0x132: {  	s17 =	simm.s32 $0x9CE0  }
0x133: {  	[tilespmem:s31], [sflag:$0x3] =	stream.indirect.gather [hbm4b:s4+s25], $0x40, s17, s25, $0xb8;
	[tilespmem:$0x18880] =	vst v63  }
0x134: {  	s9 =	simm.s32 $0x9D30  }
0x135: {  	[tilespmem:s22], [sflag:$0x4] =	stream.indirect.gather [hbm4b:s4+s25], $0x40, s9, s25, $0xb8;
	[tilespmem:$0x18880] =	vst v63  }
0x136: {  	_ =	swait.ge [sflag:s23], $0x1400  }
0x137: {  	[sflag:s23] =	ssyncset.done $0x0  }
0x138: {  	s17 =	simm.s32 $0xEA60;
	[sflag:s23] =	ssyncadd.s32 $0xFFFFEC00  }
0x139: {  	[spmem:s1] =	stream.indirect.scatter.add.f32 [tilespmem:s26], [sflag:$0x5], $0x40, s17, s25, $0xb8;
	[tilespmem:$0x18880] =	vst v63  }
0x13a: {  	_ =	swait.ge [sflag:s21], $0x1400  }
0x13b: {  	[sflag:s21] =	ssyncset.done $0x0  }
0x13c: {  	s9 =	simm.s32 $0x9D80;
	[sflag:s21] =	ssyncadd.s32 $0xFFFFEC00  }
0x13d: {  	[tilespmem:s26], [sflag:$0x1] =	stream.indirect.gather [hbm4b:s4+s25], $0x40, s9, s25, $0xb8;
	[tilespmem:$0x18880] =	vst v63  }
0x13e: {  	_ =	swait.ge [sflag:s24], $0x1400  }
0x13f: {  	[sflag:s24] =	ssyncset.done $0x0  }
0x140: {  	s17 =	simm.s32 $0xEAB0;
	[sflag:s24] =	ssyncadd.s32 $0xFFFFEC00  }
0x141: {  	[spmem:s1] =	stream.indirect.scatter.add.f32 [tilespmem:s29], [sflag:$0x5], $0x40, s17, s25, $0xb8;
	[tilespmem:$0x18880] =	vst v63  }
0x142: {  	_ =	swait.ge [sflag:s21], $0x1400  }
0x143: {  	[sflag:s21] =	ssyncset.done $0x0  }
0x144: {  	s9 =	simm.s32 $0x9DD0;
	[sflag:s21] =	ssyncadd.s32 $0xFFFFEC00  }
0x145: {  	[tilespmem:s29], [sflag:$0x2] =	stream.indirect.gather [hbm4b:s4+s25], $0x40, s9, s25, $0xb8;
	[tilespmem:$0x18880] =	vst v63  }
0x146: {  	_ =	swait.ge [sflag:s8], $0x1400  }
0x147: {  	[sflag:s8] =	ssyncset.done $0x0  }
0x148: {  	s17 =	simm.s32 $0xEB00;
	[sflag:s8] =	ssyncadd.s32 $0xFFFFEC00  }
0x149: {  	[spmem:s1] =	stream.indirect.scatter.add.f32 [tilespmem:s31], [sflag:$0x5], $0x40, s17, s25, $0xb8;
	[tilespmem:$0x18880] =	vst v63  }
0x14a: {  	_ =	swait.ge [sflag:s21], $0x1400  }
0x14b: {  	[sflag:s21] =	ssyncset.done $0x0  }
0x14c: {  	s9 =	simm.s32 $0x9E20;
	[sflag:s21] =	ssyncadd.s32 $0xFFFFEC00  }
0x14d: {  	[tilespmem:s31], [sflag:$0x3] =	stream.indirect.gather [hbm4b:s4+s25], $0x40, s9, s25, $0xb8;
	[tilespmem:$0x18880] =	vst v63  }
0x14e: {  	_ =	swait.ge [sflag:s10], $0x1400  }
0x14f: {  	[sflag:s10] =	ssyncset.done $0x0  }
0x150: {  	s17 =	simm.s32 $0xEB50;
	[sflag:s10] =	ssyncadd.s32 $0xFFFFEC00  }
0x151: {  	[spmem:s1] =	stream.indirect.scatter.add.f32 [tilespmem:s22], [sflag:$0x5], $0x40, s17, s25, $0xb8;
	[tilespmem:$0x18880] =	vst v63  }
0x152: {  	_ =	swait.ge [sflag:s21], $0x1400  }
0x153: {  	[sflag:s21] =	ssyncset.done $0x0  }
0x154: {  	s0 =	simm.s32 $0x500;
	s9 =	simm.s32 $0x9E70;
	[sflag:s21] =	ssyncadd.s32 $0xFFFFEC00  }
.LBB2_3:
0x155: {  	[tilespmem:s22], [sflag:$0x4] =	stream.indirect.gather [hbm4b:s4+s25], $0x40, s9, s25, $0xb8;
	[tilespmem:$0x18880] =	vst v63  }
0x156: {  	s9 =	smov.u32 s0  }
0x157: {  	p1 =	sne.s32 s0, $0x12C00;
	s0 =	sadd.s32 $0x500, s0;
	_ =	swait.ge [sflag:s23], $0x1400  }
0x158: {  	s9 =	sshra.s32 s9, $0x2;
	[sflag:s23] =	ssyncset.done $0x0  }
0x159: {  	s17 =	sadd.s32 $0xEA60, s9;
	[sflag:s23] =	ssyncadd.s32 $0xFFFFEC00  }
0x15a: {  	[spmem:s1] =	stream.indirect.scatter.add.f32 [tilespmem:s26], [sflag:$0x5], $0x40, s17, s25, $0xb8;
	[tilespmem:$0x18880] =	vst v63  }
0x15b: {  	_ =	swait.ge [sflag:s21], $0x1400  }
0x15c: {  	[sflag:s21] =	ssyncset.done $0x0  }
0x15d: {  	s17 =	sadd.s32 $0x9D80, s9;
	[sflag:s21] =	ssyncadd.s32 $0xFFFFEC00  }
0x15e: {  	[tilespmem:s26], [sflag:$0x1] =	stream.indirect.gather [hbm4b:s4+s25], $0x40, s17, s25, $0xb8;
	[tilespmem:$0x18880] =	vst v63  }
0x15f: {  	_ =	swait.ge [sflag:s24], $0x1400  }
0x160: {  	[sflag:s24] =	ssyncset.done $0x0  }
0x161: {  	s17 =	sadd.s32 $0xEAB0, s9;
	[sflag:s24] =	ssyncadd.s32 $0xFFFFEC00  }
0x162: {  	[spmem:s1] =	stream.indirect.scatter.add.f32 [tilespmem:s29], [sflag:$0x5], $0x40, s17, s25, $0xb8;
	[tilespmem:$0x18880] =	vst v63  }
0x163: {  	_ =	swait.ge [sflag:s21], $0x1400  }
0x164: {  	[sflag:s21] =	ssyncset.done $0x0  }
0x165: {  	s17 =	sadd.s32 $0x9DD0, s9;
	[sflag:s21] =	ssyncadd.s32 $0xFFFFEC00  }
0x166: {  	[tilespmem:s29], [sflag:$0x2] =	stream.indirect.gather [hbm4b:s4+s25], $0x40, s17, s25, $0xb8;
	[tilespmem:$0x18880] =	vst v63  }
0x167: {  	_ =	swait.ge [sflag:s8], $0x1400  }
0x168: {  	[sflag:s8] =	ssyncset.done $0x0  }
0x169: {  	s17 =	sadd.s32 $0xEB00, s9;
	[sflag:s8] =	ssyncadd.s32 $0xFFFFEC00  }
0x16a: {  	[spmem:s1] =	stream.indirect.scatter.add.f32 [tilespmem:s31], [sflag:$0x5], $0x40, s17, s25, $0xb8;
	[tilespmem:$0x18880] =	vst v63  }
0x16b: {  	_ =	swait.ge [sflag:s21], $0x1400  }
0x16c: {  	[sflag:s21] =	ssyncset.done $0x0  }
0x16d: {  	s17 =	sadd.s32 $0x9E20, s9;
	[sflag:s21] =	ssyncadd.s32 $0xFFFFEC00  }
0x16e: {  	[tilespmem:s31], [sflag:$0x3] =	stream.indirect.gather [hbm4b:s4+s25], $0x40, s17, s25, $0xb8;
	[tilespmem:$0x18880] =	vst v63  }
0x16f: {  	_ =	swait.ge [sflag:s10], $0x1400  }
0x170: {  	[sflag:s10] =	ssyncset.done $0x0  }
.Ltmp6:
0x171: {  	s17 =	sadd.s32 $0xEB50, s9;
	[sflag:s10] =	ssyncadd.s32 $0xFFFFEC00;
	(pc) =	sbr.rel @p1 .LBB2_3-.Ltmp6, $4  }
0x172: {  	[spmem:s1] =	stream.indirect.scatter.add.f32 [tilespmem:s22], [sflag:$0x5], $0x40, s17, s25, $0xb8;
	[tilespmem:$0x18880] =	vst v63  }
0x173: {  	_ =	swait.ge [sflag:s21], $0x1400  }
0x174: {  	[sflag:s21] =	ssyncset.done $0x0  }
0x175: {  	s9 =	sadd.s32 $0x9E70, s9;
	[sflag:s21] =	ssyncadd.s32 $0xFFFFEC00  }
0x176: {  	[tilespmem:s22], [sflag:$0x4] =	stream.indirect.gather [hbm4b:s4+s25], $0x40, s9, s25, $0xb8;
	[tilespmem:$0x18880] =	vst v63  }
0x177: {  	_ =	swait.ge [sflag:s23], $0x1400  }
0x178: {  	[sflag:s23] =	ssyncset.done $0x0  }
0x179: {  	s0 =	simm.s32 $0x136A0;
	[sflag:s23] =	ssyncadd.s32 $0xFFFFEC00  }
0x17a: {  	[spmem:s1] =	stream.indirect.scatter.add.f32 [tilespmem:s26], [sflag:$0x5], $0x40, s0, s25, $0xb8;
	[tilespmem:$0x18880] =	vst v63  }
0x17b: {  	_ =	swait.ge [sflag:s21], $0x1400  }
0x17c: {  	[sflag:s21] =	ssyncset.done $0x0  }
0x17d: {  	[sflag:s21] =	ssyncadd.s32 $0xFFFFEC00  }
0x17e: {  	[tilespmem:s26], [sflag:$0x1] =	stream.indirect.gather [hbm4b:s4+s25], $0x40, s18, s25, $0xb8;
	[tilespmem:$0x18880] =	vst v63  }
0x17f: {  	_ =	swait.ge [sflag:s24], $0x1400  }
0x180: {  	[sflag:s24] =	ssyncset.done $0x0  }
0x181: {  	[sflag:s24] =	ssyncadd.s32 $0xFFFFEC00  }
0x182: {  	[spmem:s1] =	stream.indirect.scatter.add.f32 [tilespmem:s29], [sflag:$0x5], $0x40, s2, s25, $0xb8;
	[tilespmem:$0x18880] =	vst v63  }
0x183: {  	_ =	swait.ge [sflag:s21], $0x1400  }
0x184: {  	[sflag:s21] =	ssyncset.done $0x0  }
0x185: {  	[sflag:s21] =	ssyncadd.s32 $0xFFFFEC00  }
0x186: {  	[tilespmem:s29], [sflag:$0x2] =	stream.indirect.gather [hbm4b:s4+s25], $0x40, s11, s25, $0xb8;
	[tilespmem:$0x18880] =	vst v63  }
0x187: {  	_ =	swait.ge [sflag:s8], $0x1400  }
0x188: {  	[sflag:s8] =	ssyncset.done $0x0  }
0x189: {  	[sflag:s8] =	ssyncadd.s32 $0xFFFFEC00  }
0x18a: {  	[spmem:s1] =	stream.indirect.scatter.add.f32 [tilespmem:s31], [sflag:$0x5], $0x40, s12, s25, $0xb8;
	[tilespmem:$0x18880] =	vst v63  }
0x18b: {  	_ =	swait.ge [sflag:s21], $0x1400  }
0x18c: {  	[sflag:s21] =	ssyncset.done $0x0  }
0x18d: {  	[sflag:s21] =	ssyncadd.s32 $0xFFFFEC00  }
0x18e: {  	_ =	swait.ge [sflag:s10], $0x1400  }
0x18f: {  	[sflag:s10] =	ssyncset.done $0x0  }
0x190: {  	[sflag:s10] =	ssyncadd.s32 $0xFFFFEC00  }
0x191: {  	[spmem:s1] =	stream.indirect.scatter.add.f32 [tilespmem:s22], [sflag:$0x5], $0x40, s13, s25, $0xb8;
	[tilespmem:$0x18880] =	vst v63  }
0x192: {  	_ =	swait.ge [sflag:s21], $0x1400  }
0x193: {  	[sflag:s21] =	ssyncset.done $0x0  }
0x194: {  	[sflag:s21] =	ssyncadd.s32 $0xFFFFEC00  }
0x195: {  	_ =	swait.ge [sflag:s23], $0x1400  }
0x196: {  	[sflag:s23] =	ssyncset.done $0x0  }
0x197: {  	[sflag:s23] =	ssyncadd.s32 $0xFFFFEC00  }
0x198: {  	[spmem:s1] =	stream.indirect.scatter.add.f32 [tilespmem:s26], [sflag:$0x5], $0x40, s14, s25, $0xb8;
	[tilespmem:$0x18880] =	vst v63  }
0x199: {  	_ =	swait.ge [sflag:s21], $0x1400  }
0x19a: {  	[sflag:s21] =	ssyncset.done $0x0  }
0x19b: {  	[sflag:s21] =	ssyncadd.s32 $0xFFFFEC00  }
0x19c: {  	_ =	swait.ge [sflag:s24], $0x1400  }
0x19d: {  	[sflag:s24] =	ssyncset.done $0x0  }
0x19e: {  	[sflag:s24] =	ssyncadd.s32 $0xFFFFEC00  }
0x19f: {  	[spmem:s1] =	stream.indirect.scatter.add.f32 [tilespmem:s29], [sflag:$0x5], $0x40, s15, s25, $0xb8;
	[tilespmem:$0x18880] =	vst v63  }
0x1a0: {  	_ =	swait.ge [sflag:s21], $0x1400  }
0x1a1: {  	[sflag:s21] =	ssyncset.done $0x0  }
0x1a2: {  	[sflag:s21] =	ssyncadd.s32 $0xFFFFEC00  }
0x1a3: {  	[bflag:$0x0] =	sbarrier.arrive $0xFFFF  }
0x1a4: {  	s17 =	rddreg [dreg:$0xc]  }
0x1a5: {  	[hbm:s17], [sflag:s30] =	dma.local [spmem:s19], $0x1400  }
0x1a6: {  	_ =	swait.ge [sflag:s21], $0x1400  }
0x1a7: {  	[sflag:s21] =	ssyncset.done $0x0  }
0x1a8: {  	[sflag:s21] =	ssyncadd.s32 $0xFFFFEC00  }
0x1a9: {  	[bflag:$0x0] =	sbarrier.arrive $0xFFFF  }
0x1aa: {  	[spmem:s19], [sflag:s30] =	dma.local [hbm:s16], $0x1400  }
0x1ab: {  	_ =	swait.ge [sflag:s21], $0x1400  }
0x1ac: {  	[sflag:s21] =	ssyncset.done $0x0  }
0x1ad: {  	[sflag:s21] =	ssyncadd.s32 $0xFFFFEC00  }
0x1ae: {  	[bflag:$0x0] =	sbarrier.arrive $0xFFFF  }
0x1af: {  	[tilespmem:s26], [sflag:$0x1] =	stream.indirect.gather [hbm4b:s5+s25], $0x40, s20, s25, $0xb8;
	[tilespmem:$0x18880] =	vst v63  }
0x1b0: {  	s9 =	simm.s32 $0x9C90  }
0x1b1: {  	[tilespmem:s29], [sflag:$0x2] =	stream.indirect.gather [hbm4b:s5+s25], $0x40, s9, s25, $0xb8;
	[tilespmem:$0x18880] =	vst v63  }
0x1b2: {  	s17 =	simm.s32 $0x9CE0  }
0x1b3: {  	[tilespmem:s31], [sflag:$0x3] =	stream.indirect.gather [hbm4b:s5+s25], $0x40, s17, s25, $0xb8;
	[tilespmem:$0x18880] =	vst v63  }
0x1b4: {  	s9 =	simm.s32 $0x9D30  }
0x1b5: {  	[tilespmem:s22], [sflag:$0x4] =	stream.indirect.gather [hbm4b:s5+s25], $0x40, s9, s25, $0xb8;
	[tilespmem:$0x18880] =	vst v63  }
0x1b6: {  	_ =	swait.ge [sflag:s23], $0x1400  }
0x1b7: {  	[sflag:s23] =	ssyncset.done $0x0  }
0x1b8: {  	s17 =	simm.s32 $0xEA60;
	[sflag:s23] =	ssyncadd.s32 $0xFFFFEC00  }
0x1b9: {  	[spmem:s1] =	stream.indirect.scatter.add.f32 [tilespmem:s26], [sflag:$0x5], $0x40, s17, s25, $0xb8;
	[tilespmem:$0x18880] =	vst v63  }
0x1ba: {  	_ =	swait.ge [sflag:s21], $0x1400  }
0x1bb: {  	[sflag:s21] =	ssyncset.done $0x0  }
0x1bc: {  	s9 =	simm.s32 $0x9D80;
	[sflag:s21] =	ssyncadd.s32 $0xFFFFEC00  }
0x1bd: {  	[tilespmem:s26], [sflag:$0x1] =	stream.indirect.gather [hbm4b:s5+s25], $0x40, s9, s25, $0xb8;
	[tilespmem:$0x18880] =	vst v63  }
0x1be: {  	_ =	swait.ge [sflag:s24], $0x1400  }
0x1bf: {  	[sflag:s24] =	ssyncset.done $0x0  }
0x1c0: {  	s17 =	simm.s32 $0xEAB0;
	[sflag:s24] =	ssyncadd.s32 $0xFFFFEC00  }
0x1c1: {  	[spmem:s1] =	stream.indirect.scatter.add.f32 [tilespmem:s29], [sflag:$0x5], $0x40, s17, s25, $0xb8;
	[tilespmem:$0x18880] =	vst v63  }
0x1c2: {  	_ =	swait.ge [sflag:s21], $0x1400  }
0x1c3: {  	[sflag:s21] =	ssyncset.done $0x0  }
0x1c4: {  	s9 =	simm.s32 $0x9DD0;
	[sflag:s21] =	ssyncadd.s32 $0xFFFFEC00  }
0x1c5: {  	[tilespmem:s29], [sflag:$0x2] =	stream.indirect.gather [hbm4b:s5+s25], $0x40, s9, s25, $0xb8;
	[tilespmem:$0x18880] =	vst v63  }
0x1c6: {  	_ =	swait.ge [sflag:s8], $0x1400  }
0x1c7: {  	[sflag:s8] =	ssyncset.done $0x0  }
0x1c8: {  	s17 =	simm.s32 $0xEB00;
	[sflag:s8] =	ssyncadd.s32 $0xFFFFEC00  }
0x1c9: {  	[spmem:s1] =	stream.indirect.scatter.add.f32 [tilespmem:s31], [sflag:$0x5], $0x40, s17, s25, $0xb8;
	[tilespmem:$0x18880] =	vst v63  }
0x1ca: {  	_ =	swait.ge [sflag:s21], $0x1400  }
0x1cb: {  	[sflag:s21] =	ssyncset.done $0x0  }
0x1cc: {  	s9 =	simm.s32 $0x9E20;
	[sflag:s21] =	ssyncadd.s32 $0xFFFFEC00  }
0x1cd: {  	[tilespmem:s31], [sflag:$0x3] =	stream.indirect.gather [hbm4b:s5+s25], $0x40, s9, s25, $0xb8;
	[tilespmem:$0x18880] =	vst v63  }
0x1ce: {  	_ =	swait.ge [sflag:s10], $0x1400  }
0x1cf: {  	[sflag:s10] =	ssyncset.done $0x0  }
0x1d0: {  	s17 =	simm.s32 $0xEB50;
	[sflag:s10] =	ssyncadd.s32 $0xFFFFEC00  }
0x1d1: {  	[spmem:s1] =	stream.indirect.scatter.add.f32 [tilespmem:s22], [sflag:$0x5], $0x40, s17, s25, $0xb8;
	[tilespmem:$0x18880] =	vst v63  }
0x1d2: {  	_ =	swait.ge [sflag:s21], $0x1400  }
0x1d3: {  	[sflag:s21] =	ssyncset.done $0x0  }
0x1d4: {  	s0 =	simm.s32 $0x500;
	s9 =	simm.s32 $0x9E70;
	[sflag:s21] =	ssyncadd.s32 $0xFFFFEC00  }
.LBB2_5:
0x1d5: {  	[tilespmem:s22], [sflag:$0x4] =	stream.indirect.gather [hbm4b:s5+s25], $0x40, s9, s25, $0xb8;
	[tilespmem:$0x18880] =	vst v63  }
0x1d6: {  	s9 =	smov.u32 s0  }
0x1d7: {  	p1 =	sne.s32 s0, $0x12C00;
	s0 =	sadd.s32 $0x500, s0;
	_ =	swait.ge [sflag:s23], $0x1400  }
0x1d8: {  	s9 =	sshra.s32 s9, $0x2;
	[sflag:s23] =	ssyncset.done $0x0  }
0x1d9: {  	s17 =	sadd.s32 $0xEA60, s9;
	[sflag:s23] =	ssyncadd.s32 $0xFFFFEC00  }
0x1da: {  	[spmem:s1] =	stream.indirect.scatter.add.f32 [tilespmem:s26], [sflag:$0x5], $0x40, s17, s25, $0xb8;
	[tilespmem:$0x18880] =	vst v63  }
0x1db: {  	_ =	swait.ge [sflag:s21], $0x1400  }
0x1dc: {  	[sflag:s21] =	ssyncset.done $0x0  }
0x1dd: {  	s17 =	sadd.s32 $0x9D80, s9;
	[sflag:s21] =	ssyncadd.s32 $0xFFFFEC00  }
0x1de: {  	[tilespmem:s26], [sflag:$0x1] =	stream.indirect.gather [hbm4b:s5+s25], $0x40, s17, s25, $0xb8;
	[tilespmem:$0x18880] =	vst v63  }
0x1df: {  	_ =	swait.ge [sflag:s24], $0x1400  }
0x1e0: {  	[sflag:s24] =	ssyncset.done $0x0  }
0x1e1: {  	s17 =	sadd.s32 $0xEAB0, s9;
	[sflag:s24] =	ssyncadd.s32 $0xFFFFEC00  }
0x1e2: {  	[spmem:s1] =	stream.indirect.scatter.add.f32 [tilespmem:s29], [sflag:$0x5], $0x40, s17, s25, $0xb8;
	[tilespmem:$0x18880] =	vst v63  }
0x1e3: {  	_ =	swait.ge [sflag:s21], $0x1400  }
0x1e4: {  	[sflag:s21] =	ssyncset.done $0x0  }
0x1e5: {  	s17 =	sadd.s32 $0x9DD0, s9;
	[sflag:s21] =	ssyncadd.s32 $0xFFFFEC00  }
0x1e6: {  	[tilespmem:s29], [sflag:$0x2] =	stream.indirect.gather [hbm4b:s5+s25], $0x40, s17, s25, $0xb8;
	[tilespmem:$0x18880] =	vst v63  }
0x1e7: {  	_ =	swait.ge [sflag:s8], $0x1400  }
0x1e8: {  	[sflag:s8] =	ssyncset.done $0x0  }
0x1e9: {  	s17 =	sadd.s32 $0xEB00, s9;
	[sflag:s8] =	ssyncadd.s32 $0xFFFFEC00  }
0x1ea: {  	[spmem:s1] =	stream.indirect.scatter.add.f32 [tilespmem:s31], [sflag:$0x5], $0x40, s17, s25, $0xb8;
	[tilespmem:$0x18880] =	vst v63  }
0x1eb: {  	_ =	swait.ge [sflag:s21], $0x1400  }
0x1ec: {  	[sflag:s21] =	ssyncset.done $0x0  }
0x1ed: {  	s17 =	sadd.s32 $0x9E20, s9;
	[sflag:s21] =	ssyncadd.s32 $0xFFFFEC00  }
0x1ee: {  	[tilespmem:s31], [sflag:$0x3] =	stream.indirect.gather [hbm4b:s5+s25], $0x40, s17, s25, $0xb8;
	[tilespmem:$0x18880] =	vst v63  }
0x1ef: {  	_ =	swait.ge [sflag:s10], $0x1400  }
0x1f0: {  	[sflag:s10] =	ssyncset.done $0x0  }
.Ltmp7:
0x1f1: {  	s17 =	sadd.s32 $0xEB50, s9;
	[sflag:s10] =	ssyncadd.s32 $0xFFFFEC00;
	(pc) =	sbr.rel @p1 .LBB2_5-.Ltmp7, $4  }
0x1f2: {  	[spmem:s1] =	stream.indirect.scatter.add.f32 [tilespmem:s22], [sflag:$0x5], $0x40, s17, s25, $0xb8;
	[tilespmem:$0x18880] =	vst v63  }
0x1f3: {  	_ =	swait.ge [sflag:s21], $0x1400  }
0x1f4: {  	[sflag:s21] =	ssyncset.done $0x0  }
0x1f5: {  	s9 =	sadd.s32 $0x9E70, s9;
	[sflag:s21] =	ssyncadd.s32 $0xFFFFEC00  }
0x1f6: {  	[tilespmem:s22], [sflag:$0x4] =	stream.indirect.gather [hbm4b:s5+s25], $0x40, s9, s25, $0xb8;
	[tilespmem:$0x18880] =	vst v63  }
0x1f7: {  	_ =	swait.ge [sflag:s23], $0x1400  }
0x1f8: {  	[sflag:s23] =	ssyncset.done $0x0  }
0x1f9: {  	s0 =	simm.s32 $0x136A0;
	[sflag:s23] =	ssyncadd.s32 $0xFFFFEC00  }
0x1fa: {  	[spmem:s1] =	stream.indirect.scatter.add.f32 [tilespmem:s26], [sflag:$0x5], $0x40, s0, s25, $0xb8;
	[tilespmem:$0x18880] =	vst v63  }
0x1fb: {  	_ =	swait.ge [sflag:s21], $0x1400  }
0x1fc: {  	[sflag:s21] =	ssyncset.done $0x0  }
0x1fd: {  	[sflag:s21] =	ssyncadd.s32 $0xFFFFEC00  }
0x1fe: {  	[tilespmem:s26], [sflag:$0x1] =	stream.indirect.gather [hbm4b:s5+s25], $0x40, s18, s25, $0xb8;
	[tilespmem:$0x18880] =	vst v63  }
0x1ff: {  	_ =	swait.ge [sflag:s24], $0x1400  }
0x200: {  	[sflag:s24] =	ssyncset.done $0x0  }
0x201: {  	[sflag:s24] =	ssyncadd.s32 $0xFFFFEC00  }
0x202: {  	[spmem:s1] =	stream.indirect.scatter.add.f32 [tilespmem:s29], [sflag:$0x5], $0x40, s2, s25, $0xb8;
	[tilespmem:$0x18880] =	vst v63  }
.Ltmp8:
0x203: {  	_ = 	snop;
	(pc) =	sbr.rel .LBB2_12-.Ltmp8, $4  }
0x204: {  	_ =	swait.ge [sflag:s21], $0x1400  }
0x205: {  	[sflag:s21] =	ssyncset.done $0x0  }
0x206: {  	s0 =	rddreg [dreg:$0x4];
	[sflag:s21] =	ssyncadd.s32 $0xFFFFEC00  }
0x207: {  	[tilespmem:s29], [sflag:$0x2] =	stream.indirect.gather [hbm4b:s5+s25], $0x40, s11, s25, $0xb8;
	[tilespmem:$0x18880] =	vst v63  }
.LBB2_13:
0x208: {  	_ =	sfence.sel $0x180000  }
0x209: {  	[bflag:$0x0] =	sbarrier.arrive $0xFFFF  }
0x20a: {  	_ =	strace $0x9000004A  }
0x20b: {  	s0 =	stileid.u32;
	[bflag:$0x2] =	sbarrier.arrive $0xFFFF  }
0x20c: {  	p0 =	sne.s32 s0, $0x0;
	s0 =	rddreg [dreg:$0x3]  }
0x20d: {  	s0 =	sadd.s32 @!p0 $0x100000, s0  }
0x20e: {  	[sflag:s0] =	ssyncadd.tile.s32 @!p0 $0x1;
	_ =	shalt  }
.Lfunc_end2:
_tile_overlayer_lowered:
.L_overlay_start_2:
0x20f: {  	(tag) =	ssettag $0x2  }
0x210: {  	s0 =	rddreg [dreg:$0x0];
	s2 =	stileid.u32  }
0x211: {  	s1 =	rddreg [dreg:$0x1];
	p0 =	sne.s32 s2, $0x0  }
0x212: {  	s3 =	rddreg [dreg:$0x2];
	[bflag:$0x3] =	sbarrier.arrive $0xFFFF;
	s2 =	simm.s32 @!p0 $0x1C05  }
0x213: {  	[timem:s3], [sflag:s2] =	dma.local @!p0 [hbm:s0], s1  }
0x214: {  	s0 =	simm.s32 @!p0 $0x5  }
0x215: {  	_ =	swait.ge @!p0 [sflag:s0], s1  }
0x216: {  	s1 =	ssub.s32 @!p0 $0x0, s1;
	[sflag:s0] =	ssyncset.done @!p0 $0x0  }
0x217: {  	[sflag:s0] =	ssyncadd.s32 @!p0 s1  }
0x218: {  	[bflag:$0x3] =	sbarrier.arrive $0xFFFF  }
0x219: {  	_ =	shalt  }

// kernel: kernel.15.cloned.1.call-start
scs
__scs_entry_jumppad:
0x0: {  	(pc) =	sbr.rel $0x88, $3  }
0x1: {  	(tag) =	ssettag $0x0;
	lr =	simm.s32 $0x1  }
0x2: {  	[smem:$0x3F99] =	sst lr;
	_ =	strace $0xD0000000  }
0x3: {  	_ = 	snop  }
0x4: {  	_ = 	snop  }
0x5: {  	_ = 	snop  }
0x6: {  	_ = 	snop  }
0x7: {  	_ = 	snop  }
__scs_overlays_trampoline_lowered:
0x8: {  	[smem:$0x3FA8] =	sst s0  }
0x9: {  	[smem:$0x3FA9] =	sst s1  }
0xa: {  	[smem:$0x3FAA] =	sst s2  }
0xb: {  	[smem:$0x3FAB] =	sst s3  }
0xc: {  	[smem:$0x3FAC] =	sst s4  }
0xd: {  	[smem:$0x3FAD] =	sst s5  }
0xe: {  	[smem:$0x3FAE] =	sst s6  }
0xf: {  	[smem:$0x3FAF] =	sst s7  }
0x10: {  	[smem:$0x3FB0] =	sst s8  }
0x11: {  	[smem:$0x3FB1] =	sst s9;
	s0 =	simm.s32 @!p0 $0x0  }
0x12: {  	s1 =	sld [smem:$0x3F97];
	s0 =	simm.s32 @p0 $0x1  }
0x13: {  	[smem:$0x3FB2] =	sst s0;
	s0 =	simm.s32 @!p1 $0x0  }
0x14: {  	s2 =	sld [smem:$0x3F96];
	s0 =	simm.s32 @p1 $0x1  }
0x15: {  	[smem:$0x3FB3] =	sst s0;
	s0 =	simm.s32 @!p2 $0x0  }
0x16: {  	s3 =	sld [smem:$0x3FDB];
	s0 =	simm.s32 @p2 $0x1  }
0x17: {  	s4 =	simm.s32 $0x1BF5;
	[smem:$0x3FB5] =	sst s0  }
0x18: {  	s0 =	sld [smem:$0x3F98];
	_ =	swait.ge [sflag:s4], $0x0  }
0x19: {  	s7 =	sld [smem:$0x3F99]  }
0x1a: {  	s8 =	sadd.s32 $0xFFFFE003, lr  }
0x1b: {  	s9 =	sadd.s32 $0xFFFFFEF7, lr;
	s5 =	simm.s32 $0xFFFFFFFF;
	p2 =	slt.u32 s8, $0xFFFFF086  }
0x1c: {  	p1 =	slt.u32 s9, $0xF7A;
	s5 =	simm.s32 @!p2 $0x0  }
0x1d: {  	s5 =	simm.s32 @p1 $0x1;
	p0 =	seq.s32 s7, s2  }
0x1e: {  	s7 =	smul.u32 @!p0 $0xF7A, s2;
	p2 =	seq.s32 @!p0 s5, $0x0  }
0x1f: {  	s9 =	smul.u32 $0xF7A, s1;
	s8 =	simm.s32 @!p0 $0x1BF5;
	p2 =	por !p2, p0  }
0x20: {  	[sflag:s8] =	ssyncset.s32 @!p0 $0xFFFFF086;
	s6 =	sadd.s32 @!p0 s3, s7;
	s7 =	simm.s32 @!p0 $0x108  }
0x21: {  	s3 =	sadd.s32 s3, s9;
	s6 =	sadd.s32 @!p0 $0x88, s6;
	s7 =	simm.s32 @p2 $0x1082  }
0x22: {  	[simem:s7], [sflag:s8] =	dma.local @!p0 [hbm:s6], $0xF7A  }
0x23: {  	s9 =	sor.u32 $0xD0000000, s2;
	s6 =	simm.s32 $0x108;
	_ =	swait.ge @!p0 [sflag:s8], $0x0  }
0x24: {  	s3 =	sadd.s32 $0x88, s3;
	s6 =	simm.s32 @!p1 $0x1082;
	[sflag:s4] =	ssyncset.s32 $0xFFFFF086  }
0x25: {  	[simem:s6], [sflag:s4] =	dma.local [hbm:s3], $0xF7A  }
0x26: {  	[smem:$0x3F99] =	sst s1;
	(tag) =	ssettag s2;
	_ =	strace s9  }
0x27: {  	s1 =	sld [smem:$0x3FA9]  }
0x28: {  	s2 =	sld [smem:$0x3FAA]  }
0x29: {  	s4 =	sld [smem:$0x3FAC]  }
0x2a: {  	p0 =	seq.s32 s5, $0x0;
	s5 =	sld [smem:$0x3FAD]  }
0x2b: {  	s6 =	sld [smem:$0x3FAE]  }
0x2c: {  	s7 =	sld [smem:$0x3FAF]  }
0x2d: {  	s3 =	simm.s32 $0x108;
	s8 =	sld [smem:$0x3FB0]  }
0x2e: {  	s3 =	simm.s32 @!p0 $0x1082;
	s9 =	sld [smem:$0x3FB1]  }
0x2f: {  	lr =	sadd.s32 s0, s3;
	s0 =	sld [smem:$0x3FA8]  }
0x30: {  	s3 =	sld [smem:$0x3FAB]  }
0x31: {  	[smem:$0x3FB4] =	sst s10  }
0x32: {  	s10 =	sld [smem:$0x3FB2];
	_ =	sdelay $0x3  }
0x33: {  	p0 =	seq.s32 s10, $0x1;
	s10 =	sld [smem:$0x3FB4];
	_ =	sdelay $0x3  }
0x34: {  	[smem:$0x3FB4] =	sst s10  }
0x35: {  	s10 =	sld [smem:$0x3FB3];
	_ =	sdelay $0x3  }
0x36: {  	p1 =	seq.s32 s10, $0x1;
	s10 =	sld [smem:$0x3FB4];
	_ =	sdelay $0x3  }
0x37: {  	[smem:$0x3FB4] =	sst s10  }
0x38: {  	s10 =	sld [smem:$0x3FB5]  }
0x39: {  	_ = 	snop;
	(pc) =	sbr.ind lr, $3  }
0x3a: {  	_ = 	snop  }
0x3b: {  	_ = 	snop  }
0x3c: {  	p2 =	seq.s32 s10, $0x1;
	s10 =	sld [smem:$0x3FB4]  }
0x3d: {  	_ =	shalt  }
0x3e: {  	_ =	shalt  }
0x3f: {  	_ =	shalt  }
0x40: {  	_ =	shalt  }
0x41: {  	_ =	shalt  }
0x42: {  	_ =	shalt  }
0x43: {  	_ =	shalt  }
0x44: {  	_ =	shalt  }
0x45: {  	_ =	shalt  }
0x46: {  	_ =	shalt  }
0x47: {  	_ =	shalt  }
0x48: {  	_ =	shalt  }
0x49: {  	_ =	shalt  }
0x4a: {  	_ =	shalt  }
0x4b: {  	_ =	shalt  }
0x4c: {  	_ =	shalt  }
0x4d: {  	_ =	shalt  }
0x4e: {  	_ =	shalt  }
0x4f: {  	_ =	shalt  }
0x50: {  	_ =	shalt  }
0x51: {  	_ =	shalt  }
0x52: {  	_ =	shalt  }
0x53: {  	_ =	shalt  }
0x54: {  	_ =	shalt  }
0x55: {  	_ =	shalt  }
0x56: {  	_ =	shalt  }
0x57: {  	_ =	shalt  }
0x58: {  	_ =	shalt  }
0x59: {  	_ =	shalt  }
0x5a: {  	_ =	shalt  }
0x5b: {  	_ =	shalt  }
0x5c: {  	_ =	shalt  }
0x5d: {  	_ =	shalt  }
0x5e: {  	_ =	shalt  }
0x5f: {  	_ =	shalt  }
0x60: {  	_ =	shalt  }
0x61: {  	_ =	shalt  }
0x62: {  	_ =	shalt  }
0x63: {  	_ =	shalt  }
0x64: {  	_ =	shalt  }
0x65: {  	_ =	shalt  }
0x66: {  	_ =	shalt  }
0x67: {  	_ =	shalt  }
0x68: {  	_ =	shalt  }
0x69: {  	_ =	shalt  }
0x6a: {  	_ =	shalt  }
0x6b: {  	_ =	shalt  }
0x6c: {  	_ =	shalt  }
0x6d: {  	_ =	shalt  }
0x6e: {  	_ =	shalt  }
0x6f: {  	_ =	shalt  }
0x70: {  	_ =	shalt  }
0x71: {  	_ =	shalt  }
0x72: {  	_ =	shalt  }
0x73: {  	_ =	shalt  }
0x74: {  	_ =	shalt  }
0x75: {  	_ =	shalt  }
0x76: {  	_ =	shalt  }
0x77: {  	_ =	shalt  }
0x78: {  	_ =	shalt  }
0x79: {  	_ =	shalt  }
0x7a: {  	_ =	shalt  }
0x7b: {  	_ =	shalt  }
0x7c: {  	_ =	shalt  }
0x7d: {  	_ =	shalt  }
0x7e: {  	_ =	shalt  }
0x7f: {  	_ =	shalt  }
0x80: {  	_ =	shalt  }
0x81: {  	_ =	shalt  }
0x82: {  	_ =	shalt  }
0x83: {  	_ =	shalt  }
0x84: {  	_ =	shalt  }
0x85: {  	_ =	shalt  }
0x86: {  	_ =	shalt  }
0x87: {  	_ =	shalt  }
.Lfunc_end0:
.L_simem_size_0:
called_computation.2_lowered:
.L_overlay_start_0:
0x88: {  	s2 =	sld [smem:$0x3FD9]  }
0x89: {  	s3 =	sld [smem:$0x3FFE];
	_ =	sdelay $0x1  }
0x8a: {  	s1 =	srdreg.scid  }
0x8b: {  	s0 =	sand.u32 $0x1, s1  }
0x8c: {  	s17 =	sshll.u32 s0, $0xA;
	s2 =	sadd.s32 s3, s2  }
0x8d: {  	s2 =	sadd.s32 s2, s17  }
0x8e: {  	[smem:$0x3FC0] =	sst s2  }
0x8f: {  	_ = 	snop  }
0x90: {  	s2 =	sld [smem:$0x3FD0];
	(tm) =	ssettm $0x1  }
0x91: {  	s18 =	sld [smem:$0x3FFB];
	_ =	sdelay $0x3  }
0x92: {  	_ =	strace s18  }
0x93: {  	s3 =	sld [smem:$0x3FFC];
	_ =	sdelay $0x3  }
0x94: {  	_ =	strace s3  }
0x95: {  	s3 =	sld [smem:$0x3FFD];
	_ =	sdelay $0x3  }
0x96: {  	_ =	strace s3  }
0x97: {  	_ =	strace $0x8FFFFFFF  }
0x98: {  	s19 =	sld [smem:$0x3FDB];
	_ =	sdelay $0x1  }
0x99: {  	s4 =	simm.s32 $_scs_section_size  }
0x9a: {  	s5 =	simm.s32 $_size__tile_overlayer_lowered;
	s6 =	simm.s32 $_tile_overlayer_lowered  }
0x9b: {  	s22 =	simm.s32 $0x1BFF;
	s21 =	sshll.u32 s6, $0x1;
	s3 =	sadd.s32 s4, s19  }
0x9c: {  	s7 =	simm.s32 $0x0;
	s20 =	sshll.u32 s5, $0x1;
	s5 =	sadd.s32 s21, s3  }
0x9d: {  	[timem:s7], [sflag:s22] =	dma.local [hbm:s5], s20  }
0x9e: {  	_ =	swait.ge [sflag:s22], s20  }
0x9f: {  	s4 =	ssub.s32 $0x0, s20;
	[sflag:s22] =	ssyncset.done $0x0  }
0xa0: {  	[sflag:s22] =	ssyncadd.s32 s4;
	_ =	sdelay $0x1  }
0xa1: {  	s23 =	simm.s32 $0x1B8B  }
0xa2: {  	_ =	swait.ge [sflag:s23], $0x1  }
0xa3: {  	[sflag:s23] =	ssyncset.done $0x0  }
0xa4: {  	s25 =	simm.s32 $0x1B8E;
	s24 =	sld [smem:$0x3FFE];
	[sflag:s23] =	ssyncadd.s32 $0xFFFFFFFF  }
0xa5: {  	s26 =	simm.s32 $execute0_lowered;
	[smem:$0x3FD2] =	sst s25  }
0xa6: {  	s5 =	sshll.u32 s26, $0x1;
	_ =	strace $0x8000004C;
	[dreg:$0x1] =	wrdreg $0xFFFFFFFF  }
0xa7: {  	s28 =	simm.s32 $_size_execute0_lowered;
	s3 =	sadd.s32 s3, s5;
	[dreg:$0x0] =	wrdreg $0x0  }
0xa8: {  	s5 =	sshll.u32 s28, $0x1;
	[dreg:$0x2] =	wrdreg s3  }
0xa9: {  	[dreg:$0x3] =	wrdreg s5  }
0xaa: {  	[dreg:$0x4] =	wrdreg $0xC0  }
0xab: {  	_ =	task [dreg:s7], $0x5FFFF  }
0xac: {  	[dreg:$0x1] =	wrdreg $0xFFFFFFFF  }
0xad: {  	[dreg:$0x0] =	wrdreg $0x60  }
0xae: {  	[dreg:$0x2] =	wrdreg s24  }
0xaf: {  	[dreg:$0x3] =	wrdreg s2  }
0xb0: {  	[dreg:$0x4] =	wrdreg $0x0  }
0xb1: {  	[dreg:$0x5] =	wrdreg $0x9  }
0xb2: {  	_ =	task.clear_ibuf [dreg:s7], $0x6FFFF;
	_ =	strace $0x9000004C  }
0xb3: {  	s29 =	simm.s32 $0x9;
	_ =	strace $0x8000004E  }
0xb4: {  	_ =	swait.ge [sflag:s29], $0x1  }
0xb5: {  	[sflag:s29] =	ssyncadd.s32 $0xFFFFFFFF  }
0xb6: {  	_ =	strace $0x9000004E  }
0xb7: {  	_ =	sfence  }
0xb8: {  	s30 =	sld [smem:$0x0];
	_ =	sdelay $0x2  }
0xb9: {  	s31 =	sshll.u32 s1, $0xD;
	s1 =	sshrl.u32 s1, $0x2  }
0xba: {  	s3 =	sand.u32 $0x4000, s31;
	s1 =	sadd.s32 s1, s30  }
0xbb: {  	s0 =	sor.u32 s3, s0;
	s1 =	sshll.u32 s1, $0x11  }
0xbc: {  	s0 =	sor.u32 s1, s0  }
0xbd: {  	s0 =	sadd.s32 $0x8F2B, s0  }
0xbe: {  	[sflag:s0] =	ssyncadd.remote.s32 $0x1  }
0xbf: {  	_ =	sfence.sel $0xFFFF  }
0xc0: {  	[dreg:$0x0] =	wrdreg $0xFFFFFFFF;
	(pc) =	sbr.abs _section_cstart, $3  }
0xc1: {  	[dreg:$0x1] =	wrdreg $0xFFFFFFFF  }
0xc2: {  	_ =	task.clear_ibuf [dreg:s7], $0x2FFFF;
	_ =	strace $0x9FFFFFFF  }
0xc3: {  	(tm) =	ssettm $0x7FFFFFFF  }
tec
execute0_lowered:
.L_overlay_start_1:
0x0: {  	(tag) =	ssettag $0x1  }
0x1: {  	s0 =	srdreg.scid;
	s1 =	rddreg [dreg:$0x0]  }
0x2: {  	s12 =	stileid.u32;
	s8 =	rddreg [dreg:$0x1];
	s13 =	simm.s32 $0xC350  }
0x3: {  	s15 =	simm.s32 $0x50;
	s16 =	simm.s32 $0x11170;
	s18 =	simm.s32 $0x12A70  }
0x4: {  	s20 =	simm.s32 $0x14370;
	s22 =	simm.s32 $0x15C70;
	s23 =	simm.s32 $0x1  }
0x5: {  	s28 =	simm.s32 $0x10FE0;
	s29 =	simm.s32 $0xEA10;
	s30 =	simm.s32 $0x11030  }
0x6: {  	s31 =	simm.s32 $0x11080;
	s14 =	simm.s32 $0x0;
	s0 =	sand.u32 $0x1, s0  }
0x7: {  	s3 =	smul.u32 $0x280, s12;
	s25 =	sshll.u32 s12, $0x6;
	s2 =	sshll.u32 s0, $0x4  }
0x8: {  	s6 =	smul.u32 $0xC3500, s0;
	s0 =	ssub.s32 $0x2, s0;
	s4 =	sor.u32 s12, s2  }
0x9: {  	s2 =	rddreg [dreg:$0x2];
	s24 =	smin.u32 s3, $0x2490;
	s3 =	simm.s32 $0x0  }
0xa: {  	s11 =	sshrl.u32 s0, $0x1;
	s12 =	simm.s32 $0x5;
	s9 =	smul.u32 $0x4E2, s4  }
0xb: {  	s5 =	smul.u32 $0x50, s24;
	[smem:$0x7FF] =	sst s3;
	s4 =	sadd.s32 $0xCC00, s1  }
0xc: {  	s0 =	ssub.s32 s0, s11;
	s24 =	simm.s32 $0x2;
	_ =	strace $0x8000004D  }
0xd: {  	s7 =	sadd.s32 s9, s1;
	s10 =	sshrl.u32 s5, $0x3;
	s6 =	sadd.s32 s6, s5  }
0xe: {  	s26 =	sadd.s32 s5, s2;
	s8 =	sadd.s32 s8, s9;
	s10 =	sadd.s32 s10, s1  }
0xf: {  	s6 =	sshrl.u32 s6, $0x3;
	s7 =	sadd.s32 $0x2E00, s7;
	s11 =	sshrl.u32 s26, $0x3  }
0x10: {  	s26 =	simm.s32 $0x4;
	s1 =	sadd.s32 s6, s1;
	s5 =	sadd.s32 $0x25400, s10  }
0x11: {  	s6 =	sor.u32 $0x1C05, s25;
	s10 =	smax.u32 s0, $0x1;
	s25 =	simm.s32 $0x3  }
0x12: {  	s0 =	simm.s32 $0x11120;
	s9 =	sadd.s32 $0x3DC00, s1;
	s1 =	simm.s32 $0x110D0  }
.LBB2_1:
0x13: {  	[spmem:s11], [sflag:s6] =	dma.local [hbm:s5], $0x1900  }
0x14: {  	_ =	swait.ge [sflag:s12], $0x1900  }
0x15: {  	[sflag:s12] =	ssyncset.done $0x0  }
0x16: {  	[sflag:s12] =	ssyncadd.s32 $0xFFFFE700  }
0x17: {  	[bflag:$0x0] =	sbarrier.arrive $0xFFFF  }
0x18: {  	[tilespmem:s13], [sflag:$0x5] =	stream.linear.gather [hbm4b:s7+s3], $0x2710, $0x38;
	[tilespmem:$0x17570] =	vst v63  }
0x19: {  	_ =	swait.ge [sflag:s12], $0x2710  }
0x1a: {  	[sflag:s12] =	ssyncset.done $0x0  }
0x1b: {  	s17 =	simm.s32 $0xEA60;
	[sflag:s12] =	ssyncadd.s32 $0xFFFFD8F0  }
0x1c: {  	[tilespmem:s17], [sflag:$0x5] =	stream.linear.gather [hbm4b:s8+s3], $0x2710, $0x38;
	[tilespmem:$0x17570] =	vst v63  }
0x1d: {  	_ =	swait.ge [sflag:s12], $0x2710  }
0x1e: {  	[sflag:s12] =	ssyncset.done $0x0  }
0x1f: {  	[sflag:s12] =	ssyncadd.s32 $0xFFFFD8F0  }
0x20: {  	[tilespmem:s16], [sflag:$0x1] =	stream.indirect.gather [hbm4b:s4+s15], $0x50, s13, s15, $0xb8;
	[tilespmem:$0x17570] =	vst v63  }
0x21: {  	s19 =	simm.s32 $0xC3A0  }
0x22: {  	[tilespmem:s18], [sflag:$0x2] =	stream.indirect.gather [hbm4b:s4+s15], $0x50, s19, s15, $0xb8;
	[tilespmem:$0x17570] =	vst v63  }
0x23: {  	s21 =	simm.s32 $0xC3F0  }
0x24: {  	[tilespmem:s20], [sflag:$0x3] =	stream.indirect.gather [hbm4b:s4+s15], $0x50, s21, s15, $0xb8;
	[tilespmem:$0x17570] =	vst v63  }
0x25: {  	s19 =	simm.s32 $0xC440  }
0x26: {  	[tilespmem:s22], [sflag:$0x4] =	stream.indirect.gather [hbm4b:s4+s15], $0x50, s19, s15, $0xb8;
	[tilespmem:$0x17570] =	vst v63  }
0x27: {  	_ =	swait.ge [sflag:s23], $0x1900  }
0x28: {  	[sflag:s23] =	ssyncset.done $0x0  }
0x29: {  	s21 =	simm.s32 $0xEA60;
	[sflag:s23] =	ssyncadd.s32 $0xFFFFE700  }
0x2a: {  	[spmem:s2] =	stream.indirect.scatter.add.f32 [tilespmem:s16], [sflag:$0x5], $0x50, s21, s15, $0xb8;
	[tilespmem:$0x17570] =	vst v63  }
0x2b: {  	_ =	swait.ge [sflag:s12], $0x1900  }
0x2c: {  	[sflag:s12] =	ssyncset.done $0x0  }
0x2d: {  	s19 =	simm.s32 $0xC490;
	[sflag:s12] =	ssyncadd.s32 $0xFFFFE700  }
0x2e: {  	[tilespmem:s16], [sflag:$0x1] =	stream.indirect.gather [hbm4b:s4+s15], $0x50, s19, s15, $0xb8;
	[tilespmem:$0x17570] =	vst v63  }
0x2f: {  	_ =	swait.ge [sflag:s24], $0x1900  }
0x30: {  	[sflag:s24] =	ssyncset.done $0x0  }
0x31: {  	s21 =	simm.s32 $0xEAB0;
	[sflag:s24] =	ssyncadd.s32 $0xFFFFE700  }
0x32: {  	[spmem:s2] =	stream.indirect.scatter.add.f32 [tilespmem:s18], [sflag:$0x5], $0x50, s21, s15, $0xb8;
	[tilespmem:$0x17570] =	vst v63  }
0x33: {  	_ =	swait.ge [sflag:s12], $0x1900  }
0x34: {  	[sflag:s12] =	ssyncset.done $0x0  }
0x35: {  	s19 =	simm.s32 $0xC4E0;
	[sflag:s12] =	ssyncadd.s32 $0xFFFFE700  }
0x36: {  	[tilespmem:s18], [sflag:$0x2] =	stream.indirect.gather [hbm4b:s4+s15], $0x50, s19, s15, $0xb8;
	[tilespmem:$0x17570] =	vst v63  }
0x37: {  	_ =	swait.ge [sflag:s25], $0x1900  }
0x38: {  	[sflag:s25] =	ssyncset.done $0x0  }
0x39: {  	s21 =	simm.s32 $0xEB00;
	[sflag:s25] =	ssyncadd.s32 $0xFFFFE700  }
0x3a: {  	[spmem:s2] =	stream.indirect.scatter.add.f32 [tilespmem:s20], [sflag:$0x5], $0x50, s21, s15, $0xb8;
	[tilespmem:$0x17570] =	vst v63  }
0x3b: {  	_ =	swait.ge [sflag:s12], $0x1900  }
0x3c: {  	[sflag:s12] =	ssyncset.done $0x0  }
0x3d: {  	s19 =	simm.s32 $0xC530;
	[sflag:s12] =	ssyncadd.s32 $0xFFFFE700  }
0x3e: {  	[tilespmem:s20], [sflag:$0x3] =	stream.indirect.gather [hbm4b:s4+s15], $0x50, s19, s15, $0xb8;
	[tilespmem:$0x17570] =	vst v63  }
0x3f: {  	_ =	swait.ge [sflag:s26], $0x1900  }
0x40: {  	[sflag:s26] =	ssyncset.done $0x0  }
0x41: {  	s21 =	simm.s32 $0xEB50;
	[sflag:s26] =	ssyncadd.s32 $0xFFFFE700  }
0x42: {  	[spmem:s2] =	stream.indirect.scatter.add.f32 [tilespmem:s22], [sflag:$0x5], $0x50, s21, s15, $0xb8;
	[tilespmem:$0x17570] =	vst v63  }
0x43: {  	_ =	swait.ge [sflag:s12], $0x1900  }
0x44: {  	[sflag:s12] =	ssyncset.done $0x0  }
0x45: {  	s17 =	simm.s32 $0x500;
	s19 =	simm.s32 $0xC580;
	[sflag:s12] =	ssyncadd.s32 $0xFFFFE700  }
.LBB2_2:
0x46: {  	[tilespmem:s22], [sflag:$0x4] =	stream.indirect.gather [hbm4b:s4+s15], $0x50, s19, s15, $0xb8;
	[tilespmem:$0x17570] =	vst v63  }
0x47: {  	s19 =	smov.u32 s17  }
0x48: {  	p0 =	sne.s32 s17, $0x9100;
	s17 =	sadd.s32 $0x500, s17;
	_ =	swait.ge [sflag:s23], $0x1900  }
0x49: {  	s19 =	sshra.s32 s19, $0x2;
	[sflag:s23] =	ssyncset.done $0x0  }
0x4a: {  	s21 =	sadd.s32 $0xEA60, s19;
	[sflag:s23] =	ssyncadd.s32 $0xFFFFE700  }
0x4b: {  	[spmem:s2] =	stream.indirect.scatter.add.f32 [tilespmem:s16], [sflag:$0x5], $0x50, s21, s15, $0xb8;
	[tilespmem:$0x17570] =	vst v63  }
0x4c: {  	_ =	swait.ge [sflag:s12], $0x1900  }
0x4d: {  	[sflag:s12] =	ssyncset.done $0x0  }
0x4e: {  	s21 =	sadd.s32 $0xC490, s19;
	[sflag:s12] =	ssyncadd.s32 $0xFFFFE700  }
0x4f: {  	[tilespmem:s16], [sflag:$0x1] =	stream.indirect.gather [hbm4b:s4+s15], $0x50, s21, s15, $0xb8;
	[tilespmem:$0x17570] =	vst v63  }
0x50: {  	_ =	swait.ge [sflag:s24], $0x1900  }
0x51: {  	[sflag:s24] =	ssyncset.done $0x0  }
0x52: {  	s21 =	sadd.s32 $0xEAB0, s19;
	[sflag:s24] =	ssyncadd.s32 $0xFFFFE700  }
0x53: {  	[spmem:s2] =	stream.indirect.scatter.add.f32 [tilespmem:s18], [sflag:$0x5], $0x50, s21, s15, $0xb8;
	[tilespmem:$0x17570] =	vst v63  }
0x54: {  	_ =	swait.ge [sflag:s12], $0x1900  }
0x55: {  	[sflag:s12] =	ssyncset.done $0x0  }
0x56: {  	s21 =	sadd.s32 $0xC4E0, s19;
	[sflag:s12] =	ssyncadd.s32 $0xFFFFE700  }
0x57: {  	[tilespmem:s18], [sflag:$0x2] =	stream.indirect.gather [hbm4b:s4+s15], $0x50, s21, s15, $0xb8;
	[tilespmem:$0x17570] =	vst v63  }
0x58: {  	_ =	swait.ge [sflag:s25], $0x1900  }
0x59: {  	[sflag:s25] =	ssyncset.done $0x0  }
0x5a: {  	s21 =	sadd.s32 $0xEB00, s19;
	[sflag:s25] =	ssyncadd.s32 $0xFFFFE700  }
0x5b: {  	[spmem:s2] =	stream.indirect.scatter.add.f32 [tilespmem:s20], [sflag:$0x5], $0x50, s21, s15, $0xb8;
	[tilespmem:$0x17570] =	vst v63  }
0x5c: {  	_ =	swait.ge [sflag:s12], $0x1900  }
0x5d: {  	[sflag:s12] =	ssyncset.done $0x0  }
0x5e: {  	s21 =	sadd.s32 $0xC530, s19;
	[sflag:s12] =	ssyncadd.s32 $0xFFFFE700  }
0x5f: {  	[tilespmem:s20], [sflag:$0x3] =	stream.indirect.gather [hbm4b:s4+s15], $0x50, s21, s15, $0xb8;
	[tilespmem:$0x17570] =	vst v63  }
0x60: {  	_ =	swait.ge [sflag:s26], $0x1900  }
0x61: {  	[sflag:s26] =	ssyncset.done $0x0  }
.Ltmp0:
0x62: {  	s21 =	sadd.s32 $0xEB50, s19;
	[sflag:s26] =	ssyncadd.s32 $0xFFFFE700;
	(pc) =	sbr.rel @p0 .LBB2_2-.Ltmp0, $4  }
0x63: {  	[spmem:s2] =	stream.indirect.scatter.add.f32 [tilespmem:s22], [sflag:$0x5], $0x50, s21, s15, $0xb8;
	[tilespmem:$0x17570] =	vst v63  }
0x64: {  	_ =	swait.ge [sflag:s12], $0x1900  }
0x65: {  	[sflag:s12] =	ssyncset.done $0x0  }
0x66: {  	s19 =	sadd.s32 $0xC580, s19;
	[sflag:s12] =	ssyncadd.s32 $0xFFFFE700  }
0x67: {  	[tilespmem:s22], [sflag:$0x4] =	stream.indirect.gather [hbm4b:s4+s15], $0x50, s19, s15, $0xb8;
	[tilespmem:$0x17570] =	vst v63  }
0x68: {  	_ =	swait.ge [sflag:s23], $0x1900  }
0x69: {  	[sflag:s23] =	ssyncset.done $0x0  }
0x6a: {  	[sflag:s23] =	ssyncadd.s32 $0xFFFFE700  }
0x6b: {  	[spmem:s2] =	stream.indirect.scatter.add.f32 [tilespmem:s16], [sflag:$0x5], $0x50, s28, s15, $0xb8;
	[tilespmem:$0x17570] =	vst v63  }
0x6c: {  	_ =	swait.ge [sflag:s12], $0x1900  }
0x6d: {  	[sflag:s12] =	ssyncset.done $0x0  }
0x6e: {  	[sflag:s12] =	ssyncadd.s32 $0xFFFFE700  }
0x6f: {  	[tilespmem:s16], [sflag:$0x1] =	stream.indirect.gather [hbm4b:s4+s15], $0x50, s29, s15, $0xb8;
	[tilespmem:$0x17570] =	vst v63  }
0x70: {  	_ =	swait.ge [sflag:s24], $0x1900  }
0x71: {  	[sflag:s24] =	ssyncset.done $0x0  }
0x72: {  	[sflag:s24] =	ssyncadd.s32 $0xFFFFE700  }
0x73: {  	[spmem:s2] =	stream.indirect.scatter.add.f32 [tilespmem:s18], [sflag:$0x5], $0x50, s30, s15, $0xb8;
	[tilespmem:$0x17570] =	vst v63  }
0x74: {  	_ =	swait.ge [sflag:s12], $0x1900  }
0x75: {  	[sflag:s12] =	ssyncset.done $0x0  }
0x76: {  	[sflag:s12] =	ssyncadd.s32 $0xFFFFE700  }
0x77: {  	_ =	swait.ge [sflag:s25], $0x1900  }
0x78: {  	[sflag:s25] =	ssyncset.done $0x0  }
0x79: {  	[sflag:s25] =	ssyncadd.s32 $0xFFFFE700  }
0x7a: {  	[spmem:s2] =	stream.indirect.scatter.add.f32 [tilespmem:s20], [sflag:$0x5], $0x50, s31, s15, $0xb8;
	[tilespmem:$0x17570] =	vst v63  }
0x7b: {  	_ =	swait.ge [sflag:s12], $0x1900  }
0x7c: {  	[sflag:s12] =	ssyncset.done $0x0  }
0x7d: {  	[sflag:s12] =	ssyncadd.s32 $0xFFFFE700  }
0x7e: {  	_ =	swait.ge [sflag:s26], $0x1900  }
0x7f: {  	[sflag:s26] =	ssyncset.done $0x0  }
0x80: {  	[sflag:s26] =	ssyncadd.s32 $0xFFFFE700  }
0x81: {  	[spmem:s2] =	stream.indirect.scatter.add.f32 [tilespmem:s22], [sflag:$0x5], $0x50, s1, s15, $0xb8;
	[tilespmem:$0x17570] =	vst v63  }
0x82: {  	_ =	swait.ge [sflag:s12], $0x1900  }
0x83: {  	[sflag:s12] =	ssyncset.done $0x0  }
0x84: {  	[sflag:s12] =	ssyncadd.s32 $0xFFFFE700  }
0x85: {  	_ =	swait.ge [sflag:s23], $0x1900  }
0x86: {  	[sflag:s23] =	ssyncset.done $0x0  }
0x87: {  	[sflag:s23] =	ssyncadd.s32 $0xFFFFE700  }
0x88: {  	[spmem:s2] =	stream.indirect.scatter.add.f32 [tilespmem:s16], [sflag:$0x5], $0x50, s0, s15, $0xb8;
	[tilespmem:$0x17570] =	vst v63  }
0x89: {  	_ =	swait.ge [sflag:s12], $0x1900  }
0x8a: {  	s14 =	sadd.s32 $0x1, s14;
	[sflag:s12] =	ssyncset.done $0x0  }
0x8b: {  	p0 =	sne.s32 s14, s10;
	[sflag:s12] =	ssyncadd.s32 $0xFFFFE700  }
.Ltmp1:
0x8c: {  	[bflag:$0x0] =	sbarrier.arrive $0xFFFF;
	(pc) =	sbr.rel @p0 .LBB2_1-.Ltmp1, $4  }
0x8d: {  	[hbm:s9], [sflag:s6] =	dma.local [spmem:s11], $0x1900  }
0x8e: {  	_ =	swait.ge [sflag:s12], $0x1900  }
0x8f: {  	[sflag:s12] =	ssyncset.done $0x0  }
0x90: {  	[sflag:s12] =	ssyncadd.s32 $0xFFFFE700  }
0x91: {  	_ =	sfence.sel $0x180000  }
0x92: {  	[bflag:$0x0] =	sbarrier.arrive $0xFFFF  }
0x93: {  	_ =	strace $0x9000004D  }
0x94: {  	s0 =	stileid.u32;
	[bflag:$0x2] =	sbarrier.arrive $0xFFFF  }
0x95: {  	p0 =	sne.s32 s0, $0x0;
	s0 =	rddreg [dreg:$0x3]  }
0x96: {  	s0 =	sadd.s32 @!p0 $0x100000, s0  }
0x97: {  	[sflag:s0] =	ssyncadd.tile.s32 @!p0 $0x1;
	_ =	shalt  }
.Lfunc_end2:
_tile_overlayer_lowered:
.L_overlay_start_2:
0x98: {  	(tag) =	ssettag $0x2  }
0x99: {  	s0 =	rddreg [dreg:$0x0];
	s2 =	stileid.u32  }
0x9a: {  	s1 =	rddreg [dreg:$0x1];
	p0 =	sne.s32 s2, $0x0  }
0x9b: {  	s3 =	rddreg [dreg:$0x2];
	[bflag:$0x3] =	sbarrier.arrive $0xFFFF;
	s2 =	simm.s32 @!p0 $0x1C05  }
0x9c: {  	[timem:s3], [sflag:s2] =	dma.local @!p0 [hbm:s0], s1  }
0x9d: {  	s0 =	simm.s32 @!p0 $0x5  }
0x9e: {  	_ =	swait.ge @!p0 [sflag:s0], s1  }
0x9f: {  	s1 =	ssub.s32 @!p0 $0x0, s1;
	[sflag:s0] =	ssyncset.done @!p0 $0x0  }
0xa0: {  	[sflag:s0] =	ssyncadd.s32 @!p0 s1  }
0xa1: {  	[bflag:$0x3] =	sbarrier.arrive $0xFFFF  }
0xa2: {  	_ =	shalt  }

// kernel: kernel.9.cloned.1.call-start
scs
__scs_entry_jumppad:
0x0: {  	(pc) =	sbr.rel $0x88, $3  }
0x1: {  	(tag) =	ssettag $0x0;
	lr =	simm.s32 $0x1  }
0x2: {  	[smem:$0x3F99] =	sst lr;
	_ =	strace $0xD0000000  }
0x3: {  	_ = 	snop  }
0x4: {  	_ = 	snop  }
0x5: {  	_ = 	snop  }
0x6: {  	_ = 	snop  }
0x7: {  	_ = 	snop  }
__scs_overlays_trampoline_lowered:
0x8: {  	[smem:$0x3FA8] =	sst s0  }
0x9: {  	[smem:$0x3FA9] =	sst s1  }
0xa: {  	[smem:$0x3FAA] =	sst s2  }
0xb: {  	[smem:$0x3FAB] =	sst s3  }
0xc: {  	[smem:$0x3FAC] =	sst s4  }
0xd: {  	[smem:$0x3FAD] =	sst s5  }
0xe: {  	[smem:$0x3FAE] =	sst s6  }
0xf: {  	[smem:$0x3FAF] =	sst s7  }
0x10: {  	[smem:$0x3FB0] =	sst s8  }
0x11: {  	[smem:$0x3FB1] =	sst s9;
	s0 =	simm.s32 @!p0 $0x0  }
0x12: {  	s1 =	sld [smem:$0x3F97];
	s0 =	simm.s32 @p0 $0x1  }
0x13: {  	[smem:$0x3FB2] =	sst s0;
	s0 =	simm.s32 @!p1 $0x0  }
0x14: {  	s2 =	sld [smem:$0x3F96];
	s0 =	simm.s32 @p1 $0x1  }
0x15: {  	[smem:$0x3FB3] =	sst s0;
	s0 =	simm.s32 @!p2 $0x0  }
0x16: {  	s3 =	sld [smem:$0x3FDB];
	s0 =	simm.s32 @p2 $0x1  }
0x17: {  	s4 =	simm.s32 $0x1BF5;
	[smem:$0x3FB5] =	sst s0  }
0x18: {  	s0 =	sld [smem:$0x3F98];
	_ =	swait.ge [sflag:s4], $0x0  }
0x19: {  	s7 =	sld [smem:$0x3F99]  }
0x1a: {  	s8 =	sadd.s32 $0xFFFFE003, lr  }
0x1b: {  	s9 =	sadd.s32 $0xFFFFFEF7, lr;
	s5 =	simm.s32 $0xFFFFFFFF;
	p2 =	slt.u32 s8, $0xFFFFF086  }
0x1c: {  	p1 =	slt.u32 s9, $0xF7A;
	s5 =	simm.s32 @!p2 $0x0  }
0x1d: {  	s5 =	simm.s32 @p1 $0x1;
	p0 =	seq.s32 s7, s2  }
0x1e: {  	s7 =	smul.u32 @!p0 $0xF7A, s2;
	p2 =	seq.s32 @!p0 s5, $0x0  }
0x1f: {  	s9 =	smul.u32 $0xF7A, s1;
	s8 =	simm.s32 @!p0 $0x1BF5;
	p2 =	por !p2, p0  }
0x20: {  	[sflag:s8] =	ssyncset.s32 @!p0 $0xFFFFF086;
	s6 =	sadd.s32 @!p0 s3, s7;
	s7 =	simm.s32 @!p0 $0x108  }
0x21: {  	s3 =	sadd.s32 s3, s9;
	s6 =	sadd.s32 @!p0 $0x88, s6;
	s7 =	simm.s32 @p2 $0x1082  }
0x22: {  	[simem:s7], [sflag:s8] =	dma.local @!p0 [hbm:s6], $0xF7A  }
0x23: {  	s9 =	sor.u32 $0xD0000000, s2;
	s6 =	simm.s32 $0x108;
	_ =	swait.ge @!p0 [sflag:s8], $0x0  }
0x24: {  	s3 =	sadd.s32 $0x88, s3;
	s6 =	simm.s32 @!p1 $0x1082;
	[sflag:s4] =	ssyncset.s32 $0xFFFFF086  }
0x25: {  	[simem:s6], [sflag:s4] =	dma.local [hbm:s3], $0xF7A  }
0x26: {  	[smem:$0x3F99] =	sst s1;
	(tag) =	ssettag s2;
	_ =	strace s9  }
0x27: {  	s1 =	sld [smem:$0x3FA9]  }
0x28: {  	s2 =	sld [smem:$0x3FAA]  }
0x29: {  	s4 =	sld [smem:$0x3FAC]  }
0x2a: {  	p0 =	seq.s32 s5, $0x0;
	s5 =	sld [smem:$0x3FAD]  }
0x2b: {  	s6 =	sld [smem:$0x3FAE]  }
0x2c: {  	s7 =	sld [smem:$0x3FAF]  }
0x2d: {  	s3 =	simm.s32 $0x108;
	s8 =	sld [smem:$0x3FB0]  }
0x2e: {  	s3 =	simm.s32 @!p0 $0x1082;
	s9 =	sld [smem:$0x3FB1]  }
0x2f: {  	lr =	sadd.s32 s0, s3;
	s0 =	sld [smem:$0x3FA8]  }
0x30: {  	s3 =	sld [smem:$0x3FAB]  }
0x31: {  	[smem:$0x3FB4] =	sst s10  }
0x32: {  	s10 =	sld [smem:$0x3FB2];
	_ =	sdelay $0x3  }
0x33: {  	p0 =	seq.s32 s10, $0x1;
	s10 =	sld [smem:$0x3FB4];
	_ =	sdelay $0x3  }
0x34: {  	[smem:$0x3FB4] =	sst s10  }
0x35: {  	s10 =	sld [smem:$0x3FB3];
	_ =	sdelay $0x3  }
0x36: {  	p1 =	seq.s32 s10, $0x1;
	s10 =	sld [smem:$0x3FB4];
	_ =	sdelay $0x3  }
0x37: {  	[smem:$0x3FB4] =	sst s10  }
0x38: {  	s10 =	sld [smem:$0x3FB5]  }
0x39: {  	_ = 	snop;
	(pc) =	sbr.ind lr, $3  }
0x3a: {  	_ = 	snop  }
0x3b: {  	_ = 	snop  }
0x3c: {  	p2 =	seq.s32 s10, $0x1;
	s10 =	sld [smem:$0x3FB4]  }
0x3d: {  	_ =	shalt  }
0x3e: {  	_ =	shalt  }
0x3f: {  	_ =	shalt  }
0x40: {  	_ =	shalt  }
0x41: {  	_ =	shalt  }
0x42: {  	_ =	shalt  }
0x43: {  	_ =	shalt  }
0x44: {  	_ =	shalt  }
0x45: {  	_ =	shalt  }
0x46: {  	_ =	shalt  }
0x47: {  	_ =	shalt  }
0x48: {  	_ =	shalt  }
0x49: {  	_ =	shalt  }
0x4a: {  	_ =	shalt  }
0x4b: {  	_ =	shalt  }
0x4c: {  	_ =	shalt  }
0x4d: {  	_ =	shalt  }
0x4e: {  	_ =	shalt  }
0x4f: {  	_ =	shalt  }
0x50: {  	_ =	shalt  }
0x51: {  	_ =	shalt  }
0x52: {  	_ =	shalt  }
0x53: {  	_ =	shalt  }
0x54: {  	_ =	shalt  }
0x55: {  	_ =	shalt  }
0x56: {  	_ =	shalt  }
0x57: {  	_ =	shalt  }
0x58: {  	_ =	shalt  }
0x59: {  	_ =	shalt  }
0x5a: {  	_ =	shalt  }
0x5b: {  	_ =	shalt  }
0x5c: {  	_ =	shalt  }
0x5d: {  	_ =	shalt  }
0x5e: {  	_ =	shalt  }
0x5f: {  	_ =	shalt  }
0x60: {  	_ =	shalt  }
0x61: {  	_ =	shalt  }
0x62: {  	_ =	shalt  }
0x63: {  	_ =	shalt  }
0x64: {  	_ =	shalt  }
0x65: {  	_ =	shalt  }
0x66: {  	_ =	shalt  }
0x67: {  	_ =	shalt  }
0x68: {  	_ =	shalt  }
0x69: {  	_ =	shalt  }
0x6a: {  	_ =	shalt  }
0x6b: {  	_ =	shalt  }
0x6c: {  	_ =	shalt  }
0x6d: {  	_ =	shalt  }
0x6e: {  	_ =	shalt  }
0x6f: {  	_ =	shalt  }
0x70: {  	_ =	shalt  }
0x71: {  	_ =	shalt  }
0x72: {  	_ =	shalt  }
0x73: {  	_ =	shalt  }
0x74: {  	_ =	shalt  }
0x75: {  	_ =	shalt  }
0x76: {  	_ =	shalt  }
0x77: {  	_ =	shalt  }
0x78: {  	_ =	shalt  }
0x79: {  	_ =	shalt  }
0x7a: {  	_ =	shalt  }
0x7b: {  	_ =	shalt  }
0x7c: {  	_ =	shalt  }
0x7d: {  	_ =	shalt  }
0x7e: {  	_ =	shalt  }
0x7f: {  	_ =	shalt  }
0x80: {  	_ =	shalt  }
0x81: {  	_ =	shalt  }
0x82: {  	_ =	shalt  }
0x83: {  	_ =	shalt  }
0x84: {  	_ =	shalt  }
0x85: {  	_ =	shalt  }
0x86: {  	_ =	shalt  }
0x87: {  	_ =	shalt  }
.Lfunc_end0:
.L_simem_size_0:
called_computation_lowered:
.L_overlay_start_0:
0x88: {  	s2 =	sld [smem:$0x3FD9]  }
0x89: {  	s3 =	sld [smem:$0x3FFE];
	_ =	sdelay $0x1  }
0x8a: {  	s1 =	srdreg.scid  }
0x8b: {  	s0 =	sand.u32 $0x1, s1  }
0x8c: {  	s17 =	sshll.u32 s0, $0xA;
	s2 =	sadd.s32 s3, s2  }
0x8d: {  	s2 =	sadd.s32 s2, s17  }
0x8e: {  	[smem:$0x3FC0] =	sst s2  }
0x8f: {  	_ = 	snop  }
0x90: {  	s2 =	sld [smem:$0x3FD0];
	(tm) =	ssettm $0x1  }
0x91: {  	s18 =	sld [smem:$0x3FFB];
	_ =	sdelay $0x3  }
0x92: {  	_ =	strace s18  }
0x93: {  	s3 =	sld [smem:$0x3FFC];
	_ =	sdelay $0x3  }
0x94: {  	_ =	strace s3  }
0x95: {  	s3 =	sld [smem:$0x3FFD];
	_ =	sdelay $0x3  }
0x96: {  	_ =	strace s3  }
0x97: {  	_ =	strace $0x8FFFFFFF  }
0x98: {  	s19 =	sld [smem:$0x3FDB];
	_ =	sdelay $0x1  }
0x99: {  	s4 =	simm.s32 $_scs_section_size  }
0x9a: {  	s5 =	simm.s32 $_size__tile_overlayer_lowered;
	s6 =	simm.s32 $_tile_overlayer_lowered  }
0x9b: {  	s22 =	simm.s32 $0x1BFF;
	s21 =	sshll.u32 s6, $0x1;
	s3 =	sadd.s32 s4, s19  }
0x9c: {  	s7 =	simm.s32 $0x0;
	s20 =	sshll.u32 s5, $0x1;
	s5 =	sadd.s32 s21, s3  }
0x9d: {  	[timem:s7], [sflag:s22] =	dma.local [hbm:s5], s20  }
0x9e: {  	_ =	swait.ge [sflag:s22], s20  }
0x9f: {  	s4 =	ssub.s32 $0x0, s20;
	[sflag:s22] =	ssyncset.done $0x0  }
0xa0: {  	[sflag:s22] =	ssyncadd.s32 s4;
	_ =	sdelay $0x1  }
0xa1: {  	s23 =	simm.s32 $0x1B8B  }
0xa2: {  	_ =	swait.ge [sflag:s23], $0x1  }
0xa3: {  	[sflag:s23] =	ssyncset.done $0x0  }
0xa4: {  	s25 =	simm.s32 $0x1B8E;
	s24 =	sld [smem:$0x3FFE];
	[sflag:s23] =	ssyncadd.s32 $0xFFFFFFFF  }
0xa5: {  	s26 =	simm.s32 $execute0_lowered;
	[smem:$0x3FD2] =	sst s25  }
0xa6: {  	s5 =	sshll.u32 s26, $0x1;
	_ =	strace $0x80000046;
	[dreg:$0x1] =	wrdreg $0xFFFFFFFF  }
0xa7: {  	s28 =	simm.s32 $_size_execute0_lowered;
	s3 =	sadd.s32 s3, s5;
	[dreg:$0x0] =	wrdreg $0x0  }
0xa8: {  	s5 =	sshll.u32 s28, $0x1;
	[dreg:$0x2] =	wrdreg s3  }
0xa9: {  	[dreg:$0x3] =	wrdreg s5  }
0xaa: {  	[dreg:$0x4] =	wrdreg $0xC0  }
0xab: {  	_ =	task [dreg:s7], $0x5FFFF  }
0xac: {  	[dreg:$0x1] =	wrdreg $0xFFFFFFFF  }
0xad: {  	[dreg:$0x0] =	wrdreg $0x60  }
0xae: {  	[dreg:$0x2] =	wrdreg s24  }
0xaf: {  	[dreg:$0x3] =	wrdreg s2  }
0xb0: {  	[dreg:$0x4] =	wrdreg $0x0  }
0xb1: {  	[dreg:$0x5] =	wrdreg $0x9  }
0xb2: {  	_ =	task.clear_ibuf [dreg:s7], $0x6FFFF;
	_ =	strace $0x90000046  }
0xb3: {  	s29 =	simm.s32 $0x9;
	_ =	strace $0x80000048  }
0xb4: {  	_ =	swait.ge [sflag:s29], $0x1  }
0xb5: {  	[sflag:s29] =	ssyncadd.s32 $0xFFFFFFFF  }
0xb6: {  	_ =	strace $0x90000048  }
0xb7: {  	_ =	sfence  }
0xb8: {  	s30 =	sld [smem:$0x0];
	_ =	sdelay $0x2  }
0xb9: {  	s31 =	sshll.u32 s1, $0xD;
	s1 =	sshrl.u32 s1, $0x2  }
0xba: {  	s3 =	sand.u32 $0x4000, s31;
	s1 =	sadd.s32 s1, s30  }
0xbb: {  	s0 =	sor.u32 s3, s0;
	s1 =	sshll.u32 s1, $0x11  }
0xbc: {  	s0 =	sor.u32 s1, s0  }
0xbd: {  	s0 =	sadd.s32 $0x8F2B, s0  }
0xbe: {  	[sflag:s0] =	ssyncadd.remote.s32 $0x1  }
0xbf: {  	_ =	sfence.sel $0xFFFF  }
0xc0: {  	[dreg:$0x0] =	wrdreg $0xFFFFFFFF;
	(pc) =	sbr.abs _section_cstart, $3  }
0xc1: {  	[dreg:$0x1] =	wrdreg $0xFFFFFFFF  }
0xc2: {  	_ =	task.clear_ibuf [dreg:s7], $0x2FFFF;
	_ =	strace $0x9FFFFFFF  }
0xc3: {  	(tm) =	ssettm $0x7FFFFFFF  }
tec
execute0_lowered:
.L_overlay_start_1:
0x0: {  	(tag) =	ssettag $0x1  }
0x1: {  	s4 =	rddreg [dreg:$0x0]  }
0x2: {  	s9 =	rddreg [dreg:$0x1]  }
0x3: {  	s2 =	rddreg [dreg:$0x2];
	s0 =	stileid.u32  }
0x4: {  	s6 =	srdreg.scid;
	s1 =	rddreg [dreg:$0x3];
	s3 =	simm.s32 $0x0  }
0x5: {  	s15 =	simm.s32 $0x4E20;
	s16 =	simm.s32 $0x50;
	s17 =	simm.s32 $0x7530  }
0x6: {  	s18 =	simm.s32 $0x2760;
	s19 =	simm.s32 $0x27B0;
	s20 =	simm.s32 $0x2800  }
0x7: {  	s21 =	simm.s32 $0x1;
	s22 =	simm.s32 $0x2;
	s23 =	simm.s32 $0x3  }
0x8: {  	s24 =	simm.s32 $0x4;
	s25 =	simm.s32 $0x7490;
	s5 =	smul.u32 $0x280, s0  }
0x9: {  	s28 =	simm.s32 $0x0;
	s6 =	sand.u32 $0x1, s6;
	s26 =	smul.u32 $0x4E20, s0  }
0xa: {  	[smem:$0x7FF] =	sst s3;
	s8 =	sadd.s32 $0x2E00, s4;
	s14 =	smul.u32 $0x9C4, s0  }
0xb: {  	s30 =	sshll.u32 s0, $0x6;
	s7 =	smul.u32 $0x27100, s6;
	_ =	strace $0x80000047  }
0xc: {  	s11 =	ssub.s32 $0x2, s6;
	p0 =	seq.s32 s6, $0x1;
	s5 =	smin.u32 s5, $0x2490  }
0xd: {  	s12 =	sshrl.u32 s11, $0x1;
	s6 =	sadd.s32 s8, s14;
	s10 =	sshll.u32 s5, $0x4  }
0xe: {  	s5 =	sshll.u32 s5, $0x1;
	s11 =	ssub.s32 s11, s12;
	s7 =	sadd.s32 s7, s10  }
0xf: {  	s5 =	sadd.s32 s5, s4;
	s29 =	sadd.s32 s10, s2;
	s11 =	smax.u32 s11, $0x1  }
.Ltmp0:
0x10: {  	s7 =	sshrl.u32 s7, $0x3;
	s12 =	sshrl.u32 s29, $0x3;
	(pc) =	sbr.rel .LBB2_1-.Ltmp0, $4  }
0x11: {  	s13 =	sadd.s32 s7, s4;
	s4 =	sadd.s32 $0xCC00, s5;
	s7 =	sshrl.u32 s26, $0x3  }
0x12: {  	s5 =	sor.u32 $0x1C05, s30;
	s26 =	simm.s32 $0x74E0;
	s31 =	sadd.s32 $0x4E2, s7  }
0x13: {  	s10 =	sadd.s32 $0x11C00, s13;
	s13 =	simm.s32 $0x5;
	s7 =	sadd.s32 s8, s31  }
0x14: {  	v0 =	vimm.f32 $1.000000000e+00;
	s8 =	sadd.s32 s9, s14;
	s9 =	sadd.s32 s9, s31;
	s14 =	simm.s32 $0x2710  }
.LBB2_6:
0x15: {  	[spmem:s2] =	stream.indirect.scatter.add.f32 [tilespmem:s17], [sflag:$0x4], $0x10, s30, s16, $0xb8;
	[tilespmem:$0x7A30] =	vst v63  }
.LBB2_10:
0x16: {  	_ =	swait.ge [sflag:s21], $0x500  }
0x17: {  	[sflag:s21] =	ssyncset.done $0x0  }
0x18: {  	[sflag:s21] =	ssyncadd.s32 $0xFFFFFB00  }
0x19: {  	[spmem:s2] =	stream.indirect.scatter.add.f32 [tilespmem:s17], [sflag:$0x1], $0x10, s25, s16, $0xb8;
	[tilespmem:$0x7A30] =	vst v63  }
0x1a: {  	_ =	swait.ge [sflag:s22], $0x500  }
0x1b: {  	[sflag:s22] =	ssyncset.done $0x0  }
0x1c: {  	[sflag:s22] =	ssyncadd.s32 $0xFFFFFB00  }
0x1d: {  	[spmem:s2] =	stream.indirect.scatter.add.f32 [tilespmem:s17], [sflag:$0x2], $0x10, s26, s16, $0xb8;
	[tilespmem:$0x7A30] =	vst v63  }
0x1e: {  	_ =	swait.ge [sflag:s23], $0x500  }
0x1f: {  	[sflag:s23] =	ssyncset.done $0x0  }
0x20: {  	[sflag:s23] =	ssyncadd.s32 $0xFFFFFB00  }
0x21: {  	_ =	swait.ge [sflag:s24], $0x500  }
0x22: {  	[sflag:s24] =	ssyncset.done $0x0  }
0x23: {  	[sflag:s24] =	ssyncadd.s32 $0xFFFFFB00  }
0x24: {  	_ =	swait.ge [sflag:s21], $0x500  }
0x25: {  	[sflag:s21] =	ssyncset.done $0x0  }
0x26: {  	[sflag:s21] =	ssyncadd.s32 $0xFFFFFB00  }
0x27: {  	_ =	swait.ge [sflag:s22], $0x500  }
0x28: {  	s28 =	sadd.s32 $0x1, s28;
	[sflag:s22] =	ssyncset.done $0x0  }
0x29: {  	p1 =	sne.s32 s28, s11;
	[sflag:s22] =	ssyncadd.s32 $0xFFFFFB00  }
.Ltmp1:
0x2a: {  	[bflag:$0x0] =	sbarrier.arrive $0xFFFF;
	(pc) =	sbr.rel @!p1 .LBB2_11-.Ltmp1, $4  }
0x2b: {  	[hbm:s10], [sflag:s5] =	dma.local [spmem:s12], $0x500  }
0x2c: {  	_ =	swait.ge [sflag:s13], $0x500  }
0x2d: {  	[sflag:s13] =	ssyncset.done $0x0  }
0x2e: {  	[sflag:s13] =	ssyncadd.s32 $0xFFFFFB00  }
.LBB2_1:
0x2f: {  	s29 =	simm.s32 $0x40;
	s30 =	simm.s32 $0x0  }
.LBB2_2:
0x30: {  	p1 =	sne.s32 s29, $0x13C0;
	[tilespmem:s30+$0x7530] =	vst v0;
	s30 =	smov.u32 s29;
	s29 =	sadd.s32 $0x40, s29  }
.Ltmp2:
0x31: {  	(pc) =	sbr.rel @p1 .LBB2_2-.Ltmp2, $2  }
0x32: {  	_ =	sdelay $0x2  }
0x33: {  	s30 =	sshra.s32 s30, $0x2  }
0x34: {  	[tilespmem:s30+$0x7530] =	vst v0  }
0x35: {  	[spmem:s12], [sflag:s5] =	dma.local [hbm:s4], $0x500  }
.Ltmp3:
0x36: {  	_ =	swait.ge [sflag:s13], $0x500;
	(pc) =	sbr.rel @!p0 .LBB2_4-.Ltmp3, $3  }
0x37: {  	[sflag:s13] =	ssyncset.done $0x0  }
0x38: {  	[sflag:s13] =	ssyncadd.s32 $0xFFFFFB00  }
0x39: {  	[bflag:$0x0] =	sbarrier.arrive $0xFFFF;
	_ =	sdelay $0x1  }
0x3a: {  	[tilespmem:s14], [sflag:$0x5] =	stream.linear.gather [hbm4b:s8+s3], $0x2710, $0x38;
	[tilespmem:$0x7A30] =	vst v63  }
0x3b: {  	_ =	swait.ge [sflag:s13], $0x2710  }
0x3c: {  	[sflag:s13] =	ssyncset.done $0x0  }
0x3d: {  	[sflag:s13] =	ssyncadd.s32 $0xFFFFD8F0  }
0x3e: {  	[tilespmem:s15], [sflag:$0x5] =	stream.linear.gather [hbm4b:s9+s3], $0x2710, $0x38;
	[tilespmem:$0x7A30] =	vst v63  }
0x3f: {  	_ =	swait.ge [sflag:s13], $0x2710  }
0x40: {  	[sflag:s13] =	ssyncset.done $0x0  }
0x41: {  	[sflag:s13] =	ssyncadd.s32 $0xFFFFD8F0  }
0x42: {  	[spmem:s2] =	stream.indirect.scatter.add.f32 [tilespmem:s17], [sflag:$0x1], $0x10, s14, s16, $0xb8;
	[tilespmem:$0x7A30] =	vst v63  }
0x43: {  	_ = 	snop  }
0x44: {  	[spmem:s2] =	stream.indirect.scatter.add.f32 [tilespmem:s17], [sflag:$0x2], $0x10, s18, s16, $0xb8;
	[tilespmem:$0x7A30] =	vst v63  }
0x45: {  	_ = 	snop  }
0x46: {  	[spmem:s2] =	stream.indirect.scatter.add.f32 [tilespmem:s17], [sflag:$0x3], $0x10, s19, s16, $0xb8;
	[tilespmem:$0x7A30] =	vst v63  }
0x47: {  	_ = 	snop  }
0x48: {  	[spmem:s2] =	stream.indirect.scatter.add.f32 [tilespmem:s17], [sflag:$0x4], $0x10, s20, s16, $0xb8;
	[tilespmem:$0x7A30] =	vst v63  }
0x49: {  	_ =	swait.ge [sflag:s21], $0x500  }
0x4a: {  	[sflag:s21] =	ssyncset.done $0x0  }
0x4b: {  	s29 =	simm.s32 $0x2850;
	[sflag:s21] =	ssyncadd.s32 $0xFFFFFB00  }
0x4c: {  	[spmem:s2] =	stream.indirect.scatter.add.f32 [tilespmem:s17], [sflag:$0x1], $0x10, s29, s16, $0xb8;
	[tilespmem:$0x7A30] =	vst v63  }
0x4d: {  	_ =	swait.ge [sflag:s22], $0x500  }
0x4e: {  	[sflag:s22] =	ssyncset.done $0x0  }
0x4f: {  	s29 =	simm.s32 $0x28A0;
	[sflag:s22] =	ssyncadd.s32 $0xFFFFFB00  }
0x50: {  	[spmem:s2] =	stream.indirect.scatter.add.f32 [tilespmem:s17], [sflag:$0x2], $0x10, s29, s16, $0xb8;
	[tilespmem:$0x7A30] =	vst v63  }
0x51: {  	_ =	swait.ge [sflag:s23], $0x500  }
0x52: {  	[sflag:s23] =	ssyncset.done $0x0  }
0x53: {  	s29 =	simm.s32 $0x28F0;
	[sflag:s23] =	ssyncadd.s32 $0xFFFFFB00  }
0x54: {  	[spmem:s2] =	stream.indirect.scatter.add.f32 [tilespmem:s17], [sflag:$0x3], $0x10, s29, s16, $0xb8;
	[tilespmem:$0x7A30] =	vst v63  }
0x55: {  	_ =	swait.ge [sflag:s24], $0x500  }
0x56: {  	[sflag:s24] =	ssyncset.done $0x0  }
0x57: {  	s30 =	simm.s32 $0x2940;
	s29 =	simm.s32 $0xFFFED400;
	[sflag:s24] =	ssyncadd.s32 $0xFFFFFB00  }
.LBB2_8:
0x58: {  	[spmem:s2] =	stream.indirect.scatter.add.f32 [tilespmem:s17], [sflag:$0x4], $0x10, s30, s16, $0xb8;
	[tilespmem:$0x7A30] =	vst v63  }
0x59: {  	s30 =	smov.u32 s29  }
0x5a: {  	p1 =	sne.s32 s29, $0xFFFFFB00;
	s29 =	sadd.s32 $0x500, s29;
	_ =	swait.ge [sflag:s21], $0x500  }
0x5b: {  	s30 =	sshra.s32 s30, $0x2;
	[sflag:s21] =	ssyncset.done $0x0  }
0x5c: {  	s31 =	sadd.s32 $0x7490, s30;
	[sflag:s21] =	ssyncadd.s32 $0xFFFFFB00  }
0x5d: {  	[spmem:s2] =	stream.indirect.scatter.add.f32 [tilespmem:s17], [sflag:$0x1], $0x10, s31, s16, $0xb8;
	[tilespmem:$0x7A30] =	vst v63  }
0x5e: {  	_ =	swait.ge [sflag:s22], $0x500  }
0x5f: {  	[sflag:s22] =	ssyncset.done $0x0  }
0x60: {  	s31 =	sadd.s32 $0x74E0, s30;
	[sflag:s22] =	ssyncadd.s32 $0xFFFFFB00  }
0x61: {  	[spmem:s2] =	stream.indirect.scatter.add.f32 [tilespmem:s17], [sflag:$0x2], $0x10, s31, s16, $0xb8;
	[tilespmem:$0x7A30] =	vst v63  }
0x62: {  	_ =	swait.ge [sflag:s23], $0x500  }
0x63: {  	[sflag:s23] =	ssyncset.done $0x0  }
.Ltmp4:
0x64: {  	s31 =	sadd.s32 $0x7530, s30;
	[sflag:s23] =	ssyncadd.s32 $0xFFFFFB00;
	(pc) =	sbr.rel @p1 .LBB2_8-.Ltmp4, $4  }
0x65: {  	[spmem:s2] =	stream.indirect.scatter.add.f32 [tilespmem:s17], [sflag:$0x3], $0x10, s31, s16, $0xb8;
	[tilespmem:$0x7A30] =	vst v63  }
0x66: {  	_ =	swait.ge [sflag:s24], $0x500  }
0x67: {  	[sflag:s24] =	ssyncset.done $0x0  }
0x68: {  	s30 =	sadd.s32 $0x7580, s30;
	[sflag:s24] =	ssyncadd.s32 $0xFFFFFB00  }
.Ltmp5:
0x69: {  	(pc) =	sbr.rel .LBB2_10-.Ltmp5, $2  }
0x6a: {  	_ =	sdelay $0x2  }
0x6b: {  	[spmem:s2] =	stream.indirect.scatter.add.f32 [tilespmem:s17], [sflag:$0x4], $0x10, s30, s16, $0xb8;
	[tilespmem:$0x7A30] =	vst v63  }
.LBB2_4:
0x6c: {  	[tilespmem:s14], [sflag:$0x5] =	stream.linear.gather [hbm4b:s6+s3], $0x2710, $0x38;
	[tilespmem:$0x7A30] =	vst v63  }
0x6d: {  	_ =	swait.ge [sflag:s13], $0x2710  }
0x6e: {  	[sflag:s13] =	ssyncset.done $0x0  }
0x6f: {  	[sflag:s13] =	ssyncadd.s32 $0xFFFFD8F0  }
0x70: {  	[tilespmem:s15], [sflag:$0x5] =	stream.linear.gather [hbm4b:s7+s3], $0x2710, $0x38;
	[tilespmem:$0x7A30] =	vst v63  }
0x71: {  	_ =	swait.ge [sflag:s13], $0x2710  }
0x72: {  	[sflag:s13] =	ssyncset.done $0x0  }
0x73: {  	[sflag:s13] =	ssyncadd.s32 $0xFFFFD8F0  }
0x74: {  	[spmem:s2] =	stream.indirect.scatter.add.f32 [tilespmem:s17], [sflag:$0x1], $0x10, s14, s16, $0xb8;
	[tilespmem:$0x7A30] =	vst v63  }
0x75: {  	_ = 	snop  }
0x76: {  	[spmem:s2] =	stream.indirect.scatter.add.f32 [tilespmem:s17], [sflag:$0x2], $0x10, s18, s16, $0xb8;
	[tilespmem:$0x7A30] =	vst v63  }
0x77: {  	_ = 	snop  }
0x78: {  	[spmem:s2] =	stream.indirect.scatter.add.f32 [tilespmem:s17], [sflag:$0x3], $0x10, s19, s16, $0xb8;
	[tilespmem:$0x7A30] =	vst v63  }
0x79: {  	_ = 	snop  }
0x7a: {  	[spmem:s2] =	stream.indirect.scatter.add.f32 [tilespmem:s17], [sflag:$0x4], $0x10, s20, s16, $0xb8;
	[tilespmem:$0x7A30] =	vst v63  }
0x7b: {  	_ =	swait.ge [sflag:s21], $0x500  }
0x7c: {  	[sflag:s21] =	ssyncset.done $0x0  }
0x7d: {  	s29 =	simm.s32 $0x2850;
	[sflag:s21] =	ssyncadd.s32 $0xFFFFFB00  }
0x7e: {  	[spmem:s2] =	stream.indirect.scatter.add.f32 [tilespmem:s17], [sflag:$0x1], $0x10, s29, s16, $0xb8;
	[tilespmem:$0x7A30] =	vst v63  }
0x7f: {  	_ =	swait.ge [sflag:s22], $0x500  }
0x80: {  	[sflag:s22] =	ssyncset.done $0x0  }
0x81: {  	s29 =	simm.s32 $0x28A0;
	[sflag:s22] =	ssyncadd.s32 $0xFFFFFB00  }
0x82: {  	[spmem:s2] =	stream.indirect.scatter.add.f32 [tilespmem:s17], [sflag:$0x2], $0x10, s29, s16, $0xb8;
	[tilespmem:$0x7A30] =	vst v63  }
0x83: {  	_ =	swait.ge [sflag:s23], $0x500  }
0x84: {  	[sflag:s23] =	ssyncset.done $0x0  }
0x85: {  	s29 =	simm.s32 $0x28F0;
	[sflag:s23] =	ssyncadd.s32 $0xFFFFFB00  }
0x86: {  	[spmem:s2] =	stream.indirect.scatter.add.f32 [tilespmem:s17], [sflag:$0x3], $0x10, s29, s16, $0xb8;
	[tilespmem:$0x7A30] =	vst v63  }
0x87: {  	_ =	swait.ge [sflag:s24], $0x500  }
0x88: {  	[sflag:s24] =	ssyncset.done $0x0  }
0x89: {  	s30 =	simm.s32 $0x2940;
	s29 =	simm.s32 $0xFFFED400;
	[sflag:s24] =	ssyncadd.s32 $0xFFFFFB00  }
.LBB2_5:
0x8a: {  	[spmem:s2] =	stream.indirect.scatter.add.f32 [tilespmem:s17], [sflag:$0x4], $0x10, s30, s16, $0xb8;
	[tilespmem:$0x7A30] =	vst v63  }
0x8b: {  	s30 =	smov.u32 s29  }
0x8c: {  	p1 =	seq.s32 s29, $0xFFFFFB00;
	s29 =	sadd.s32 $0x500, s29;
	_ =	swait.ge [sflag:s21], $0x500  }
0x8d: {  	s30 =	sshra.s32 s30, $0x2;
	[sflag:s21] =	ssyncset.done $0x0  }
0x8e: {  	s31 =	sadd.s32 $0x7490, s30;
	[sflag:s21] =	ssyncadd.s32 $0xFFFFFB00  }
0x8f: {  	[spmem:s2] =	stream.indirect.scatter.add.f32 [tilespmem:s17], [sflag:$0x1], $0x10, s31, s16, $0xb8;
	[tilespmem:$0x7A30] =	vst v63  }
0x90: {  	_ =	swait.ge [sflag:s22], $0x500  }
0x91: {  	[sflag:s22] =	ssyncset.done $0x0  }
0x92: {  	s31 =	sadd.s32 $0x74E0, s30;
	[sflag:s22] =	ssyncadd.s32 $0xFFFFFB00  }
0x93: {  	[spmem:s2] =	stream.indirect.scatter.add.f32 [tilespmem:s17], [sflag:$0x2], $0x10, s31, s16, $0xb8;
	[tilespmem:$0x7A30] =	vst v63  }
0x94: {  	_ =	swait.ge [sflag:s23], $0x500  }
0x95: {  	[sflag:s23] =	ssyncset.done $0x0  }
.Ltmp6:
0x96: {  	s31 =	sadd.s32 $0x7530, s30;
	[sflag:s23] =	ssyncadd.s32 $0xFFFFFB00;
	(pc) =	sbr.rel @!p1 .LBB2_5-.Ltmp6, $4  }
0x97: {  	[spmem:s2] =	stream.indirect.scatter.add.f32 [tilespmem:s17], [sflag:$0x3], $0x10, s31, s16, $0xb8;
	[tilespmem:$0x7A30] =	vst v63  }
0x98: {  	_ =	swait.ge [sflag:s24], $0x500  }
0x99: {  	[sflag:s24] =	ssyncset.done $0x0  }
0x9a: {  	s30 =	sadd.s32 $0x7580, s30;
	[sflag:s24] =	ssyncadd.s32 $0xFFFFFB00  }
.Ltmp7:
0x9b: {  	_ = 	snop;
	(pc) =	sbr.rel .LBB2_6-.Ltmp7, $1  }
0x9c: {  	_ =	sdelay $0x3  }
.LBB2_11:
0x9d: {  	_ =	sfence.sel $0x180000  }
0x9e: {  	[bflag:$0x0] =	sbarrier.arrive $0xFFFF  }
0x9f: {  	p0 =	sne.s32 s0, $0x0;
	_ =	strace $0x90000047  }
0xa0: {  	s0 =	sadd.s32 @!p0 $0x100000, s1;
	[bflag:$0x2] =	sbarrier.arrive $0xFFFF  }
0xa1: {  	[sflag:s0] =	ssyncadd.tile.s32 @!p0 $0x1;
	_ =	shalt  }
.Lfunc_end2:
_tile_overlayer_lowered:
.L_overlay_start_2:
0xa2: {  	(tag) =	ssettag $0x2  }
0xa3: {  	s0 =	rddreg [dreg:$0x0];
	s2 =	stileid.u32  }
0xa4: {  	s1 =	rddreg [dreg:$0x1];
	p0 =	sne.s32 s2, $0x0  }
0xa5: {  	s3 =	rddreg [dreg:$0x2];
	[bflag:$0x3] =	sbarrier.arrive $0xFFFF;
	s2 =	simm.s32 @!p0 $0x1C05  }
0xa6: {  	[timem:s3], [sflag:s2] =	dma.local @!p0 [hbm:s0], s1  }
0xa7: {  	s0 =	simm.s32 @!p0 $0x5  }
0xa8: {  	_ =	swait.ge @!p0 [sflag:s0], s1  }
0xa9: {  	s1 =	ssub.s32 @!p0 $0x0, s1;
	[sflag:s0] =	ssyncset.done @!p0 $0x0  }
0xaa: {  	[sflag:s0] =	ssyncadd.s32 @!p0 s1  }
0xab: {  	[bflag:$0x3] =	sbarrier.arrive $0xFFFF  }
0xac: {  	_ =	shalt  }

</sc_bundles>
